<compile_context>
chip_gen: v7x
topology: tpu7x:2x2x1
jax: 0.10.2.dev20260603
libtpu: 0.0.44.dev20260713+nightly
codegen_flags: <defaults>
</compile_context>

<pallas_src>
import functools
import jax
import jax.numpy as jnp
from jax import lax
from jax.experimental import pallas as pl
from jax.experimental.pallas import tpu as pltpu
from jax.experimental.pallas import tpu_sc as plsc

_N = 10000
_E = 320000
_IN = 128
_HID = 64
_OUT = 128

_NC = 2
_NS = 16
_NW = _NC * _NS
_EPW = _E // _NW
_CH = 128
_NF = _EPW // _CH
_REM = _EPW - _NF * _CH
_RBASE = _NF * _CH
_DCH = 80
_DNC = _EPW // _DCH

_ND = 10240
_DPT = _ND // _NS

_CT = 10
_RPT = _N // _CT

_mesh = plsc.VectorSubcoreMesh(core_axis_name="c", subcore_axis_name="s")



@functools.partial(
    pl.kernel,
    out_type=jax.ShapeDtypeStruct((_NC * _ND,), jnp.float32),
    mesh=_mesh,
    compiler_params=pltpu.CompilerParams(use_tc_tiling_on_sc=False),
    scratch_types=[
        pltpu.VMEM_SHARED((_ND,), jnp.float32),
        pltpu.VMEM((_EPW,), jnp.int32),
        pltpu.VMEM((_DCH,), jnp.float32),
        pltpu.VMEM((_DPT,), jnp.float32),
        pltpu.SemaphoreType.DMA,
        pltpu.SemaphoreType.DMA,
    ],
)
def _deg_kernel(ei_hbm, out_hbm, acc, dall, ones_v, zb, isem, dsem):
    c = lax.axis_index("c")
    s = lax.axis_index("s")
    wid = c * _NS + s
    ebase = wid * _EPW

    icopy = pltpu.async_copy(ei_hbm.at[1, pl.ds(ebase, _EPW)], dall, isem)

    def fill(i, _):
        zb[pl.ds(i * 16, 16)] = jnp.zeros((16,), jnp.float32)
        return 0
    lax.fori_loop(0, _DPT // 16, fill, 0)
    for k in range(_DCH // 16):
        ones_v[pl.ds(k * 16, 16)] = jnp.ones((16,), jnp.float32)

    pltpu.sync_copy(zb, acc.at[pl.ds(s * _DPT, _DPT)])
    plsc.subcore_barrier()
    icopy.wait()

    def dscat(j):
        pltpu.async_copy(ones_v, acc.at[dall.at[pl.ds(j * _DCH, _DCH)]],
                         dsem, add=True)

    def dwait(j):
        pltpu.make_async_copy(ones_v, acc.at[dall.at[pl.ds(j * _DCH, _DCH)]],
                              dsem).wait()

    for b in range(5):
        dscat(b)

    def dgroup(g, _):
        for b in range(5):
            dscat((g + 1) * 5 + b)
        for b in range(5):
            dwait(g * 5 + b)
        return 0
    lax.fori_loop(0, _DNC // 5 - 1, dgroup, 0)
    for b in range(5):
        dwait(_DNC - 5 + b)

    plsc.subcore_barrier()
    pltpu.sync_copy(acc.at[pl.ds(s * _DPT, _DPT)],
                    out_hbm.at[pl.ds(c * _ND + s * _DPT, _DPT)])



def _make_agg(D):
    @functools.partial(
        pl.kernel,
        out_type=jax.ShapeDtypeStruct((_NC, _N, D), jnp.float32),
        mesh=_mesh,
        compiler_params=pltpu.CompilerParams(use_tc_tiling_on_sc=False),
        scratch_types=[
            pltpu.VMEM_SHARED((_N, D), jnp.float32),
            pltpu.VMEM((_EPW,), jnp.int32),
            pltpu.VMEM((_EPW,), jnp.int32),
            pltpu.VMEM((_CH, D), jnp.float32),
            pltpu.VMEM((_CH, D), jnp.float32),
            pltpu.VMEM((_CH, D), jnp.float32),
            pltpu.VMEM((_CH, D), jnp.float32),
            pltpu.SemaphoreType.DMA,
            pltpu.SemaphoreType.DMA,
            pltpu.SemaphoreType.DMA,
            pltpu.SemaphoreType.DMA,
            pltpu.SemaphoreType.DMA,
            pltpu.SemaphoreType.DMA,
            pltpu.SemaphoreType.DMA,
            pltpu.SemaphoreType.DMA,
            pltpu.SemaphoreType.DMA,
        ],
    )
    def _agg(hp_hbm, ei_hbm, out_hbm, acc, sidx, dall,
             r0, r1, r2, r3,
             isem, g0, g1, g2, g3, s0, s1, s2, s3):
        rows = [r0, r1, r2, r3]
        gs = [g0, g1, g2, g3]
        ss = [s0, s1, s2, s3]
        c = lax.axis_index("c")
        s = lax.axis_index("s")
        wid = c * _NS + s
        ebase = wid * _EPW

        ic1 = pltpu.async_copy(ei_hbm.at[0, pl.ds(ebase, _EPW)], sidx, isem)
        ic2 = pltpu.async_copy(ei_hbm.at[1, pl.ds(ebase, _EPW)], dall, isem)

        def zrow(r, _):
            for j in range(D // 16):
                r0[r, pl.ds(j * 16, 16)] = jnp.zeros((16,), jnp.float32)
            return 0
        lax.fori_loop(0, 40, zrow, 0)

        @pl.when(s < _CT)
        def _zero():
            zc = 40
            nz = _RPT // zc
            for t0 in range(0, nz, 5):
                for t in range(t0, min(t0 + 5, nz)):
                    pltpu.async_copy(
                        r0.at[pl.ds(0, zc)],
                        acc.at[pl.ds(s * _RPT + t * zc, zc)], g0)
                for t in range(t0, min(t0 + 5, nz)):
                    pltpu.make_async_copy(
                        r0.at[pl.ds(0, zc)],
                        acc.at[pl.ds(s * _RPT + t * zc, zc)], g0).wait()

        plsc.subcore_barrier()
        ic1.wait()
        ic2.wait()

        def gather(j, b):
            pltpu.async_copy(hp_hbm.at[sidx.at[pl.ds(j * _CH, _CH)]],
                             rows[b], gs[b])

        def wait_gather(j, b):
            pltpu.make_async_copy(hp_hbm.at[sidx.at[pl.ds(j * _CH, _CH)]],
                                  rows[b], gs[b]).wait()

        def scatter(j, b):
            pltpu.async_copy(rows[b], acc.at[dall.at[pl.ds(j * _CH, _CH)]],
                             ss[b], add=True)

        def wait_scatter(j, b):
            pltpu.make_async_copy(rows[b],
                                  acc.at[dall.at[pl.ds(j * _CH, _CH)]],
                                  ss[b]).wait()

        gather(0, 0)
        gather(1, 1)
        for j in (0, 1):
            gather(j + 2, j + 2)
            wait_gather(j, j)
            scatter(j, j)

        def group(g, _):
            for b in range(4):
                j = 2 + g * 4 + b
                jb = (2 + b) % 4
                wait_scatter(j - 2, b)
                gather(j + 2, b)
                wait_gather(j, jb)
                scatter(j, jb)
            return 0
        lax.fori_loop(0, (_NF - 6) // 4, group, 0)

        jt = _NF - 4
        wait_scatter(jt - 2, 0)
        gather(jt + 2, 0)
        wait_gather(jt, 2)
        scatter(jt, 2)
        wait_scatter(jt - 1, 1)
        gather(jt + 3, 1)
        wait_gather(jt + 1, 3)
        scatter(jt + 1, 3)
        wait_gather(jt + 2, 0)
        scatter(jt + 2, 0)
        wait_gather(jt + 3, 1)
        scatter(jt + 3, 1)
        wait_scatter(jt, 2)
        wait_scatter(jt + 1, 3)
        wait_scatter(jt + 2, 0)
        wait_scatter(jt + 3, 1)

        rsl = r2.at[pl.ds(0, _REM)]
        pltpu.async_copy(hp_hbm.at[sidx.at[pl.ds(_RBASE, _REM)]], rsl, g2)
        pltpu.make_async_copy(
            hp_hbm.at[sidx.at[pl.ds(_RBASE, _REM)]], rsl, g2).wait()
        pltpu.async_copy(rsl, acc.at[dall.at[pl.ds(_RBASE, _REM)]],
                         s2, add=True)
        pltpu.make_async_copy(rsl, acc.at[dall.at[pl.ds(_RBASE, _REM)]],
                              s2).wait()

        plsc.subcore_barrier()

        @pl.when(s < _CT)
        def _copy_out():
            pltpu.sync_copy(acc.at[pl.ds(s * _RPT, _RPT)],
                            out_hbm.at[c, pl.ds(s * _RPT, _RPT)])
    return _agg


_agg64 = _make_agg(_HID)



_GB = 5000
_GRID = _N // _GB


def _mm1_body(x_ref, w_ref, d0_ref, d1_ref, o_ref):
    dinv = lax.rsqrt(d0_ref[...] + d1_ref[...] + 1.0)
    o_ref[...] = jnp.dot(x_ref[...], w_ref[...],
                         preferred_element_type=jnp.float32) * dinv


def _mm1(x, W1, deg0, deg1):
    return pl.pallas_call(
        _mm1_body,
        grid=(_GRID,),
        in_specs=[
            pl.BlockSpec((_GB, _IN), lambda i: (i, 0)),
            pl.BlockSpec((_IN, _HID), lambda i: (0, 0)),
            pl.BlockSpec((_GB, 1), lambda i: (i, 0)),
            pl.BlockSpec((_GB, 1), lambda i: (i, 0)),
        ],
        out_specs=pl.BlockSpec((_GB, _HID), lambda i: (i, 0)),
        out_shape=jax.ShapeDtypeStruct((_N, _HID), jnp.float32),
    )(x, W1, deg0, deg1)


def _mid_body(a_ref, hp_ref, d0_ref, d1_ref, b1_ref, o_ref):
    dinv = lax.rsqrt(d0_ref[...] + d1_ref[...] + 1.0)
    acc = a_ref[0] + a_ref[1] + hp_ref[...]
    o_ref[...] = jnp.maximum(acc * dinv + b1_ref[...], 0.0) * dinv


def _mid(a, hp, deg0, deg1, b1):
    return pl.pallas_call(
        _mid_body,
        grid=(_GRID,),
        in_specs=[
            pl.BlockSpec((_NC, _GB, _HID), lambda i: (0, i, 0)),
            pl.BlockSpec((_GB, _HID), lambda i: (i, 0)),
            pl.BlockSpec((_GB, 1), lambda i: (i, 0)),
            pl.BlockSpec((_GB, 1), lambda i: (i, 0)),
            pl.BlockSpec((1, _HID), lambda i: (0, 0)),
        ],
        out_specs=pl.BlockSpec((_GB, _HID), lambda i: (i, 0)),
        out_shape=jax.ShapeDtypeStruct((_N, _HID), jnp.float32),
    )(a, hp, deg0, deg1, b1)


def _fin_body(g_ref, hp_ref, d0_ref, d1_ref, b2_ref, w2_ref, o_ref):
    dinv = lax.rsqrt(d0_ref[...] + d1_ref[...] + 1.0)
    t = (g_ref[0] + g_ref[1] + hp_ref[...]) * dinv
    o_ref[...] = jnp.dot(t, w2_ref[...], preferred_element_type=jnp.float32) + b2_ref[...]


def _fin(g, hp, deg0, deg1, b2, W2):
    return pl.pallas_call(
        _fin_body,
        grid=(_GRID,),
        in_specs=[
            pl.BlockSpec((_NC, _GB, _HID), lambda i: (0, i, 0)),
            pl.BlockSpec((_GB, _HID), lambda i: (i, 0)),
            pl.BlockSpec((_GB, 1), lambda i: (i, 0)),
            pl.BlockSpec((_GB, 1), lambda i: (i, 0)),
            pl.BlockSpec((1, _OUT), lambda i: (0, 0)),
            pl.BlockSpec((_HID, _OUT), lambda i: (0, 0)),
        ],
        out_specs=pl.BlockSpec((_GB, _OUT), lambda i: (i, 0)),
        out_shape=jax.ShapeDtypeStruct((_N, _OUT), jnp.float32),
    )(g, hp, deg0, deg1, b2, W2)



def kernel(x, edge_index, W1, b1, W2, b2):
    degp = _deg_kernel(edge_index).reshape(_NC, _ND)
    deg0 = degp[0, :_N, None]
    deg1 = degp[1, :_N, None]

    h1p = _mm1(x, W1, deg0, deg1)
    agg1 = _agg64(h1p, edge_index)
    h2p = _mid(agg1, h1p, deg0, deg1,
               b1.reshape(1, _HID))
    agg2 = _agg64(h2p, edge_index)
    return _fin(agg2, h2p, deg0, deg1,
                b2.reshape(1, _OUT), W2)

# --- scband reference (transcript-rebuilt; emitter-appended) ---
"""Pipeline reference for scband-gcn-2164663517730 (READ-ONLY COPY).

The authoritative reference and input builder live on the scoring server;
editing this copy changes nothing except your own understanding.
"""

import jax, jax.numpy as jnp
import numpy as np

N = 10000
E = 320000
IN_CH = 128
HID = 64
OUT_CH = 128


def setup_inputs(seed: int = 0) -> dict:
    key = jax.random.key(seed)
    k0, k1, k2, k3 = jax.random.split(key, 4)
    x = jax.random.normal(k0, (N, IN_CH), dtype=jnp.float32)
    edge_index = jax.random.randint(k1, (2, E), 0, N, dtype=jnp.int32)
    W1 = jax.random.normal(k2, (IN_CH, HID), dtype=jnp.float32) * (1.0 / np.sqrt(IN_CH))
    b1 = jnp.zeros((HID,), dtype=jnp.float32)
    W2 = jax.random.normal(k3, (HID, OUT_CH), dtype=jnp.float32) * (1.0 / np.sqrt(HID))
    b2 = jnp.zeros((OUT_CH,), dtype=jnp.float32)
    return {"x": x, "edge_index": edge_index, "W1": W1, "b1": b1, "W2": W2, "b2": b2}


def _gcn_conv(x, edge_index, W, b):
    # x' = D^{-1/2} (A + I) D^{-1/2} X W + b  (PyG GCNConv with add_self_loops=True)
    h = x @ W
    loop = jnp.arange(N, dtype=edge_index.dtype)
    src = jnp.concatenate([edge_index[0], loop])
    dst = jnp.concatenate([edge_index[1], loop])
    ones = jnp.ones_like(src, dtype=jnp.float32)
    deg = jax.ops.segment_sum(ones, dst, num_segments=N)
    dinv = jnp.where(deg > 0, jax.lax.rsqrt(jnp.maximum(deg, 1e-12)), 0.0)
    norm = dinv[src] * dinv[dst]
    msg = h[src] * norm[:, None]
    out = jax.ops.segment_sum(msg, dst, num_segments=N)
    return out + b


def reference(x, edge_index, W1, b1, W2, b2):
    h = jax.nn.relu(_gcn_conv(x, edge_index, W1, b1))
    return _gcn_conv(h, edge_index, W2, b2)

if __name__ == "__main__":
    import jax
    _d = setup_inputs()
    print(jax.jit(kernel)(*tuple(_d.values())))

</pallas_src>

<mosaic_0001>
#map = affine_map<(d0, d1) -> (0, 0)>
#map1 = affine_map<(d0, d1) -> (0, 0, 0)>
module attributes {stable_mosaic.version = 14 : i64} {
  func.func @_agg(%arg0: i32, %arg1: i32, %arg2: memref<10000x64xf32, #tpu.memory_space<hbm>>, %arg3: memref<2x320000xi32, #tpu.memory_space<hbm>>, %arg4: memref<2x10000x64xf32, #tpu.memory_space<hbm>>, %arg5: memref<10000x64xf32, #tpu.memory_space<vmem_shared>>, %arg6: memref<10000xi32, #tpu.memory_space<vmem>>, %arg7: memref<10000xi32, #tpu.memory_space<vmem>>, %arg8: memref<128x64xf32, #tpu.memory_space<vmem>>, %arg9: memref<128x64xf32, #tpu.memory_space<vmem>>, %arg10: memref<128x64xf32, #tpu.memory_space<vmem>>, %arg11: memref<128x64xf32, #tpu.memory_space<vmem>>, %arg12: memref<!tpu.dma_semaphore, #tpu.memory_space<semaphore_mem>>, %arg13: memref<!tpu.dma_semaphore, #tpu.memory_space<semaphore_mem>>, %arg14: memref<!tpu.dma_semaphore, #tpu.memory_space<semaphore_mem>>, %arg15: memref<!tpu.dma_semaphore, #tpu.memory_space<semaphore_mem>>, %arg16: memref<!tpu.dma_semaphore, #tpu.memory_space<semaphore_mem>>, %arg17: memref<!tpu.dma_semaphore, #tpu.memory_space<semaphore_mem>>, %arg18: memref<!tpu.dma_semaphore, #tpu.memory_space<semaphore_mem>>, %arg19: memref<!tpu.dma_semaphore, #tpu.memory_space<semaphore_mem>>, %arg20: memref<!tpu.dma_semaphore, #tpu.memory_space<semaphore_mem>>) attributes {dimension_semantics = [#tpu.dimension_semantics<core_parallel>, #tpu.dimension_semantics<subcore_parallel>], iteration_bounds = array<i64: 2, 16>, scalar_prefetch = 0 : i64, scratch_operands = 16 : i64, tpu.core_type = #tpu.core_type<sc_vector_subcore>, window_params = [{transform_indices = #map}, {transform_indices = #map}, {transform_indices = #map1}]} {
    %mul3A = arith.constant 16 : i32
    %mul3A_0 = arith.muli %arg0, %mul3A : i32
    %add3A = arith.addi %mul3A_0, %arg1 : i32
    %mul3A_1 = arith.constant 10000 : i32
    %mul3A_2 = arith.muli %add3A, %mul3A_1 : i32
    %dma_start3A = arith.constant 0 : i32
    %dma_start3A_3 = tpu.memref_slice %arg3[%dma_start3A, %mul3A_2] : memref<2x320000xi32, #tpu.memory_space<hbm>> -> memref<1x10000xi32, #tpu.memory_space<hbm>>
    %dma_start3A_4 = tpu.memref_squeeze %dma_start3A_3 : memref<1x10000xi32, #tpu.memory_space<hbm>> -> memref<10000xi32, #tpu.memory_space<hbm>>
    %dma_start3A_5 = tpu.memref_slice %arg3[%dma_start3A, %mul3A_2] : memref<2x320000xi32, #tpu.memory_space<hbm>> -> memref<1x10000xi32, #tpu.memory_space<hbm>>
    %dma_start3A_6 = tpu.memref_squeeze %dma_start3A_5 : memref<1x10000xi32, #tpu.memory_space<hbm>> -> memref<10000xi32, #tpu.memory_space<hbm>>
    tpu.enqueue_dma source(%dma_start3A_6 : memref<10000xi32, #tpu.memory_space<hbm>>) target(%arg6 : memref<10000xi32, #tpu.memory_space<vmem>>) target_semaphore(%arg12 : memref<!tpu.dma_semaphore, #tpu.memory_space<semaphore_mem>>)
    %dma_start3A_7 = arith.constant 1 : i32
    %dma_start3A_8 = tpu.memref_slice %arg3[%dma_start3A_7, %mul3A_2] : memref<2x320000xi32, #tpu.memory_space<hbm>> -> memref<1x10000xi32, #tpu.memory_space<hbm>>
    %dma_start3A_9 = tpu.memref_squeeze %dma_start3A_8 : memref<1x10000xi32, #tpu.memory_space<hbm>> -> memref<10000xi32, #tpu.memory_space<hbm>>
    %dma_start3A_10 = tpu.memref_slice %arg3[%dma_start3A_7, %mul3A_2] : memref<2x320000xi32, #tpu.memory_space<hbm>> -> memref<1x10000xi32, #tpu.memory_space<hbm>>
    %dma_start3A_11 = tpu.memref_squeeze %dma_start3A_10 : memref<1x10000xi32, #tpu.memory_space<hbm>> -> memref<10000xi32, #tpu.memory_space<hbm>>
    tpu.enqueue_dma source(%dma_start3A_11 : memref<10000xi32, #tpu.memory_space<hbm>>) target(%arg7 : memref<10000xi32, #tpu.memory_space<vmem>>) target_semaphore(%arg12 : memref<!tpu.dma_semaphore, #tpu.memory_space<semaphore_mem>>)
    %scan3A = arith.constant 0 : i32
    %scan3A_12 = arith.constant 0 : i32
    %scan3A_13 = arith.constant 40 : i32
    %scan3A_14 = arith.addi %scan3A_12, %scan3A_13 : i32
    %scan3A_15 = arith.constant 1 : i32
    %scan3A_16 = scf.for %scan3A_194 = %scan3A_12 to %scan3A_14 step %scan3A_15 iter_args(%scan3A_195 = %scan3A) -> (i32)  : i32 {
      %broadcast_in_dim3A = arith.constant 0.000000e+00 : f32
      %broadcast_in_dim3A_196 = vector.broadcast %broadcast_in_dim3A : f32 to vector<16xf32>
      %swap3A = arith.index_cast %scan3A_194 : i32 to index
      %swap3A_197 = arith.constant 0 : index
      %swap3A_198 = tpu.vector_load %arg8[%swap3A, %swap3A_197] {strides = array<i32>} : memref<128x64xf32, #tpu.memory_space<vmem>>, vector<1x16xf32>,
      %swap3A_199 = vector.shape_cast %swap3A_198 : vector<1x16xf32> to vector<16xf32>
      %swap3A_200 = vector.shape_cast %broadcast_in_dim3A_196 : vector<16xf32> to vector<1x16xf32>
      tpu.vector_store %arg8[%swap3A, %swap3A_197], %swap3A_200 {strides = array<i32>} : memref<128x64xf32, #tpu.memory_space<vmem>>, vector<1x16xf32>,
      %broadcast_in_dim3A_201 = arith.constant 0.000000e+00 : f32
      %broadcast_in_dim3A_202 = vector.broadcast %broadcast_in_dim3A_201 : f32 to vector<16xf32>
      %swap3A_203 = arith.index_cast %scan3A_194 : i32 to index
      %swap3A_204 = arith.constant 16 : index
      %swap3A_205 = tpu.vector_load %arg8[%swap3A_203, %swap3A_204] {strides = array<i32>} : memref<128x64xf32, #tpu.memory_space<vmem>>, vector<1x16xf32>,
      %swap3A_206 = vector.shape_cast %swap3A_205 : vector<1x16xf32> to vector<16xf32>
      %swap3A_207 = vector.shape_cast %broadcast_in_dim3A_202 : vector<16xf32> to vector<1x16xf32>
      tpu.vector_store %arg8[%swap3A_203, %swap3A_204], %swap3A_207 {strides = array<i32>} : memref<128x64xf32, #tpu.memory_space<vmem>>, vector<1x16xf32>,
      %broadcast_in_dim3A_208 = arith.constant 0.000000e+00 : f32
      %broadcast_in_dim3A_209 = vector.broadcast %broadcast_in_dim3A_208 : f32 to vector<16xf32>
      %swap3A_210 = arith.index_cast %scan3A_194 : i32 to index
      %swap3A_211 = arith.constant 32 : index
      %swap3A_212 = tpu.vector_load %arg8[%swap3A_210, %swap3A_211] {strides = array<i32>} : memref<128x64xf32, #tpu.memory_space<vmem>>, vector<1x16xf32>,
      %swap3A_213 = vector.shape_cast %swap3A_212 : vector<1x16xf32> to vector<16xf32>
      %swap3A_214 = vector.shape_cast %broadcast_in_dim3A_209 : vector<16xf32> to vector<1x16xf32>
      tpu.vector_store %arg8[%swap3A_210, %swap3A_211], %swap3A_214 {strides = array<i32>} : memref<128x64xf32, #tpu.memory_space<vmem>>, vector<1x16xf32>,
      %broadcast_in_dim3A_215 = arith.constant 0.000000e+00 : f32
      %broadcast_in_dim3A_216 = vector.broadcast %broadcast_in_dim3A_215 : f32 to vector<16xf32>
      %swap3A_217 = arith.index_cast %scan3A_194 : i32 to index
      %swap3A_218 = arith.constant 48 : index
      %swap3A_219 = tpu.vector_load %arg8[%swap3A_217, %swap3A_218] {strides = array<i32>} : memref<128x64xf32, #tpu.memory_space<vmem>>, vector<1x16xf32>,
      %swap3A_220 = vector.shape_cast %swap3A_219 : vector<1x16xf32> to vector<16xf32>
      %swap3A_221 = vector.shape_cast %broadcast_in_dim3A_216 : vector<16xf32> to vector<1x16xf32>
      tpu.vector_store %arg8[%swap3A_217, %swap3A_218], %swap3A_221 {strides = array<i32>} : memref<128x64xf32, #tpu.memory_space<vmem>>, vector<1x16xf32>,
      %scan3A_222 = arith.constant 0 : i32
      scf.yield %scan3A_222 : i32
    }
    %scan3A_17 = arith.constant 40 : i32
    %lt3A = arith.constant 10 : i32
    %lt3A_18 = arith.cmpi slt, %arg1, %lt3A : i32
    %convert_element_type3A = arith.extui %lt3A_18 : i1 to i32
    %cond3A = arith.constant 0 : i32
    %cond3A_19 = arith.cmpi ne, %convert_element_type3A, %cond3A : i32
    scf.if %cond3A_19 {
      %mul3A_194 = arith.constant 1000 : i32
      %mul3A_195 = arith.muli %arg1, %mul3A_194 : i32
      %add3A_196 = arith.constant 0 : i32
      %add3A_197 = arith.addi %mul3A_195, %add3A_196 : i32
      %dma_start3A_198 = arith.constant 0 : i32
      %dma_start3A_199 = arith.constant 0 : i32
      %dma_start3A_200 = tpu.memref_slice %arg8[%dma_start3A_198, %dma_start3A_199] : memref<128x64xf32, #tpu.memory_space<vmem>> -> memref<40x64xf32, #tpu.memory_space<vmem>>
      %dma_start3A_201 = arith.constant 0 : i32
      %dma_start3A_202 = tpu.memref_slice %arg5[%add3A_197, %dma_start3A_201] : memref<10000x64xf32, #tpu.memory_space<vmem_shared>> -> memref<40x64xf32, #tpu.memory_space<vmem_shared>>
      %dma_start3A_203 = arith.constant 0 : i32
      %dma_start3A_204 = tpu.memref_slice %arg5[%add3A_197, %dma_start3A_203] : memref<10000x64xf32, #tpu.memory_space<vmem_shared>> -> memref<40x64xf32, #tpu.memory_space<vmem_shared>>
      %dma_start3A_205 = arith.constant 0 : i32
      %dma_start3A_206 = arith.constant 0 : i32
      %dma_start3A_207 = tpu.memref_slice %arg8[%dma_start3A_205, %dma_start3A_206] : memref<128x64xf32, #tpu.memory_space<vmem>> -> memref<40x64xf32, #tpu.memory_space<vmem>>
      tpu.enqueue_dma source(%dma_start3A_207 : memref<40x64xf32, #tpu.memory_space<vmem>>) target(%dma_start3A_204 : memref<40x64xf32, #tpu.memory_space<vmem_shared>>) target_semaphore(%arg13 : memref<!tpu.dma_semaphore, #tpu.memory_space<semaphore_mem>>)
      %mul3A_208 = arith.constant 1000 : i32
      %mul3A_209 = arith.muli %arg1, %mul3A_208 : i32
      %add3A_210 = arith.constant 40 : i32
      %add3A_211 = arith.addi %mul3A_209, %add3A_210 : i32
      %dma_start3A_212 = arith.constant 0 : i32
      %dma_start3A_213 = arith.constant 0 : i32
      %dma_start3A_214 = tpu.memref_slice %arg8[%dma_start3A_212, %dma_start3A_213] : memref<128x64xf32, #tpu.memory_space<vmem>> -> memref<40x64xf32, #tpu.memory_space<vmem>>
      %dma_start3A_215 = arith.constant 0 : i32
      %dma_start3A_216 = tpu.memref_slice %arg5[%add3A_211, %dma_start3A_215] : memref<10000x64xf32, #tpu.memory_space<vmem_shared>> -> memref<40x64xf32, #tpu.memory_space<vmem_shared>>
      %dma_start3A_217 = arith.constant 0 : i32
      %dma_start3A_218 = tpu.memref_slice %arg5[%add3A_211, %dma_start3A_217] : memref<10000x64xf32, #tpu.memory_space<vmem_shared>> -> memref<40x64xf32, #tpu.memory_space<vmem_shared>>
      %dma_start3A_219 = arith.constant 0 : i32
      %dma_start3A_220 = arith.constant 0 : i32
      %dma_start3A_221 = tpu.memref_slice %arg8[%dma_start3A_219, %dma_start3A_220] : memref<128x64xf32, #tpu.memory_space<vmem>> -> memref<40x64xf32, #tpu.memory_space<vmem>>
      tpu.enqueue_dma source(%dma_start3A_221 : memref<40x64xf32, #tpu.memory_space<vmem>>) target(%dma_start3A_218 : memref<40x64xf32, #tpu.memory_space<vmem_shared>>) target_semaphore(%arg13 : memref<!tpu.dma_semaphore, #tpu.memory_space<semaphore_mem>>)
      %mul3A_222 = arith.constant 1000 : i32
      %mul3A_223 = arith.muli %arg1, %mul3A_222 : i32
      %add3A_224 = arith.constant 80 : i32
      %add3A_225 = arith.addi %mul3A_223, %add3A_224 : i32
      %dma_start3A_226 = arith.constant 0 : i32
      %dma_start3A_227 = arith.constant 0 : i32
      %dma_start3A_228 = tpu.memref_slice %arg8[%dma_start3A_226, %dma_start3A_227] : memref<128x64xf32, #tpu.memory_space<vmem>> -> memref<40x64xf32, #tpu.memory_space<vmem>>
      %dma_start3A_229 = arith.constant 0 : i32
      %dma_start3A_230 = tpu.memref_slice %arg5[%add3A_225, %dma_start3A_229] : memref<10000x64xf32, #tpu.memory_space<vmem_shared>> -> memref<40x64xf32, #tpu.memory_space<vmem_shared>>
      %dma_start3A_231 = arith.constant 0 : i32
      %dma_start3A_232 = tpu.memref_slice %arg5[%add3A_225, %dma_start3A_231] : memref<10000x64xf32, #tpu.memory_space<vmem_shared>> -> memref<40x64xf32, #tpu.memory_space<vmem_shared>>
      %dma_start3A_233 = arith.constant 0 : i32
      %dma_start3A_234 = arith.constant 0 : i32
      %dma_start3A_235 = tpu.memref_slice %arg8[%dma_start3A_233, %dma_start3A_234] : memref<128x64xf32, #tpu.memory_space<vmem>> -> memref<40x64xf32, #tpu.memory_space<vmem>>
      tpu.enqueue_dma source(%dma_start3A_235 : memref<40x64xf32, #tpu.memory_space<vmem>>) target(%dma_start3A_232 : memref<40x64xf32, #tpu.memory_space<vmem_shared>>) target_semaphore(%arg13 : memref<!tpu.dma_semaphore, #tpu.memory_space<semaphore_mem>>)
      %mul3A_236 = arith.constant 1000 : i32
      %mul3A_237 = arith.muli %arg1, %mul3A_236 : i32
      %add3A_238 = arith.constant 120 : i32
      %add3A_239 = arith.addi %mul3A_237, %add3A_238 : i32
      %dma_start3A_240 = arith.constant 0 : i32
      %dma_start3A_241 = arith.constant 0 : i32
      %dma_start3A_242 = tpu.memref_slice %arg8[%dma_start3A_240, %dma_start3A_241] : memref<128x64xf32, #tpu.memory_space<vmem>> -> memref<40x64xf32, #tpu.memory_space<vmem>>
      %dma_start3A_243 = arith.constant 0 : i32
      %dma_start3A_244 = tpu.memref_slice %arg5[%add3A_239, %dma_start3A_243] : memref<10000x64xf32, #tpu.memory_space<vmem_shared>> -> memref<40x64xf32, #tpu.memory_space<vmem_shared>>
      %dma_start3A_245 = arith.constant 0 : i32
      %dma_start3A_246 = tpu.memref_slice %arg5[%add3A_239, %dma_start3A_245] : memref<10000x64xf32, #tpu.memory_space<vmem_shared>> -> memref<40x64xf32, #tpu.memory_space<vmem_shared>>
      %dma_start3A_247 = arith.constant 0 : i32
      %dma_start3A_248 = arith.constant 0 : i32
      %dma_start3A_249 = tpu.memref_slice %arg8[%dma_start3A_247, %dma_start3A_248] : memref<128x64xf32, #tpu.memory_space<vmem>> -> memref<40x64xf32, #tpu.memory_space<vmem>>
      tpu.enqueue_dma source(%dma_start3A_249 : memref<40x64xf32, #tpu.memory_space<vmem>>) target(%dma_start3A_246 : memref<40x64xf32, #tpu.memory_space<vmem_shared>>) target_semaphore(%arg13 : memref<!tpu.dma_semaphore, #tpu.memory_space<semaphore_mem>>)
      %mul3A_250 = arith.constant 1000 : i32
      %mul3A_251 = arith.muli %arg1, %mul3A_250 : i32
      %add3A_252 = arith.constant 160 : i32
      %add3A_253 = arith.addi %mul3A_251, %add3A_252 : i32
      %dma_start3A_254 = arith.constant 0 : i32
      %dma_start3A_255 = arith.constant 0 : i32
      %dma_start3A_256 = tpu.memref_slice %arg8[%dma_start3A_254, %dma_start3A_255] : memref<128x64xf32, #tpu.memory_space<vmem>> -> memref<40x64xf32, #tpu.memory_space<vmem>>
      %dma_start3A_257 = arith.constant 0 : i32
      %dma_start3A_258 = tpu.memref_slice %arg5[%add3A_253, %dma_start3A_257] : memref<10000x64xf32, #tpu.memory_space<vmem_shared>> -> memref<40x64xf32, #tpu.memory_space<vmem_shared>>
      %dma_start3A_259 = arith.constant 0 : i32
      %dma_start3A_260 = tpu.memref_slice %arg5[%add3A_253, %dma_start3A_259] : memref<10000x64xf32, #tpu.memory_space<vmem_shared>> -> memref<40x64xf32, #tpu.memory_space<vmem_shared>>
      %dma_start3A_261 = arith.constant 0 : i32
      %dma_start3A_262 = arith.constant 0 : i32
      %dma_start3A_263 = tpu.memref_slice %arg8[%dma_start3A_261, %dma_start3A_262] : memref<128x64xf32, #tpu.memory_space<vmem>> -> memref<40x64xf32, #tpu.memory_space<vmem>>
      tpu.enqueue_dma source(%dma_start3A_263 : memref<40x64xf32, #tpu.memory_space<vmem>>) target(%dma_start3A_260 : memref<40x64xf32, #tpu.memory_space<vmem_shared>>) target_semaphore(%arg13 : memref<!tpu.dma_semaphore, #tpu.memory_space<semaphore_mem>>)
      %mul3A_264 = arith.constant 1000 : i32
      %mul3A_265 = arith.muli %arg1, %mul3A_264 : i32
      %add3A_266 = arith.constant 0 : i32
      %add3A_267 = arith.addi %mul3A_265, %add3A_266 : i32
      %dma_wait3A_268 = arith.constant 0 : i32
      %dma_wait3A_269 = arith.constant 0 : i32
      %dma_wait3A_270 = tpu.memref_slice %arg8[%dma_wait3A_268, %dma_wait3A_269] : memref<128x64xf32, #tpu.memory_space<vmem>> -> memref<40x64xf32, #tpu.memory_space<vmem>>
      %dma_wait3A_271 = arith.constant 0 : i32
      %dma_wait3A_272 = tpu.memref_slice %arg5[%add3A_267, %dma_wait3A_271] : memref<10000x64xf32, #tpu.memory_space<vmem_shared>> -> memref<40x64xf32, #tpu.memory_space<vmem_shared>>
      %dma_wait3A_273 = arith.constant 0 : i32
      %dma_wait3A_274 = tpu.memref_slice %arg5[%add3A_267, %dma_wait3A_273] : memref<10000x64xf32, #tpu.memory_space<vmem_shared>> -> memref<40x64xf32, #tpu.memory_space<vmem_shared>>
      %dma_wait3A_275 = arith.constant 0 : i32
      %dma_wait3A_276 = arith.constant 0 : i32
      %dma_wait3A_277 = tpu.memref_slice %arg8[%dma_wait3A_275, %dma_wait3A_276] : memref<128x64xf32, #tpu.memory_space<vmem>> -> memref<40x64xf32, #tpu.memory_space<vmem>>
      tpu.wait_dma2 semaphore(%arg13 : memref<!tpu.dma_semaphore, #tpu.memory_space<semaphore_mem>>) src(%dma_wait3A_277 : memref<40x64xf32, #tpu.memory_space<vmem>>) dst(%dma_wait3A_274 : memref<40x64xf32, #tpu.memory_space<vmem_shared>>)
      %mul3A_278 = arith.constant 1000 : i32
      %mul3A_279 = arith.muli %arg1, %mul3A_278 : i32
      %add3A_280 = arith.constant 40 : i32
      %add3A_281 = arith.addi %mul3A_279, %add3A_280 : i32
      %dma_wait3A_282 = arith.constant 0 : i32
      %dma_wait3A_283 = arith.constant 0 : i32
      %dma_wait3A_284 = tpu.memref_slice %arg8[%dma_wait3A_282, %dma_wait3A_283] : memref<128x64xf32, #tpu.memory_space<vmem>> -> memref<40x64xf32, #tpu.memory_space<vmem>>
      %dma_wait3A_285 = arith.constant 0 : i32
      %dma_wait3A_286 = tpu.memref_slice %arg5[%add3A_281, %dma_wait3A_285] : memref<10000x64xf32, #tpu.memory_space<vmem_shared>> -> memref<40x64xf32, #tpu.memory_space<vmem_shared>>
      %dma_wait3A_287 = arith.constant 0 : i32
      %dma_wait3A_288 = tpu.memref_slice %arg5[%add3A_281, %dma_wait3A_287] : memref<10000x64xf32, #tpu.memory_space<vmem_shared>> -> memref<40x64xf32, #tpu.memory_space<vmem_shared>>
      %dma_wait3A_289 = arith.constant 0 : i32
      %dma_wait3A_290 = arith.constant 0 : i32
      %dma_wait3A_291 = tpu.memref_slice %arg8[%dma_wait3A_289, %dma_wait3A_290] : memref<128x64xf32, #tpu.memory_space<vmem>> -> memref<40x64xf32, #tpu.memory_space<vmem>>
      tpu.wait_dma2 semaphore(%arg13 : memref<!tpu.dma_semaphore, #tpu.memory_space<semaphore_mem>>) src(%dma_wait3A_291 : memref<40x64xf32, #tpu.memory_space<vmem>>) dst(%dma_wait3A_288 : memref<40x64xf32, #tpu.memory_space<vmem_shared>>)
      %mul3A_292 = arith.constant 1000 : i32
      %mul3A_293 = arith.muli %arg1, %mul3A_292 : i32
      %add3A_294 = arith.constant 80 : i32
      %add3A_295 = arith.addi %mul3A_293, %add3A_294 : i32
      %dma_wait3A_296 = arith.constant 0 : i32
      %dma_wait3A_297 = arith.constant 0 : i32
      %dma_wait3A_298 = tpu.memref_slice %arg8[%dma_wait3A_296, %dma_wait3A_297] : memref<128x64xf32, #tpu.memory_space<vmem>> -> memref<40x64xf32, #tpu.memory_space<vmem>>
      %dma_wait3A_299 = arith.constant 0 : i32
      %dma_wait3A_300 = tpu.memref_slice %arg5[%add3A_295, %dma_wait3A_299] : memref<10000x64xf32, #tpu.memory_space<vmem_shared>> -> memref<40x64xf32, #tpu.memory_space<vmem_shared>>
      %dma_wait3A_301 = arith.constant 0 : i32
      %dma_wait3A_302 = tpu.memref_slice %arg5[%add3A_295, %dma_wait3A_301] : memref<10000x64xf32, #tpu.memory_space<vmem_shared>> -> memref<40x64xf32, #tpu.memory_space<vmem_shared>>
      %dma_wait3A_303 = arith.constant 0 : i32
      %dma_wait3A_304 = arith.constant 0 : i32
      %dma_wait3A_305 = tpu.memref_slice %arg8[%dma_wait3A_303, %dma_wait3A_304] : memref<128x64xf32, #tpu.memory_space<vmem>> -> memref<40x64xf32, #tpu.memory_space<vmem>>
      tpu.wait_dma2 semaphore(%arg13 : memref<!tpu.dma_semaphore, #tpu.memory_space<semaphore_mem>>) src(%dma_wait3A_305 : memref<40x64xf32, #tpu.memory_space<vmem>>) dst(%dma_wait3A_302 : memref<40x64xf32, #tpu.memory_space<vmem_shared>>)
      %mul3A_306 = arith.constant 1000 : i32
      %mul3A_307 = arith.muli %arg1, %mul3A_306 : i32
      %add3A_308 = arith.constant 120 : i32
      %add3A_309 = arith.addi %mul3A_307, %add3A_308 : i32
      %dma_wait3A_310 = arith.constant 0 : i32
      %dma_wait3A_311 = arith.constant 0 : i32
      %dma_wait3A_312 = tpu.memref_slice %arg8[%dma_wait3A_310, %dma_wait3A_311] : memref<128x64xf32, #tpu.memory_space<vmem>> -> memref<40x64xf32, #tpu.memory_space<vmem>>
      %dma_wait3A_313 = arith.constant 0 : i32
      %dma_wait3A_314 = tpu.memref_slice %arg5[%add3A_309, %dma_wait3A_313] : memref<10000x64xf32, #tpu.memory_space<vmem_shared>> -> memref<40x64xf32, #tpu.memory_space<vmem_shared>>
      %dma_wait3A_315 = arith.constant 0 : i32
      %dma_wait3A_316 = tpu.memref_slice %arg5[%add3A_309, %dma_wait3A_315] : memref<10000x64xf32, #tpu.memory_space<vmem_shared>> -> memref<40x64xf32, #tpu.memory_space<vmem_shared>>
      %dma_wait3A_317 = arith.constant 0 : i32
      %dma_wait3A_318 = arith.constant 0 : i32
      %dma_wait3A_319 = tpu.memref_slice %arg8[%dma_wait3A_317, %dma_wait3A_318] : memref<128x64xf32, #tpu.memory_space<vmem>> -> memref<40x64xf32, #tpu.memory_space<vmem>>
      tpu.wait_dma2 semaphore(%arg13 : memref<!tpu.dma_semaphore, #tpu.memory_space<semaphore_mem>>) src(%dma_wait3A_319 : memref<40x64xf32, #tpu.memory_space<vmem>>) dst(%dma_wait3A_316 : memref<40x64xf32, #tpu.memory_space<vmem_shared>>)
      %mul3A_320 = arith.constant 1000 : i32
      %mul3A_321 = arith.muli %arg1, %mul3A_320 : i32
      %add3A_322 = arith.constant 160 : i32
      %add3A_323 = arith.addi %mul3A_321, %add3A_322 : i32
      %dma_wait3A_324 = arith.constant 0 : i32
      %dma_wait3A_325 = arith.constant 0 : i32
      %dma_wait3A_326 = tpu.memref_slice %arg8[%dma_wait3A_324, %dma_wait3A_325] : memref<128x64xf32, #tpu.memory_space<vmem>> -> memref<40x64xf32, #tpu.memory_space<vmem>>
      %dma_wait3A_327 = arith.constant 0 : i32
      %dma_wait3A_328 = tpu.memref_slice %arg5[%add3A_323, %dma_wait3A_327] : memref<10000x64xf32, #tpu.memory_space<vmem_shared>> -> memref<40x64xf32, #tpu.memory_space<vmem_shared>>
      %dma_wait3A_329 = arith.constant 0 : i32
      %dma_wait3A_330 = tpu.memref_slice %arg5[%add3A_323, %dma_wait3A_329] : memref<10000x64xf32, #tpu.memory_space<vmem_shared>> -> memref<40x64xf32, #tpu.memory_space<vmem_shared>>
      %dma_wait3A_331 = arith.constant 0 : i32
      %dma_wait3A_332 = arith.constant 0 : i32
      %dma_wait3A_333 = tpu.memref_slice %arg8[%dma_wait3A_331, %dma_wait3A_332] : memref<128x64xf32, #tpu.memory_space<vmem>> -> memref<40x64xf32, #tpu.memory_space<vmem>>
      tpu.wait_dma2 semaphore(%arg13 : memref<!tpu.dma_semaphore, #tpu.memory_space<semaphore_mem>>) src(%dma_wait3A_333 : memref<40x64xf32, #tpu.memory_space<vmem>>) dst(%dma_wait3A_330 : memref<40x64xf32, #tpu.memory_space<vmem_shared>>)
      %mul3A_334 = arith.constant 1000 : i32
      %mul3A_335 = arith.muli %arg1, %mul3A_334 : i32
      %add3A_336 = arith.constant 200 : i32
      %add3A_337 = arith.addi %mul3A_335, %add3A_336 : i32
      %dma_start3A_338 = arith.constant 0 : i32
      %dma_start3A_339 = arith.constant 0 : i32
      %dma_start3A_340 = tpu.memref_slice %arg8[%dma_start3A_338, %dma_start3A_339] : memref<128x64xf32, #tpu.memory_space<vmem>> -> memref<40x64xf32, #tpu.memory_space<vmem>>
      %dma_start3A_341 = arith.constant 0 : i32
      %dma_start3A_342 = tpu.memref_slice %arg5[%add3A_337, %dma_start3A_341] : memref<10000x64xf32, #tpu.memory_space<vmem_shared>> -> memref<40x64xf32, #tpu.memory_space<vmem_shared>>
      %dma_start3A_343 = arith.constant 0 : i32
      %dma_start3A_344 = tpu.memref_slice %arg5[%add3A_337, %dma_start3A_343] : memref<10000x64xf32, #tpu.memory_space<vmem_shared>> -> memref<40x64xf32, #tpu.memory_space<vmem_shared>>
      %dma_start3A_345 = arith.constant 0 : i32
      %dma_start3A_346 = arith.constant 0 : i32
      %dma_start3A_347 = tpu.memref_slice %arg8[%dma_start3A_345, %dma_start3A_346] : memref<128x64xf32, #tpu.memory_space<vmem>> -> memref<40x64xf32, #tpu.memory_space<vmem>>
      tpu.enqueue_dma source(%dma_start3A_347 : memref<40x64xf32, #tpu.memory_space<vmem>>) target(%dma_start3A_344 : memref<40x64xf32, #tpu.memory_space<vmem_shared>>) target_semaphore(%arg13 : memref<!tpu.dma_semaphore, #tpu.memory_space<semaphore_mem>>)
      %mul3A_348 = arith.constant 1000 : i32
      %mul3A_349 = arith.muli %arg1, %mul3A_348 : i32
      %add3A_350 = arith.constant 240 : i32
      %add3A_351 = arith.addi %mul3A_349, %add3A_350 : i32
      %dma_start3A_352 = arith.constant 0 : i32
      %dma_start3A_353 = arith.constant 0 : i32
      %dma_start3A_354 = tpu.memref_slice %arg8[%dma_start3A_352, %dma_start3A_353] : memref<128x64xf32, #tpu.memory_space<vmem>> -> memref<40x64xf32, #tpu.memory_space<vmem>>
      %dma_start3A_355 = arith.constant 0 : i32
      %dma_start3A_356 = tpu.memref_slice %arg5[%add3A_351, %dma_start3A_355] : memref<10000x64xf32, #tpu.memory_space<vmem_shared>> -> memref<40x64xf32, #tpu.memory_space<vmem_shared>>
      %dma_start3A_357 = arith.constant 0 : i32
      %dma_start3A_358 = tpu.memref_slice %arg5[%add3A_351, %dma_start3A_357] : memref<10000x64xf32, #tpu.memory_space<vmem_shared>> -> memref<40x64xf32, #tpu.memory_space<vmem_shared>>
      %dma_start3A_359 = arith.constant 0 : i32
      %dma_start3A_360 = arith.constant 0 : i32
      %dma_start3A_361 = tpu.memref_slice %arg8[%dma_start3A_359, %dma_start3A_360] : memref<128x64xf32, #tpu.memory_space<vmem>> -> memref<40x64xf32, #tpu.memory_space<vmem>>
      tpu.enqueue_dma source(%dma_start3A_361 : memref<40x64xf32, #tpu.memory_space<vmem>>) target(%dma_start3A_358 : memref<40x64xf32, #tpu.memory_space<vmem_shared>>) target_semaphore(%arg13 : memref<!tpu.dma_semaphore, #tpu.memory_space<semaphore_mem>>)
      %mul3A_362 = arith.constant 1000 : i32
      %mul3A_363 = arith.muli %arg1, %mul3A_362 : i32
      %add3A_364 = arith.constant 280 : i32
      %add3A_365 = arith.addi %mul3A_363, %add3A_364 : i32
      %dma_start3A_366 = arith.constant 0 : i32
      %dma_start3A_367 = arith.constant 0 : i32
      %dma_start3A_368 = tpu.memref_slice %arg8[%dma_start3A_366, %dma_start3A_367] : memref<128x64xf32, #tpu.memory_space<vmem>> -> memref<40x64xf32, #tpu.memory_space<vmem>>
      %dma_start3A_369 = arith.constant 0 : i32
      %dma_start3A_370 = tpu.memref_slice %arg5[%add3A_365, %dma_start3A_369] : memref<10000x64xf32, #tpu.memory_space<vmem_shared>> -> memref<40x64xf32, #tpu.memory_space<vmem_shared>>
      %dma_start3A_371 = arith.constant 0 : i32
      %dma_start3A_372 = tpu.memref_slice %arg5[%add3A_365, %dma_start3A_371] : memref<10000x64xf32, #tpu.memory_space<vmem_shared>> -> memref<40x64xf32, #tpu.memory_space<vmem_shared>>
      %dma_start3A_373 = arith.constant 0 : i32
      %dma_start3A_374 = arith.constant 0 : i32
      %dma_start3A_375 = tpu.memref_slice %arg8[%dma_start3A_373, %dma_start3A_374] : memref<128x64xf32, #tpu.memory_space<vmem>> -> memref<40x64xf32, #tpu.memory_space<vmem>>
      tpu.enqueue_dma source(%dma_start3A_375 : memref<40x64xf32, #tpu.memory_space<vmem>>) target(%dma_start3A_372 : memref<40x64xf32, #tpu.memory_space<vmem_shared>>) target_semaphore(%arg13 : memref<!tpu.dma_semaphore, #tpu.memory_space<semaphore_mem>>)
      %mul3A_376 = arith.constant 1000 : i32
      %mul3A_377 = arith.muli %arg1, %mul3A_376 : i32
      %add3A_378 = arith.constant 320 : i32
      %add3A_379 = arith.addi %mul3A_377, %add3A_378 : i32
      %dma_start3A_380 = arith.constant 0 : i32
      %dma_start3A_381 = arith.constant 0 : i32
      %dma_start3A_382 = tpu.memref_slice %arg8[%dma_start3A_380, %dma_start3A_381] : memref<128x64xf32, #tpu.memory_space<vmem>> -> memref<40x64xf32, #tpu.memory_space<vmem>>
      %dma_start3A_383 = arith.constant 0 : i32
      %dma_start3A_384 = tpu.memref_slice %arg5[%add3A_379, %dma_start3A_383] : memref<10000x64xf32, #tpu.memory_space<vmem_shared>> -> memref<40x64xf32, #tpu.memory_space<vmem_shared>>
      %dma_start3A_385 = arith.constant 0 : i32
      %dma_start3A_386 = tpu.memref_slice %arg5[%add3A_379, %dma_start3A_385] : memref<10000x64xf32, #tpu.memory_space<vmem_shared>> -> memref<40x64xf32, #tpu.memory_space<vmem_shared>>
      %dma_start3A_387 = arith.constant 0 : i32
      %dma_start3A_388 = arith.constant 0 : i32
      %dma_start3A_389 = tpu.memref_slice %arg8[%dma_start3A_387, %dma_start3A_388] : memref<128x64xf32, #tpu.memory_space<vmem>> -> memref<40x64xf32, #tpu.memory_space<vmem>>
      tpu.enqueue_dma source(%dma_start3A_389 : memref<40x64xf32, #tpu.memory_space<vmem>>) target(%dma_start3A_386 : memref<40x64xf32, #tpu.memory_space<vmem_shared>>) target_semaphore(%arg13 : memref<!tpu.dma_semaphore, #tpu.memory_space<semaphore_mem>>)
      %mul3A_390 = arith.constant 1000 : i32
      %mul3A_391 = arith.muli %arg1, %mul3A_390 : i32
      %add3A_392 = arith.constant 360 : i32
      %add3A_393 = arith.addi %mul3A_391, %add3A_392 : i32
      %dma_start3A_394 = arith.constant 0 : i32
      %dma_start3A_395 = arith.constant 0 : i32
      %dma_start3A_396 = tpu.memref_slice %arg8[%dma_start3A_394, %dma_start3A_395] : memref<128x64xf32, #tpu.memory_space<vmem>> -> memref<40x64xf32, #tpu.memory_space<vmem>>
      %dma_start3A_397 = arith.constant 0 : i32
      %dma_start3A_398 = tpu.memref_slice %arg5[%add3A_393, %dma_start3A_397] : memref<10000x64xf32, #tpu.memory_space<vmem_shared>> -> memref<40x64xf32, #tpu.memory_space<vmem_shared>>
      %dma_start3A_399 = arith.constant 0 : i32
      %dma_start3A_400 = tpu.memref_slice %arg5[%add3A_393, %dma_start3A_399] : memref<10000x64xf32, #tpu.memory_space<vmem_shared>> -> memref<40x64xf32, #tpu.memory_space<vmem_shared>>
      %dma_start3A_401 = arith.constant 0 : i32
      %dma_start3A_402 = arith.constant 0 : i32
      %dma_start3A_403 = tpu.memref_slice %arg8[%dma_start3A_401, %dma_start3A_402] : memref<128x64xf32, #tpu.memory_space<vmem>> -> memref<40x64xf32, #tpu.memory_space<vmem>>
      tpu.enqueue_dma source(%dma_start3A_403 : memref<40x64xf32, #tpu.memory_space<vmem>>) target(%dma_start3A_400 : memref<40x64xf32, #tpu.memory_space<vmem_shared>>) target_semaphore(%arg13 : memref<!tpu.dma_semaphore, #tpu.memory_space<semaphore_mem>>)
      %mul3A_404 = arith.constant 1000 : i32
      %mul3A_405 = arith.muli %arg1, %mul3A_404 : i32
      %add3A_406 = arith.constant 200 : i32
      %add3A_407 = arith.addi %mul3A_405, %add3A_406 : i32
      %dma_wait3A_408 = arith.constant 0 : i32
      %dma_wait3A_409 = arith.constant 0 : i32
      %dma_wait3A_410 = tpu.memref_slice %arg8[%dma_wait3A_408, %dma_wait3A_409] : memref<128x64xf32, #tpu.memory_space<vmem>> -> memref<40x64xf32, #tpu.memory_space<vmem>>
      %dma_wait3A_411 = arith.constant 0 : i32
      %dma_wait3A_412 = tpu.memref_slice %arg5[%add3A_407, %dma_wait3A_411] : memref<10000x64xf32, #tpu.memory_space<vmem_shared>> -> memref<40x64xf32, #tpu.memory_space<vmem_shared>>
      %dma_wait3A_413 = arith.constant 0 : i32
      %dma_wait3A_414 = tpu.memref_slice %arg5[%add3A_407, %dma_wait3A_413] : memref<10000x64xf32, #tpu.memory_space<vmem_shared>> -> memref<40x64xf32, #tpu.memory_space<vmem_shared>>
      %dma_wait3A_415 = arith.constant 0 : i32
      %dma_wait3A_416 = arith.constant 0 : i32
      %dma_wait3A_417 = tpu.memref_slice %arg8[%dma_wait3A_415, %dma_wait3A_416] : memref<128x64xf32, #tpu.memory_space<vmem>> -> memref<40x64xf32, #tpu.memory_space<vmem>>
      tpu.wait_dma2 semaphore(%arg13 : memref<!tpu.dma_semaphore, #tpu.memory_space<semaphore_mem>>) src(%dma_wait3A_417 : memref<40x64xf32, #tpu.memory_space<vmem>>) dst(%dma_wait3A_414 : memref<40x64xf32, #tpu.memory_space<vmem_shared>>)
      %mul3A_418 = arith.constant 1000 : i32
      %mul3A_419 = arith.muli %arg1, %mul3A_418 : i32
      %add3A_420 = arith.constant 240 : i32
      %add3A_421 = arith.addi %mul3A_419, %add3A_420 : i32
      %dma_wait3A_422 = arith.constant 0 : i32
      %dma_wait3A_423 = arith.constant 0 : i32
      %dma_wait3A_424 = tpu.memref_slice %arg8[%dma_wait3A_422, %dma_wait3A_423] : memref<128x64xf32, #tpu.memory_space<vmem>> -> memref<40x64xf32, #tpu.memory_space<vmem>>
      %dma_wait3A_425 = arith.constant 0 : i32
      %dma_wait3A_426 = tpu.memref_slice %arg5[%add3A_421, %dma_wait3A_425] : memref<10000x64xf32, #tpu.memory_space<vmem_shared>> -> memref<40x64xf32, #tpu.memory_space<vmem_shared>>
      %dma_wait3A_427 = arith.constant 0 : i32
      %dma_wait3A_428 = tpu.memref_slice %arg5[%add3A_421, %dma_wait3A_427] : memref<10000x64xf32, #tpu.memory_space<vmem_shared>> -> memref<40x64xf32, #tpu.memory_space<vmem_shared>>
      %dma_wait3A_429 = arith.constant 0 : i32
      %dma_wait3A_430 = arith.constant 0 : i32
      %dma_wait3A_431 = tpu.memref_slice %arg8[%dma_wait3A_429, %dma_wait3A_430] : memref<128x64xf32, #tpu.memory_space<vmem>> -> memref<40x64xf32, #tpu.memory_space<vmem>>
      tpu.wait_dma2 semaphore(%arg13 : memref<!tpu.dma_semaphore, #tpu.memory_space<semaphore_mem>>) src(%dma_wait3A_431 : memref<40x64xf32, #tpu.memory_space<vmem>>) dst(%dma_wait3A_428 : memref<40x64xf32, #tpu.memory_space<vmem_shared>>)
      %mul3A_432 = arith.constant 1000 : i32
      %mul3A_433 = arith.muli %arg1, %mul3A_432 : i32
      %add3A_434 = arith.constant 280 : i32
      %add3A_435 = arith.addi %mul3A_433, %add3A_434 : i32
      %dma_wait3A_436 = arith.constant 0 : i32
      %dma_wait3A_437 = arith.constant 0 : i32
      %dma_wait3A_438 = tpu.memref_slice %arg8[%dma_wait3A_436, %dma_wait3A_437] : memref<128x64xf32, #tpu.memory_space<vmem>> -> memref<40x64xf32, #tpu.memory_space<vmem>>
      %dma_wait3A_439 = arith.constant 0 : i32
      %dma_wait3A_440 = tpu.memref_slice %arg5[%add3A_435, %dma_wait3A_439] : memref<10000x64xf32, #tpu.memory_space<vmem_shared>> -> memref<40x64xf32, #tpu.memory_space<vmem_shared>>
      %dma_wait3A_441 = arith.constant 0 : i32
      %dma_wait3A_442 = tpu.memref_slice %arg5[%add3A_435, %dma_wait3A_441] : memref<10000x64xf32, #tpu.memory_space<vmem_shared>> -> memref<40x64xf32, #tpu.memory_space<vmem_shared>>
      %dma_wait3A_443 = arith.constant 0 : i32
      %dma_wait3A_444 = arith.constant 0 : i32
      %dma_wait3A_445 = tpu.memref_slice %arg8[%dma_wait3A_443, %dma_wait3A_444] : memref<128x64xf32, #tpu.memory_space<vmem>> -> memref<40x64xf32, #tpu.memory_space<vmem>>
      tpu.wait_dma2 semaphore(%arg13 : memref<!tpu.dma_semaphore, #tpu.memory_space<semaphore_mem>>) src(%dma_wait3A_445 : memref<40x64xf32, #tpu.memory_space<vmem>>) dst(%dma_wait3A_442 : memref<40x64xf32, #tpu.memory_space<vmem_shared>>)
      %mul3A_446 = arith.constant 1000 : i32
      %mul3A_447 = arith.muli %arg1, %mul3A_446 : i32
      %add3A_448 = arith.constant 320 : i32
      %add3A_449 = arith.addi %mul3A_447, %add3A_448 : i32
      %dma_wait3A_450 = arith.constant 0 : i32
      %dma_wait3A_451 = arith.constant 0 : i32
      %dma_wait3A_452 = tpu.memref_slice %arg8[%dma_wait3A_450, %dma_wait3A_451] : memref<128x64xf32, #tpu.memory_space<vmem>> -> memref<40x64xf32, #tpu.memory_space<vmem>>
      %dma_wait3A_453 = arith.constant 0 : i32
      %dma_wait3A_454 = tpu.memref_slice %arg5[%add3A_449, %dma_wait3A_453] : memref<10000x64xf32, #tpu.memory_space<vmem_shared>> -> memref<40x64xf32, #tpu.memory_space<vmem_shared>>
      %dma_wait3A_455 = arith.constant 0 : i32
      %dma_wait3A_456 = tpu.memref_slice %arg5[%add3A_449, %dma_wait3A_455] : memref<10000x64xf32, #tpu.memory_space<vmem_shared>> -> memref<40x64xf32, #tpu.memory_space<vmem_shared>>
      %dma_wait3A_457 = arith.constant 0 : i32
      %dma_wait3A_458 = arith.constant 0 : i32
      %dma_wait3A_459 = tpu.memref_slice %arg8[%dma_wait3A_457, %dma_wait3A_458] : memref<128x64xf32, #tpu.memory_space<vmem>> -> memref<40x64xf32, #tpu.memory_space<vmem>>
      tpu.wait_dma2 semaphore(%arg13 : memref<!tpu.dma_semaphore, #tpu.memory_space<semaphore_mem>>) src(%dma_wait3A_459 : memref<40x64xf32, #tpu.memory_space<vmem>>) dst(%dma_wait3A_456 : memref<40x64xf32, #tpu.memory_space<vmem_shared>>)
      %mul3A_460 = arith.constant 1000 : i32
      %mul3A_461 = arith.muli %arg1, %mul3A_460 : i32
      %add3A_462 = arith.constant 360 : i32
      %add3A_463 = arith.addi %mul3A_461, %add3A_462 : i32
      %dma_wait3A_464 = arith.constant 0 : i32
      %dma_wait3A_465 = arith.constant 0 : i32
      %dma_wait3A_466 = tpu.memref_slice %arg8[%dma_wait3A_464, %dma_wait3A_465] : memref<128x64xf32, #tpu.memory_space<vmem>> -> memref<40x64xf32, #tpu.memory_space<vmem>>
      %dma_wait3A_467 = arith.constant 0 : i32
      %dma_wait3A_468 = tpu.memref_slice %arg5[%add3A_463, %dma_wait3A_467] : memref<10000x64xf32, #tpu.memory_space<vmem_shared>> -> memref<40x64xf32, #tpu.memory_space<vmem_shared>>
      %dma_wait3A_469 = arith.constant 0 : i32
      %dma_wait3A_470 = tpu.memref_slice %arg5[%add3A_463, %dma_wait3A_469] : memref<10000x64xf32, #tpu.memory_space<vmem_shared>> -> memref<40x64xf32, #tpu.memory_space<vmem_shared>>
      %dma_wait3A_471 = arith.constant 0 : i32
      %dma_wait3A_472 = arith.constant 0 : i32
      %dma_wait3A_473 = tpu.memref_slice %arg8[%dma_wait3A_471, %dma_wait3A_472] : memref<128x64xf32, #tpu.memory_space<vmem>> -> memref<40x64xf32, #tpu.memory_space<vmem>>
      tpu.wait_dma2 semaphore(%arg13 : memref<!tpu.dma_semaphore, #tpu.memory_space<semaphore_mem>>) src(%dma_wait3A_473 : memref<40x64xf32, #tpu.memory_space<vmem>>) dst(%dma_wait3A_470 : memref<40x64xf32, #tpu.memory_space<vmem_shared>>)
      %mul3A_474 = arith.constant 1000 : i32
      %mul3A_475 = arith.muli %arg1, %mul3A_474 : i32
      %add3A_476 = arith.constant 400 : i32
      %add3A_477 = arith.addi %mul3A_475, %add3A_476 : i32
      %dma_start3A_478 = arith.constant 0 : i32
      %dma_start3A_479 = arith.constant 0 : i32
      %dma_start3A_480 = tpu.memref_slice %arg8[%dma_start3A_478, %dma_start3A_479] : memref<128x64xf32, #tpu.memory_space<vmem>> -> memref<40x64xf32, #tpu.memory_space<vmem>>
      %dma_start3A_481 = arith.constant 0 : i32
      %dma_start3A_482 = tpu.memref_slice %arg5[%add3A_477, %dma_start3A_481] : memref<10000x64xf32, #tpu.memory_space<vmem_shared>> -> memref<40x64xf32, #tpu.memory_space<vmem_shared>>
      %dma_start3A_483 = arith.constant 0 : i32
      %dma_start3A_484 = tpu.memref_slice %arg5[%add3A_477, %dma_start3A_483] : memref<10000x64xf32, #tpu.memory_space<vmem_shared>> -> memref<40x64xf32, #tpu.memory_space<vmem_shared>>
      %dma_start3A_485 = arith.constant 0 : i32
      %dma_start3A_486 = arith.constant 0 : i32
      %dma_start3A_487 = tpu.memref_slice %arg8[%dma_start3A_485, %dma_start3A_486] : memref<128x64xf32, #tpu.memory_space<vmem>> -> memref<40x64xf32, #tpu.memory_space<vmem>>
      tpu.enqueue_dma source(%dma_start3A_487 : memref<40x64xf32, #tpu.memory_space<vmem>>) target(%dma_start3A_484 : memref<40x64xf32, #tpu.memory_space<vmem_shared>>) target_semaphore(%arg13 : memref<!tpu.dma_semaphore, #tpu.memory_space<semaphore_mem>>)
      %mul3A_488 = arith.constant 1000 : i32
      %mul3A_489 = arith.muli %arg1, %mul3A_488 : i32
      %add3A_490 = arith.constant 440 : i32
      %add3A_491 = arith.addi %mul3A_489, %add3A_490 : i32
      %dma_start3A_492 = arith.constant 0 : i32
      %dma_start3A_493 = arith.constant 0 : i32
      %dma_start3A_494 = tpu.memref_slice %arg8[%dma_start3A_492, %dma_start3A_493] : memref<128x64xf32, #tpu.memory_space<vmem>> -> memref<40x64xf32, #tpu.memory_space<vmem>>
      %dma_start3A_495 = arith.constant 0 : i32
      %dma_start3A_496 = tpu.memref_slice %arg5[%add3A_491, %dma_start3A_495] : memref<10000x64xf32, #tpu.memory_space<vmem_shared>> -> memref<40x64xf32, #tpu.memory_space<vmem_shared>>
      %dma_start3A_497 = arith.constant 0 : i32
      %dma_start3A_498 = tpu.memref_slice %arg5[%add3A_491, %dma_start3A_497] : memref<10000x64xf32, #tpu.memory_space<vmem_shared>> -> memref<40x64xf32, #tpu.memory_space<vmem_shared>>
      %dma_start3A_499 = arith.constant 0 : i32
      %dma_start3A_500 = arith.constant 0 : i32
      %dma_start3A_501 = tpu.memref_slice %arg8[%dma_start3A_499, %dma_start3A_500] : memref<128x64xf32, #tpu.memory_space<vmem>> -> memref<40x64xf32, #tpu.memory_space<vmem>>
      tpu.enqueue_dma source(%dma_start3A_501 : memref<40x64xf32, #tpu.memory_space<vmem>>) target(%dma_start3A_498 : memref<40x64xf32, #tpu.memory_space<vmem_shared>>) target_semaphore(%arg13 : memref<!tpu.dma_semaphore, #tpu.memory_space<semaphore_mem>>)
      %mul3A_502 = arith.constant 1000 : i32
      %mul3A_503 = arith.muli %arg1, %mul3A_502 : i32
      %add3A_504 = arith.constant 480 : i32
      %add3A_505 = arith.addi %mul3A_503, %add3A_504 : i32
      %dma_start3A_506 = arith.constant 0 : i32
      %dma_start3A_507 = arith.constant 0 : i32
      %dma_start3A_508 = tpu.memref_slice %arg8[%dma_start3A_506, %dma_start3A_507] : memref<128x64xf32, #tpu.memory_space<vmem>> -> memref<40x64xf32, #tpu.memory_space<vmem>>
      %dma_start3A_509 = arith.constant 0 : i32
      %dma_start3A_510 = tpu.memref_slice %arg5[%add3A_505, %dma_start3A_509] : memref<10000x64xf32, #tpu.memory_space<vmem_shared>> -> memref<40x64xf32, #tpu.memory_space<vmem_shared>>
      %dma_start3A_511 = arith.constant 0 : i32
      %dma_start3A_512 = tpu.memref_slice %arg5[%add3A_505, %dma_start3A_511] : memref<10000x64xf32, #tpu.memory_space<vmem_shared>> -> memref<40x64xf32, #tpu.memory_space<vmem_shared>>
      %dma_start3A_513 = arith.constant 0 : i32
      %dma_start3A_514 = arith.constant 0 : i32
      %dma_start3A_515 = tpu.memref_slice %arg8[%dma_start3A_513, %dma_start3A_514] : memref<128x64xf32, #tpu.memory_space<vmem>> -> memref<40x64xf32, #tpu.memory_space<vmem>>
      tpu.enqueue_dma source(%dma_start3A_515 : memref<40x64xf32, #tpu.memory_space<vmem>>) target(%dma_start3A_512 : memref<40x64xf32, #tpu.memory_space<vmem_shared>>) target_semaphore(%arg13 : memref<!tpu.dma_semaphore, #tpu.memory_space<semaphore_mem>>)
      %mul3A_516 = arith.constant 1000 : i32
      %mul3A_517 = arith.muli %arg1, %mul3A_516 : i32
      %add3A_518 = arith.constant 520 : i32
      %add3A_519 = arith.addi %mul3A_517, %add3A_518 : i32
      %dma_start3A_520 = arith.constant 0 : i32
      %dma_start3A_521 = arith.constant 0 : i32
      %dma_start3A_522 = tpu.memref_slice %arg8[%dma_start3A_520, %dma_start3A_521] : memref<128x64xf32, #tpu.memory_space<vmem>> -> memref<40x64xf32, #tpu.memory_space<vmem>>
      %dma_start3A_523 = arith.constant 0 : i32
      %dma_start3A_524 = tpu.memref_slice %arg5[%add3A_519, %dma_start3A_523] : memref<10000x64xf32, #tpu.memory_space<vmem_shared>> -> memref<40x64xf32, #tpu.memory_space<vmem_shared>>
      %dma_start3A_525 = arith.constant 0 : i32
      %dma_start3A_526 = tpu.memref_slice %arg5[%add3A_519, %dma_start3A_525] : memref<10000x64xf32, #tpu.memory_space<vmem_shared>> -> memref<40x64xf32, #tpu.memory_space<vmem_shared>>
      %dma_start3A_527 = arith.constant 0 : i32
      %dma_start3A_528 = arith.constant 0 : i32
      %dma_start3A_529 = tpu.memref_slice %arg8[%dma_start3A_527, %dma_start3A_528] : memref<128x64xf32, #tpu.memory_space<vmem>> -> memref<40x64xf32, #tpu.memory_space<vmem>>
      tpu.enqueue_dma source(%dma_start3A_529 : memref<40x64xf32, #tpu.memory_space<vmem>>) target(%dma_start3A_526 : memref<40x64xf32, #tpu.memory_space<vmem_shared>>) target_semaphore(%arg13 : memref<!tpu.dma_semaphore, #tpu.memory_space<semaphore_mem>>)
      %mul3A_530 = arith.constant 1000 : i32
      %mul3A_531 = arith.muli %arg1, %mul3A_530 : i32
      %add3A_532 = arith.constant 560 : i32
      %add3A_533 = arith.addi %mul3A_531, %add3A_532 : i32
      %dma_start3A_534 = arith.constant 0 : i32
      %dma_start3A_535 = arith.constant 0 : i32
      %dma_start3A_536 = tpu.memref_slice %arg8[%dma_start3A_534, %dma_start3A_535] : memref<128x64xf32, #tpu.memory_space<vmem>> -> memref<40x64xf32, #tpu.memory_space<vmem>>
      %dma_start3A_537 = arith.constant 0 : i32
      %dma_start3A_538 = tpu.memref_slice %arg5[%add3A_533, %dma_start3A_537] : memref<10000x64xf32, #tpu.memory_space<vmem_shared>> -> memref<40x64xf32, #tpu.memory_space<vmem_shared>>
      %dma_start3A_539 = arith.constant 0 : i32
      %dma_start3A_540 = tpu.memref_slice %arg5[%add3A_533, %dma_start3A_539] : memref<10000x64xf32, #tpu.memory_space<vmem_shared>> -> memref<40x64xf32, #tpu.memory_space<vmem_shared>>
      %dma_start3A_541 = arith.constant 0 : i32
      %dma_start3A_542 = arith.constant 0 : i32
      %dma_start3A_543 = tpu.memref_slice %arg8[%dma_start3A_541, %dma_start3A_542] : memref<128x64xf32, #tpu.memory_space<vmem>> -> memref<40x64xf32, #tpu.memory_space<vmem>>
      tpu.enqueue_dma source(%dma_start3A_543 : memref<40x64xf32, #tpu.memory_space<vmem>>) target(%dma_start3A_540 : memref<40x64xf32, #tpu.memory_space<vmem_shared>>) target_semaphore(%arg13 : memref<!tpu.dma_semaphore, #tpu.memory_space<semaphore_mem>>)
      %mul3A_544 = arith.constant 1000 : i32
      %mul3A_545 = arith.muli %arg1, %mul3A_544 : i32
      %add3A_546 = arith.constant 400 : i32
      %add3A_547 = arith.addi %mul3A_545, %add3A_546 : i32
      %dma_wait3A_548 = arith.constant 0 : i32
      %dma_wait3A_549 = arith.constant 0 : i32
      %dma_wait3A_550 = tpu.memref_slice %arg8[%dma_wait3A_548, %dma_wait3A_549] : memref<128x64xf32, #tpu.memory_space<vmem>> -> memref<40x64xf32, #tpu.memory_space<vmem>>
      %dma_wait3A_551 = arith.constant 0 : i32
      %dma_wait3A_552 = tpu.memref_slice %arg5[%add3A_547, %dma_wait3A_551] : memref<10000x64xf32, #tpu.memory_space<vmem_shared>> -> memref<40x64xf32, #tpu.memory_space<vmem_shared>>
      %dma_wait3A_553 = arith.constant 0 : i32
      %dma_wait3A_554 = tpu.memref_slice %arg5[%add3A_547, %dma_wait3A_553] : memref<10000x64xf32, #tpu.memory_space<vmem_shared>> -> memref<40x64xf32, #tpu.memory_space<vmem_shared>>
      %dma_wait3A_555 = arith.constant 0 : i32
      %dma_wait3A_556 = arith.constant 0 : i32
      %dma_wait3A_557 = tpu.memref_slice %arg8[%dma_wait3A_555, %dma_wait3A_556] : memref<128x64xf32, #tpu.memory_space<vmem>> -> memref<40x64xf32, #tpu.memory_space<vmem>>
      tpu.wait_dma2 semaphore(%arg13 : memref<!tpu.dma_semaphore, #tpu.memory_space<semaphore_mem>>) src(%dma_wait3A_557 : memref<40x64xf32, #tpu.memory_space<vmem>>) dst(%dma_wait3A_554 : memref<40x64xf32, #tpu.memory_space<vmem_shared>>)
      %mul3A_558 = arith.constant 1000 : i32
      %mul3A_559 = arith.muli %arg1, %mul3A_558 : i32
      %add3A_560 = arith.constant 440 : i32
      %add3A_561 = arith.addi %mul3A_559, %add3A_560 : i32
      %dma_wait3A_562 = arith.constant 0 : i32
      %dma_wait3A_563 = arith.constant 0 : i32
      %dma_wait3A_564 = tpu.memref_slice %arg8[%dma_wait3A_562, %dma_wait3A_563] : memref<128x64xf32, #tpu.memory_space<vmem>> -> memref<40x64xf32, #tpu.memory_space<vmem>>
      %dma_wait3A_565 = arith.constant 0 : i32
      %dma_wait3A_566 = tpu.memref_slice %arg5[%add3A_561, %dma_wait3A_565] : memref<10000x64xf32, #tpu.memory_space<vmem_shared>> -> memref<40x64xf32, #tpu.memory_space<vmem_shared>>
      %dma_wait3A_567 = arith.constant 0 : i32
      %dma_wait3A_568 = tpu.memref_slice %arg5[%add3A_561, %dma_wait3A_567] : memref<10000x64xf32, #tpu.memory_space<vmem_shared>> -> memref<40x64xf32, #tpu.memory_space<vmem_shared>>
      %dma_wait3A_569 = arith.constant 0 : i32
      %dma_wait3A_570 = arith.constant 0 : i32
      %dma_wait3A_571 = tpu.memref_slice %arg8[%dma_wait3A_569, %dma_wait3A_570] : memref<128x64xf32, #tpu.memory_space<vmem>> -> memref<40x64xf32, #tpu.memory_space<vmem>>
      tpu.wait_dma2 semaphore(%arg13 : memref<!tpu.dma_semaphore, #tpu.memory_space<semaphore_mem>>) src(%dma_wait3A_571 : memref<40x64xf32, #tpu.memory_space<vmem>>) dst(%dma_wait3A_568 : memref<40x64xf32, #tpu.memory_space<vmem_shared>>)
      %mul3A_572 = arith.constant 1000 : i32
      %mul3A_573 = arith.muli %arg1, %mul3A_572 : i32
      %add3A_574 = arith.constant 480 : i32
      %add3A_575 = arith.addi %mul3A_573, %add3A_574 : i32
      %dma_wait3A_576 = arith.constant 0 : i32
      %dma_wait3A_577 = arith.constant 0 : i32
      %dma_wait3A_578 = tpu.memref_slice %arg8[%dma_wait3A_576, %dma_wait3A_577] : memref<128x64xf32, #tpu.memory_space<vmem>> -> memref<40x64xf32, #tpu.memory_space<vmem>>
      %dma_wait3A_579 = arith.constant 0 : i32
      %dma_wait3A_580 = tpu.memref_slice %arg5[%add3A_575, %dma_wait3A_579] : memref<10000x64xf32, #tpu.memory_space<vmem_shared>> -> memref<40x64xf32, #tpu.memory_space<vmem_shared>>
      %dma_wait3A_581 = arith.constant 0 : i32
      %dma_wait3A_582 = tpu.memref_slice %arg5[%add3A_575, %dma_wait3A_581] : memref<10000x64xf32, #tpu.memory_space<vmem_shared>> -> memref<40x64xf32, #tpu.memory_space<vmem_shared>>
      %dma_wait3A_583 = arith.constant 0 : i32
      %dma_wait3A_584 = arith.constant 0 : i32
      %dma_wait3A_585 = tpu.memref_slice %arg8[%dma_wait3A_583, %dma_wait3A_584] : memref<128x64xf32, #tpu.memory_space<vmem>> -> memref<40x64xf32, #tpu.memory_space<vmem>>
      tpu.wait_dma2 semaphore(%arg13 : memref<!tpu.dma_semaphore, #tpu.memory_space<semaphore_mem>>) src(%dma_wait3A_585 : memref<40x64xf32, #tpu.memory_space<vmem>>) dst(%dma_wait3A_582 : memref<40x64xf32, #tpu.memory_space<vmem_shared>>)
      %mul3A_586 = arith.constant 1000 : i32
      %mul3A_587 = arith.muli %arg1, %mul3A_586 : i32
      %add3A_588 = arith.constant 520 : i32
      %add3A_589 = arith.addi %mul3A_587, %add3A_588 : i32
      %dma_wait3A_590 = arith.constant 0 : i32
      %dma_wait3A_591 = arith.constant 0 : i32
      %dma_wait3A_592 = tpu.memref_slice %arg8[%dma_wait3A_590, %dma_wait3A_591] : memref<128x64xf32, #tpu.memory_space<vmem>> -> memref<40x64xf32, #tpu.memory_space<vmem>>
      %dma_wait3A_593 = arith.constant 0 : i32
      %dma_wait3A_594 = tpu.memref_slice %arg5[%add3A_589, %dma_wait3A_593] : memref<10000x64xf32, #tpu.memory_space<vmem_shared>> -> memref<40x64xf32, #tpu.memory_space<vmem_shared>>
      %dma_wait3A_595 = arith.constant 0 : i32
      %dma_wait3A_596 = tpu.memref_slice %arg5[%add3A_589, %dma_wait3A_595] : memref<10000x64xf32, #tpu.memory_space<vmem_shared>> -> memref<40x64xf32, #tpu.memory_space<vmem_shared>>
      %dma_wait3A_597 = arith.constant 0 : i32
      %dma_wait3A_598 = arith.constant 0 : i32
      %dma_wait3A_599 = tpu.memref_slice %arg8[%dma_wait3A_597, %dma_wait3A_598] : memref<128x64xf32, #tpu.memory_space<vmem>> -> memref<40x64xf32, #tpu.memory_space<vmem>>
      tpu.wait_dma2 semaphore(%arg13 : memref<!tpu.dma_semaphore, #tpu.memory_space<semaphore_mem>>) src(%dma_wait3A_599 : memref<40x64xf32, #tpu.memory_space<vmem>>) dst(%dma_wait3A_596 : memref<40x64xf32, #tpu.memory_space<vmem_shared>>)
      %mul3A_600 = arith.constant 1000 : i32
      %mul3A_601 = arith.muli %arg1, %mul3A_600 : i32
      %add3A_602 = arith.constant 560 : i32
      %add3A_603 = arith.addi %mul3A_601, %add3A_602 : i32
      %dma_wait3A_604 = arith.constant 0 : i32
      %dma_wait3A_605 = arith.constant 0 : i32
      %dma_wait3A_606 = tpu.memref_slice %arg8[%dma_wait3A_604, %dma_wait3A_605] : memref<128x64xf32, #tpu.memory_space<vmem>> -> memref<40x64xf32, #tpu.memory_space<vmem>>
      %dma_wait3A_607 = arith.constant 0 : i32
      %dma_wait3A_608 = tpu.memref_slice %arg5[%add3A_603, %dma_wait3A_607] : memref<10000x64xf32, #tpu.memory_space<vmem_shared>> -> memref<40x64xf32, #tpu.memory_space<vmem_shared>>
      %dma_wait3A_609 = arith.constant 0 : i32
      %dma_wait3A_610 = tpu.memref_slice %arg5[%add3A_603, %dma_wait3A_609] : memref<10000x64xf32, #tpu.memory_space<vmem_shared>> -> memref<40x64xf32, #tpu.memory_space<vmem_shared>>
      %dma_wait3A_611 = arith.constant 0 : i32
      %dma_wait3A_612 = arith.constant 0 : i32
      %dma_wait3A_613 = tpu.memref_slice %arg8[%dma_wait3A_611, %dma_wait3A_612] : memref<128x64xf32, #tpu.memory_space<vmem>> -> memref<40x64xf32, #tpu.memory_space<vmem>>
      tpu.wait_dma2 semaphore(%arg13 : memref<!tpu.dma_semaphore, #tpu.memory_space<semaphore_mem>>) src(%dma_wait3A_613 : memref<40x64xf32, #tpu.memory_space<vmem>>) dst(%dma_wait3A_610 : memref<40x64xf32, #tpu.memory_space<vmem_shared>>)
      %mul3A_614 = arith.constant 1000 : i32
      %mul3A_615 = arith.muli %arg1, %mul3A_614 : i32
      %add3A_616 = arith.constant 600 : i32
      %add3A_617 = arith.addi %mul3A_615, %add3A_616 : i32
      %dma_start3A_618 = arith.constant 0 : i32
      %dma_start3A_619 = arith.constant 0 : i32
      %dma_start3A_620 = tpu.memref_slice %arg8[%dma_start3A_618, %dma_start3A_619] : memref<128x64xf32, #tpu.memory_space<vmem>> -> memref<40x64xf32, #tpu.memory_space<vmem>>
      %dma_start3A_621 = arith.constant 0 : i32
      %dma_start3A_622 = tpu.memref_slice %arg5[%add3A_617, %dma_start3A_621] : memref<10000x64xf32, #tpu.memory_space<vmem_shared>> -> memref<40x64xf32, #tpu.memory_space<vmem_shared>>
      %dma_start3A_623 = arith.constant 0 : i32
      %dma_start3A_624 = tpu.memref_slice %arg5[%add3A_617, %dma_start3A_623] : memref<10000x64xf32, #tpu.memory_space<vmem_shared>> -> memref<40x64xf32, #tpu.memory_space<vmem_shared>>
      %dma_start3A_625 = arith.constant 0 : i32
      %dma_start3A_626 = arith.constant 0 : i32
      %dma_start3A_627 = tpu.memref_slice %arg8[%dma_start3A_625, %dma_start3A_626] : memref<128x64xf32, #tpu.memory_space<vmem>> -> memref<40x64xf32, #tpu.memory_space<vmem>>
      tpu.enqueue_dma source(%dma_start3A_627 : memref<40x64xf32, #tpu.memory_space<vmem>>) target(%dma_start3A_624 : memref<40x64xf32, #tpu.memory_space<vmem_shared>>) target_semaphore(%arg13 : memref<!tpu.dma_semaphore, #tpu.memory_space<semaphore_mem>>)
      %mul3A_628 = arith.constant 1000 : i32
      %mul3A_629 = arith.muli %arg1, %mul3A_628 : i32
      %add3A_630 = arith.constant 640 : i32
      %add3A_631 = arith.addi %mul3A_629, %add3A_630 : i32
      %dma_start3A_632 = arith.constant 0 : i32
      %dma_start3A_633 = arith.constant 0 : i32
      %dma_start3A_634 = tpu.memref_slice %arg8[%dma_start3A_632, %dma_start3A_633] : memref<128x64xf32, #tpu.memory_space<vmem>> -> memref<40x64xf32, #tpu.memory_space<vmem>>
      %dma_start3A_635 = arith.constant 0 : i32
      %dma_start3A_636 = tpu.memref_slice %arg5[%add3A_631, %dma_start3A_635] : memref<10000x64xf32, #tpu.memory_space<vmem_shared>> -> memref<40x64xf32, #tpu.memory_space<vmem_shared>>
      %dma_start3A_637 = arith.constant 0 : i32
      %dma_start3A_638 = tpu.memref_slice %arg5[%add3A_631, %dma_start3A_637] : memref<10000x64xf32, #tpu.memory_space<vmem_shared>> -> memref<40x64xf32, #tpu.memory_space<vmem_shared>>
      %dma_start3A_639 = arith.constant 0 : i32
      %dma_start3A_640 = arith.constant 0 : i32
      %dma_start3A_641 = tpu.memref_slice %arg8[%dma_start3A_639, %dma_start3A_640] : memref<128x64xf32, #tpu.memory_space<vmem>> -> memref<40x64xf32, #tpu.memory_space<vmem>>
      tpu.enqueue_dma source(%dma_start3A_641 : memref<40x64xf32, #tpu.memory_space<vmem>>) target(%dma_start3A_638 : memref<40x64xf32, #tpu.memory_space<vmem_shared>>) target_semaphore(%arg13 : memref<!tpu.dma_semaphore, #tpu.memory_space<semaphore_mem>>)
      %mul3A_642 = arith.constant 1000 : i32
      %mul3A_643 = arith.muli %arg1, %mul3A_642 : i32
      %add3A_644 = arith.constant 680 : i32
      %add3A_645 = arith.addi %mul3A_643, %add3A_644 : i32
      %dma_start3A_646 = arith.constant 0 : i32
      %dma_start3A_647 = arith.constant 0 : i32
      %dma_start3A_648 = tpu.memref_slice %arg8[%dma_start3A_646, %dma_start3A_647] : memref<128x64xf32, #tpu.memory_space<vmem>> -> memref<40x64xf32, #tpu.memory_space<vmem>>
      %dma_start3A_649 = arith.constant 0 : i32
      %dma_start3A_650 = tpu.memref_slice %arg5[%add3A_645, %dma_start3A_649] : memref<10000x64xf32, #tpu.memory_space<vmem_shared>> -> memref<40x64xf32, #tpu.memory_space<vmem_shared>>
      %dma_start3A_651 = arith.constant 0 : i32
      %dma_start3A_652 = tpu.memref_slice %arg5[%add3A_645, %dma_start3A_651] : memref<10000x64xf32, #tpu.memory_space<vmem_shared>> -> memref<40x64xf32, #tpu.memory_space<vmem_shared>>
      %dma_start3A_653 = arith.constant 0 : i32
      %dma_start3A_654 = arith.constant 0 : i32
      %dma_start3A_655 = tpu.memref_slice %arg8[%dma_start3A_653, %dma_start3A_654] : memref<128x64xf32, #tpu.memory_space<vmem>> -> memref<40x64xf32, #tpu.memory_space<vmem>>
      tpu.enqueue_dma source(%dma_start3A_655 : memref<40x64xf32, #tpu.memory_space<vmem>>) target(%dma_start3A_652 : memref<40x64xf32, #tpu.memory_space<vmem_shared>>) target_semaphore(%arg13 : memref<!tpu.dma_semaphore, #tpu.memory_space<semaphore_mem>>)
      %mul3A_656 = arith.constant 1000 : i32
      %mul3A_657 = arith.muli %arg1, %mul3A_656 : i32
      %add3A_658 = arith.constant 720 : i32
      %add3A_659 = arith.addi %mul3A_657, %add3A_658 : i32
      %dma_start3A_660 = arith.constant 0 : i32
      %dma_start3A_661 = arith.constant 0 : i32
      %dma_start3A_662 = tpu.memref_slice %arg8[%dma_start3A_660, %dma_start3A_661] : memref<128x64xf32, #tpu.memory_space<vmem>> -> memref<40x64xf32, #tpu.memory_space<vmem>>
      %dma_start3A_663 = arith.constant 0 : i32
      %dma_start3A_664 = tpu.memref_slice %arg5[%add3A_659, %dma_start3A_663] : memref<10000x64xf32, #tpu.memory_space<vmem_shared>> -> memref<40x64xf32, #tpu.memory_space<vmem_shared>>
      %dma_start3A_665 = arith.constant 0 : i32
      %dma_start3A_666 = tpu.memref_slice %arg5[%add3A_659, %dma_start3A_665] : memref<10000x64xf32, #tpu.memory_space<vmem_shared>> -> memref<40x64xf32, #tpu.memory_space<vmem_shared>>
      %dma_start3A_667 = arith.constant 0 : i32
      %dma_start3A_668 = arith.constant 0 : i32
      %dma_start3A_669 = tpu.memref_slice %arg8[%dma_start3A_667, %dma_start3A_668] : memref<128x64xf32, #tpu.memory_space<vmem>> -> memref<40x64xf32, #tpu.memory_space<vmem>>
      tpu.enqueue_dma source(%dma_start3A_669 : memref<40x64xf32, #tpu.memory_space<vmem>>) target(%dma_start3A_666 : memref<40x64xf32, #tpu.memory_space<vmem_shared>>) target_semaphore(%arg13 : memref<!tpu.dma_semaphore, #tpu.memory_space<semaphore_mem>>)
      %mul3A_670 = arith.constant 1000 : i32
      %mul3A_671 = arith.muli %arg1, %mul3A_670 : i32
      %add3A_672 = arith.constant 760 : i32
      %add3A_673 = arith.addi %mul3A_671, %add3A_672 : i32
      %dma_start3A_674 = arith.constant 0 : i32
      %dma_start3A_675 = arith.constant 0 : i32
      %dma_start3A_676 = tpu.memref_slice %arg8[%dma_start3A_674, %dma_start3A_675] : memref<128x64xf32, #tpu.memory_space<vmem>> -> memref<40x64xf32, #tpu.memory_space<vmem>>
      %dma_start3A_677 = arith.constant 0 : i32
      %dma_start3A_678 = tpu.memref_slice %arg5[%add3A_673, %dma_start3A_677] : memref<10000x64xf32, #tpu.memory_space<vmem_shared>> -> memref<40x64xf32, #tpu.memory_space<vmem_shared>>
      %dma_start3A_679 = arith.constant 0 : i32
      %dma_start3A_680 = tpu.memref_slice %arg5[%add3A_673, %dma_start3A_679] : memref<10000x64xf32, #tpu.memory_space<vmem_shared>> -> memref<40x64xf32, #tpu.memory_space<vmem_shared>>
      %dma_start3A_681 = arith.constant 0 : i32
      %dma_start3A_682 = arith.constant 0 : i32
      %dma_start3A_683 = tpu.memref_slice %arg8[%dma_start3A_681, %dma_start3A_682] : memref<128x64xf32, #tpu.memory_space<vmem>> -> memref<40x64xf32, #tpu.memory_space<vmem>>
      tpu.enqueue_dma source(%dma_start3A_683 : memref<40x64xf32, #tpu.memory_space<vmem>>) target(%dma_start3A_680 : memref<40x64xf32, #tpu.memory_space<vmem_shared>>) target_semaphore(%arg13 : memref<!tpu.dma_semaphore, #tpu.memory_space<semaphore_mem>>)
      %mul3A_684 = arith.constant 1000 : i32
      %mul3A_685 = arith.muli %arg1, %mul3A_684 : i32
      %add3A_686 = arith.constant 600 : i32
      %add3A_687 = arith.addi %mul3A_685, %add3A_686 : i32
      %dma_wait3A_688 = arith.constant 0 : i32
      %dma_wait3A_689 = arith.constant 0 : i32
      %dma_wait3A_690 = tpu.memref_slice %arg8[%dma_wait3A_688, %dma_wait3A_689] : memref<128x64xf32, #tpu.memory_space<vmem>> -> memref<40x64xf32, #tpu.memory_space<vmem>>
      %dma_wait3A_691 = arith.constant 0 : i32
      %dma_wait3A_692 = tpu.memref_slice %arg5[%add3A_687, %dma_wait3A_691] : memref<10000x64xf32, #tpu.memory_space<vmem_shared>> -> memref<40x64xf32, #tpu.memory_space<vmem_shared>>
      %dma_wait3A_693 = arith.constant 0 : i32
      %dma_wait3A_694 = tpu.memref_slice %arg5[%add3A_687, %dma_wait3A_693] : memref<10000x64xf32, #tpu.memory_space<vmem_shared>> -> memref<40x64xf32, #tpu.memory_space<vmem_shared>>
      %dma_wait3A_695 = arith.constant 0 : i32
      %dma_wait3A_696 = arith.constant 0 : i32
      %dma_wait3A_697 = tpu.memref_slice %arg8[%dma_wait3A_695, %dma_wait3A_696] : memref<128x64xf32, #tpu.memory_space<vmem>> -> memref<40x64xf32, #tpu.memory_space<vmem>>
      tpu.wait_dma2 semaphore(%arg13 : memref<!tpu.dma_semaphore, #tpu.memory_space<semaphore_mem>>) src(%dma_wait3A_697 : memref<40x64xf32, #tpu.memory_space<vmem>>) dst(%dma_wait3A_694 : memref<40x64xf32, #tpu.memory_space<vmem_shared>>)
      %mul3A_698 = arith.constant 1000 : i32
      %mul3A_699 = arith.muli %arg1, %mul3A_698 : i32
      %add3A_700 = arith.constant 640 : i32
      %add3A_701 = arith.addi %mul3A_699, %add3A_700 : i32
      %dma_wait3A_702 = arith.constant 0 : i32
      %dma_wait3A_703 = arith.constant 0 : i32
      %dma_wait3A_704 = tpu.memref_slice %arg8[%dma_wait3A_702, %dma_wait3A_703] : memref<128x64xf32, #tpu.memory_space<vmem>> -> memref<40x64xf32, #tpu.memory_space<vmem>>
      %dma_wait3A_705 = arith.constant 0 : i32
      %dma_wait3A_706 = tpu.memref_slice %arg5[%add3A_701, %dma_wait3A_705] : memref<10000x64xf32, #tpu.memory_space<vmem_shared>> -> memref<40x64xf32, #tpu.memory_space<vmem_shared>>
      %dma_wait3A_707 = arith.constant 0 : i32
      %dma_wait3A_708 = tpu.memref_slice %arg5[%add3A_701, %dma_wait3A_707] : memref<10000x64xf32, #tpu.memory_space<vmem_shared>> -> memref<40x64xf32, #tpu.memory_space<vmem_shared>>
      %dma_wait3A_709 = arith.constant 0 : i32
      %dma_wait3A_710 = arith.constant 0 : i32
      %dma_wait3A_711 = tpu.memref_slice %arg8[%dma_wait3A_709, %dma_wait3A_710] : memref<128x64xf32, #tpu.memory_space<vmem>> -> memref<40x64xf32, #tpu.memory_space<vmem>>
      tpu.wait_dma2 semaphore(%arg13 : memref<!tpu.dma_semaphore, #tpu.memory_space<semaphore_mem>>) src(%dma_wait3A_711 : memref<40x64xf32, #tpu.memory_space<vmem>>) dst(%dma_wait3A_708 : memref<40x64xf32, #tpu.memory_space<vmem_shared>>)
      %mul3A_712 = arith.constant 1000 : i32
      %mul3A_713 = arith.muli %arg1, %mul3A_712 : i32
      %add3A_714 = arith.constant 680 : i32
      %add3A_715 = arith.addi %mul3A_713, %add3A_714 : i32
      %dma_wait3A_716 = arith.constant 0 : i32
      %dma_wait3A_717 = arith.constant 0 : i32
      %dma_wait3A_718 = tpu.memref_slice %arg8[%dma_wait3A_716, %dma_wait3A_717] : memref<128x64xf32, #tpu.memory_space<vmem>> -> memref<40x64xf32, #tpu.memory_space<vmem>>
      %dma_wait3A_719 = arith.constant 0 : i32
      %dma_wait3A_720 = tpu.memref_slice %arg5[%add3A_715, %dma_wait3A_719] : memref<10000x64xf32, #tpu.memory_space<vmem_shared>> -> memref<40x64xf32, #tpu.memory_space<vmem_shared>>
      %dma_wait3A_721 = arith.constant 0 : i32
      %dma_wait3A_722 = tpu.memref_slice %arg5[%add3A_715, %dma_wait3A_721] : memref<10000x64xf32, #tpu.memory_space<vmem_shared>> -> memref<40x64xf32, #tpu.memory_space<vmem_shared>>
      %dma_wait3A_723 = arith.constant 0 : i32
      %dma_wait3A_724 = arith.constant 0 : i32
      %dma_wait3A_725 = tpu.memref_slice %arg8[%dma_wait3A_723, %dma_wait3A_724] : memref<128x64xf32, #tpu.memory_space<vmem>> -> memref<40x64xf32, #tpu.memory_space<vmem>>
      tpu.wait_dma2 semaphore(%arg13 : memref<!tpu.dma_semaphore, #tpu.memory_space<semaphore_mem>>) src(%dma_wait3A_725 : memref<40x64xf32, #tpu.memory_space<vmem>>) dst(%dma_wait3A_722 : memref<40x64xf32, #tpu.memory_space<vmem_shared>>)
      %mul3A_726 = arith.constant 1000 : i32
      %mul3A_727 = arith.muli %arg1, %mul3A_726 : i32
      %add3A_728 = arith.constant 720 : i32
      %add3A_729 = arith.addi %mul3A_727, %add3A_728 : i32
      %dma_wait3A_730 = arith.constant 0 : i32
      %dma_wait3A_731 = arith.constant 0 : i32
      %dma_wait3A_732 = tpu.memref_slice %arg8[%dma_wait3A_730, %dma_wait3A_731] : memref<128x64xf32, #tpu.memory_space<vmem>> -> memref<40x64xf32, #tpu.memory_space<vmem>>
      %dma_wait3A_733 = arith.constant 0 : i32
      %dma_wait3A_734 = tpu.memref_slice %arg5[%add3A_729, %dma_wait3A_733] : memref<10000x64xf32, #tpu.memory_space<vmem_shared>> -> memref<40x64xf32, #tpu.memory_space<vmem_shared>>
      %dma_wait3A_735 = arith.constant 0 : i32
      %dma_wait3A_736 = tpu.memref_slice %arg5[%add3A_729, %dma_wait3A_735] : memref<10000x64xf32, #tpu.memory_space<vmem_shared>> -> memref<40x64xf32, #tpu.memory_space<vmem_shared>>
      %dma_wait3A_737 = arith.constant 0 : i32
      %dma_wait3A_738 = arith.constant 0 : i32
      %dma_wait3A_739 = tpu.memref_slice %arg8[%dma_wait3A_737, %dma_wait3A_738] : memref<128x64xf32, #tpu.memory_space<vmem>> -> memref<40x64xf32, #tpu.memory_space<vmem>>
      tpu.wait_dma2 semaphore(%arg13 : memref<!tpu.dma_semaphore, #tpu.memory_space<semaphore_mem>>) src(%dma_wait3A_739 : memref<40x64xf32, #tpu.memory_space<vmem>>) dst(%dma_wait3A_736 : memref<40x64xf32, #tpu.memory_space<vmem_shared>>)
      %mul3A_740 = arith.constant 1000 : i32
      %mul3A_741 = arith.muli %arg1, %mul3A_740 : i32
      %add3A_742 = arith.constant 760 : i32
      %add3A_743 = arith.addi %mul3A_741, %add3A_742 : i32
      %dma_wait3A_744 = arith.constant 0 : i32
      %dma_wait3A_745 = arith.constant 0 : i32
      %dma_wait3A_746 = tpu.memref_slice %arg8[%dma_wait3A_744, %dma_wait3A_745] : memref<128x64xf32, #tpu.memory_space<vmem>> -> memref<40x64xf32, #tpu.memory_space<vmem>>
      %dma_wait3A_747 = arith.constant 0 : i32
      %dma_wait3A_748 = tpu.memref_slice %arg5[%add3A_743, %dma_wait3A_747] : memref<10000x64xf32, #tpu.memory_space<vmem_shared>> -> memref<40x64xf32, #tpu.memory_space<vmem_shared>>
      %dma_wait3A_749 = arith.constant 0 : i32
      %dma_wait3A_750 = tpu.memref_slice %arg5[%add3A_743, %dma_wait3A_749] : memref<10000x64xf32, #tpu.memory_space<vmem_shared>> -> memref<40x64xf32, #tpu.memory_space<vmem_shared>>
      %dma_wait3A_751 = arith.constant 0 : i32
      %dma_wait3A_752 = arith.constant 0 : i32
      %dma_wait3A_753 = tpu.memref_slice %arg8[%dma_wait3A_751, %dma_wait3A_752] : memref<128x64xf32, #tpu.memory_space<vmem>> -> memref<40x64xf32, #tpu.memory_space<vmem>>
      tpu.wait_dma2 semaphore(%arg13 : memref<!tpu.dma_semaphore, #tpu.memory_space<semaphore_mem>>) src(%dma_wait3A_753 : memref<40x64xf32, #tpu.memory_space<vmem>>) dst(%dma_wait3A_750 : memref<40x64xf32, #tpu.memory_space<vmem_shared>>)
      %mul3A_754 = arith.constant 1000 : i32
      %mul3A_755 = arith.muli %arg1, %mul3A_754 : i32
      %add3A_756 = arith.constant 800 : i32
      %add3A_757 = arith.addi %mul3A_755, %add3A_756 : i32
      %dma_start3A_758 = arith.constant 0 : i32
      %dma_start3A_759 = arith.constant 0 : i32
      %dma_start3A_760 = tpu.memref_slice %arg8[%dma_start3A_758, %dma_start3A_759] : memref<128x64xf32, #tpu.memory_space<vmem>> -> memref<40x64xf32, #tpu.memory_space<vmem>>
      %dma_start3A_761 = arith.constant 0 : i32
      %dma_start3A_762 = tpu.memref_slice %arg5[%add3A_757, %dma_start3A_761] : memref<10000x64xf32, #tpu.memory_space<vmem_shared>> -> memref<40x64xf32, #tpu.memory_space<vmem_shared>>
      %dma_start3A_763 = arith.constant 0 : i32
      %dma_start3A_764 = tpu.memref_slice %arg5[%add3A_757, %dma_start3A_763] : memref<10000x64xf32, #tpu.memory_space<vmem_shared>> -> memref<40x64xf32, #tpu.memory_space<vmem_shared>>
      %dma_start3A_765 = arith.constant 0 : i32
      %dma_start3A_766 = arith.constant 0 : i32
      %dma_start3A_767 = tpu.memref_slice %arg8[%dma_start3A_765, %dma_start3A_766] : memref<128x64xf32, #tpu.memory_space<vmem>> -> memref<40x64xf32, #tpu.memory_space<vmem>>
      tpu.enqueue_dma source(%dma_start3A_767 : memref<40x64xf32, #tpu.memory_space<vmem>>) target(%dma_start3A_764 : memref<40x64xf32, #tpu.memory_space<vmem_shared>>) target_semaphore(%arg13 : memref<!tpu.dma_semaphore, #tpu.memory_space<semaphore_mem>>)
      %mul3A_768 = arith.constant 1000 : i32
      %mul3A_769 = arith.muli %arg1, %mul3A_768 : i32
      %add3A_770 = arith.constant 840 : i32
      %add3A_771 = arith.addi %mul3A_769, %add3A_770 : i32
      %dma_start3A_772 = arith.constant 0 : i32
      %dma_start3A_773 = arith.constant 0 : i32
      %dma_start3A_774 = tpu.memref_slice %arg8[%dma_start3A_772, %dma_start3A_773] : memref<128x64xf32, #tpu.memory_space<vmem>> -> memref<40x64xf32, #tpu.memory_space<vmem>>
      %dma_start3A_775 = arith.constant 0 : i32
      %dma_start3A_776 = tpu.memref_slice %arg5[%add3A_771, %dma_start3A_775] : memref<10000x64xf32, #tpu.memory_space<vmem_shared>> -> memref<40x64xf32, #tpu.memory_space<vmem_shared>>
      %dma_start3A_777 = arith.constant 0 : i32
      %dma_start3A_778 = tpu.memref_slice %arg5[%add3A_771, %dma_start3A_777] : memref<10000x64xf32, #tpu.memory_space<vmem_shared>> -> memref<40x64xf32, #tpu.memory_space<vmem_shared>>
      %dma_start3A_779 = arith.constant 0 : i32
      %dma_start3A_780 = arith.constant 0 : i32
      %dma_start3A_781 = tpu.memref_slice %arg8[%dma_start3A_779, %dma_start3A_780] : memref<128x64xf32, #tpu.memory_space<vmem>> -> memref<40x64xf32, #tpu.memory_space<vmem>>
      tpu.enqueue_dma source(%dma_start3A_781 : memref<40x64xf32, #tpu.memory_space<vmem>>) target(%dma_start3A_778 : memref<40x64xf32, #tpu.memory_space<vmem_shared>>) target_semaphore(%arg13 : memref<!tpu.dma_semaphore, #tpu.memory_space<semaphore_mem>>)
      %mul3A_782 = arith.constant 1000 : i32
      %mul3A_783 = arith.muli %arg1, %mul3A_782 : i32
      %add3A_784 = arith.constant 880 : i32
      %add3A_785 = arith.addi %mul3A_783, %add3A_784 : i32
      %dma_start3A_786 = arith.constant 0 : i32
      %dma_start3A_787 = arith.constant 0 : i32
      %dma_start3A_788 = tpu.memref_slice %arg8[%dma_start3A_786, %dma_start3A_787] : memref<128x64xf32, #tpu.memory_space<vmem>> -> memref<40x64xf32, #tpu.memory_space<vmem>>
      %dma_start3A_789 = arith.constant 0 : i32
      %dma_start3A_790 = tpu.memref_slice %arg5[%add3A_785, %dma_start3A_789] : memref<10000x64xf32, #tpu.memory_space<vmem_shared>> -> memref<40x64xf32, #tpu.memory_space<vmem_shared>>
      %dma_start3A_791 = arith.constant 0 : i32
      %dma_start3A_792 = tpu.memref_slice %arg5[%add3A_785, %dma_start3A_791] : memref<10000x64xf32, #tpu.memory_space<vmem_shared>> -> memref<40x64xf32, #tpu.memory_space<vmem_shared>>
      %dma_start3A_793 = arith.constant 0 : i32
      %dma_start3A_794 = arith.constant 0 : i32
      %dma_start3A_795 = tpu.memref_slice %arg8[%dma_start3A_793, %dma_start3A_794] : memref<128x64xf32, #tpu.memory_space<vmem>> -> memref<40x64xf32, #tpu.memory_space<vmem>>
      tpu.enqueue_dma source(%dma_start3A_795 : memref<40x64xf32, #tpu.memory_space<vmem>>) target(%dma_start3A_792 : memref<40x64xf32, #tpu.memory_space<vmem_shared>>) target_semaphore(%arg13 : memref<!tpu.dma_semaphore, #tpu.memory_space<semaphore_mem>>)
      %mul3A_796 = arith.constant 1000 : i32
      %mul3A_797 = arith.muli %arg1, %mul3A_796 : i32
      %add3A_798 = arith.constant 920 : i32
      %add3A_799 = arith.addi %mul3A_797, %add3A_798 : i32
      %dma_start3A_800 = arith.constant 0 : i32
      %dma_start3A_801 = arith.constant 0 : i32
      %dma_start3A_802 = tpu.memref_slice %arg8[%dma_start3A_800, %dma_start3A_801] : memref<128x64xf32, #tpu.memory_space<vmem>> -> memref<40x64xf32, #tpu.memory_space<vmem>>
      %dma_start3A_803 = arith.constant 0 : i32
      %dma_start3A_804 = tpu.memref_slice %arg5[%add3A_799, %dma_start3A_803] : memref<10000x64xf32, #tpu.memory_space<vmem_shared>> -> memref<40x64xf32, #tpu.memory_space<vmem_shared>>
      %dma_start3A_805 = arith.constant 0 : i32
      %dma_start3A_806 = tpu.memref_slice %arg5[%add3A_799, %dma_start3A_805] : memref<10000x64xf32, #tpu.memory_space<vmem_shared>> -> memref<40x64xf32, #tpu.memory_space<vmem_shared>>
      %dma_start3A_807 = arith.constant 0 : i32
      %dma_start3A_808 = arith.constant 0 : i32
      %dma_start3A_809 = tpu.memref_slice %arg8[%dma_start3A_807, %dma_start3A_808] : memref<128x64xf32, #tpu.memory_space<vmem>> -> memref<40x64xf32, #tpu.memory_space<vmem>>
      tpu.enqueue_dma source(%dma_start3A_809 : memref<40x64xf32, #tpu.memory_space<vmem>>) target(%dma_start3A_806 : memref<40x64xf32, #tpu.memory_space<vmem_shared>>) target_semaphore(%arg13 : memref<!tpu.dma_semaphore, #tpu.memory_space<semaphore_mem>>)
      %mul3A_810 = arith.constant 1000 : i32
      %mul3A_811 = arith.muli %arg1, %mul3A_810 : i32
      %add3A_812 = arith.constant 960 : i32
      %add3A_813 = arith.addi %mul3A_811, %add3A_812 : i32
      %dma_start3A_814 = arith.constant 0 : i32
      %dma_start3A_815 = arith.constant 0 : i32
      %dma_start3A_816 = tpu.memref_slice %arg8[%dma_start3A_814, %dma_start3A_815] : memref<128x64xf32, #tpu.memory_space<vmem>> -> memref<40x64xf32, #tpu.memory_space<vmem>>
      %dma_start3A_817 = arith.constant 0 : i32
      %dma_start3A_818 = tpu.memref_slice %arg5[%add3A_813, %dma_start3A_817] : memref<10000x64xf32, #tpu.memory_space<vmem_shared>> -> memref<40x64xf32, #tpu.memory_space<vmem_shared>>
      %dma_start3A_819 = arith.constant 0 : i32
      %dma_start3A_820 = tpu.memref_slice %arg5[%add3A_813, %dma_start3A_819] : memref<10000x64xf32, #tpu.memory_space<vmem_shared>> -> memref<40x64xf32, #tpu.memory_space<vmem_shared>>
      %dma_start3A_821 = arith.constant 0 : i32
      %dma_start3A_822 = arith.constant 0 : i32
      %dma_start3A_823 = tpu.memref_slice %arg8[%dma_start3A_821, %dma_start3A_822] : memref<128x64xf32, #tpu.memory_space<vmem>> -> memref<40x64xf32, #tpu.memory_space<vmem>>
      tpu.enqueue_dma source(%dma_start3A_823 : memref<40x64xf32, #tpu.memory_space<vmem>>) target(%dma_start3A_820 : memref<40x64xf32, #tpu.memory_space<vmem_shared>>) target_semaphore(%arg13 : memref<!tpu.dma_semaphore, #tpu.memory_space<semaphore_mem>>)
      %mul3A_824 = arith.constant 1000 : i32
      %mul3A_825 = arith.muli %arg1, %mul3A_824 : i32
      %add3A_826 = arith.constant 800 : i32
      %add3A_827 = arith.addi %mul3A_825, %add3A_826 : i32
      %dma_wait3A_828 = arith.constant 0 : i32
      %dma_wait3A_829 = arith.constant 0 : i32
      %dma_wait3A_830 = tpu.memref_slice %arg8[%dma_wait3A_828, %dma_wait3A_829] : memref<128x64xf32, #tpu.memory_space<vmem>> -> memref<40x64xf32, #tpu.memory_space<vmem>>
      %dma_wait3A_831 = arith.constant 0 : i32
      %dma_wait3A_832 = tpu.memref_slice %arg5[%add3A_827, %dma_wait3A_831] : memref<10000x64xf32, #tpu.memory_space<vmem_shared>> -> memref<40x64xf32, #tpu.memory_space<vmem_shared>>
      %dma_wait3A_833 = arith.constant 0 : i32
      %dma_wait3A_834 = tpu.memref_slice %arg5[%add3A_827, %dma_wait3A_833] : memref<10000x64xf32, #tpu.memory_space<vmem_shared>> -> memref<40x64xf32, #tpu.memory_space<vmem_shared>>
      %dma_wait3A_835 = arith.constant 0 : i32
      %dma_wait3A_836 = arith.constant 0 : i32
      %dma_wait3A_837 = tpu.memref_slice %arg8[%dma_wait3A_835, %dma_wait3A_836] : memref<128x64xf32, #tpu.memory_space<vmem>> -> memref<40x64xf32, #tpu.memory_space<vmem>>
      tpu.wait_dma2 semaphore(%arg13 : memref<!tpu.dma_semaphore, #tpu.memory_space<semaphore_mem>>) src(%dma_wait3A_837 : memref<40x64xf32, #tpu.memory_space<vmem>>) dst(%dma_wait3A_834 : memref<40x64xf32, #tpu.memory_space<vmem_shared>>)
      %mul3A_838 = arith.constant 1000 : i32
      %mul3A_839 = arith.muli %arg1, %mul3A_838 : i32
      %add3A_840 = arith.constant 840 : i32
      %add3A_841 = arith.addi %mul3A_839, %add3A_840 : i32
      %dma_wait3A_842 = arith.constant 0 : i32
      %dma_wait3A_843 = arith.constant 0 : i32
      %dma_wait3A_844 = tpu.memref_slice %arg8[%dma_wait3A_842, %dma_wait3A_843] : memref<128x64xf32, #tpu.memory_space<vmem>> -> memref<40x64xf32, #tpu.memory_space<vmem>>
      %dma_wait3A_845 = arith.constant 0 : i32
      %dma_wait3A_846 = tpu.memref_slice %arg5[%add3A_841, %dma_wait3A_845] : memref<10000x64xf32, #tpu.memory_space<vmem_shared>> -> memref<40x64xf32, #tpu.memory_space<vmem_shared>>
      %dma_wait3A_847 = arith.constant 0 : i32
      %dma_wait3A_848 = tpu.memref_slice %arg5[%add3A_841, %dma_wait3A_847] : memref<10000x64xf32, #tpu.memory_space<vmem_shared>> -> memref<40x64xf32, #tpu.memory_space<vmem_shared>>
      %dma_wait3A_849 = arith.constant 0 : i32
      %dma_wait3A_850 = arith.constant 0 : i32
      %dma_wait3A_851 = tpu.memref_slice %arg8[%dma_wait3A_849, %dma_wait3A_850] : memref<128x64xf32, #tpu.memory_space<vmem>> -> memref<40x64xf32, #tpu.memory_space<vmem>>
      tpu.wait_dma2 semaphore(%arg13 : memref<!tpu.dma_semaphore, #tpu.memory_space<semaphore_mem>>) src(%dma_wait3A_851 : memref<40x64xf32, #tpu.memory_space<vmem>>) dst(%dma_wait3A_848 : memref<40x64xf32, #tpu.memory_space<vmem_shared>>)
      %mul3A_852 = arith.constant 1000 : i32
      %mul3A_853 = arith.muli %arg1, %mul3A_852 : i32
      %add3A_854 = arith.constant 880 : i32
      %add3A_855 = arith.addi %mul3A_853, %add3A_854 : i32
      %dma_wait3A_856 = arith.constant 0 : i32
      %dma_wait3A_857 = arith.constant 0 : i32
      %dma_wait3A_858 = tpu.memref_slice %arg8[%dma_wait3A_856, %dma_wait3A_857] : memref<128x64xf32, #tpu.memory_space<vmem>> -> memref<40x64xf32, #tpu.memory_space<vmem>>
      %dma_wait3A_859 = arith.constant 0 : i32
      %dma_wait3A_860 = tpu.memref_slice %arg5[%add3A_855, %dma_wait3A_859] : memref<10000x64xf32, #tpu.memory_space<vmem_shared>> -> memref<40x64xf32, #tpu.memory_space<vmem_shared>>
      %dma_wait3A_861 = arith.constant 0 : i32
      %dma_wait3A_862 = tpu.memref_slice %arg5[%add3A_855, %dma_wait3A_861] : memref<10000x64xf32, #tpu.memory_space<vmem_shared>> -> memref<40x64xf32, #tpu.memory_space<vmem_shared>>
      %dma_wait3A_863 = arith.constant 0 : i32
      %dma_wait3A_864 = arith.constant 0 : i32
      %dma_wait3A_865 = tpu.memref_slice %arg8[%dma_wait3A_863, %dma_wait3A_864] : memref<128x64xf32, #tpu.memory_space<vmem>> -> memref<40x64xf32, #tpu.memory_space<vmem>>
      tpu.wait_dma2 semaphore(%arg13 : memref<!tpu.dma_semaphore, #tpu.memory_space<semaphore_mem>>) src(%dma_wait3A_865 : memref<40x64xf32, #tpu.memory_space<vmem>>) dst(%dma_wait3A_862 : memref<40x64xf32, #tpu.memory_space<vmem_shared>>)
      %mul3A_866 = arith.constant 1000 : i32
      %mul3A_867 = arith.muli %arg1, %mul3A_866 : i32
      %add3A_868 = arith.constant 920 : i32
      %add3A_869 = arith.addi %mul3A_867, %add3A_868 : i32
      %dma_wait3A_870 = arith.constant 0 : i32
      %dma_wait3A_871 = arith.constant 0 : i32
      %dma_wait3A_872 = tpu.memref_slice %arg8[%dma_wait3A_870, %dma_wait3A_871] : memref<128x64xf32, #tpu.memory_space<vmem>> -> memref<40x64xf32, #tpu.memory_space<vmem>>
      %dma_wait3A_873 = arith.constant 0 : i32
      %dma_wait3A_874 = tpu.memref_slice %arg5[%add3A_869, %dma_wait3A_873] : memref<10000x64xf32, #tpu.memory_space<vmem_shared>> -> memref<40x64xf32, #tpu.memory_space<vmem_shared>>
      %dma_wait3A_875 = arith.constant 0 : i32
      %dma_wait3A_876 = tpu.memref_slice %arg5[%add3A_869, %dma_wait3A_875] : memref<10000x64xf32, #tpu.memory_space<vmem_shared>> -> memref<40x64xf32, #tpu.memory_space<vmem_shared>>
      %dma_wait3A_877 = arith.constant 0 : i32
      %dma_wait3A_878 = arith.constant 0 : i32
      %dma_wait3A_879 = tpu.memref_slice %arg8[%dma_wait3A_877, %dma_wait3A_878] : memref<128x64xf32, #tpu.memory_space<vmem>> -> memref<40x64xf32, #tpu.memory_space<vmem>>
      tpu.wait_dma2 semaphore(%arg13 : memref<!tpu.dma_semaphore, #tpu.memory_space<semaphore_mem>>) src(%dma_wait3A_879 : memref<40x64xf32, #tpu.memory_space<vmem>>) dst(%dma_wait3A_876 : memref<40x64xf32, #tpu.memory_space<vmem_shared>>)
      %mul3A_880 = arith.constant 1000 : i32
      %mul3A_881 = arith.muli %arg1, %mul3A_880 : i32
      %add3A_882 = arith.constant 960 : i32
      %add3A_883 = arith.addi %mul3A_881, %add3A_882 : i32
      %dma_wait3A_884 = arith.constant 0 : i32
      %dma_wait3A_885 = arith.constant 0 : i32
      %dma_wait3A_886 = tpu.memref_slice %arg8[%dma_wait3A_884, %dma_wait3A_885] : memref<128x64xf32, #tpu.memory_space<vmem>> -> memref<40x64xf32, #tpu.memory_space<vmem>>
      %dma_wait3A_887 = arith.constant 0 : i32
      %dma_wait3A_888 = tpu.memref_slice %arg5[%add3A_883, %dma_wait3A_887] : memref<10000x64xf32, #tpu.memory_space<vmem_shared>> -> memref<40x64xf32, #tpu.memory_space<vmem_shared>>
      %dma_wait3A_889 = arith.constant 0 : i32
      %dma_wait3A_890 = tpu.memref_slice %arg5[%add3A_883, %dma_wait3A_889] : memref<10000x64xf32, #tpu.memory_space<vmem_shared>> -> memref<40x64xf32, #tpu.memory_space<vmem_shared>>
      %dma_wait3A_891 = arith.constant 0 : i32
      %dma_wait3A_892 = arith.constant 0 : i32
      %dma_wait3A_893 = tpu.memref_slice %arg8[%dma_wait3A_891, %dma_wait3A_892] : memref<128x64xf32, #tpu.memory_space<vmem>> -> memref<40x64xf32, #tpu.memory_space<vmem>>
      tpu.wait_dma2 semaphore(%arg13 : memref<!tpu.dma_semaphore, #tpu.memory_space<semaphore_mem>>) src(%dma_wait3A_893 : memref<40x64xf32, #tpu.memory_space<vmem>>) dst(%dma_wait3A_890 : memref<40x64xf32, #tpu.memory_space<vmem_shared>>)
    } else {
    }
    %barrier3A = arith.constant 0 : index
    tpu.barrier barrier_id(%barrier3A)
    %dma_wait3A = arith.constant 0 : i32
    %dma_wait3A_20 = tpu.memref_slice %arg3[%dma_wait3A, %mul3A_2] : memref<2x320000xi32, #tpu.memory_space<hbm>> -> memref<1x10000xi32, #tpu.memory_space<hbm>>
    %dma_wait3A_21 = tpu.memref_squeeze %dma_wait3A_20 : memref<1x10000xi32, #tpu.memory_space<hbm>> -> memref<10000xi32, #tpu.memory_space<hbm>>
    %dma_wait3A_22 = tpu.memref_slice %arg3[%dma_wait3A, %mul3A_2] : memref<2x320000xi32, #tpu.memory_space<hbm>> -> memref<1x10000xi32, #tpu.memory_space<hbm>>
    %dma_wait3A_23 = tpu.memref_squeeze %dma_wait3A_22 : memref<1x10000xi32, #tpu.memory_space<hbm>> -> memref<10000xi32, #tpu.memory_space<hbm>>
    tpu.wait_dma2 semaphore(%arg12 : memref<!tpu.dma_semaphore, #tpu.memory_space<semaphore_mem>>) src(%dma_wait3A_23 : memref<10000xi32, #tpu.memory_space<hbm>>) dst(%arg6 : memref<10000xi32, #tpu.memory_space<vmem>>)
    %dma_wait3A_24 = arith.constant 1 : i32
    %dma_wait3A_25 = tpu.memref_slice %arg3[%dma_wait3A_24, %mul3A_2] : memref<2x320000xi32, #tpu.memory_space<hbm>> -> memref<1x10000xi32, #tpu.memory_space<hbm>>
    %dma_wait3A_26 = tpu.memref_squeeze %dma_wait3A_25 : memref<1x10000xi32, #tpu.memory_space<hbm>> -> memref<10000xi32, #tpu.memory_space<hbm>>
    %dma_wait3A_27 = tpu.memref_slice %arg3[%dma_wait3A_24, %mul3A_2] : memref<2x320000xi32, #tpu.memory_space<hbm>> -> memref<1x10000xi32, #tpu.memory_space<hbm>>
    %dma_wait3A_28 = tpu.memref_squeeze %dma_wait3A_27 : memref<1x10000xi32, #tpu.memory_space<hbm>> -> memref<10000xi32, #tpu.memory_space<hbm>>
    tpu.wait_dma2 semaphore(%arg12 : memref<!tpu.dma_semaphore, #tpu.memory_space<semaphore_mem>>) src(%dma_wait3A_28 : memref<10000xi32, #tpu.memory_space<hbm>>) dst(%arg7 : memref<10000xi32, #tpu.memory_space<vmem>>)
    %dma_start3A_29 = arith.constant 0 : i32
    %dma_start3A_30 = tpu.memref_slice %arg6[%dma_start3A_29] : memref<10000xi32, #tpu.memory_space<vmem>> -> memref<128xi32, #tpu.memory_space<vmem>>
    %dma_start3A_31 = arith.constant 0 : i32
    %dma_start3A_32 = arith.constant 0 : i32
    %dma_start3A_33 = tpu.memref_slice %arg2[%dma_start3A_31, %dma_start3A_32] : memref<10000x64xf32, #tpu.memory_space<hbm>> -> memref<10000x64xf32, #tpu.memory_space<hbm>>
    tpu.enqueue_indirect_dma source(%dma_start3A_33 : memref<10000x64xf32, #tpu.memory_space<hbm>>) target(%arg8 : memref<128x64xf32, #tpu.memory_space<vmem>>) offsets(%dma_start3A_30 : memref<128xi32, #tpu.memory_space<vmem>>) semaphore(%arg13 : memref<!tpu.dma_semaphore, #tpu.memory_space<semaphore_mem>>)
    %dma_start3A_34 = arith.constant 128 : i32
    %dma_start3A_35 = tpu.memref_slice %arg6[%dma_start3A_34] : memref<10000xi32, #tpu.memory_space<vmem>> -> memref<128xi32, #tpu.memory_space<vmem>>
    %dma_start3A_36 = arith.constant 0 : i32
    %dma_start3A_37 = arith.constant 0 : i32
    %dma_start3A_38 = tpu.memref_slice %arg2[%dma_start3A_36, %dma_start3A_37] : memref<10000x64xf32, #tpu.memory_space<hbm>> -> memref<10000x64xf32, #tpu.memory_space<hbm>>
    tpu.enqueue_indirect_dma source(%dma_start3A_38 : memref<10000x64xf32, #tpu.memory_space<hbm>>) target(%arg9 : memref<128x64xf32, #tpu.memory_space<vmem>>) offsets(%dma_start3A_35 : memref<128xi32, #tpu.memory_space<vmem>>) semaphore(%arg14 : memref<!tpu.dma_semaphore, #tpu.memory_space<semaphore_mem>>)
    %dma_start3A_39 = arith.constant 256 : i32
    %dma_start3A_40 = tpu.memref_slice %arg6[%dma_start3A_39] : memref<10000xi32, #tpu.memory_space<vmem>> -> memref<128xi32, #tpu.memory_space<vmem>>
    %dma_start3A_41 = arith.constant 0 : i32
    %dma_start3A_42 = arith.constant 0 : i32
    %dma_start3A_43 = tpu.memref_slice %arg2[%dma_start3A_41, %dma_start3A_42] : memref<10000x64xf32, #tpu.memory_space<hbm>> -> memref<10000x64xf32, #tpu.memory_space<hbm>>
    tpu.enqueue_indirect_dma source(%dma_start3A_43 : memref<10000x64xf32, #tpu.memory_space<hbm>>) target(%arg10 : memref<128x64xf32, #tpu.memory_space<vmem>>) offsets(%dma_start3A_40 : memref<128xi32, #tpu.memory_space<vmem>>) semaphore(%arg15 : memref<!tpu.dma_semaphore, #tpu.memory_space<semaphore_mem>>)
    %dma_wait3A_44 = arith.constant 0 : i32
    %dma_wait3A_45 = tpu.memref_slice %arg6[%dma_wait3A_44] : memref<10000xi32, #tpu.memory_space<vmem>> -> memref<128xi32, #tpu.memory_space<vmem>>
    %dma_wait3A_46 = arith.constant 0 : i32
    %dma_wait3A_47 = arith.constant 0 : i32
    %dma_wait3A_48 = tpu.memref_slice %arg2[%dma_wait3A_46, %dma_wait3A_47] : memref<10000x64xf32, #tpu.memory_space<hbm>> -> memref<10000x64xf32, #tpu.memory_space<hbm>>
    tpu.wait_indirect_dma semaphore(%arg13 : memref<!tpu.dma_semaphore, #tpu.memory_space<semaphore_mem>>) src(%dma_wait3A_48 : memref<10000x64xf32, #tpu.memory_space<hbm>>) dst(%arg8 : memref<128x64xf32, #tpu.memory_space<vmem>>)
    %dma_start3A_49 = arith.constant 0 : i32
    %dma_start3A_50 = tpu.memref_slice %arg7[%dma_start3A_49] : memref<10000xi32, #tpu.memory_space<vmem>> -> memref<128xi32, #tpu.memory_space<vmem>>
    %dma_start3A_51 = arith.constant 0 : i32
    %dma_start3A_52 = arith.constant 0 : i32
    %dma_start3A_53 = tpu.memref_slice %arg5[%dma_start3A_51, %dma_start3A_52] : memref<10000x64xf32, #tpu.memory_space<vmem_shared>> -> memref<10000x64xf32, #tpu.memory_space<vmem_shared>>
    tpu.enqueue_indirect_dma source(%arg8 : memref<128x64xf32, #tpu.memory_space<vmem>>) target(%dma_start3A_53 : memref<10000x64xf32, #tpu.memory_space<vmem_shared>>) offsets(%dma_start3A_50 : memref<128xi32, #tpu.memory_space<vmem>>) semaphore(%arg17 : memref<!tpu.dma_semaphore, #tpu.memory_space<semaphore_mem>>) {add = true}
    %dma_start3A_54 = arith.constant 384 : i32
    %dma_start3A_55 = tpu.memref_slice %arg6[%dma_start3A_54] : memref<10000xi32, #tpu.memory_space<vmem>> -> memref<128xi32, #tpu.memory_space<vmem>>
    %dma_start3A_56 = arith.constant 0 : i32
    %dma_start3A_57 = arith.constant 0 : i32
    %dma_start3A_58 = tpu.memref_slice %arg2[%dma_start3A_56, %dma_start3A_57] : memref<10000x64xf32, #tpu.memory_space<hbm>> -> memref<10000x64xf32, #tpu.memory_space<hbm>>
    tpu.enqueue_indirect_dma source(%dma_start3A_58 : memref<10000x64xf32, #tpu.memory_space<hbm>>) target(%arg11 : memref<128x64xf32, #tpu.memory_space<vmem>>) offsets(%dma_start3A_55 : memref<128xi32, #tpu.memory_space<vmem>>) semaphore(%arg16 : memref<!tpu.dma_semaphore, #tpu.memory_space<semaphore_mem>>)
    %dma_wait3A_59 = arith.constant 128 : i32
    %dma_wait3A_60 = tpu.memref_slice %arg6[%dma_wait3A_59] : memref<10000xi32, #tpu.memory_space<vmem>> -> memref<128xi32, #tpu.memory_space<vmem>>
    %dma_wait3A_61 = arith.constant 0 : i32
    %dma_wait3A_62 = arith.constant 0 : i32
    %dma_wait3A_63 = tpu.memref_slice %arg2[%dma_wait3A_61, %dma_wait3A_62] : memref<10000x64xf32, #tpu.memory_space<hbm>> -> memref<10000x64xf32, #tpu.memory_space<hbm>>
    tpu.wait_indirect_dma semaphore(%arg14 : memref<!tpu.dma_semaphore, #tpu.memory_space<semaphore_mem>>) src(%dma_wait3A_63 : memref<10000x64xf32, #tpu.memory_space<hbm>>) dst(%arg9 : memref<128x64xf32, #tpu.memory_space<vmem>>)
    %dma_start3A_64 = arith.constant 128 : i32
    %dma_start3A_65 = tpu.memref_slice %arg7[%dma_start3A_64] : memref<10000xi32, #tpu.memory_space<vmem>> -> memref<128xi32, #tpu.memory_space<vmem>>
    %dma_start3A_66 = arith.constant 0 : i32
    %dma_start3A_67 = arith.constant 0 : i32
    %dma_start3A_68 = tpu.memref_slice %arg5[%dma_start3A_66, %dma_start3A_67] : memref<10000x64xf32, #tpu.memory_space<vmem_shared>> -> memref<10000x64xf32, #tpu.memory_space<vmem_shared>>
    tpu.enqueue_indirect_dma source(%arg9 : memref<128x64xf32, #tpu.memory_space<vmem>>) target(%dma_start3A_68 : memref<10000x64xf32, #tpu.memory_space<vmem_shared>>) offsets(%dma_start3A_65 : memref<128xi32, #tpu.memory_space<vmem>>) semaphore(%arg18 : memref<!tpu.dma_semaphore, #tpu.memory_space<semaphore_mem>>) {add = true}
    %scan3A_69 = arith.constant 0 : i32
    %scan3A_70 = arith.constant 0 : i32
    %scan3A_71 = arith.constant 18 : i32
    %scan3A_72 = arith.addi %scan3A_70, %scan3A_71 : i32
    %scan3A_73 = arith.constant 1 : i32
    %scan3A_74 = scf.for %scan3A_194 = %scan3A_70 to %scan3A_72 step %scan3A_73 iter_args(%scan3A_195 = %scan3A_69) -> (i32)  : i32 {
      %mul3A_196 = arith.constant 4 : i32
      %mul3A_197 = arith.muli %scan3A_194, %mul3A_196 : i32
      %add3A_198 = arith.constant 2 : i32
      %add3A_199 = arith.addi %add3A_198, %mul3A_197 : i32
      %add3A_200 = arith.constant 0 : i32
      %add3A_201 = arith.addi %add3A_199, %add3A_200 : i32
      %sub3A = arith.constant 2 : i32
      %sub3A_202 = arith.subi %add3A_201, %sub3A : i32
      %mul3A_203 = arith.constant 128 : i32
      %mul3A_204 = arith.muli %sub3A_202, %mul3A_203 : i32
      %dma_wait3A_205 = tpu.memref_slice %arg7[%mul3A_204] : memref<10000xi32, #tpu.memory_space<vmem>> -> memref<128xi32, #tpu.memory_space<vmem>>
      %dma_wait3A_206 = arith.constant 0 : i32
      %dma_wait3A_207 = arith.constant 0 : i32
      %dma_wait3A_208 = tpu.memref_slice %arg5[%dma_wait3A_206, %dma_wait3A_207] : memref<10000x64xf32, #tpu.memory_space<vmem_shared>> -> memref<10000x64xf32, #tpu.memory_space<vmem_shared>>
      tpu.wait_indirect_dma semaphore(%arg17 : memref<!tpu.dma_semaphore, #tpu.memory_space<semaphore_mem>>) src(%arg8 : memref<128x64xf32, #tpu.memory_space<vmem>>) dst(%dma_wait3A_208 : memref<10000x64xf32, #tpu.memory_space<vmem_shared>>)
      %add3A_209 = arith.constant 2 : i32
      %add3A_210 = arith.addi %add3A_201, %add3A_209 : i32
      %mul3A_211 = arith.constant 128 : i32
      %mul3A_212 = arith.muli %add3A_210, %mul3A_211 : i32
      %dma_start3A_213 = tpu.memref_slice %arg6[%mul3A_212] : memref<10000xi32, #tpu.memory_space<vmem>> -> memref<128xi32, #tpu.memory_space<vmem>>
      %dma_start3A_214 = arith.constant 0 : i32
      %dma_start3A_215 = arith.constant 0 : i32
      %dma_start3A_216 = tpu.memref_slice %arg2[%dma_start3A_214, %dma_start3A_215] : memref<10000x64xf32, #tpu.memory_space<hbm>> -> memref<10000x64xf32, #tpu.memory_space<hbm>>
      tpu.enqueue_indirect_dma source(%dma_start3A_216 : memref<10000x64xf32, #tpu.memory_space<hbm>>) target(%arg8 : memref<128x64xf32, #tpu.memory_space<vmem>>) offsets(%dma_start3A_213 : memref<128xi32, #tpu.memory_space<vmem>>) semaphore(%arg13 : memref<!tpu.dma_semaphore, #tpu.memory_space<semaphore_mem>>)
      %mul3A_217 = arith.constant 128 : i32
      %mul3A_218 = arith.muli %add3A_201, %mul3A_217 : i32
      %dma_wait3A_219 = tpu.memref_slice %arg6[%mul3A_218] : memref<10000xi32, #tpu.memory_space<vmem>> -> memref<128xi32, #tpu.memory_space<vmem>>
      %dma_wait3A_220 = arith.constant 0 : i32
      %dma_wait3A_221 = arith.constant 0 : i32
      %dma_wait3A_222 = tpu.memref_slice %arg2[%dma_wait3A_220, %dma_wait3A_221] : memref<10000x64xf32, #tpu.memory_space<hbm>> -> memref<10000x64xf32, #tpu.memory_space<hbm>>
      tpu.wait_indirect_dma semaphore(%arg15 : memref<!tpu.dma_semaphore, #tpu.memory_space<semaphore_mem>>) src(%dma_wait3A_222 : memref<10000x64xf32, #tpu.memory_space<hbm>>) dst(%arg10 : memref<128x64xf32, #tpu.memory_space<vmem>>)
      %mul3A_223 = arith.constant 128 : i32
      %mul3A_224 = arith.muli %add3A_201, %mul3A_223 : i32
      %dma_start3A_225 = tpu.memref_slice %arg7[%mul3A_224] : memref<10000xi32, #tpu.memory_space<vmem>> -> memref<128xi32, #tpu.memory_space<vmem>>
      %dma_start3A_226 = arith.constant 0 : i32
      %dma_start3A_227 = arith.constant 0 : i32
      %dma_start3A_228 = tpu.memref_slice %arg5[%dma_start3A_226, %dma_start3A_227] : memref<10000x64xf32, #tpu.memory_space<vmem_shared>> -> memref<10000x64xf32, #tpu.memory_space<vmem_shared>>
      tpu.enqueue_indirect_dma source(%arg10 : memref<128x64xf32, #tpu.memory_space<vmem>>) target(%dma_start3A_228 : memref<10000x64xf32, #tpu.memory_space<vmem_shared>>) offsets(%dma_start3A_225 : memref<128xi32, #tpu.memory_space<vmem>>) semaphore(%arg19 : memref<!tpu.dma_semaphore, #tpu.memory_space<semaphore_mem>>) {add = true}
      %mul3A_229 = arith.constant 4 : i32
      %mul3A_230 = arith.muli %scan3A_194, %mul3A_229 : i32
      %add3A_231 = arith.constant 2 : i32
      %add3A_232 = arith.addi %add3A_231, %mul3A_230 : i32
      %add3A_233 = arith.constant 1 : i32
      %add3A_234 = arith.addi %add3A_232, %add3A_233 : i32
      %sub3A_235 = arith.constant 2 : i32
      %sub3A_236 = arith.subi %add3A_234, %sub3A_235 : i32
      %mul3A_237 = arith.constant 128 : i32
      %mul3A_238 = arith.muli %sub3A_236, %mul3A_237 : i32
      %dma_wait3A_239 = tpu.memref_slice %arg7[%mul3A_238] : memref<10000xi32, #tpu.memory_space<vmem>> -> memref<128xi32, #tpu.memory_space<vmem>>
      %dma_wait3A_240 = arith.constant 0 : i32
      %dma_wait3A_241 = arith.constant 0 : i32
      %dma_wait3A_242 = tpu.memref_slice %arg5[%dma_wait3A_240, %dma_wait3A_241] : memref<10000x64xf32, #tpu.memory_space<vmem_shared>> -> memref<10000x64xf32, #tpu.memory_space<vmem_shared>>
      tpu.wait_indirect_dma semaphore(%arg18 : memref<!tpu.dma_semaphore, #tpu.memory_space<semaphore_mem>>) src(%arg9 : memref<128x64xf32, #tpu.memory_space<vmem>>) dst(%dma_wait3A_242 : memref<10000x64xf32, #tpu.memory_space<vmem_shared>>)
      %add3A_243 = arith.constant 2 : i32
      %add3A_244 = arith.addi %add3A_234, %add3A_243 : i32
      %mul3A_245 = arith.constant 128 : i32
      %mul3A_246 = arith.muli %add3A_244, %mul3A_245 : i32
      %dma_start3A_247 = tpu.memref_slice %arg6[%mul3A_246] : memref<10000xi32, #tpu.memory_space<vmem>> -> memref<128xi32, #tpu.memory_space<vmem>>
      %dma_start3A_248 = arith.constant 0 : i32
      %dma_start3A_249 = arith.constant 0 : i32
      %dma_start3A_250 = tpu.memref_slice %arg2[%dma_start3A_248, %dma_start3A_249] : memref<10000x64xf32, #tpu.memory_space<hbm>> -> memref<10000x64xf32, #tpu.memory_space<hbm>>
      tpu.enqueue_indirect_dma source(%dma_start3A_250 : memref<10000x64xf32, #tpu.memory_space<hbm>>) target(%arg9 : memref<128x64xf32, #tpu.memory_space<vmem>>) offsets(%dma_start3A_247 : memref<128xi32, #tpu.memory_space<vmem>>) semaphore(%arg14 : memref<!tpu.dma_semaphore, #tpu.memory_space<semaphore_mem>>)
      %mul3A_251 = arith.constant 128 : i32
      %mul3A_252 = arith.muli %add3A_234, %mul3A_251 : i32
      %dma_wait3A_253 = tpu.memref_slice %arg6[%mul3A_252] : memref<10000xi32, #tpu.memory_space<vmem>> -> memref<128xi32, #tpu.memory_space<vmem>>
      %dma_wait3A_254 = arith.constant 0 : i32
      %dma_wait3A_255 = arith.constant 0 : i32
      %dma_wait3A_256 = tpu.memref_slice %arg2[%dma_wait3A_254, %dma_wait3A_255] : memref<10000x64xf32, #tpu.memory_space<hbm>> -> memref<10000x64xf32, #tpu.memory_space<hbm>>
      tpu.wait_indirect_dma semaphore(%arg16 : memref<!tpu.dma_semaphore, #tpu.memory_space<semaphore_mem>>) src(%dma_wait3A_256 : memref<10000x64xf32, #tpu.memory_space<hbm>>) dst(%arg11 : memref<128x64xf32, #tpu.memory_space<vmem>>)
      %mul3A_257 = arith.constant 128 : i32
      %mul3A_258 = arith.muli %add3A_234, %mul3A_257 : i32
      %dma_start3A_259 = tpu.memref_slice %arg7[%mul3A_258] : memref<10000xi32, #tpu.memory_space<vmem>> -> memref<128xi32, #tpu.memory_space<vmem>>
      %dma_start3A_260 = arith.constant 0 : i32
      %dma_start3A_261 = arith.constant 0 : i32
      %dma_start3A_262 = tpu.memref_slice %arg5[%dma_start3A_260, %dma_start3A_261] : memref<10000x64xf32, #tpu.memory_space<vmem_shared>> -> memref<10000x64xf32, #tpu.memory_space<vmem_shared>>
      tpu.enqueue_indirect_dma source(%arg11 : memref<128x64xf32, #tpu.memory_space<vmem>>) target(%dma_start3A_262 : memref<10000x64xf32, #tpu.memory_space<vmem_shared>>) offsets(%dma_start3A_259 : memref<128xi32, #tpu.memory_space<vmem>>) semaphore(%arg20 : memref<!tpu.dma_semaphore, #tpu.memory_space<semaphore_mem>>) {add = true}
      %mul3A_263 = arith.constant 4 : i32
      %mul3A_264 = arith.muli %scan3A_194, %mul3A_263 : i32
      %add3A_265 = arith.constant 2 : i32
      %add3A_266 = arith.addi %add3A_265, %mul3A_264 : i32
      %add3A_267 = arith.constant 2 : i32
      %add3A_268 = arith.addi %add3A_266, %add3A_267 : i32
      %sub3A_269 = arith.constant 2 : i32
      %sub3A_270 = arith.subi %add3A_268, %sub3A_269 : i32
      %mul3A_271 = arith.constant 128 : i32
      %mul3A_272 = arith.muli %sub3A_270, %mul3A_271 : i32
      %dma_wait3A_273 = tpu.memref_slice %arg7[%mul3A_272] : memref<10000xi32, #tpu.memory_space<vmem>> -> memref<128xi32, #tpu.memory_space<vmem>>
      %dma_wait3A_274 = arith.constant 0 : i32
      %dma_wait3A_275 = arith.constant 0 : i32
      %dma_wait3A_276 = tpu.memref_slice %arg5[%dma_wait3A_274, %dma_wait3A_275] : memref<10000x64xf32, #tpu.memory_space<vmem_shared>> -> memref<10000x64xf32, #tpu.memory_space<vmem_shared>>
      tpu.wait_indirect_dma semaphore(%arg19 : memref<!tpu.dma_semaphore, #tpu.memory_space<semaphore_mem>>) src(%arg10 : memref<128x64xf32, #tpu.memory_space<vmem>>) dst(%dma_wait3A_276 : memref<10000x64xf32, #tpu.memory_space<vmem_shared>>)
      %add3A_277 = arith.constant 2 : i32
      %add3A_278 = arith.addi %add3A_268, %add3A_277 : i32
      %mul3A_279 = arith.constant 128 : i32
      %mul3A_280 = arith.muli %add3A_278, %mul3A_279 : i32
      %dma_start3A_281 = tpu.memref_slice %arg6[%mul3A_280] : memref<10000xi32, #tpu.memory_space<vmem>> -> memref<128xi32, #tpu.memory_space<vmem>>
      %dma_start3A_282 = arith.constant 0 : i32
      %dma_start3A_283 = arith.constant 0 : i32
      %dma_start3A_284 = tpu.memref_slice %arg2[%dma_start3A_282, %dma_start3A_283] : memref<10000x64xf32, #tpu.memory_space<hbm>> -> memref<10000x64xf32, #tpu.memory_space<hbm>>
      tpu.enqueue_indirect_dma source(%dma_start3A_284 : memref<10000x64xf32, #tpu.memory_space<hbm>>) target(%arg10 : memref<128x64xf32, #tpu.memory_space<vmem>>) offsets(%dma_start3A_281 : memref<128xi32, #tpu.memory_space<vmem>>) semaphore(%arg15 : memref<!tpu.dma_semaphore, #tpu.memory_space<semaphore_mem>>)
      %mul3A_285 = arith.constant 128 : i32
      %mul3A_286 = arith.muli %add3A_268, %mul3A_285 : i32
      %dma_wait3A_287 = tpu.memref_slice %arg6[%mul3A_286] : memref<10000xi32, #tpu.memory_space<vmem>> -> memref<128xi32, #tpu.memory_space<vmem>>
      %dma_wait3A_288 = arith.constant 0 : i32
      %dma_wait3A_289 = arith.constant 0 : i32
      %dma_wait3A_290 = tpu.memref_slice %arg2[%dma_wait3A_288, %dma_wait3A_289] : memref<10000x64xf32, #tpu.memory_space<hbm>> -> memref<10000x64xf32, #tpu.memory_space<hbm>>
      tpu.wait_indirect_dma semaphore(%arg13 : memref<!tpu.dma_semaphore, #tpu.memory_space<semaphore_mem>>) src(%dma_wait3A_290 : memref<10000x64xf32, #tpu.memory_space<hbm>>) dst(%arg8 : memref<128x64xf32, #tpu.memory_space<vmem>>)
      %mul3A_291 = arith.constant 128 : i32
      %mul3A_292 = arith.muli %add3A_268, %mul3A_291 : i32
      %dma_start3A_293 = tpu.memref_slice %arg7[%mul3A_292] : memref<10000xi32, #tpu.memory_space<vmem>> -> memref<128xi32, #tpu.memory_space<vmem>>
      %dma_start3A_294 = arith.constant 0 : i32
      %dma_start3A_295 = arith.constant 0 : i32
      %dma_start3A_296 = tpu.memref_slice %arg5[%dma_start3A_294, %dma_start3A_295] : memref<10000x64xf32, #tpu.memory_space<vmem_shared>> -> memref<10000x64xf32, #tpu.memory_space<vmem_shared>>
      tpu.enqueue_indirect_dma source(%arg8 : memref<128x64xf32, #tpu.memory_space<vmem>>) target(%dma_start3A_296 : memref<10000x64xf32, #tpu.memory_space<vmem_shared>>) offsets(%dma_start3A_293 : memref<128xi32, #tpu.memory_space<vmem>>) semaphore(%arg17 : memref<!tpu.dma_semaphore, #tpu.memory_space<semaphore_mem>>) {add = true}
      %mul3A_297 = arith.constant 4 : i32
      %mul3A_298 = arith.muli %scan3A_194, %mul3A_297 : i32
      %add3A_299 = arith.constant 2 : i32
      %add3A_300 = arith.addi %add3A_299, %mul3A_298 : i32
      %add3A_301 = arith.constant 3 : i32
      %add3A_302 = arith.addi %add3A_300, %add3A_301 : i32
      %sub3A_303 = arith.constant 2 : i32
      %sub3A_304 = arith.subi %add3A_302, %sub3A_303 : i32
      %mul3A_305 = arith.constant 128 : i32
      %mul3A_306 = arith.muli %sub3A_304, %mul3A_305 : i32
      %dma_wait3A_307 = tpu.memref_slice %arg7[%mul3A_306] : memref<10000xi32, #tpu.memory_space<vmem>> -> memref<128xi32, #tpu.memory_space<vmem>>
      %dma_wait3A_308 = arith.constant 0 : i32
      %dma_wait3A_309 = arith.constant 0 : i32
      %dma_wait3A_310 = tpu.memref_slice %arg5[%dma_wait3A_308, %dma_wait3A_309] : memref<10000x64xf32, #tpu.memory_space<vmem_shared>> -> memref<10000x64xf32, #tpu.memory_space<vmem_shared>>
      tpu.wait_indirect_dma semaphore(%arg20 : memref<!tpu.dma_semaphore, #tpu.memory_space<semaphore_mem>>) src(%arg11 : memref<128x64xf32, #tpu.memory_space<vmem>>) dst(%dma_wait3A_310 : memref<10000x64xf32, #tpu.memory_space<vmem_shared>>)
      %add3A_311 = arith.constant 2 : i32
      %add3A_312 = arith.addi %add3A_302, %add3A_311 : i32
      %mul3A_313 = arith.constant 128 : i32
      %mul3A_314 = arith.muli %add3A_312, %mul3A_313 : i32
      %dma_start3A_315 = tpu.memref_slice %arg6[%mul3A_314] : memref<10000xi32, #tpu.memory_space<vmem>> -> memref<128xi32, #tpu.memory_space<vmem>>
      %dma_start3A_316 = arith.constant 0 : i32
      %dma_start3A_317 = arith.constant 0 : i32
      %dma_start3A_318 = tpu.memref_slice %arg2[%dma_start3A_316, %dma_start3A_317] : memref<10000x64xf32, #tpu.memory_space<hbm>> -> memref<10000x64xf32, #tpu.memory_space<hbm>>
      tpu.enqueue_indirect_dma source(%dma_start3A_318 : memref<10000x64xf32, #tpu.memory_space<hbm>>) target(%arg11 : memref<128x64xf32, #tpu.memory_space<vmem>>) offsets(%dma_start3A_315 : memref<128xi32, #tpu.memory_space<vmem>>) semaphore(%arg16 : memref<!tpu.dma_semaphore, #tpu.memory_space<semaphore_mem>>)
      %mul3A_319 = arith.constant 128 : i32
      %mul3A_320 = arith.muli %add3A_302, %mul3A_319 : i32
      %dma_wait3A_321 = tpu.memref_slice %arg6[%mul3A_320] : memref<10000xi32, #tpu.memory_space<vmem>> -> memref<128xi32, #tpu.memory_space<vmem>>
      %dma_wait3A_322 = arith.constant 0 : i32
      %dma_wait3A_323 = arith.constant 0 : i32
      %dma_wait3A_324 = tpu.memref_slice %arg2[%dma_wait3A_322, %dma_wait3A_323] : memref<10000x64xf32, #tpu.memory_space<hbm>> -> memref<10000x64xf32, #tpu.memory_space<hbm>>
      tpu.wait_indirect_dma semaphore(%arg14 : memref<!tpu.dma_semaphore, #tpu.memory_space<semaphore_mem>>) src(%dma_wait3A_324 : memref<10000x64xf32, #tpu.memory_space<hbm>>) dst(%arg9 : memref<128x64xf32, #tpu.memory_space<vmem>>)
      %mul3A_325 = arith.constant 128 : i32
      %mul3A_326 = arith.muli %add3A_302, %mul3A_325 : i32
      %dma_start3A_327 = tpu.memref_slice %arg7[%mul3A_326] : memref<10000xi32, #tpu.memory_space<vmem>> -> memref<128xi32, #tpu.memory_space<vmem>>
      %dma_start3A_328 = arith.constant 0 : i32
      %dma_start3A_329 = arith.constant 0 : i32
      %dma_start3A_330 = tpu.memref_slice %arg5[%dma_start3A_328, %dma_start3A_329] : memref<10000x64xf32, #tpu.memory_space<vmem_shared>> -> memref<10000x64xf32, #tpu.memory_space<vmem_shared>>
      tpu.enqueue_indirect_dma source(%arg9 : memref<128x64xf32, #tpu.memory_space<vmem>>) target(%dma_start3A_330 : memref<10000x64xf32, #tpu.memory_space<vmem_shared>>) offsets(%dma_start3A_327 : memref<128xi32, #tpu.memory_space<vmem>>) semaphore(%arg18 : memref<!tpu.dma_semaphore, #tpu.memory_space<semaphore_mem>>) {add = true}
      %scan3A_331 = arith.constant 0 : i32
      scf.yield %scan3A_331 : i32
    }
    %scan3A_75 = arith.constant 18 : i32
    %dma_wait3A_76 = arith.constant 9216 : i32
    %dma_wait3A_77 = tpu.memref_slice %arg7[%dma_wait3A_76] : memref<10000xi32, #tpu.memory_space<vmem>> -> memref<128xi32, #tpu.memory_space<vmem>>
    %dma_wait3A_78 = arith.constant 0 : i32
    %dma_wait3A_79 = arith.constant 0 : i32
    %dma_wait3A_80 = tpu.memref_slice %arg5[%dma_wait3A_78, %dma_wait3A_79] : memref<10000x64xf32, #tpu.memory_space<vmem_shared>> -> memref<10000x64xf32, #tpu.memory_space<vmem_shared>>
    tpu.wait_indirect_dma semaphore(%arg17 : memref<!tpu.dma_semaphore, #tpu.memory_space<semaphore_mem>>) src(%arg8 : memref<128x64xf32, #tpu.memory_space<vmem>>) dst(%dma_wait3A_80 : memref<10000x64xf32, #tpu.memory_space<vmem_shared>>)
    %dma_start3A_81 = arith.constant 9728 : i32
    %dma_start3A_82 = tpu.memref_slice %arg6[%dma_start3A_81] : memref<10000xi32, #tpu.memory_space<vmem>> -> memref<128xi32, #tpu.memory_space<vmem>>
    %dma_start3A_83 = arith.constant 0 : i32
    %dma_start3A_84 = arith.constant 0 : i32
    %dma_start3A_85 = tpu.memref_slice %arg2[%dma_start3A_83, %dma_start3A_84] : memref<10000x64xf32, #tpu.memory_space<hbm>> -> memref<10000x64xf32, #tpu.memory_space<hbm>>
    tpu.enqueue_indirect_dma source(%dma_start3A_85 : memref<10000x64xf32, #tpu.memory_space<hbm>>) target(%arg8 : memref<128x64xf32, #tpu.memory_space<vmem>>) offsets(%dma_start3A_82 : memref<128xi32, #tpu.memory_space<vmem>>) semaphore(%arg13 : memref<!tpu.dma_semaphore, #tpu.memory_space<semaphore_mem>>)
    %dma_wait3A_86 = arith.constant 9472 : i32
    %dma_wait3A_87 = tpu.memref_slice %arg6[%dma_wait3A_86] : memref<10000xi32, #tpu.memory_space<vmem>> -> memref<128xi32, #tpu.memory_space<vmem>>
    %dma_wait3A_88 = arith.constant 0 : i32
    %dma_wait3A_89 = arith.constant 0 : i32
    %dma_wait3A_90 = tpu.memref_slice %arg2[%dma_wait3A_88, %dma_wait3A_89] : memref<10000x64xf32, #tpu.memory_space<hbm>> -> memref<10000x64xf32, #tpu.memory_space<hbm>>
    tpu.wait_indirect_dma semaphore(%arg15 : memref<!tpu.dma_semaphore, #tpu.memory_space<semaphore_mem>>) src(%dma_wait3A_90 : memref<10000x64xf32, #tpu.memory_space<hbm>>) dst(%arg10 : memref<128x64xf32, #tpu.memory_space<vmem>>)
    %dma_start3A_91 = arith.constant 9472 : i32
    %dma_start3A_92 = tpu.memref_slice %arg7[%dma_start3A_91] : memref<10000xi32, #tpu.memory_space<vmem>> -> memref<128xi32, #tpu.memory_space<vmem>>
    %dma_start3A_93 = arith.constant 0 : i32
    %dma_start3A_94 = arith.constant 0 : i32
    %dma_start3A_95 = tpu.memref_slice %arg5[%dma_start3A_93, %dma_start3A_94] : memref<10000x64xf32, #tpu.memory_space<vmem_shared>> -> memref<10000x64xf32, #tpu.memory_space<vmem_shared>>
    tpu.enqueue_indirect_dma source(%arg10 : memref<128x64xf32, #tpu.memory_space<vmem>>) target(%dma_start3A_95 : memref<10000x64xf32, #tpu.memory_space<vmem_shared>>) offsets(%dma_start3A_92 : memref<128xi32, #tpu.memory_space<vmem>>) semaphore(%arg19 : memref<!tpu.dma_semaphore, #tpu.memory_space<semaphore_mem>>) {add = true}
    %dma_wait3A_96 = arith.constant 9344 : i32
    %dma_wait3A_97 = tpu.memref_slice %arg7[%dma_wait3A_96] : memref<10000xi32, #tpu.memory_space<vmem>> -> memref<128xi32, #tpu.memory_space<vmem>>
    %dma_wait3A_98 = arith.constant 0 : i32
    %dma_wait3A_99 = arith.constant 0 : i32
    %dma_wait3A_100 = tpu.memref_slice %arg5[%dma_wait3A_98, %dma_wait3A_99] : memref<10000x64xf32, #tpu.memory_space<vmem_shared>> -> memref<10000x64xf32, #tpu.memory_space<vmem_shared>>
    tpu.wait_indirect_dma semaphore(%arg18 : memref<!tpu.dma_semaphore, #tpu.memory_space<semaphore_mem>>) src(%arg9 : memref<128x64xf32, #tpu.memory_space<vmem>>) dst(%dma_wait3A_100 : memref<10000x64xf32, #tpu.memory_space<vmem_shared>>)
    %dma_start3A_101 = arith.constant 9856 : i32
    %dma_start3A_102 = tpu.memref_slice %arg6[%dma_start3A_101] : memref<10000xi32, #tpu.memory_space<vmem>> -> memref<128xi32, #tpu.memory_space<vmem>>
    %dma_start3A_103 = arith.constant 0 : i32
    %dma_start3A_104 = arith.constant 0 : i32
    %dma_start3A_105 = tpu.memref_slice %arg2[%dma_start3A_103, %dma_start3A_104] : memref<10000x64xf32, #tpu.memory_space<hbm>> -> memref<10000x64xf32, #tpu.memory_space<hbm>>
    tpu.enqueue_indirect_dma source(%dma_start3A_105 : memref<10000x64xf32, #tpu.memory_space<hbm>>) target(%arg9 : memref<128x64xf32, #tpu.memory_space<vmem>>) offsets(%dma_start3A_102 : memref<128xi32, #tpu.memory_space<vmem>>) semaphore(%arg14 : memref<!tpu.dma_semaphore, #tpu.memory_space<semaphore_mem>>)
    %dma_wait3A_106 = arith.constant 9600 : i32
    %dma_wait3A_107 = tpu.memref_slice %arg6[%dma_wait3A_106] : memref<10000xi32, #tpu.memory_space<vmem>> -> memref<128xi32, #tpu.memory_space<vmem>>
    %dma_wait3A_108 = arith.constant 0 : i32
    %dma_wait3A_109 = arith.constant 0 : i32
    %dma_wait3A_110 = tpu.memref_slice %arg2[%dma_wait3A_108, %dma_wait3A_109] : memref<10000x64xf32, #tpu.memory_space<hbm>> -> memref<10000x64xf32, #tpu.memory_space<hbm>>
    tpu.wait_indirect_dma semaphore(%arg16 : memref<!tpu.dma_semaphore, #tpu.memory_space<semaphore_mem>>) src(%dma_wait3A_110 : memref<10000x64xf32, #tpu.memory_space<hbm>>) dst(%arg11 : memref<128x64xf32, #tpu.memory_space<vmem>>)
    %dma_start3A_111 = arith.constant 9600 : i32
    %dma_start3A_112 = tpu.memref_slice %arg7[%dma_start3A_111] : memref<10000xi32, #tpu.memory_space<vmem>> -> memref<128xi32, #tpu.memory_space<vmem>>
    %dma_start3A_113 = arith.constant 0 : i32
    %dma_start3A_114 = arith.constant 0 : i32
    %dma_start3A_115 = tpu.memref_slice %arg5[%dma_start3A_113, %dma_start3A_114] : memref<10000x64xf32, #tpu.memory_space<vmem_shared>> -> memref<10000x64xf32, #tpu.memory_space<vmem_shared>>
    tpu.enqueue_indirect_dma source(%arg11 : memref<128x64xf32, #tpu.memory_space<vmem>>) target(%dma_start3A_115 : memref<10000x64xf32, #tpu.memory_space<vmem_shared>>) offsets(%dma_start3A_112 : memref<128xi32, #tpu.memory_space<vmem>>) semaphore(%arg20 : memref<!tpu.dma_semaphore, #tpu.memory_space<semaphore_mem>>) {add = true}
    %dma_wait3A_116 = arith.constant 9728 : i32
    %dma_wait3A_117 = tpu.memref_slice %arg6[%dma_wait3A_116] : memref<10000xi32, #tpu.memory_space<vmem>> -> memref<128xi32, #tpu.memory_space<vmem>>
    %dma_wait3A_118 = arith.constant 0 : i32
    %dma_wait3A_119 = arith.constant 0 : i32
    %dma_wait3A_120 = tpu.memref_slice %arg2[%dma_wait3A_118, %dma_wait3A_119] : memref<10000x64xf32, #tpu.memory_space<hbm>> -> memref<10000x64xf32, #tpu.memory_space<hbm>>
    tpu.wait_indirect_dma semaphore(%arg13 : memref<!tpu.dma_semaphore, #tpu.memory_space<semaphore_mem>>) src(%dma_wait3A_120 : memref<10000x64xf32, #tpu.memory_space<hbm>>) dst(%arg8 : memref<128x64xf32, #tpu.memory_space<vmem>>)
    %dma_start3A_121 = arith.constant 9728 : i32
    %dma_start3A_122 = tpu.memref_slice %arg7[%dma_start3A_121] : memref<10000xi32, #tpu.memory_space<vmem>> -> memref<128xi32, #tpu.memory_space<vmem>>
    %dma_start3A_123 = arith.constant 0 : i32
    %dma_start3A_124 = arith.constant 0 : i32
    %dma_start3A_125 = tpu.memref_slice %arg5[%dma_start3A_123, %dma_start3A_124] : memref<10000x64xf32, #tpu.memory_space<vmem_shared>> -> memref<10000x64xf32, #tpu.memory_space<vmem_shared>>
    tpu.enqueue_indirect_dma source(%arg8 : memref<128x64xf32, #tpu.memory_space<vmem>>) target(%dma_start3A_125 : memref<10000x64xf32, #tpu.memory_space<vmem_shared>>) offsets(%dma_start3A_122 : memref<128xi32, #tpu.memory_space<vmem>>) semaphore(%arg17 : memref<!tpu.dma_semaphore, #tpu.memory_space<semaphore_mem>>) {add = true}
    %dma_wait3A_126 = arith.constant 9856 : i32
    %dma_wait3A_127 = tpu.memref_slice %arg6[%dma_wait3A_126] : memref<10000xi32, #tpu.memory_space<vmem>> -> memref<128xi32, #tpu.memory_space<vmem>>
    %dma_wait3A_128 = arith.constant 0 : i32
    %dma_wait3A_129 = arith.constant 0 : i32
    %dma_wait3A_130 = tpu.memref_slice %arg2[%dma_wait3A_128, %dma_wait3A_129] : memref<10000x64xf32, #tpu.memory_space<hbm>> -> memref<10000x64xf32, #tpu.memory_space<hbm>>
    tpu.wait_indirect_dma semaphore(%arg14 : memref<!tpu.dma_semaphore, #tpu.memory_space<semaphore_mem>>) src(%dma_wait3A_130 : memref<10000x64xf32, #tpu.memory_space<hbm>>) dst(%arg9 : memref<128x64xf32, #tpu.memory_space<vmem>>)
    %dma_start3A_131 = arith.constant 9856 : i32
    %dma_start3A_132 = tpu.memref_slice %arg7[%dma_start3A_131] : memref<10000xi32, #tpu.memory_space<vmem>> -> memref<128xi32, #tpu.memory_space<vmem>>
    %dma_start3A_133 = arith.constant 0 : i32
    %dma_start3A_134 = arith.constant 0 : i32
    %dma_start3A_135 = tpu.memref_slice %arg5[%dma_start3A_133, %dma_start3A_134] : memref<10000x64xf32, #tpu.memory_space<vmem_shared>> -> memref<10000x64xf32, #tpu.memory_space<vmem_shared>>
    tpu.enqueue_indirect_dma source(%arg9 : memref<128x64xf32, #tpu.memory_space<vmem>>) target(%dma_start3A_135 : memref<10000x64xf32, #tpu.memory_space<vmem_shared>>) offsets(%dma_start3A_132 : memref<128xi32, #tpu.memory_space<vmem>>) semaphore(%arg18 : memref<!tpu.dma_semaphore, #tpu.memory_space<semaphore_mem>>) {add = true}
    %dma_wait3A_136 = arith.constant 9472 : i32
    %dma_wait3A_137 = tpu.memref_slice %arg7[%dma_wait3A_136] : memref<10000xi32, #tpu.memory_space<vmem>> -> memref<128xi32, #tpu.memory_space<vmem>>
    %dma_wait3A_138 = arith.constant 0 : i32
    %dma_wait3A_139 = arith.constant 0 : i32
    %dma_wait3A_140 = tpu.memref_slice %arg5[%dma_wait3A_138, %dma_wait3A_139] : memref<10000x64xf32, #tpu.memory_space<vmem_shared>> -> memref<10000x64xf32, #tpu.memory_space<vmem_shared>>
    tpu.wait_indirect_dma semaphore(%arg19 : memref<!tpu.dma_semaphore, #tpu.memory_space<semaphore_mem>>) src(%arg10 : memref<128x64xf32, #tpu.memory_space<vmem>>) dst(%dma_wait3A_140 : memref<10000x64xf32, #tpu.memory_space<vmem_shared>>)
    %dma_wait3A_141 = arith.constant 9600 : i32
    %dma_wait3A_142 = tpu.memref_slice %arg7[%dma_wait3A_141] : memref<10000xi32, #tpu.memory_space<vmem>> -> memref<128xi32, #tpu.memory_space<vmem>>
    %dma_wait3A_143 = arith.constant 0 : i32
    %dma_wait3A_144 = arith.constant 0 : i32
    %dma_wait3A_145 = tpu.memref_slice %arg5[%dma_wait3A_143, %dma_wait3A_144] : memref<10000x64xf32, #tpu.memory_space<vmem_shared>> -> memref<10000x64xf32, #tpu.memory_space<vmem_shared>>
    tpu.wait_indirect_dma semaphore(%arg20 : memref<!tpu.dma_semaphore, #tpu.memory_space<semaphore_mem>>) src(%arg11 : memref<128x64xf32, #tpu.memory_space<vmem>>) dst(%dma_wait3A_145 : memref<10000x64xf32, #tpu.memory_space<vmem_shared>>)
    %dma_wait3A_146 = arith.constant 9728 : i32
    %dma_wait3A_147 = tpu.memref_slice %arg7[%dma_wait3A_146] : memref<10000xi32, #tpu.memory_space<vmem>> -> memref<128xi32, #tpu.memory_space<vmem>>
    %dma_wait3A_148 = arith.constant 0 : i32
    %dma_wait3A_149 = arith.constant 0 : i32
    %dma_wait3A_150 = tpu.memref_slice %arg5[%dma_wait3A_148, %dma_wait3A_149] : memref<10000x64xf32, #tpu.memory_space<vmem_shared>> -> memref<10000x64xf32, #tpu.memory_space<vmem_shared>>
    tpu.wait_indirect_dma semaphore(%arg17 : memref<!tpu.dma_semaphore, #tpu.memory_space<semaphore_mem>>) src(%arg8 : memref<128x64xf32, #tpu.memory_space<vmem>>) dst(%dma_wait3A_150 : memref<10000x64xf32, #tpu.memory_space<vmem_shared>>)
    %dma_wait3A_151 = arith.constant 9856 : i32
    %dma_wait3A_152 = tpu.memref_slice %arg7[%dma_wait3A_151] : memref<10000xi32, #tpu.memory_space<vmem>> -> memref<128xi32, #tpu.memory_space<vmem>>
    %dma_wait3A_153 = arith.constant 0 : i32
    %dma_wait3A_154 = arith.constant 0 : i32
    %dma_wait3A_155 = tpu.memref_slice %arg5[%dma_wait3A_153, %dma_wait3A_154] : memref<10000x64xf32, #tpu.memory_space<vmem_shared>> -> memref<10000x64xf32, #tpu.memory_space<vmem_shared>>
    tpu.wait_indirect_dma semaphore(%arg18 : memref<!tpu.dma_semaphore, #tpu.memory_space<semaphore_mem>>) src(%arg9 : memref<128x64xf32, #tpu.memory_space<vmem>>) dst(%dma_wait3A_155 : memref<10000x64xf32, #tpu.memory_space<vmem_shared>>)
    %dma_start3A_156 = arith.constant 0 : i32
    %dma_start3A_157 = arith.constant 0 : i32
    %dma_start3A_158 = tpu.memref_slice %arg10[%dma_start3A_156, %dma_start3A_157] : memref<128x64xf32, #tpu.memory_space<vmem>> -> memref<16x64xf32, #tpu.memory_space<vmem>>
    %dma_start3A_159 = arith.constant 9984 : i32
    %dma_start3A_160 = tpu.memref_slice %arg6[%dma_start3A_159] : memref<10000xi32, #tpu.memory_space<vmem>> -> memref<16xi32, #tpu.memory_space<vmem>>
    %dma_start3A_161 = arith.constant 0 : i32
    %dma_start3A_162 = arith.constant 0 : i32
    %dma_start3A_163 = tpu.memref_slice %arg2[%dma_start3A_161, %dma_start3A_162] : memref<10000x64xf32, #tpu.memory_space<hbm>> -> memref<10000x64xf32, #tpu.memory_space<hbm>>
    tpu.enqueue_indirect_dma source(%dma_start3A_163 : memref<10000x64xf32, #tpu.memory_space<hbm>>) target(%dma_start3A_158 : memref<16x64xf32, #tpu.memory_space<vmem>>) offsets(%dma_start3A_160 : memref<16xi32, #tpu.memory_space<vmem>>) semaphore(%arg15 : memref<!tpu.dma_semaphore, #tpu.memory_space<semaphore_mem>>)
    %dma_wait3A_164 = arith.constant 0 : i32
    %dma_wait3A_165 = arith.constant 0 : i32
    %dma_wait3A_166 = tpu.memref_slice %arg10[%dma_wait3A_164, %dma_wait3A_165] : memref<128x64xf32, #tpu.memory_space<vmem>> -> memref<16x64xf32, #tpu.memory_space<vmem>>
    %dma_wait3A_167 = arith.constant 9984 : i32
    %dma_wait3A_168 = tpu.memref_slice %arg6[%dma_wait3A_167] : memref<10000xi32, #tpu.memory_space<vmem>> -> memref<16xi32, #tpu.memory_space<vmem>>
    %dma_wait3A_169 = arith.constant 0 : i32
    %dma_wait3A_170 = arith.constant 0 : i32
    %dma_wait3A_171 = tpu.memref_slice %arg2[%dma_wait3A_169, %dma_wait3A_170] : memref<10000x64xf32, #tpu.memory_space<hbm>> -> memref<10000x64xf32, #tpu.memory_space<hbm>>
    tpu.wait_indirect_dma semaphore(%arg15 : memref<!tpu.dma_semaphore, #tpu.memory_space<semaphore_mem>>) src(%dma_wait3A_171 : memref<10000x64xf32, #tpu.memory_space<hbm>>) dst(%dma_wait3A_166 : memref<16x64xf32, #tpu.memory_space<vmem>>)
    %dma_start3A_172 = arith.constant 0 : i32
    %dma_start3A_173 = arith.constant 0 : i32
    %dma_start3A_174 = tpu.memref_slice %arg10[%dma_start3A_172, %dma_start3A_173] : memref<128x64xf32, #tpu.memory_space<vmem>> -> memref<16x64xf32, #tpu.memory_space<vmem>>
    %dma_start3A_175 = arith.constant 9984 : i32
    %dma_start3A_176 = tpu.memref_slice %arg7[%dma_start3A_175] : memref<10000xi32, #tpu.memory_space<vmem>> -> memref<16xi32, #tpu.memory_space<vmem>>
    %dma_start3A_177 = arith.constant 0 : i32
    %dma_start3A_178 = arith.constant 0 : i32
    %dma_start3A_179 = tpu.memref_slice %arg5[%dma_start3A_177, %dma_start3A_178] : memref<10000x64xf32, #tpu.memory_space<vmem_shared>> -> memref<10000x64xf32, #tpu.memory_space<vmem_shared>>
    tpu.enqueue_indirect_dma source(%dma_start3A_174 : memref<16x64xf32, #tpu.memory_space<vmem>>) target(%dma_start3A_179 : memref<10000x64xf32, #tpu.memory_space<vmem_shared>>) offsets(%dma_start3A_176 : memref<16xi32, #tpu.memory_space<vmem>>) semaphore(%arg19 : memref<!tpu.dma_semaphore, #tpu.memory_space<semaphore_mem>>) {add = true}
    %dma_wait3A_180 = arith.constant 0 : i32
    %dma_wait3A_181 = arith.constant 0 : i32
    %dma_wait3A_182 = tpu.memref_slice %arg10[%dma_wait3A_180, %dma_wait3A_181] : memref<128x64xf32, #tpu.memory_space<vmem>> -> memref<16x64xf32, #tpu.memory_space<vmem>>
    %dma_wait3A_183 = arith.constant 9984 : i32
    %dma_wait3A_184 = tpu.memref_slice %arg7[%dma_wait3A_183] : memref<10000xi32, #tpu.memory_space<vmem>> -> memref<16xi32, #tpu.memory_space<vmem>>
    %dma_wait3A_185 = arith.constant 0 : i32
    %dma_wait3A_186 = arith.constant 0 : i32
    %dma_wait3A_187 = tpu.memref_slice %arg5[%dma_wait3A_185, %dma_wait3A_186] : memref<10000x64xf32, #tpu.memory_space<vmem_shared>> -> memref<10000x64xf32, #tpu.memory_space<vmem_shared>>
    tpu.wait_indirect_dma semaphore(%arg19 : memref<!tpu.dma_semaphore, #tpu.memory_space<semaphore_mem>>) src(%dma_wait3A_182 : memref<16x64xf32, #tpu.memory_space<vmem>>) dst(%dma_wait3A_187 : memref<10000x64xf32, #tpu.memory_space<vmem_shared>>)
    %barrier3A_188 = arith.constant 0 : index
    tpu.barrier barrier_id(%barrier3A_188)
    %lt3A_189 = arith.constant 10 : i32
    %lt3A_190 = arith.cmpi slt, %arg1, %lt3A_189 : i32
    %convert_element_type3A_191 = arith.extui %lt3A_190 : i1 to i32
    %cond3A_192 = arith.constant 0 : i32
    %cond3A_193 = arith.cmpi ne, %convert_element_type3A_191, %cond3A_192 : i32
    scf.if %cond3A_193 {
      %mul3A_194 = arith.constant 1000 : i32
      %mul3A_195 = arith.muli %arg1, %mul3A_194 : i32
      %mul3A_196 = arith.constant 1000 : i32
      %mul3A_197 = arith.muli %arg1, %mul3A_196 : i32
      "tpu.region"() ({
        %run_scoped3A = tpu.sem_alloc : memref<!tpu.dma_semaphore, #tpu.memory_space<semaphore_mem>>
        %dma_start3A_198 = arith.constant 0 : i32
        %dma_start3A_199 = tpu.memref_slice %arg4[%arg0, %mul3A_197, %dma_start3A_198] : memref<2x10000x64xf32, #tpu.memory_space<hbm>> -> memref<1x1000x64xf32, #tpu.memory_space<hbm>>
        %dma_start3A_200 = tpu.memref_squeeze %dma_start3A_199 : memref<1x1000x64xf32, #tpu.memory_space<hbm>> -> memref<1000x64xf32, #tpu.memory_space<hbm>>
        %dma_start3A_201 = arith.constant 0 : i32
        %dma_start3A_202 = tpu.memref_slice %arg5[%mul3A_195, %dma_start3A_201] : memref<10000x64xf32, #tpu.memory_space<vmem_shared>> -> memref<1000x64xf32, #tpu.memory_space<vmem_shared>>
        tpu.enqueue_dma source(%dma_start3A_202 : memref<1000x64xf32, #tpu.memory_space<vmem_shared>>) target(%dma_start3A_200 : memref<1000x64xf32, #tpu.memory_space<hbm>>) target_semaphore(%run_scoped3A : memref<!tpu.dma_semaphore, #tpu.memory_space<semaphore_mem>>)
        %dma_wait3A_203 = arith.constant 0 : i32
        %dma_wait3A_204 = tpu.memref_slice %arg4[%arg0, %mul3A_197, %dma_wait3A_203] : memref<2x10000x64xf32, #tpu.memory_space<hbm>> -> memref<1x1000x64xf32, #tpu.memory_space<hbm>>
        %dma_wait3A_205 = tpu.memref_squeeze %dma_wait3A_204 : memref<1x1000x64xf32, #tpu.memory_space<hbm>> -> memref<1000x64xf32, #tpu.memory_space<hbm>>
        %dma_wait3A_206 = arith.constant 0 : i32
        %dma_wait3A_207 = tpu.memref_slice %arg5[%mul3A_195, %dma_wait3A_206] : memref<10000x64xf32, #tpu.memory_space<vmem_shared>> -> memref<1000x64xf32, #tpu.memory_space<vmem_shared>>
        tpu.wait_dma2 semaphore(%run_scoped3A : memref<!tpu.dma_semaphore, #tpu.memory_space<semaphore_mem>>) src(%dma_wait3A_207 : memref<1000x64xf32, #tpu.memory_space<vmem_shared>>) dst(%dma_wait3A_205 : memref<1000x64xf32, #tpu.memory_space<hbm>>)
        tpu.yield
      }) : () -> ()
    } else {
    }
    return
  }
}

#map = affine_map<(d0, d1) -> (0, 0)>
#map1 = affine_map<(d0, d1) -> (0)>
module attributes {stable_mosaic.version = 14 : i64} {
  func.func @_deg_kernel(%arg0: i32, %arg1: i32, %arg2: memref<2x320000xi32, #tpu.memory_space<hbm>>, %arg3: memref<20480xf32, #tpu.memory_space<hbm>>, %arg4: memref<10240xf32, #tpu.memory_space<vmem_shared>>, %arg5: memref<10000xi32, #tpu.memory_space<vmem>>, %arg6: memref<80xf32, #tpu.memory_space<vmem>>, %arg7: memref<640xf32, #tpu.memory_space<vmem>>, %arg8: memref<!tpu.dma_semaphore, #tpu.memory_space<semaphore_mem>>, %arg9: memref<!tpu.dma_semaphore, #tpu.memory_space<semaphore_mem>>) attributes {dimension_semantics = [#tpu.dimension_semantics<core_parallel>, #tpu.dimension_semantics<subcore_parallel>], iteration_bounds = array<i64: 2, 16>, scalar_prefetch = 0 : i64, scratch_operands = 6 : i64, tpu.core_type = #tpu.core_type<sc_vector_subcore>, window_params = [{transform_indices = #map}, {transform_indices = #map1}]} {
    %mul3A = arith.constant 16 : i32
    %mul3A_0 = arith.muli %arg0, %mul3A : i32
    %add3A = arith.addi %mul3A_0, %arg1 : i32
    %mul3A_1 = arith.constant 10000 : i32
    %mul3A_2 = arith.muli %add3A, %mul3A_1 : i32
    %dma_start3A = arith.constant 1 : i32
    %dma_start3A_3 = tpu.memref_slice %arg2[%dma_start3A, %mul3A_2] : memref<2x320000xi32, #tpu.memory_space<hbm>> -> memref<1x10000xi32, #tpu.memory_space<hbm>>
    %dma_start3A_4 = tpu.memref_squeeze %dma_start3A_3 : memref<1x10000xi32, #tpu.memory_space<hbm>> -> memref<10000xi32, #tpu.memory_space<hbm>>
    %dma_start3A_5 = tpu.memref_slice %arg2[%dma_start3A, %mul3A_2] : memref<2x320000xi32, #tpu.memory_space<hbm>> -> memref<1x10000xi32, #tpu.memory_space<hbm>>
    %dma_start3A_6 = tpu.memref_squeeze %dma_start3A_5 : memref<1x10000xi32, #tpu.memory_space<hbm>> -> memref<10000xi32, #tpu.memory_space<hbm>>
    tpu.enqueue_dma source(%dma_start3A_6 : memref<10000xi32, #tpu.memory_space<hbm>>) target(%arg5 : memref<10000xi32, #tpu.memory_space<vmem>>) target_semaphore(%arg8 : memref<!tpu.dma_semaphore, #tpu.memory_space<semaphore_mem>>)
    %scan3A = arith.constant 0 : i32
    %scan3A_7 = arith.constant 0 : i32
    %scan3A_8 = arith.constant 40 : i32
    %scan3A_9 = arith.addi %scan3A_7, %scan3A_8 : i32
    %scan3A_10 = arith.constant 1 : i32
    %scan3A_11 = scf.for %scan3A_102 = %scan3A_7 to %scan3A_9 step %scan3A_10 iter_args(%scan3A_103 = %scan3A) -> (i32)  : i32 {
      %broadcast_in_dim3A_104 = arith.constant 0.000000e+00 : f32
      %broadcast_in_dim3A_105 = vector.broadcast %broadcast_in_dim3A_104 : f32 to vector<16xf32>
      %mul3A_106 = arith.constant 16 : i32
      %mul3A_107 = arith.muli %scan3A_102, %mul3A_106 : i32
      %swap3A_108 = arith.index_cast %mul3A_107 : i32 to index
      %swap3A_109 = tpu.vector_load %arg7[%swap3A_108] {strides = array<i32>} : memref<640xf32, #tpu.memory_space<vmem>>, vector<16xf32>,
      %swap3A_110 = vector.shape_cast %swap3A_109 : vector<16xf32> to vector<16xf32>
      %swap3A_111 = vector.shape_cast %broadcast_in_dim3A_105 : vector<16xf32> to vector<16xf32>
      tpu.vector_store %arg7[%swap3A_108], %swap3A_111 {strides = array<i32>} : memref<640xf32, #tpu.memory_space<vmem>>, vector<16xf32>,
      %scan3A_112 = arith.constant 0 : i32
      scf.yield %scan3A_112 : i32
    }
    %scan3A_12 = arith.constant 40 : i32
    %broadcast_in_dim3A = arith.constant 1.000000e+00 : f32
    %broadcast_in_dim3A_13 = vector.broadcast %broadcast_in_dim3A : f32 to vector<16xf32>
    %swap3A = arith.constant 0 : index
    %swap3A_14 = tpu.vector_load %arg6[%swap3A] {strides = array<i32>} : memref<80xf32, #tpu.memory_space<vmem>>, vector<16xf32>,
    %swap3A_15 = vector.shape_cast %swap3A_14 : vector<16xf32> to vector<16xf32>
    %swap3A_16 = vector.shape_cast %broadcast_in_dim3A_13 : vector<16xf32> to vector<16xf32>
    tpu.vector_store %arg6[%swap3A], %swap3A_16 {strides = array<i32>} : memref<80xf32, #tpu.memory_space<vmem>>, vector<16xf32>,
    %broadcast_in_dim3A_17 = arith.constant 1.000000e+00 : f32
    %broadcast_in_dim3A_18 = vector.broadcast %broadcast_in_dim3A_17 : f32 to vector<16xf32>
    %swap3A_19 = arith.constant 16 : index
    %swap3A_20 = tpu.vector_load %arg6[%swap3A_19] {strides = array<i32>} : memref<80xf32, #tpu.memory_space<vmem>>, vector<16xf32>,
    %swap3A_21 = vector.shape_cast %swap3A_20 : vector<16xf32> to vector<16xf32>
    %swap3A_22 = vector.shape_cast %broadcast_in_dim3A_18 : vector<16xf32> to vector<16xf32>
    tpu.vector_store %arg6[%swap3A_19], %swap3A_22 {strides = array<i32>} : memref<80xf32, #tpu.memory_space<vmem>>, vector<16xf32>,
    %broadcast_in_dim3A_23 = arith.constant 1.000000e+00 : f32
    %broadcast_in_dim3A_24 = vector.broadcast %broadcast_in_dim3A_23 : f32 to vector<16xf32>
    %swap3A_25 = arith.constant 32 : index
    %swap3A_26 = tpu.vector_load %arg6[%swap3A_25] {strides = array<i32>} : memref<80xf32, #tpu.memory_space<vmem>>, vector<16xf32>,
    %swap3A_27 = vector.shape_cast %swap3A_26 : vector<16xf32> to vector<16xf32>
    %swap3A_28 = vector.shape_cast %broadcast_in_dim3A_24 : vector<16xf32> to vector<16xf32>
    tpu.vector_store %arg6[%swap3A_25], %swap3A_28 {strides = array<i32>} : memref<80xf32, #tpu.memory_space<vmem>>, vector<16xf32>,
    %broadcast_in_dim3A_29 = arith.constant 1.000000e+00 : f32
    %broadcast_in_dim3A_30 = vector.broadcast %broadcast_in_dim3A_29 : f32 to vector<16xf32>
    %swap3A_31 = arith.constant 48 : index
    %swap3A_32 = tpu.vector_load %arg6[%swap3A_31] {strides = array<i32>} : memref<80xf32, #tpu.memory_space<vmem>>, vector<16xf32>,
    %swap3A_33 = vector.shape_cast %swap3A_32 : vector<16xf32> to vector<16xf32>
    %swap3A_34 = vector.shape_cast %broadcast_in_dim3A_30 : vector<16xf32> to vector<16xf32>
    tpu.vector_store %arg6[%swap3A_31], %swap3A_34 {strides = array<i32>} : memref<80xf32, #tpu.memory_space<vmem>>, vector<16xf32>,
    %broadcast_in_dim3A_35 = arith.constant 1.000000e+00 : f32
    %broadcast_in_dim3A_36 = vector.broadcast %broadcast_in_dim3A_35 : f32 to vector<16xf32>
    %swap3A_37 = arith.constant 64 : index
    %swap3A_38 = tpu.vector_load %arg6[%swap3A_37] {strides = array<i32>} : memref<80xf32, #tpu.memory_space<vmem>>, vector<16xf32>,
    %swap3A_39 = vector.shape_cast %swap3A_38 : vector<16xf32> to vector<16xf32>
    %swap3A_40 = vector.shape_cast %broadcast_in_dim3A_36 : vector<16xf32> to vector<16xf32>
    tpu.vector_store %arg6[%swap3A_37], %swap3A_40 {strides = array<i32>} : memref<80xf32, #tpu.memory_space<vmem>>, vector<16xf32>,
    %mul3A_41 = arith.constant 640 : i32
    %mul3A_42 = arith.muli %arg1, %mul3A_41 : i32
    "tpu.region"() ({
      %run_scoped3A = tpu.sem_alloc : memref<!tpu.dma_semaphore, #tpu.memory_space<semaphore_mem>>
      %dma_start3A_102 = tpu.memref_slice %arg4[%mul3A_42] : memref<10240xf32, #tpu.memory_space<vmem_shared>> -> memref<640xf32, #tpu.memory_space<vmem_shared>>
      %dma_start3A_103 = tpu.memref_slice %arg4[%mul3A_42] : memref<10240xf32, #tpu.memory_space<vmem_shared>> -> memref<640xf32, #tpu.memory_space<vmem_shared>>
      tpu.enqueue_dma source(%arg7 : memref<640xf32, #tpu.memory_space<vmem>>) target(%dma_start3A_103 : memref<640xf32, #tpu.memory_space<vmem_shared>>) target_semaphore(%run_scoped3A : memref<!tpu.dma_semaphore, #tpu.memory_space<semaphore_mem>>)
      %dma_wait3A_104 = tpu.memref_slice %arg4[%mul3A_42] : memref<10240xf32, #tpu.memory_space<vmem_shared>> -> memref<640xf32, #tpu.memory_space<vmem_shared>>
      %dma_wait3A_105 = tpu.memref_slice %arg4[%mul3A_42] : memref<10240xf32, #tpu.memory_space<vmem_shared>> -> memref<640xf32, #tpu.memory_space<vmem_shared>>
      tpu.wait_dma2 semaphore(%run_scoped3A : memref<!tpu.dma_semaphore, #tpu.memory_space<semaphore_mem>>) src(%arg7 : memref<640xf32, #tpu.memory_space<vmem>>) dst(%dma_wait3A_105 : memref<640xf32, #tpu.memory_space<vmem_shared>>)
      tpu.yield
    }) : () -> ()
    %barrier3A = arith.constant 0 : index
    tpu.barrier barrier_id(%barrier3A)
    %dma_wait3A = arith.constant 1 : i32
    %dma_wait3A_43 = tpu.memref_slice %arg2[%dma_wait3A, %mul3A_2] : memref<2x320000xi32, #tpu.memory_space<hbm>> -> memref<1x10000xi32, #tpu.memory_space<hbm>>
    %dma_wait3A_44 = tpu.memref_squeeze %dma_wait3A_43 : memref<1x10000xi32, #tpu.memory_space<hbm>> -> memref<10000xi32, #tpu.memory_space<hbm>>
    %dma_wait3A_45 = tpu.memref_slice %arg2[%dma_wait3A, %mul3A_2] : memref<2x320000xi32, #tpu.memory_space<hbm>> -> memref<1x10000xi32, #tpu.memory_space<hbm>>
    %dma_wait3A_46 = tpu.memref_squeeze %dma_wait3A_45 : memref<1x10000xi32, #tpu.memory_space<hbm>> -> memref<10000xi32, #tpu.memory_space<hbm>>
    tpu.wait_dma2 semaphore(%arg8 : memref<!tpu.dma_semaphore, #tpu.memory_space<semaphore_mem>>) src(%dma_wait3A_46 : memref<10000xi32, #tpu.memory_space<hbm>>) dst(%arg5 : memref<10000xi32, #tpu.memory_space<vmem>>)
    %dma_start3A_47 = arith.constant 0 : i32
    %dma_start3A_48 = tpu.memref_slice %arg5[%dma_start3A_47] : memref<10000xi32, #tpu.memory_space<vmem>> -> memref<80xi32, #tpu.memory_space<vmem>>
    %dma_start3A_49 = arith.constant 0 : i32
    %dma_start3A_50 = tpu.memref_slice %arg4[%dma_start3A_49] : memref<10240xf32, #tpu.memory_space<vmem_shared>> -> memref<10240xf32, #tpu.memory_space<vmem_shared>>
    tpu.enqueue_indirect_dma source(%arg6 : memref<80xf32, #tpu.memory_space<vmem>>) target(%dma_start3A_50 : memref<10240xf32, #tpu.memory_space<vmem_shared>>) offsets(%dma_start3A_48 : memref<80xi32, #tpu.memory_space<vmem>>) semaphore(%arg9 : memref<!tpu.dma_semaphore, #tpu.memory_space<semaphore_mem>>) {add = true}
    %dma_start3A_51 = arith.constant 80 : i32
    %dma_start3A_52 = tpu.memref_slice %arg5[%dma_start3A_51] : memref<10000xi32, #tpu.memory_space<vmem>> -> memref<80xi32, #tpu.memory_space<vmem>>
    %dma_start3A_53 = arith.constant 0 : i32
    %dma_start3A_54 = tpu.memref_slice %arg4[%dma_start3A_53] : memref<10240xf32, #tpu.memory_space<vmem_shared>> -> memref<10240xf32, #tpu.memory_space<vmem_shared>>
    tpu.enqueue_indirect_dma source(%arg6 : memref<80xf32, #tpu.memory_space<vmem>>) target(%dma_start3A_54 : memref<10240xf32, #tpu.memory_space<vmem_shared>>) offsets(%dma_start3A_52 : memref<80xi32, #tpu.memory_space<vmem>>) semaphore(%arg9 : memref<!tpu.dma_semaphore, #tpu.memory_space<semaphore_mem>>) {add = true}
    %dma_start3A_55 = arith.constant 160 : i32
    %dma_start3A_56 = tpu.memref_slice %arg5[%dma_start3A_55] : memref<10000xi32, #tpu.memory_space<vmem>> -> memref<80xi32, #tpu.memory_space<vmem>>
    %dma_start3A_57 = arith.constant 0 : i32
    %dma_start3A_58 = tpu.memref_slice %arg4[%dma_start3A_57] : memref<10240xf32, #tpu.memory_space<vmem_shared>> -> memref<10240xf32, #tpu.memory_space<vmem_shared>>
    tpu.enqueue_indirect_dma source(%arg6 : memref<80xf32, #tpu.memory_space<vmem>>) target(%dma_start3A_58 : memref<10240xf32, #tpu.memory_space<vmem_shared>>) offsets(%dma_start3A_56 : memref<80xi32, #tpu.memory_space<vmem>>) semaphore(%arg9 : memref<!tpu.dma_semaphore, #tpu.memory_space<semaphore_mem>>) {add = true}
    %dma_start3A_59 = arith.constant 240 : i32
    %dma_start3A_60 = tpu.memref_slice %arg5[%dma_start3A_59] : memref<10000xi32, #tpu.memory_space<vmem>> -> memref<80xi32, #tpu.memory_space<vmem>>
    %dma_start3A_61 = arith.constant 0 : i32
    %dma_start3A_62 = tpu.memref_slice %arg4[%dma_start3A_61] : memref<10240xf32, #tpu.memory_space<vmem_shared>> -> memref<10240xf32, #tpu.memory_space<vmem_shared>>
    tpu.enqueue_indirect_dma source(%arg6 : memref<80xf32, #tpu.memory_space<vmem>>) target(%dma_start3A_62 : memref<10240xf32, #tpu.memory_space<vmem_shared>>) offsets(%dma_start3A_60 : memref<80xi32, #tpu.memory_space<vmem>>) semaphore(%arg9 : memref<!tpu.dma_semaphore, #tpu.memory_space<semaphore_mem>>) {add = true}
    %dma_start3A_63 = arith.constant 320 : i32
    %dma_start3A_64 = tpu.memref_slice %arg5[%dma_start3A_63] : memref<10000xi32, #tpu.memory_space<vmem>> -> memref<80xi32, #tpu.memory_space<vmem>>
    %dma_start3A_65 = arith.constant 0 : i32
    %dma_start3A_66 = tpu.memref_slice %arg4[%dma_start3A_65] : memref<10240xf32, #tpu.memory_space<vmem_shared>> -> memref<10240xf32, #tpu.memory_space<vmem_shared>>
    tpu.enqueue_indirect_dma source(%arg6 : memref<80xf32, #tpu.memory_space<vmem>>) target(%dma_start3A_66 : memref<10240xf32, #tpu.memory_space<vmem_shared>>) offsets(%dma_start3A_64 : memref<80xi32, #tpu.memory_space<vmem>>) semaphore(%arg9 : memref<!tpu.dma_semaphore, #tpu.memory_space<semaphore_mem>>) {add = true}
    %scan3A_67 = arith.constant 0 : i32
    %scan3A_68 = arith.constant 0 : i32
    %scan3A_69 = arith.constant 24 : i32
    %scan3A_70 = arith.addi %scan3A_68, %scan3A_69 : i32
    %scan3A_71 = arith.constant 1 : i32
    %scan3A_72 = scf.for %scan3A_102 = %scan3A_68 to %scan3A_70 step %scan3A_71 iter_args(%scan3A_103 = %scan3A_67) -> (i32)  : i32 {
      %add3A_104 = arith.constant 1 : i32
      %add3A_105 = arith.addi %scan3A_102, %add3A_104 : i32
      %mul3A_106 = arith.constant 5 : i32
      %mul3A_107 = arith.muli %add3A_105, %mul3A_106 : i32
      %add3A_108 = arith.constant 0 : i32
      %add3A_109 = arith.addi %mul3A_107, %add3A_108 : i32
      %mul3A_110 = arith.constant 80 : i32
      %mul3A_111 = arith.muli %add3A_109, %mul3A_110 : i32
      %dma_start3A_112 = tpu.memref_slice %arg5[%mul3A_111] : memref<10000xi32, #tpu.memory_space<vmem>> -> memref<80xi32, #tpu.memory_space<vmem>>
      %dma_start3A_113 = arith.constant 0 : i32
      %dma_start3A_114 = tpu.memref_slice %arg4[%dma_start3A_113] : memref<10240xf32, #tpu.memory_space<vmem_shared>> -> memref<10240xf32, #tpu.memory_space<vmem_shared>>
      tpu.enqueue_indirect_dma source(%arg6 : memref<80xf32, #tpu.memory_space<vmem>>) target(%dma_start3A_114 : memref<10240xf32, #tpu.memory_space<vmem_shared>>) offsets(%dma_start3A_112 : memref<80xi32, #tpu.memory_space<vmem>>) semaphore(%arg9 : memref<!tpu.dma_semaphore, #tpu.memory_space<semaphore_mem>>) {add = true}
      %add3A_115 = arith.constant 1 : i32
      %add3A_116 = arith.addi %scan3A_102, %add3A_115 : i32
      %mul3A_117 = arith.constant 5 : i32
      %mul3A_118 = arith.muli %add3A_116, %mul3A_117 : i32
      %add3A_119 = arith.constant 1 : i32
      %add3A_120 = arith.addi %mul3A_118, %add3A_119 : i32
      %mul3A_121 = arith.constant 80 : i32
      %mul3A_122 = arith.muli %add3A_120, %mul3A_121 : i32
      %dma_start3A_123 = tpu.memref_slice %arg5[%mul3A_122] : memref<10000xi32, #tpu.memory_space<vmem>> -> memref<80xi32, #tpu.memory_space<vmem>>
      %dma_start3A_124 = arith.constant 0 : i32
      %dma_start3A_125 = tpu.memref_slice %arg4[%dma_start3A_124] : memref<10240xf32, #tpu.memory_space<vmem_shared>> -> memref<10240xf32, #tpu.memory_space<vmem_shared>>
      tpu.enqueue_indirect_dma source(%arg6 : memref<80xf32, #tpu.memory_space<vmem>>) target(%dma_start3A_125 : memref<10240xf32, #tpu.memory_space<vmem_shared>>) offsets(%dma_start3A_123 : memref<80xi32, #tpu.memory_space<vmem>>) semaphore(%arg9 : memref<!tpu.dma_semaphore, #tpu.memory_space<semaphore_mem>>) {add = true}
      %add3A_126 = arith.constant 1 : i32
      %add3A_127 = arith.addi %scan3A_102, %add3A_126 : i32
      %mul3A_128 = arith.constant 5 : i32
      %mul3A_129 = arith.muli %add3A_127, %mul3A_128 : i32
      %add3A_130 = arith.constant 2 : i32
      %add3A_131 = arith.addi %mul3A_129, %add3A_130 : i32
      %mul3A_132 = arith.constant 80 : i32
      %mul3A_133 = arith.muli %add3A_131, %mul3A_132 : i32
      %dma_start3A_134 = tpu.memref_slice %arg5[%mul3A_133] : memref<10000xi32, #tpu.memory_space<vmem>> -> memref<80xi32, #tpu.memory_space<vmem>>
      %dma_start3A_135 = arith.constant 0 : i32
      %dma_start3A_136 = tpu.memref_slice %arg4[%dma_start3A_135] : memref<10240xf32, #tpu.memory_space<vmem_shared>> -> memref<10240xf32, #tpu.memory_space<vmem_shared>>
      tpu.enqueue_indirect_dma source(%arg6 : memref<80xf32, #tpu.memory_space<vmem>>) target(%dma_start3A_136 : memref<10240xf32, #tpu.memory_space<vmem_shared>>) offsets(%dma_start3A_134 : memref<80xi32, #tpu.memory_space<vmem>>) semaphore(%arg9 : memref<!tpu.dma_semaphore, #tpu.memory_space<semaphore_mem>>) {add = true}
      %add3A_137 = arith.constant 1 : i32
      %add3A_138 = arith.addi %scan3A_102, %add3A_137 : i32
      %mul3A_139 = arith.constant 5 : i32
      %mul3A_140 = arith.muli %add3A_138, %mul3A_139 : i32
      %add3A_141 = arith.constant 3 : i32
      %add3A_142 = arith.addi %mul3A_140, %add3A_141 : i32
      %mul3A_143 = arith.constant 80 : i32
      %mul3A_144 = arith.muli %add3A_142, %mul3A_143 : i32
      %dma_start3A_145 = tpu.memref_slice %arg5[%mul3A_144] : memref<10000xi32, #tpu.memory_space<vmem>> -> memref<80xi32, #tpu.memory_space<vmem>>
      %dma_start3A_146 = arith.constant 0 : i32
      %dma_start3A_147 = tpu.memref_slice %arg4[%dma_start3A_146] : memref<10240xf32, #tpu.memory_space<vmem_shared>> -> memref<10240xf32, #tpu.memory_space<vmem_shared>>
      tpu.enqueue_indirect_dma source(%arg6 : memref<80xf32, #tpu.memory_space<vmem>>) target(%dma_start3A_147 : memref<10240xf32, #tpu.memory_space<vmem_shared>>) offsets(%dma_start3A_145 : memref<80xi32, #tpu.memory_space<vmem>>) semaphore(%arg9 : memref<!tpu.dma_semaphore, #tpu.memory_space<semaphore_mem>>) {add = true}
      %add3A_148 = arith.constant 1 : i32
      %add3A_149 = arith.addi %scan3A_102, %add3A_148 : i32
      %mul3A_150 = arith.constant 5 : i32
      %mul3A_151 = arith.muli %add3A_149, %mul3A_150 : i32
      %add3A_152 = arith.constant 4 : i32
      %add3A_153 = arith.addi %mul3A_151, %add3A_152 : i32
      %mul3A_154 = arith.constant 80 : i32
      %mul3A_155 = arith.muli %add3A_153, %mul3A_154 : i32
      %dma_start3A_156 = tpu.memref_slice %arg5[%mul3A_155] : memref<10000xi32, #tpu.memory_space<vmem>> -> memref<80xi32, #tpu.memory_space<vmem>>
      %dma_start3A_157 = arith.constant 0 : i32
      %dma_start3A_158 = tpu.memref_slice %arg4[%dma_start3A_157] : memref<10240xf32, #tpu.memory_space<vmem_shared>> -> memref<10240xf32, #tpu.memory_space<vmem_shared>>
      tpu.enqueue_indirect_dma source(%arg6 : memref<80xf32, #tpu.memory_space<vmem>>) target(%dma_start3A_158 : memref<10240xf32, #tpu.memory_space<vmem_shared>>) offsets(%dma_start3A_156 : memref<80xi32, #tpu.memory_space<vmem>>) semaphore(%arg9 : memref<!tpu.dma_semaphore, #tpu.memory_space<semaphore_mem>>) {add = true}
      %mul3A_159 = arith.constant 5 : i32
      %mul3A_160 = arith.muli %scan3A_102, %mul3A_159 : i32
      %add3A_161 = arith.constant 0 : i32
      %add3A_162 = arith.addi %mul3A_160, %add3A_161 : i32
      %mul3A_163 = arith.constant 80 : i32
      %mul3A_164 = arith.muli %add3A_162, %mul3A_163 : i32
      %dma_wait3A_165 = tpu.memref_slice %arg5[%mul3A_164] : memref<10000xi32, #tpu.memory_space<vmem>> -> memref<80xi32, #tpu.memory_space<vmem>>
      %dma_wait3A_166 = arith.constant 0 : i32
      %dma_wait3A_167 = tpu.memref_slice %arg4[%dma_wait3A_166] : memref<10240xf32, #tpu.memory_space<vmem_shared>> -> memref<10240xf32, #tpu.memory_space<vmem_shared>>
      tpu.wait_indirect_dma semaphore(%arg9 : memref<!tpu.dma_semaphore, #tpu.memory_space<semaphore_mem>>) src(%arg6 : memref<80xf32, #tpu.memory_space<vmem>>) dst(%dma_wait3A_167 : memref<10240xf32, #tpu.memory_space<vmem_shared>>)
      %mul3A_168 = arith.constant 5 : i32
      %mul3A_169 = arith.muli %scan3A_102, %mul3A_168 : i32
      %add3A_170 = arith.constant 1 : i32
      %add3A_171 = arith.addi %mul3A_169, %add3A_170 : i32
      %mul3A_172 = arith.constant 80 : i32
      %mul3A_173 = arith.muli %add3A_171, %mul3A_172 : i32
      %dma_wait3A_174 = tpu.memref_slice %arg5[%mul3A_173] : memref<10000xi32, #tpu.memory_space<vmem>> -> memref<80xi32, #tpu.memory_space<vmem>>
      %dma_wait3A_175 = arith.constant 0 : i32
      %dma_wait3A_176 = tpu.memref_slice %arg4[%dma_wait3A_175] : memref<10240xf32, #tpu.memory_space<vmem_shared>> -> memref<10240xf32, #tpu.memory_space<vmem_shared>>
      tpu.wait_indirect_dma semaphore(%arg9 : memref<!tpu.dma_semaphore, #tpu.memory_space<semaphore_mem>>) src(%arg6 : memref<80xf32, #tpu.memory_space<vmem>>) dst(%dma_wait3A_176 : memref<10240xf32, #tpu.memory_space<vmem_shared>>)
      %mul3A_177 = arith.constant 5 : i32
      %mul3A_178 = arith.muli %scan3A_102, %mul3A_177 : i32
      %add3A_179 = arith.constant 2 : i32
      %add3A_180 = arith.addi %mul3A_178, %add3A_179 : i32
      %mul3A_181 = arith.constant 80 : i32
      %mul3A_182 = arith.muli %add3A_180, %mul3A_181 : i32
      %dma_wait3A_183 = tpu.memref_slice %arg5[%mul3A_182] : memref<10000xi32, #tpu.memory_space<vmem>> -> memref<80xi32, #tpu.memory_space<vmem>>
      %dma_wait3A_184 = arith.constant 0 : i32
      %dma_wait3A_185 = tpu.memref_slice %arg4[%dma_wait3A_184] : memref<10240xf32, #tpu.memory_space<vmem_shared>> -> memref<10240xf32, #tpu.memory_space<vmem_shared>>
      tpu.wait_indirect_dma semaphore(%arg9 : memref<!tpu.dma_semaphore, #tpu.memory_space<semaphore_mem>>) src(%arg6 : memref<80xf32, #tpu.memory_space<vmem>>) dst(%dma_wait3A_185 : memref<10240xf32, #tpu.memory_space<vmem_shared>>)
      %mul3A_186 = arith.constant 5 : i32
      %mul3A_187 = arith.muli %scan3A_102, %mul3A_186 : i32
      %add3A_188 = arith.constant 3 : i32
      %add3A_189 = arith.addi %mul3A_187, %add3A_188 : i32
      %mul3A_190 = arith.constant 80 : i32
      %mul3A_191 = arith.muli %add3A_189, %mul3A_190 : i32
      %dma_wait3A_192 = tpu.memref_slice %arg5[%mul3A_191] : memref<10000xi32, #tpu.memory_space<vmem>> -> memref<80xi32, #tpu.memory_space<vmem>>
      %dma_wait3A_193 = arith.constant 0 : i32
      %dma_wait3A_194 = tpu.memref_slice %arg4[%dma_wait3A_193] : memref<10240xf32, #tpu.memory_space<vmem_shared>> -> memref<10240xf32, #tpu.memory_space<vmem_shared>>
      tpu.wait_indirect_dma semaphore(%arg9 : memref<!tpu.dma_semaphore, #tpu.memory_space<semaphore_mem>>) src(%arg6 : memref<80xf32, #tpu.memory_space<vmem>>) dst(%dma_wait3A_194 : memref<10240xf32, #tpu.memory_space<vmem_shared>>)
      %mul3A_195 = arith.constant 5 : i32
      %mul3A_196 = arith.muli %scan3A_102, %mul3A_195 : i32
      %add3A_197 = arith.constant 4 : i32
      %add3A_198 = arith.addi %mul3A_196, %add3A_197 : i32
      %mul3A_199 = arith.constant 80 : i32
      %mul3A_200 = arith.muli %add3A_198, %mul3A_199 : i32
      %dma_wait3A_201 = tpu.memref_slice %arg5[%mul3A_200] : memref<10000xi32, #tpu.memory_space<vmem>> -> memref<80xi32, #tpu.memory_space<vmem>>
      %dma_wait3A_202 = arith.constant 0 : i32
      %dma_wait3A_203 = tpu.memref_slice %arg4[%dma_wait3A_202] : memref<10240xf32, #tpu.memory_space<vmem_shared>> -> memref<10240xf32, #tpu.memory_space<vmem_shared>>
      tpu.wait_indirect_dma semaphore(%arg9 : memref<!tpu.dma_semaphore, #tpu.memory_space<semaphore_mem>>) src(%arg6 : memref<80xf32, #tpu.memory_space<vmem>>) dst(%dma_wait3A_203 : memref<10240xf32, #tpu.memory_space<vmem_shared>>)
      %scan3A_204 = arith.constant 0 : i32
      scf.yield %scan3A_204 : i32
    }
    %scan3A_73 = arith.constant 24 : i32
    %dma_wait3A_74 = arith.constant 9600 : i32
    %dma_wait3A_75 = tpu.memref_slice %arg5[%dma_wait3A_74] : memref<10000xi32, #tpu.memory_space<vmem>> -> memref<80xi32, #tpu.memory_space<vmem>>
    %dma_wait3A_76 = arith.constant 0 : i32
    %dma_wait3A_77 = tpu.memref_slice %arg4[%dma_wait3A_76] : memref<10240xf32, #tpu.memory_space<vmem_shared>> -> memref<10240xf32, #tpu.memory_space<vmem_shared>>
    tpu.wait_indirect_dma semaphore(%arg9 : memref<!tpu.dma_semaphore, #tpu.memory_space<semaphore_mem>>) src(%arg6 : memref<80xf32, #tpu.memory_space<vmem>>) dst(%dma_wait3A_77 : memref<10240xf32, #tpu.memory_space<vmem_shared>>)
    %dma_wait3A_78 = arith.constant 9680 : i32
    %dma_wait3A_79 = tpu.memref_slice %arg5[%dma_wait3A_78] : memref<10000xi32, #tpu.memory_space<vmem>> -> memref<80xi32, #tpu.memory_space<vmem>>
    %dma_wait3A_80 = arith.constant 0 : i32
    %dma_wait3A_81 = tpu.memref_slice %arg4[%dma_wait3A_80] : memref<10240xf32, #tpu.memory_space<vmem_shared>> -> memref<10240xf32, #tpu.memory_space<vmem_shared>>
    tpu.wait_indirect_dma semaphore(%arg9 : memref<!tpu.dma_semaphore, #tpu.memory_space<semaphore_mem>>) src(%arg6 : memref<80xf32, #tpu.memory_space<vmem>>) dst(%dma_wait3A_81 : memref<10240xf32, #tpu.memory_space<vmem_shared>>)
    %dma_wait3A_82 = arith.constant 9760 : i32
    %dma_wait3A_83 = tpu.memref_slice %arg5[%dma_wait3A_82] : memref<10000xi32, #tpu.memory_space<vmem>> -> memref<80xi32, #tpu.memory_space<vmem>>
    %dma_wait3A_84 = arith.constant 0 : i32
    %dma_wait3A_85 = tpu.memref_slice %arg4[%dma_wait3A_84] : memref<10240xf32, #tpu.memory_space<vmem_shared>> -> memref<10240xf32, #tpu.memory_space<vmem_shared>>
    tpu.wait_indirect_dma semaphore(%arg9 : memref<!tpu.dma_semaphore, #tpu.memory_space<semaphore_mem>>) src(%arg6 : memref<80xf32, #tpu.memory_space<vmem>>) dst(%dma_wait3A_85 : memref<10240xf32, #tpu.memory_space<vmem_shared>>)
    %dma_wait3A_86 = arith.constant 9840 : i32
    %dma_wait3A_87 = tpu.memref_slice %arg5[%dma_wait3A_86] : memref<10000xi32, #tpu.memory_space<vmem>> -> memref<80xi32, #tpu.memory_space<vmem>>
    %dma_wait3A_88 = arith.constant 0 : i32
    %dma_wait3A_89 = tpu.memref_slice %arg4[%dma_wait3A_88] : memref<10240xf32, #tpu.memory_space<vmem_shared>> -> memref<10240xf32, #tpu.memory_space<vmem_shared>>
    tpu.wait_indirect_dma semaphore(%arg9 : memref<!tpu.dma_semaphore, #tpu.memory_space<semaphore_mem>>) src(%arg6 : memref<80xf32, #tpu.memory_space<vmem>>) dst(%dma_wait3A_89 : memref<10240xf32, #tpu.memory_space<vmem_shared>>)
    %dma_wait3A_90 = arith.constant 9920 : i32
    %dma_wait3A_91 = tpu.memref_slice %arg5[%dma_wait3A_90] : memref<10000xi32, #tpu.memory_space<vmem>> -> memref<80xi32, #tpu.memory_space<vmem>>
    %dma_wait3A_92 = arith.constant 0 : i32
    %dma_wait3A_93 = tpu.memref_slice %arg4[%dma_wait3A_92] : memref<10240xf32, #tpu.memory_space<vmem_shared>> -> memref<10240xf32, #tpu.memory_space<vmem_shared>>
    tpu.wait_indirect_dma semaphore(%arg9 : memref<!tpu.dma_semaphore, #tpu.memory_space<semaphore_mem>>) src(%arg6 : memref<80xf32, #tpu.memory_space<vmem>>) dst(%dma_wait3A_93 : memref<10240xf32, #tpu.memory_space<vmem_shared>>)
    %barrier3A_94 = arith.constant 0 : index
    tpu.barrier barrier_id(%barrier3A_94)
    %mul3A_95 = arith.constant 640 : i32
    %mul3A_96 = arith.muli %arg1, %mul3A_95 : i32
    %mul3A_97 = arith.constant 10240 : i32
    %mul3A_98 = arith.muli %arg0, %mul3A_97 : i32
    %mul3A_99 = arith.constant 640 : i32
    %mul3A_100 = arith.muli %arg1, %mul3A_99 : i32
    %add3A_101 = arith.addi %mul3A_98, %mul3A_100 : i32
    "tpu.region"() ({
      %run_scoped3A = tpu.sem_alloc : memref<!tpu.dma_semaphore, #tpu.memory_space<semaphore_mem>>
      %dma_start3A_102 = tpu.memref_slice %arg3[%add3A_101] : memref<20480xf32, #tpu.memory_space<hbm>> -> memref<640xf32, #tpu.memory_space<hbm>>
      %dma_start3A_103 = tpu.memref_slice %arg4[%mul3A_96] : memref<10240xf32, #tpu.memory_space<vmem_shared>> -> memref<640xf32, #tpu.memory_space<vmem_shared>>
      tpu.enqueue_dma source(%dma_start3A_103 : memref<640xf32, #tpu.memory_space<vmem_shared>>) target(%dma_start3A_102 : memref<640xf32, #tpu.memory_space<hbm>>) target_semaphore(%run_scoped3A : memref<!tpu.dma_semaphore, #tpu.memory_space<semaphore_mem>>)
      %dma_wait3A_104 = tpu.memref_slice %arg3[%add3A_101] : memref<20480xf32, #tpu.memory_space<hbm>> -> memref<640xf32, #tpu.memory_space<hbm>>
      %dma_wait3A_105 = tpu.memref_slice %arg4[%mul3A_96] : memref<10240xf32, #tpu.memory_space<vmem_shared>> -> memref<640xf32, #tpu.memory_space<vmem_shared>>
      tpu.wait_dma2 semaphore(%run_scoped3A : memref<!tpu.dma_semaphore, #tpu.memory_space<semaphore_mem>>) src(%dma_wait3A_105 : memref<640xf32, #tpu.memory_space<vmem_shared>>) dst(%dma_wait3A_104 : memref<640xf32, #tpu.memory_space<hbm>>)
      tpu.yield
    }) : () -> ()
    return
  }
}

#map = affine_map<(d0, d1) -> (0, 0)>
#map1 = affine_map<(d0, d1) -> (0, 0, 0)>
module attributes {stable_mosaic.version = 14 : i64} {
  func.func @_agg(%arg0: i32, %arg1: i32, %arg2: memref<10000x64xf32, #tpu.memory_space<hbm>>, %arg3: memref<2x320000xi32, #tpu.memory_space<hbm>>, %arg4: memref<2x10000x64xf32, #tpu.memory_space<hbm>>, %arg5: memref<10000x64xf32, #tpu.memory_space<vmem_shared>>, %arg6: memref<10000xi32, #tpu.memory_space<vmem>>, %arg7: memref<10000xi32, #tpu.memory_space<vmem>>, %arg8: memref<128x64xf32, #tpu.memory_space<vmem>>, %arg9: memref<128x64xf32, #tpu.memory_space<vmem>>, %arg10: memref<128x64xf32, #tpu.memory_space<vmem>>, %arg11: memref<128x64xf32, #tpu.memory_space<vmem>>, %arg12: memref<!tpu.dma_semaphore, #tpu.memory_space<semaphore_mem>>, %arg13: memref<!tpu.dma_semaphore, #tpu.memory_space<semaphore_mem>>, %arg14: memref<!tpu.dma_semaphore, #tpu.memory_space<semaphore_mem>>, %arg15: memref<!tpu.dma_semaphore, #tpu.memory_space<semaphore_mem>>, %arg16: memref<!tpu.dma_semaphore, #tpu.memory_space<semaphore_mem>>, %arg17: memref<!tpu.dma_semaphore, #tpu.memory_space<semaphore_mem>>, %arg18: memref<!tpu.dma_semaphore, #tpu.memory_space<semaphore_mem>>, %arg19: memref<!tpu.dma_semaphore, #tpu.memory_space<semaphore_mem>>, %arg20: memref<!tpu.dma_semaphore, #tpu.memory_space<semaphore_mem>>) attributes {dimension_semantics = [#tpu.dimension_semantics<core_parallel>, #tpu.dimension_semantics<subcore_parallel>], iteration_bounds = array<i64: 2, 16>, scalar_prefetch = 0 : i64, scratch_operands = 16 : i64, tpu.core_type = #tpu.core_type<sc_vector_subcore>, window_params = [{transform_indices = #map}, {transform_indices = #map}, {transform_indices = #map1}]} {
    %mul3A = arith.constant 16 : i32
    %mul3A_0 = arith.muli %arg0, %mul3A : i32
    %add3A = arith.addi %mul3A_0, %arg1 : i32
    %mul3A_1 = arith.constant 10000 : i32
    %mul3A_2 = arith.muli %add3A, %mul3A_1 : i32
    %dma_start3A = arith.constant 0 : i32
    %dma_start3A_3 = tpu.memref_slice %arg3[%dma_start3A, %mul3A_2] : memref<2x320000xi32, #tpu.memory_space<hbm>> -> memref<1x10000xi32, #tpu.memory_space<hbm>>
    %dma_start3A_4 = tpu.memref_squeeze %dma_start3A_3 : memref<1x10000xi32, #tpu.memory_space<hbm>> -> memref<10000xi32, #tpu.memory_space<hbm>>
    %dma_start3A_5 = tpu.memref_slice %arg3[%dma_start3A, %mul3A_2] : memref<2x320000xi32, #tpu.memory_space<hbm>> -> memref<1x10000xi32, #tpu.memory_space<hbm>>
    %dma_start3A_6 = tpu.memref_squeeze %dma_start3A_5 : memref<1x10000xi32, #tpu.memory_space<hbm>> -> memref<10000xi32, #tpu.memory_space<hbm>>
    tpu.enqueue_dma source(%dma_start3A_6 : memref<10000xi32, #tpu.memory_space<hbm>>) target(%arg6 : memref<10000xi32, #tpu.memory_space<vmem>>) target_semaphore(%arg12 : memref<!tpu.dma_semaphore, #tpu.memory_space<semaphore_mem>>)
    %dma_start3A_7 = arith.constant 1 : i32
    %dma_start3A_8 = tpu.memref_slice %arg3[%dma_start3A_7, %mul3A_2] : memref<2x320000xi32, #tpu.memory_space<hbm>> -> memref<1x10000xi32, #tpu.memory_space<hbm>>
    %dma_start3A_9 = tpu.memref_squeeze %dma_start3A_8 : memref<1x10000xi32, #tpu.memory_space<hbm>> -> memref<10000xi32, #tpu.memory_space<hbm>>
    %dma_start3A_10 = tpu.memref_slice %arg3[%dma_start3A_7, %mul3A_2] : memref<2x320000xi32, #tpu.memory_space<hbm>> -> memref<1x10000xi32, #tpu.memory_space<hbm>>
    %dma_start3A_11 = tpu.memref_squeeze %dma_start3A_10 : memref<1x10000xi32, #tpu.memory_space<hbm>> -> memref<10000xi32, #tpu.memory_space<hbm>>
    tpu.enqueue_dma source(%dma_start3A_11 : memref<10000xi32, #tpu.memory_space<hbm>>) target(%arg7 : memref<10000xi32, #tpu.memory_space<vmem>>) target_semaphore(%arg12 : memref<!tpu.dma_semaphore, #tpu.memory_space<semaphore_mem>>)
    %scan3A = arith.constant 0 : i32
    %scan3A_12 = arith.constant 0 : i32
    %scan3A_13 = arith.constant 40 : i32
    %scan3A_14 = arith.addi %scan3A_12, %scan3A_13 : i32
    %scan3A_15 = arith.constant 1 : i32
    %scan3A_16 = scf.for %scan3A_194 = %scan3A_12 to %scan3A_14 step %scan3A_15 iter_args(%scan3A_195 = %scan3A) -> (i32)  : i32 {
      %broadcast_in_dim3A = arith.constant 0.000000e+00 : f32
      %broadcast_in_dim3A_196 = vector.broadcast %broadcast_in_dim3A : f32 to vector<16xf32>
      %swap3A = arith.index_cast %scan3A_194 : i32 to index
      %swap3A_197 = arith.constant 0 : index
      %swap3A_198 = tpu.vector_load %arg8[%swap3A, %swap3A_197] {strides = array<i32>} : memref<128x64xf32, #tpu.memory_space<vmem>>, vector<1x16xf32>,
      %swap3A_199 = vector.shape_cast %swap3A_198 : vector<1x16xf32> to vector<16xf32>
      %swap3A_200 = vector.shape_cast %broadcast_in_dim3A_196 : vector<16xf32> to vector<1x16xf32>
      tpu.vector_store %arg8[%swap3A, %swap3A_197], %swap3A_200 {strides = array<i32>} : memref<128x64xf32, #tpu.memory_space<vmem>>, vector<1x16xf32>,
      %broadcast_in_dim3A_201 = arith.constant 0.000000e+00 : f32
      %broadcast_in_dim3A_202 = vector.broadcast %broadcast_in_dim3A_201 : f32 to vector<16xf32>
      %swap3A_203 = arith.index_cast %scan3A_194 : i32 to index
      %swap3A_204 = arith.constant 16 : index
      %swap3A_205 = tpu.vector_load %arg8[%swap3A_203, %swap3A_204] {strides = array<i32>} : memref<128x64xf32, #tpu.memory_space<vmem>>, vector<1x16xf32>,
      %swap3A_206 = vector.shape_cast %swap3A_205 : vector<1x16xf32> to vector<16xf32>
      %swap3A_207 = vector.shape_cast %broadcast_in_dim3A_202 : vector<16xf32> to vector<1x16xf32>
      tpu.vector_store %arg8[%swap3A_203, %swap3A_204], %swap3A_207 {strides = array<i32>} : memref<128x64xf32, #tpu.memory_space<vmem>>, vector<1x16xf32>,
      %broadcast_in_dim3A_208 = arith.constant 0.000000e+00 : f32
      %broadcast_in_dim3A_209 = vector.broadcast %broadcast_in_dim3A_208 : f32 to vector<16xf32>
      %swap3A_210 = arith.index_cast %scan3A_194 : i32 to index
      %swap3A_211 = arith.constant 32 : index
      %swap3A_212 = tpu.vector_load %arg8[%swap3A_210, %swap3A_211] {strides = array<i32>} : memref<128x64xf32, #tpu.memory_space<vmem>>, vector<1x16xf32>,
      %swap3A_213 = vector.shape_cast %swap3A_212 : vector<1x16xf32> to vector<16xf32>
      %swap3A_214 = vector.shape_cast %broadcast_in_dim3A_209 : vector<16xf32> to vector<1x16xf32>
      tpu.vector_store %arg8[%swap3A_210, %swap3A_211], %swap3A_214 {strides = array<i32>} : memref<128x64xf32, #tpu.memory_space<vmem>>, vector<1x16xf32>,
      %broadcast_in_dim3A_215 = arith.constant 0.000000e+00 : f32
      %broadcast_in_dim3A_216 = vector.broadcast %broadcast_in_dim3A_215 : f32 to vector<16xf32>
      %swap3A_217 = arith.index_cast %scan3A_194 : i32 to index
      %swap3A_218 = arith.constant 48 : index
      %swap3A_219 = tpu.vector_load %arg8[%swap3A_217, %swap3A_218] {strides = array<i32>} : memref<128x64xf32, #tpu.memory_space<vmem>>, vector<1x16xf32>,
      %swap3A_220 = vector.shape_cast %swap3A_219 : vector<1x16xf32> to vector<16xf32>
      %swap3A_221 = vector.shape_cast %broadcast_in_dim3A_216 : vector<16xf32> to vector<1x16xf32>
      tpu.vector_store %arg8[%swap3A_217, %swap3A_218], %swap3A_221 {strides = array<i32>} : memref<128x64xf32, #tpu.memory_space<vmem>>, vector<1x16xf32>,
      %scan3A_222 = arith.constant 0 : i32
      scf.yield %scan3A_222 : i32
    }
    %scan3A_17 = arith.constant 40 : i32
    %lt3A = arith.constant 10 : i32
    %lt3A_18 = arith.cmpi slt, %arg1, %lt3A : i32
    %convert_element_type3A = arith.extui %lt3A_18 : i1 to i32
    %cond3A = arith.constant 0 : i32
    %cond3A_19 = arith.cmpi ne, %convert_element_type3A, %cond3A : i32
    scf.if %cond3A_19 {
      %mul3A_194 = arith.constant 1000 : i32
      %mul3A_195 = arith.muli %arg1, %mul3A_194 : i32
      %add3A_196 = arith.constant 0 : i32
      %add3A_197 = arith.addi %mul3A_195, %add3A_196 : i32
      %dma_start3A_198 = arith.constant 0 : i32
      %dma_start3A_199 = arith.constant 0 : i32
      %dma_start3A_200 = tpu.memref_slice %arg8[%dma_start3A_198, %dma_start3A_199] : memref<128x64xf32, #tpu.memory_space<vmem>> -> memref<40x64xf32, #tpu.memory_space<vmem>>
      %dma_start3A_201 = arith.constant 0 : i32
      %dma_start3A_202 = tpu.memref_slice %arg5[%add3A_197, %dma_start3A_201] : memref<10000x64xf32, #tpu.memory_space<vmem_shared>> -> memref<40x64xf32, #tpu.memory_space<vmem_shared>>
      %dma_start3A_203 = arith.constant 0 : i32
      %dma_start3A_204 = tpu.memref_slice %arg5[%add3A_197, %dma_start3A_203] : memref<10000x64xf32, #tpu.memory_space<vmem_shared>> -> memref<40x64xf32, #tpu.memory_space<vmem_shared>>
      %dma_start3A_205 = arith.constant 0 : i32
      %dma_start3A_206 = arith.constant 0 : i32
      %dma_start3A_207 = tpu.memref_slice %arg8[%dma_start3A_205, %dma_start3A_206] : memref<128x64xf32, #tpu.memory_space<vmem>> -> memref<40x64xf32, #tpu.memory_space<vmem>>
      tpu.enqueue_dma source(%dma_start3A_207 : memref<40x64xf32, #tpu.memory_space<vmem>>) target(%dma_start3A_204 : memref<40x64xf32, #tpu.memory_space<vmem_shared>>) target_semaphore(%arg13 : memref<!tpu.dma_semaphore, #tpu.memory_space<semaphore_mem>>)
      %mul3A_208 = arith.constant 1000 : i32
      %mul3A_209 = arith.muli %arg1, %mul3A_208 : i32
      %add3A_210 = arith.constant 40 : i32
      %add3A_211 = arith.addi %mul3A_209, %add3A_210 : i32
      %dma_start3A_212 = arith.constant 0 : i32
      %dma_start3A_213 = arith.constant 0 : i32
      %dma_start3A_214 = tpu.memref_slice %arg8[%dma_start3A_212, %dma_start3A_213] : memref<128x64xf32, #tpu.memory_space<vmem>> -> memref<40x64xf32, #tpu.memory_space<vmem>>
      %dma_start3A_215 = arith.constant 0 : i32
      %dma_start3A_216 = tpu.memref_slice %arg5[%add3A_211, %dma_start3A_215] : memref<10000x64xf32, #tpu.memory_space<vmem_shared>> -> memref<40x64xf32, #tpu.memory_space<vmem_shared>>
      %dma_start3A_217 = arith.constant 0 : i32
      %dma_start3A_218 = tpu.memref_slice %arg5[%add3A_211, %dma_start3A_217] : memref<10000x64xf32, #tpu.memory_space<vmem_shared>> -> memref<40x64xf32, #tpu.memory_space<vmem_shared>>
      %dma_start3A_219 = arith.constant 0 : i32
      %dma_start3A_220 = arith.constant 0 : i32
      %dma_start3A_221 = tpu.memref_slice %arg8[%dma_start3A_219, %dma_start3A_220] : memref<128x64xf32, #tpu.memory_space<vmem>> -> memref<40x64xf32, #tpu.memory_space<vmem>>
      tpu.enqueue_dma source(%dma_start3A_221 : memref<40x64xf32, #tpu.memory_space<vmem>>) target(%dma_start3A_218 : memref<40x64xf32, #tpu.memory_space<vmem_shared>>) target_semaphore(%arg13 : memref<!tpu.dma_semaphore, #tpu.memory_space<semaphore_mem>>)
      %mul3A_222 = arith.constant 1000 : i32
      %mul3A_223 = arith.muli %arg1, %mul3A_222 : i32
      %add3A_224 = arith.constant 80 : i32
      %add3A_225 = arith.addi %mul3A_223, %add3A_224 : i32
      %dma_start3A_226 = arith.constant 0 : i32
      %dma_start3A_227 = arith.constant 0 : i32
      %dma_start3A_228 = tpu.memref_slice %arg8[%dma_start3A_226, %dma_start3A_227] : memref<128x64xf32, #tpu.memory_space<vmem>> -> memref<40x64xf32, #tpu.memory_space<vmem>>
      %dma_start3A_229 = arith.constant 0 : i32
      %dma_start3A_230 = tpu.memref_slice %arg5[%add3A_225, %dma_start3A_229] : memref<10000x64xf32, #tpu.memory_space<vmem_shared>> -> memref<40x64xf32, #tpu.memory_space<vmem_shared>>
      %dma_start3A_231 = arith.constant 0 : i32
      %dma_start3A_232 = tpu.memref_slice %arg5[%add3A_225, %dma_start3A_231] : memref<10000x64xf32, #tpu.memory_space<vmem_shared>> -> memref<40x64xf32, #tpu.memory_space<vmem_shared>>
      %dma_start3A_233 = arith.constant 0 : i32
      %dma_start3A_234 = arith.constant 0 : i32
      %dma_start3A_235 = tpu.memref_slice %arg8[%dma_start3A_233, %dma_start3A_234] : memref<128x64xf32, #tpu.memory_space<vmem>> -> memref<40x64xf32, #tpu.memory_space<vmem>>
      tpu.enqueue_dma source(%dma_start3A_235 : memref<40x64xf32, #tpu.memory_space<vmem>>) target(%dma_start3A_232 : memref<40x64xf32, #tpu.memory_space<vmem_shared>>) target_semaphore(%arg13 : memref<!tpu.dma_semaphore, #tpu.memory_space<semaphore_mem>>)
      %mul3A_236 = arith.constant 1000 : i32
      %mul3A_237 = arith.muli %arg1, %mul3A_236 : i32
      %add3A_238 = arith.constant 120 : i32
      %add3A_239 = arith.addi %mul3A_237, %add3A_238 : i32
      %dma_start3A_240 = arith.constant 0 : i32
      %dma_start3A_241 = arith.constant 0 : i32
      %dma_start3A_242 = tpu.memref_slice %arg8[%dma_start3A_240, %dma_start3A_241] : memref<128x64xf32, #tpu.memory_space<vmem>> -> memref<40x64xf32, #tpu.memory_space<vmem>>
      %dma_start3A_243 = arith.constant 0 : i32
      %dma_start3A_244 = tpu.memref_slice %arg5[%add3A_239, %dma_start3A_243] : memref<10000x64xf32, #tpu.memory_space<vmem_shared>> -> memref<40x64xf32, #tpu.memory_space<vmem_shared>>
      %dma_start3A_245 = arith.constant 0 : i32
      %dma_start3A_246 = tpu.memref_slice %arg5[%add3A_239, %dma_start3A_245] : memref<10000x64xf32, #tpu.memory_space<vmem_shared>> -> memref<40x64xf32, #tpu.memory_space<vmem_shared>>
      %dma_start3A_247 = arith.constant 0 : i32
      %dma_start3A_248 = arith.constant 0 : i32
      %dma_start3A_249 = tpu.memref_slice %arg8[%dma_start3A_247, %dma_start3A_248] : memref<128x64xf32, #tpu.memory_space<vmem>> -> memref<40x64xf32, #tpu.memory_space<vmem>>
      tpu.enqueue_dma source(%dma_start3A_249 : memref<40x64xf32, #tpu.memory_space<vmem>>) target(%dma_start3A_246 : memref<40x64xf32, #tpu.memory_space<vmem_shared>>) target_semaphore(%arg13 : memref<!tpu.dma_semaphore, #tpu.memory_space<semaphore_mem>>)
      %mul3A_250 = arith.constant 1000 : i32
      %mul3A_251 = arith.muli %arg1, %mul3A_250 : i32
      %add3A_252 = arith.constant 160 : i32
      %add3A_253 = arith.addi %mul3A_251, %add3A_252 : i32
      %dma_start3A_254 = arith.constant 0 : i32
      %dma_start3A_255 = arith.constant 0 : i32
      %dma_start3A_256 = tpu.memref_slice %arg8[%dma_start3A_254, %dma_start3A_255] : memref<128x64xf32, #tpu.memory_space<vmem>> -> memref<40x64xf32, #tpu.memory_space<vmem>>
      %dma_start3A_257 = arith.constant 0 : i32
      %dma_start3A_258 = tpu.memref_slice %arg5[%add3A_253, %dma_start3A_257] : memref<10000x64xf32, #tpu.memory_space<vmem_shared>> -> memref<40x64xf32, #tpu.memory_space<vmem_shared>>
      %dma_start3A_259 = arith.constant 0 : i32
      %dma_start3A_260 = tpu.memref_slice %arg5[%add3A_253, %dma_start3A_259] : memref<10000x64xf32, #tpu.memory_space<vmem_shared>> -> memref<40x64xf32, #tpu.memory_space<vmem_shared>>
      %dma_start3A_261 = arith.constant 0 : i32
      %dma_start3A_262 = arith.constant 0 : i32
      %dma_start3A_263 = tpu.memref_slice %arg8[%dma_start3A_261, %dma_start3A_262] : memref<128x64xf32, #tpu.memory_space<vmem>> -> memref<40x64xf32, #tpu.memory_space<vmem>>
      tpu.enqueue_dma source(%dma_start3A_263 : memref<40x64xf32, #tpu.memory_space<vmem>>) target(%dma_start3A_260 : memref<40x64xf32, #tpu.memory_space<vmem_shared>>) target_semaphore(%arg13 : memref<!tpu.dma_semaphore, #tpu.memory_space<semaphore_mem>>)
      %mul3A_264 = arith.constant 1000 : i32
      %mul3A_265 = arith.muli %arg1, %mul3A_264 : i32
      %add3A_266 = arith.constant 0 : i32
      %add3A_267 = arith.addi %mul3A_265, %add3A_266 : i32
      %dma_wait3A_268 = arith.constant 0 : i32
      %dma_wait3A_269 = arith.constant 0 : i32
      %dma_wait3A_270 = tpu.memref_slice %arg8[%dma_wait3A_268, %dma_wait3A_269] : memref<128x64xf32, #tpu.memory_space<vmem>> -> memref<40x64xf32, #tpu.memory_space<vmem>>
      %dma_wait3A_271 = arith.constant 0 : i32
      %dma_wait3A_272 = tpu.memref_slice %arg5[%add3A_267, %dma_wait3A_271] : memref<10000x64xf32, #tpu.memory_space<vmem_shared>> -> memref<40x64xf32, #tpu.memory_space<vmem_shared>>
      %dma_wait3A_273 = arith.constant 0 : i32
      %dma_wait3A_274 = tpu.memref_slice %arg5[%add3A_267, %dma_wait3A_273] : memref<10000x64xf32, #tpu.memory_space<vmem_shared>> -> memref<40x64xf32, #tpu.memory_space<vmem_shared>>
      %dma_wait3A_275 = arith.constant 0 : i32
      %dma_wait3A_276 = arith.constant 0 : i32
      %dma_wait3A_277 = tpu.memref_slice %arg8[%dma_wait3A_275, %dma_wait3A_276] : memref<128x64xf32, #tpu.memory_space<vmem>> -> memref<40x64xf32, #tpu.memory_space<vmem>>
      tpu.wait_dma2 semaphore(%arg13 : memref<!tpu.dma_semaphore, #tpu.memory_space<semaphore_mem>>) src(%dma_wait3A_277 : memref<40x64xf32, #tpu.memory_space<vmem>>) dst(%dma_wait3A_274 : memref<40x64xf32, #tpu.memory_space<vmem_shared>>)
      %mul3A_278 = arith.constant 1000 : i32
      %mul3A_279 = arith.muli %arg1, %mul3A_278 : i32
      %add3A_280 = arith.constant 40 : i32
      %add3A_281 = arith.addi %mul3A_279, %add3A_280 : i32
      %dma_wait3A_282 = arith.constant 0 : i32
      %dma_wait3A_283 = arith.constant 0 : i32
      %dma_wait3A_284 = tpu.memref_slice %arg8[%dma_wait3A_282, %dma_wait3A_283] : memref<128x64xf32, #tpu.memory_space<vmem>> -> memref<40x64xf32, #tpu.memory_space<vmem>>
      %dma_wait3A_285 = arith.constant 0 : i32
      %dma_wait3A_286 = tpu.memref_slice %arg5[%add3A_281, %dma_wait3A_285] : memref<10000x64xf32, #tpu.memory_space<vmem_shared>> -> memref<40x64xf32, #tpu.memory_space<vmem_shared>>
      %dma_wait3A_287 = arith.constant 0 : i32
      %dma_wait3A_288 = tpu.memref_slice %arg5[%add3A_281, %dma_wait3A_287] : memref<10000x64xf32, #tpu.memory_space<vmem_shared>> -> memref<40x64xf32, #tpu.memory_space<vmem_shared>>
      %dma_wait3A_289 = arith.constant 0 : i32
      %dma_wait3A_290 = arith.constant 0 : i32
      %dma_wait3A_291 = tpu.memref_slice %arg8[%dma_wait3A_289, %dma_wait3A_290] : memref<128x64xf32, #tpu.memory_space<vmem>> -> memref<40x64xf32, #tpu.memory_space<vmem>>
      tpu.wait_dma2 semaphore(%arg13 : memref<!tpu.dma_semaphore, #tpu.memory_space<semaphore_mem>>) src(%dma_wait3A_291 : memref<40x64xf32, #tpu.memory_space<vmem>>) dst(%dma_wait3A_288 : memref<40x64xf32, #tpu.memory_space<vmem_shared>>)
      %mul3A_292 = arith.constant 1000 : i32
      %mul3A_293 = arith.muli %arg1, %mul3A_292 : i32
      %add3A_294 = arith.constant 80 : i32
      %add3A_295 = arith.addi %mul3A_293, %add3A_294 : i32
      %dma_wait3A_296 = arith.constant 0 : i32
      %dma_wait3A_297 = arith.constant 0 : i32
      %dma_wait3A_298 = tpu.memref_slice %arg8[%dma_wait3A_296, %dma_wait3A_297] : memref<128x64xf32, #tpu.memory_space<vmem>> -> memref<40x64xf32, #tpu.memory_space<vmem>>
      %dma_wait3A_299 = arith.constant 0 : i32
      %dma_wait3A_300 = tpu.memref_slice %arg5[%add3A_295, %dma_wait3A_299] : memref<10000x64xf32, #tpu.memory_space<vmem_shared>> -> memref<40x64xf32, #tpu.memory_space<vmem_shared>>
      %dma_wait3A_301 = arith.constant 0 : i32
      %dma_wait3A_302 = tpu.memref_slice %arg5[%add3A_295, %dma_wait3A_301] : memref<10000x64xf32, #tpu.memory_space<vmem_shared>> -> memref<40x64xf32, #tpu.memory_space<vmem_shared>>
      %dma_wait3A_303 = arith.constant 0 : i32
      %dma_wait3A_304 = arith.constant 0 : i32
      %dma_wait3A_305 = tpu.memref_slice %arg8[%dma_wait3A_303, %dma_wait3A_304] : memref<128x64xf32, #tpu.memory_space<vmem>> -> memref<40x64xf32, #tpu.memory_space<vmem>>
      tpu.wait_dma2 semaphore(%arg13 : memref<!tpu.dma_semaphore, #tpu.memory_space<semaphore_mem>>) src(%dma_wait3A_305 : memref<40x64xf32, #tpu.memory_space<vmem>>) dst(%dma_wait3A_302 : memref<40x64xf32, #tpu.memory_space<vmem_shared>>)
      %mul3A_306 = arith.constant 1000 : i32
      %mul3A_307 = arith.muli %arg1, %mul3A_306 : i32
      %add3A_308 = arith.constant 120 : i32
      %add3A_309 = arith.addi %mul3A_307, %add3A_308 : i32
      %dma_wait3A_310 = arith.constant 0 : i32
      %dma_wait3A_311 = arith.constant 0 : i32
      %dma_wait3A_312 = tpu.memref_slice %arg8[%dma_wait3A_310, %dma_wait3A_311] : memref<128x64xf32, #tpu.memory_space<vmem>> -> memref<40x64xf32, #tpu.memory_space<vmem>>
      %dma_wait3A_313 = arith.constant 0 : i32
      %dma_wait3A_314 = tpu.memref_slice %arg5[%add3A_309, %dma_wait3A_313] : memref<10000x64xf32, #tpu.memory_space<vmem_shared>> -> memref<40x64xf32, #tpu.memory_space<vmem_shared>>
      %dma_wait3A_315 = arith.constant 0 : i32
      %dma_wait3A_316 = tpu.memref_slice %arg5[%add3A_309, %dma_wait3A_315] : memref<10000x64xf32, #tpu.memory_space<vmem_shared>> -> memref<40x64xf32, #tpu.memory_space<vmem_shared>>
      %dma_wait3A_317 = arith.constant 0 : i32
      %dma_wait3A_318 = arith.constant 0 : i32
      %dma_wait3A_319 = tpu.memref_slice %arg8[%dma_wait3A_317, %dma_wait3A_318] : memref<128x64xf32, #tpu.memory_space<vmem>> -> memref<40x64xf32, #tpu.memory_space<vmem>>
      tpu.wait_dma2 semaphore(%arg13 : memref<!tpu.dma_semaphore, #tpu.memory_space<semaphore_mem>>) src(%dma_wait3A_319 : memref<40x64xf32, #tpu.memory_space<vmem>>) dst(%dma_wait3A_316 : memref<40x64xf32, #tpu.memory_space<vmem_shared>>)
      %mul3A_320 = arith.constant 1000 : i32
      %mul3A_321 = arith.muli %arg1, %mul3A_320 : i32
      %add3A_322 = arith.constant 160 : i32
      %add3A_323 = arith.addi %mul3A_321, %add3A_322 : i32
      %dma_wait3A_324 = arith.constant 0 : i32
      %dma_wait3A_325 = arith.constant 0 : i32
      %dma_wait3A_326 = tpu.memref_slice %arg8[%dma_wait3A_324, %dma_wait3A_325] : memref<128x64xf32, #tpu.memory_space<vmem>> -> memref<40x64xf32, #tpu.memory_space<vmem>>
      %dma_wait3A_327 = arith.constant 0 : i32
      %dma_wait3A_328 = tpu.memref_slice %arg5[%add3A_323, %dma_wait3A_327] : memref<10000x64xf32, #tpu.memory_space<vmem_shared>> -> memref<40x64xf32, #tpu.memory_space<vmem_shared>>
      %dma_wait3A_329 = arith.constant 0 : i32
      %dma_wait3A_330 = tpu.memref_slice %arg5[%add3A_323, %dma_wait3A_329] : memref<10000x64xf32, #tpu.memory_space<vmem_shared>> -> memref<40x64xf32, #tpu.memory_space<vmem_shared>>
      %dma_wait3A_331 = arith.constant 0 : i32
      %dma_wait3A_332 = arith.constant 0 : i32
      %dma_wait3A_333 = tpu.memref_slice %arg8[%dma_wait3A_331, %dma_wait3A_332] : memref<128x64xf32, #tpu.memory_space<vmem>> -> memref<40x64xf32, #tpu.memory_space<vmem>>
      tpu.wait_dma2 semaphore(%arg13 : memref<!tpu.dma_semaphore, #tpu.memory_space<semaphore_mem>>) src(%dma_wait3A_333 : memref<40x64xf32, #tpu.memory_space<vmem>>) dst(%dma_wait3A_330 : memref<40x64xf32, #tpu.memory_space<vmem_shared>>)
      %mul3A_334 = arith.constant 1000 : i32
      %mul3A_335 = arith.muli %arg1, %mul3A_334 : i32
      %add3A_336 = arith.constant 200 : i32
      %add3A_337 = arith.addi %mul3A_335, %add3A_336 : i32
      %dma_start3A_338 = arith.constant 0 : i32
      %dma_start3A_339 = arith.constant 0 : i32
      %dma_start3A_340 = tpu.memref_slice %arg8[%dma_start3A_338, %dma_start3A_339] : memref<128x64xf32, #tpu.memory_space<vmem>> -> memref<40x64xf32, #tpu.memory_space<vmem>>
      %dma_start3A_341 = arith.constant 0 : i32
      %dma_start3A_342 = tpu.memref_slice %arg5[%add3A_337, %dma_start3A_341] : memref<10000x64xf32, #tpu.memory_space<vmem_shared>> -> memref<40x64xf32, #tpu.memory_space<vmem_shared>>
      %dma_start3A_343 = arith.constant 0 : i32
      %dma_start3A_344 = tpu.memref_slice %arg5[%add3A_337, %dma_start3A_343] : memref<10000x64xf32, #tpu.memory_space<vmem_shared>> -> memref<40x64xf32, #tpu.memory_space<vmem_shared>>
      %dma_start3A_345 = arith.constant 0 : i32
      %dma_start3A_346 = arith.constant 0 : i32
      %dma_start3A_347 = tpu.memref_slice %arg8[%dma_start3A_345, %dma_start3A_346] : memref<128x64xf32, #tpu.memory_space<vmem>> -> memref<40x64xf32, #tpu.memory_space<vmem>>
      tpu.enqueue_dma source(%dma_start3A_347 : memref<40x64xf32, #tpu.memory_space<vmem>>) target(%dma_start3A_344 : memref<40x64xf32, #tpu.memory_space<vmem_shared>>) target_semaphore(%arg13 : memref<!tpu.dma_semaphore, #tpu.memory_space<semaphore_mem>>)
      %mul3A_348 = arith.constant 1000 : i32
      %mul3A_349 = arith.muli %arg1, %mul3A_348 : i32
      %add3A_350 = arith.constant 240 : i32
      %add3A_351 = arith.addi %mul3A_349, %add3A_350 : i32
      %dma_start3A_352 = arith.constant 0 : i32
      %dma_start3A_353 = arith.constant 0 : i32
      %dma_start3A_354 = tpu.memref_slice %arg8[%dma_start3A_352, %dma_start3A_353] : memref<128x64xf32, #tpu.memory_space<vmem>> -> memref<40x64xf32, #tpu.memory_space<vmem>>
      %dma_start3A_355 = arith.constant 0 : i32
      %dma_start3A_356 = tpu.memref_slice %arg5[%add3A_351, %dma_start3A_355] : memref<10000x64xf32, #tpu.memory_space<vmem_shared>> -> memref<40x64xf32, #tpu.memory_space<vmem_shared>>
      %dma_start3A_357 = arith.constant 0 : i32
      %dma_start3A_358 = tpu.memref_slice %arg5[%add3A_351, %dma_start3A_357] : memref<10000x64xf32, #tpu.memory_space<vmem_shared>> -> memref<40x64xf32, #tpu.memory_space<vmem_shared>>
      %dma_start3A_359 = arith.constant 0 : i32
      %dma_start3A_360 = arith.constant 0 : i32
      %dma_start3A_361 = tpu.memref_slice %arg8[%dma_start3A_359, %dma_start3A_360] : memref<128x64xf32, #tpu.memory_space<vmem>> -> memref<40x64xf32, #tpu.memory_space<vmem>>
      tpu.enqueue_dma source(%dma_start3A_361 : memref<40x64xf32, #tpu.memory_space<vmem>>) target(%dma_start3A_358 : memref<40x64xf32, #tpu.memory_space<vmem_shared>>) target_semaphore(%arg13 : memref<!tpu.dma_semaphore, #tpu.memory_space<semaphore_mem>>)
      %mul3A_362 = arith.constant 1000 : i32
      %mul3A_363 = arith.muli %arg1, %mul3A_362 : i32
      %add3A_364 = arith.constant 280 : i32
      %add3A_365 = arith.addi %mul3A_363, %add3A_364 : i32
      %dma_start3A_366 = arith.constant 0 : i32
      %dma_start3A_367 = arith.constant 0 : i32
      %dma_start3A_368 = tpu.memref_slice %arg8[%dma_start3A_366, %dma_start3A_367] : memref<128x64xf32, #tpu.memory_space<vmem>> -> memref<40x64xf32, #tpu.memory_space<vmem>>
      %dma_start3A_369 = arith.constant 0 : i32
      %dma_start3A_370 = tpu.memref_slice %arg5[%add3A_365, %dma_start3A_369] : memref<10000x64xf32, #tpu.memory_space<vmem_shared>> -> memref<40x64xf32, #tpu.memory_space<vmem_shared>>
      %dma_start3A_371 = arith.constant 0 : i32
      %dma_start3A_372 = tpu.memref_slice %arg5[%add3A_365, %dma_start3A_371] : memref<10000x64xf32, #tpu.memory_space<vmem_shared>> -> memref<40x64xf32, #tpu.memory_space<vmem_shared>>
      %dma_start3A_373 = arith.constant 0 : i32
      %dma_start3A_374 = arith.constant 0 : i32
      %dma_start3A_375 = tpu.memref_slice %arg8[%dma_start3A_373, %dma_start3A_374] : memref<128x64xf32, #tpu.memory_space<vmem>> -> memref<40x64xf32, #tpu.memory_space<vmem>>
      tpu.enqueue_dma source(%dma_start3A_375 : memref<40x64xf32, #tpu.memory_space<vmem>>) target(%dma_start3A_372 : memref<40x64xf32, #tpu.memory_space<vmem_shared>>) target_semaphore(%arg13 : memref<!tpu.dma_semaphore, #tpu.memory_space<semaphore_mem>>)
      %mul3A_376 = arith.constant 1000 : i32
      %mul3A_377 = arith.muli %arg1, %mul3A_376 : i32
      %add3A_378 = arith.constant 320 : i32
      %add3A_379 = arith.addi %mul3A_377, %add3A_378 : i32
      %dma_start3A_380 = arith.constant 0 : i32
      %dma_start3A_381 = arith.constant 0 : i32
      %dma_start3A_382 = tpu.memref_slice %arg8[%dma_start3A_380, %dma_start3A_381] : memref<128x64xf32, #tpu.memory_space<vmem>> -> memref<40x64xf32, #tpu.memory_space<vmem>>
      %dma_start3A_383 = arith.constant 0 : i32
      %dma_start3A_384 = tpu.memref_slice %arg5[%add3A_379, %dma_start3A_383] : memref<10000x64xf32, #tpu.memory_space<vmem_shared>> -> memref<40x64xf32, #tpu.memory_space<vmem_shared>>
      %dma_start3A_385 = arith.constant 0 : i32
      %dma_start3A_386 = tpu.memref_slice %arg5[%add3A_379, %dma_start3A_385] : memref<10000x64xf32, #tpu.memory_space<vmem_shared>> -> memref<40x64xf32, #tpu.memory_space<vmem_shared>>
      %dma_start3A_387 = arith.constant 0 : i32
      %dma_start3A_388 = arith.constant 0 : i32
      %dma_start3A_389 = tpu.memref_slice %arg8[%dma_start3A_387, %dma_start3A_388] : memref<128x64xf32, #tpu.memory_space<vmem>> -> memref<40x64xf32, #tpu.memory_space<vmem>>
      tpu.enqueue_dma source(%dma_start3A_389 : memref<40x64xf32, #tpu.memory_space<vmem>>) target(%dma_start3A_386 : memref<40x64xf32, #tpu.memory_space<vmem_shared>>) target_semaphore(%arg13 : memref<!tpu.dma_semaphore, #tpu.memory_space<semaphore_mem>>)
      %mul3A_390 = arith.constant 1000 : i32
      %mul3A_391 = arith.muli %arg1, %mul3A_390 : i32
      %add3A_392 = arith.constant 360 : i32
      %add3A_393 = arith.addi %mul3A_391, %add3A_392 : i32
      %dma_start3A_394 = arith.constant 0 : i32
      %dma_start3A_395 = arith.constant 0 : i32
      %dma_start3A_396 = tpu.memref_slice %arg8[%dma_start3A_394, %dma_start3A_395] : memref<128x64xf32, #tpu.memory_space<vmem>> -> memref<40x64xf32, #tpu.memory_space<vmem>>
      %dma_start3A_397 = arith.constant 0 : i32
      %dma_start3A_398 = tpu.memref_slice %arg5[%add3A_393, %dma_start3A_397] : memref<10000x64xf32, #tpu.memory_space<vmem_shared>> -> memref<40x64xf32, #tpu.memory_space<vmem_shared>>
      %dma_start3A_399 = arith.constant 0 : i32
      %dma_start3A_400 = tpu.memref_slice %arg5[%add3A_393, %dma_start3A_399] : memref<10000x64xf32, #tpu.memory_space<vmem_shared>> -> memref<40x64xf32, #tpu.memory_space<vmem_shared>>
      %dma_start3A_401 = arith.constant 0 : i32
      %dma_start3A_402 = arith.constant 0 : i32
      %dma_start3A_403 = tpu.memref_slice %arg8[%dma_start3A_401, %dma_start3A_402] : memref<128x64xf32, #tpu.memory_space<vmem>> -> memref<40x64xf32, #tpu.memory_space<vmem>>
      tpu.enqueue_dma source(%dma_start3A_403 : memref<40x64xf32, #tpu.memory_space<vmem>>) target(%dma_start3A_400 : memref<40x64xf32, #tpu.memory_space<vmem_shared>>) target_semaphore(%arg13 : memref<!tpu.dma_semaphore, #tpu.memory_space<semaphore_mem>>)
      %mul3A_404 = arith.constant 1000 : i32
      %mul3A_405 = arith.muli %arg1, %mul3A_404 : i32
      %add3A_406 = arith.constant 200 : i32
      %add3A_407 = arith.addi %mul3A_405, %add3A_406 : i32
      %dma_wait3A_408 = arith.constant 0 : i32
      %dma_wait3A_409 = arith.constant 0 : i32
      %dma_wait3A_410 = tpu.memref_slice %arg8[%dma_wait3A_408, %dma_wait3A_409] : memref<128x64xf32, #tpu.memory_space<vmem>> -> memref<40x64xf32, #tpu.memory_space<vmem>>
      %dma_wait3A_411 = arith.constant 0 : i32
      %dma_wait3A_412 = tpu.memref_slice %arg5[%add3A_407, %dma_wait3A_411] : memref<10000x64xf32, #tpu.memory_space<vmem_shared>> -> memref<40x64xf32, #tpu.memory_space<vmem_shared>>
      %dma_wait3A_413 = arith.constant 0 : i32
      %dma_wait3A_414 = tpu.memref_slice %arg5[%add3A_407, %dma_wait3A_413] : memref<10000x64xf32, #tpu.memory_space<vmem_shared>> -> memref<40x64xf32, #tpu.memory_space<vmem_shared>>
      %dma_wait3A_415 = arith.constant 0 : i32
      %dma_wait3A_416 = arith.constant 0 : i32
      %dma_wait3A_417 = tpu.memref_slice %arg8[%dma_wait3A_415, %dma_wait3A_416] : memref<128x64xf32, #tpu.memory_space<vmem>> -> memref<40x64xf32, #tpu.memory_space<vmem>>
      tpu.wait_dma2 semaphore(%arg13 : memref<!tpu.dma_semaphore, #tpu.memory_space<semaphore_mem>>) src(%dma_wait3A_417 : memref<40x64xf32, #tpu.memory_space<vmem>>) dst(%dma_wait3A_414 : memref<40x64xf32, #tpu.memory_space<vmem_shared>>)
      %mul3A_418 = arith.constant 1000 : i32
      %mul3A_419 = arith.muli %arg1, %mul3A_418 : i32
      %add3A_420 = arith.constant 240 : i32
      %add3A_421 = arith.addi %mul3A_419, %add3A_420 : i32
      %dma_wait3A_422 = arith.constant 0 : i32
      %dma_wait3A_423 = arith.constant 0 : i32
      %dma_wait3A_424 = tpu.memref_slice %arg8[%dma_wait3A_422, %dma_wait3A_423] : memref<128x64xf32, #tpu.memory_space<vmem>> -> memref<40x64xf32, #tpu.memory_space<vmem>>
      %dma_wait3A_425 = arith.constant 0 : i32
      %dma_wait3A_426 = tpu.memref_slice %arg5[%add3A_421, %dma_wait3A_425] : memref<10000x64xf32, #tpu.memory_space<vmem_shared>> -> memref<40x64xf32, #tpu.memory_space<vmem_shared>>
      %dma_wait3A_427 = arith.constant 0 : i32
      %dma_wait3A_428 = tpu.memref_slice %arg5[%add3A_421, %dma_wait3A_427] : memref<10000x64xf32, #tpu.memory_space<vmem_shared>> -> memref<40x64xf32, #tpu.memory_space<vmem_shared>>
      %dma_wait3A_429 = arith.constant 0 : i32
      %dma_wait3A_430 = arith.constant 0 : i32
      %dma_wait3A_431 = tpu.memref_slice %arg8[%dma_wait3A_429, %dma_wait3A_430] : memref<128x64xf32, #tpu.memory_space<vmem>> -> memref<40x64xf32, #tpu.memory_space<vmem>>
      tpu.wait_dma2 semaphore(%arg13 : memref<!tpu.dma_semaphore, #tpu.memory_space<semaphore_mem>>) src(%dma_wait3A_431 : memref<40x64xf32, #tpu.memory_space<vmem>>) dst(%dma_wait3A_428 : memref<40x64xf32, #tpu.memory_space<vmem_shared>>)
      %mul3A_432 = arith.constant 1000 : i32
      %mul3A_433 = arith.muli %arg1, %mul3A_432 : i32
      %add3A_434 = arith.constant 280 : i32
      %add3A_435 = arith.addi %mul3A_433, %add3A_434 : i32
      %dma_wait3A_436 = arith.constant 0 : i32
      %dma_wait3A_437 = arith.constant 0 : i32
      %dma_wait3A_438 = tpu.memref_slice %arg8[%dma_wait3A_436, %dma_wait3A_437] : memref<128x64xf32, #tpu.memory_space<vmem>> -> memref<40x64xf32, #tpu.memory_space<vmem>>
      %dma_wait3A_439 = arith.constant 0 : i32
      %dma_wait3A_440 = tpu.memref_slice %arg5[%add3A_435, %dma_wait3A_439] : memref<10000x64xf32, #tpu.memory_space<vmem_shared>> -> memref<40x64xf32, #tpu.memory_space<vmem_shared>>
      %dma_wait3A_441 = arith.constant 0 : i32
      %dma_wait3A_442 = tpu.memref_slice %arg5[%add3A_435, %dma_wait3A_441] : memref<10000x64xf32, #tpu.memory_space<vmem_shared>> -> memref<40x64xf32, #tpu.memory_space<vmem_shared>>
      %dma_wait3A_443 = arith.constant 0 : i32
      %dma_wait3A_444 = arith.constant 0 : i32
      %dma_wait3A_445 = tpu.memref_slice %arg8[%dma_wait3A_443, %dma_wait3A_444] : memref<128x64xf32, #tpu.memory_space<vmem>> -> memref<40x64xf32, #tpu.memory_space<vmem>>
      tpu.wait_dma2 semaphore(%arg13 : memref<!tpu.dma_semaphore, #tpu.memory_space<semaphore_mem>>) src(%dma_wait3A_445 : memref<40x64xf32, #tpu.memory_space<vmem>>) dst(%dma_wait3A_442 : memref<40x64xf32, #tpu.memory_space<vmem_shared>>)
      %mul3A_446 = arith.constant 1000 : i32
      %mul3A_447 = arith.muli %arg1, %mul3A_446 : i32
      %add3A_448 = arith.constant 320 : i32
      %add3A_449 = arith.addi %mul3A_447, %add3A_448 : i32
      %dma_wait3A_450 = arith.constant 0 : i32
      %dma_wait3A_451 = arith.constant 0 : i32
      %dma_wait3A_452 = tpu.memref_slice %arg8[%dma_wait3A_450, %dma_wait3A_451] : memref<128x64xf32, #tpu.memory_space<vmem>> -> memref<40x64xf32, #tpu.memory_space<vmem>>
      %dma_wait3A_453 = arith.constant 0 : i32
      %dma_wait3A_454 = tpu.memref_slice %arg5[%add3A_449, %dma_wait3A_453] : memref<10000x64xf32, #tpu.memory_space<vmem_shared>> -> memref<40x64xf32, #tpu.memory_space<vmem_shared>>
      %dma_wait3A_455 = arith.constant 0 : i32
      %dma_wait3A_456 = tpu.memref_slice %arg5[%add3A_449, %dma_wait3A_455] : memref<10000x64xf32, #tpu.memory_space<vmem_shared>> -> memref<40x64xf32, #tpu.memory_space<vmem_shared>>
      %dma_wait3A_457 = arith.constant 0 : i32
      %dma_wait3A_458 = arith.constant 0 : i32
      %dma_wait3A_459 = tpu.memref_slice %arg8[%dma_wait3A_457, %dma_wait3A_458] : memref<128x64xf32, #tpu.memory_space<vmem>> -> memref<40x64xf32, #tpu.memory_space<vmem>>
      tpu.wait_dma2 semaphore(%arg13 : memref<!tpu.dma_semaphore, #tpu.memory_space<semaphore_mem>>) src(%dma_wait3A_459 : memref<40x64xf32, #tpu.memory_space<vmem>>) dst(%dma_wait3A_456 : memref<40x64xf32, #tpu.memory_space<vmem_shared>>)
      %mul3A_460 = arith.constant 1000 : i32
      %mul3A_461 = arith.muli %arg1, %mul3A_460 : i32
      %add3A_462 = arith.constant 360 : i32
      %add3A_463 = arith.addi %mul3A_461, %add3A_462 : i32
      %dma_wait3A_464 = arith.constant 0 : i32
      %dma_wait3A_465 = arith.constant 0 : i32
      %dma_wait3A_466 = tpu.memref_slice %arg8[%dma_wait3A_464, %dma_wait3A_465] : memref<128x64xf32, #tpu.memory_space<vmem>> -> memref<40x64xf32, #tpu.memory_space<vmem>>
      %dma_wait3A_467 = arith.constant 0 : i32
      %dma_wait3A_468 = tpu.memref_slice %arg5[%add3A_463, %dma_wait3A_467] : memref<10000x64xf32, #tpu.memory_space<vmem_shared>> -> memref<40x64xf32, #tpu.memory_space<vmem_shared>>
      %dma_wait3A_469 = arith.constant 0 : i32
      %dma_wait3A_470 = tpu.memref_slice %arg5[%add3A_463, %dma_wait3A_469] : memref<10000x64xf32, #tpu.memory_space<vmem_shared>> -> memref<40x64xf32, #tpu.memory_space<vmem_shared>>
      %dma_wait3A_471 = arith.constant 0 : i32
      %dma_wait3A_472 = arith.constant 0 : i32
      %dma_wait3A_473 = tpu.memref_slice %arg8[%dma_wait3A_471, %dma_wait3A_472] : memref<128x64xf32, #tpu.memory_space<vmem>> -> memref<40x64xf32, #tpu.memory_space<vmem>>
      tpu.wait_dma2 semaphore(%arg13 : memref<!tpu.dma_semaphore, #tpu.memory_space<semaphore_mem>>) src(%dma_wait3A_473 : memref<40x64xf32, #tpu.memory_space<vmem>>) dst(%dma_wait3A_470 : memref<40x64xf32, #tpu.memory_space<vmem_shared>>)
      %mul3A_474 = arith.constant 1000 : i32
      %mul3A_475 = arith.muli %arg1, %mul3A_474 : i32
      %add3A_476 = arith.constant 400 : i32
      %add3A_477 = arith.addi %mul3A_475, %add3A_476 : i32
      %dma_start3A_478 = arith.constant 0 : i32
      %dma_start3A_479 = arith.constant 0 : i32
      %dma_start3A_480 = tpu.memref_slice %arg8[%dma_start3A_478, %dma_start3A_479] : memref<128x64xf32, #tpu.memory_space<vmem>> -> memref<40x64xf32, #tpu.memory_space<vmem>>
      %dma_start3A_481 = arith.constant 0 : i32
      %dma_start3A_482 = tpu.memref_slice %arg5[%add3A_477, %dma_start3A_481] : memref<10000x64xf32, #tpu.memory_space<vmem_shared>> -> memref<40x64xf32, #tpu.memory_space<vmem_shared>>
      %dma_start3A_483 = arith.constant 0 : i32
      %dma_start3A_484 = tpu.memref_slice %arg5[%add3A_477, %dma_start3A_483] : memref<10000x64xf32, #tpu.memory_space<vmem_shared>> -> memref<40x64xf32, #tpu.memory_space<vmem_shared>>
      %dma_start3A_485 = arith.constant 0 : i32
      %dma_start3A_486 = arith.constant 0 : i32
      %dma_start3A_487 = tpu.memref_slice %arg8[%dma_start3A_485, %dma_start3A_486] : memref<128x64xf32, #tpu.memory_space<vmem>> -> memref<40x64xf32, #tpu.memory_space<vmem>>
      tpu.enqueue_dma source(%dma_start3A_487 : memref<40x64xf32, #tpu.memory_space<vmem>>) target(%dma_start3A_484 : memref<40x64xf32, #tpu.memory_space<vmem_shared>>) target_semaphore(%arg13 : memref<!tpu.dma_semaphore, #tpu.memory_space<semaphore_mem>>)
      %mul3A_488 = arith.constant 1000 : i32
      %mul3A_489 = arith.muli %arg1, %mul3A_488 : i32
      %add3A_490 = arith.constant 440 : i32
      %add3A_491 = arith.addi %mul3A_489, %add3A_490 : i32
      %dma_start3A_492 = arith.constant 0 : i32
      %dma_start3A_493 = arith.constant 0 : i32
      %dma_start3A_494 = tpu.memref_slice %arg8[%dma_start3A_492, %dma_start3A_493] : memref<128x64xf32, #tpu.memory_space<vmem>> -> memref<40x64xf32, #tpu.memory_space<vmem>>
      %dma_start3A_495 = arith.constant 0 : i32
      %dma_start3A_496 = tpu.memref_slice %arg5[%add3A_491, %dma_start3A_495] : memref<10000x64xf32, #tpu.memory_space<vmem_shared>> -> memref<40x64xf32, #tpu.memory_space<vmem_shared>>
      %dma_start3A_497 = arith.constant 0 : i32
      %dma_start3A_498 = tpu.memref_slice %arg5[%add3A_491, %dma_start3A_497] : memref<10000x64xf32, #tpu.memory_space<vmem_shared>> -> memref<40x64xf32, #tpu.memory_space<vmem_shared>>
      %dma_start3A_499 = arith.constant 0 : i32
      %dma_start3A_500 = arith.constant 0 : i32
      %dma_start3A_501 = tpu.memref_slice %arg8[%dma_start3A_499, %dma_start3A_500] : memref<128x64xf32, #tpu.memory_space<vmem>> -> memref<40x64xf32, #tpu.memory_space<vmem>>
      tpu.enqueue_dma source(%dma_start3A_501 : memref<40x64xf32, #tpu.memory_space<vmem>>) target(%dma_start3A_498 : memref<40x64xf32, #tpu.memory_space<vmem_shared>>) target_semaphore(%arg13 : memref<!tpu.dma_semaphore, #tpu.memory_space<semaphore_mem>>)
      %mul3A_502 = arith.constant 1000 : i32
      %mul3A_503 = arith.muli %arg1, %mul3A_502 : i32
      %add3A_504 = arith.constant 480 : i32
      %add3A_505 = arith.addi %mul3A_503, %add3A_504 : i32
      %dma_start3A_506 = arith.constant 0 : i32
      %dma_start3A_507 = arith.constant 0 : i32
      %dma_start3A_508 = tpu.memref_slice %arg8[%dma_start3A_506, %dma_start3A_507] : memref<128x64xf32, #tpu.memory_space<vmem>> -> memref<40x64xf32, #tpu.memory_space<vmem>>
      %dma_start3A_509 = arith.constant 0 : i32
      %dma_start3A_510 = tpu.memref_slice %arg5[%add3A_505, %dma_start3A_509] : memref<10000x64xf32, #tpu.memory_space<vmem_shared>> -> memref<40x64xf32, #tpu.memory_space<vmem_shared>>
      %dma_start3A_511 = arith.constant 0 : i32
      %dma_start3A_512 = tpu.memref_slice %arg5[%add3A_505, %dma_start3A_511] : memref<10000x64xf32, #tpu.memory_space<vmem_shared>> -> memref<40x64xf32, #tpu.memory_space<vmem_shared>>
      %dma_start3A_513 = arith.constant 0 : i32
      %dma_start3A_514 = arith.constant 0 : i32
      %dma_start3A_515 = tpu.memref_slice %arg8[%dma_start3A_513, %dma_start3A_514] : memref<128x64xf32, #tpu.memory_space<vmem>> -> memref<40x64xf32, #tpu.memory_space<vmem>>
      tpu.enqueue_dma source(%dma_start3A_515 : memref<40x64xf32, #tpu.memory_space<vmem>>) target(%dma_start3A_512 : memref<40x64xf32, #tpu.memory_space<vmem_shared>>) target_semaphore(%arg13 : memref<!tpu.dma_semaphore, #tpu.memory_space<semaphore_mem>>)
      %mul3A_516 = arith.constant 1000 : i32
      %mul3A_517 = arith.muli %arg1, %mul3A_516 : i32
      %add3A_518 = arith.constant 520 : i32
      %add3A_519 = arith.addi %mul3A_517, %add3A_518 : i32
      %dma_start3A_520 = arith.constant 0 : i32
      %dma_start3A_521 = arith.constant 0 : i32
      %dma_start3A_522 = tpu.memref_slice %arg8[%dma_start3A_520, %dma_start3A_521] : memref<128x64xf32, #tpu.memory_space<vmem>> -> memref<40x64xf32, #tpu.memory_space<vmem>>
      %dma_start3A_523 = arith.constant 0 : i32
      %dma_start3A_524 = tpu.memref_slice %arg5[%add3A_519, %dma_start3A_523] : memref<10000x64xf32, #tpu.memory_space<vmem_shared>> -> memref<40x64xf32, #tpu.memory_space<vmem_shared>>
      %dma_start3A_525 = arith.constant 0 : i32
      %dma_start3A_526 = tpu.memref_slice %arg5[%add3A_519, %dma_start3A_525] : memref<10000x64xf32, #tpu.memory_space<vmem_shared>> -> memref<40x64xf32, #tpu.memory_space<vmem_shared>>
      %dma_start3A_527 = arith.constant 0 : i32
      %dma_start3A_528 = arith.constant 0 : i32
      %dma_start3A_529 = tpu.memref_slice %arg8[%dma_start3A_527, %dma_start3A_528] : memref<128x64xf32, #tpu.memory_space<vmem>> -> memref<40x64xf32, #tpu.memory_space<vmem>>
      tpu.enqueue_dma source(%dma_start3A_529 : memref<40x64xf32, #tpu.memory_space<vmem>>) target(%dma_start3A_526 : memref<40x64xf32, #tpu.memory_space<vmem_shared>>) target_semaphore(%arg13 : memref<!tpu.dma_semaphore, #tpu.memory_space<semaphore_mem>>)
      %mul3A_530 = arith.constant 1000 : i32
      %mul3A_531 = arith.muli %arg1, %mul3A_530 : i32
      %add3A_532 = arith.constant 560 : i32
      %add3A_533 = arith.addi %mul3A_531, %add3A_532 : i32
      %dma_start3A_534 = arith.constant 0 : i32
      %dma_start3A_535 = arith.constant 0 : i32
      %dma_start3A_536 = tpu.memref_slice %arg8[%dma_start3A_534, %dma_start3A_535] : memref<128x64xf32, #tpu.memory_space<vmem>> -> memref<40x64xf32, #tpu.memory_space<vmem>>
      %dma_start3A_537 = arith.constant 0 : i32
      %dma_start3A_538 = tpu.memref_slice %arg5[%add3A_533, %dma_start3A_537] : memref<10000x64xf32, #tpu.memory_space<vmem_shared>> -> memref<40x64xf32, #tpu.memory_space<vmem_shared>>
      %dma_start3A_539 = arith.constant 0 : i32
      %dma_start3A_540 = tpu.memref_slice %arg5[%add3A_533, %dma_start3A_539] : memref<10000x64xf32, #tpu.memory_space<vmem_shared>> -> memref<40x64xf32, #tpu.memory_space<vmem_shared>>
      %dma_start3A_541 = arith.constant 0 : i32
      %dma_start3A_542 = arith.constant 0 : i32
      %dma_start3A_543 = tpu.memref_slice %arg8[%dma_start3A_541, %dma_start3A_542] : memref<128x64xf32, #tpu.memory_space<vmem>> -> memref<40x64xf32, #tpu.memory_space<vmem>>
      tpu.enqueue_dma source(%dma_start3A_543 : memref<40x64xf32, #tpu.memory_space<vmem>>) target(%dma_start3A_540 : memref<40x64xf32, #tpu.memory_space<vmem_shared>>) target_semaphore(%arg13 : memref<!tpu.dma_semaphore, #tpu.memory_space<semaphore_mem>>)
      %mul3A_544 = arith.constant 1000 : i32
      %mul3A_545 = arith.muli %arg1, %mul3A_544 : i32
      %add3A_546 = arith.constant 400 : i32
      %add3A_547 = arith.addi %mul3A_545, %add3A_546 : i32
      %dma_wait3A_548 = arith.constant 0 : i32
      %dma_wait3A_549 = arith.constant 0 : i32
      %dma_wait3A_550 = tpu.memref_slice %arg8[%dma_wait3A_548, %dma_wait3A_549] : memref<128x64xf32, #tpu.memory_space<vmem>> -> memref<40x64xf32, #tpu.memory_space<vmem>>
      %dma_wait3A_551 = arith.constant 0 : i32
      %dma_wait3A_552 = tpu.memref_slice %arg5[%add3A_547, %dma_wait3A_551] : memref<10000x64xf32, #tpu.memory_space<vmem_shared>> -> memref<40x64xf32, #tpu.memory_space<vmem_shared>>
      %dma_wait3A_553 = arith.constant 0 : i32
      %dma_wait3A_554 = tpu.memref_slice %arg5[%add3A_547, %dma_wait3A_553] : memref<10000x64xf32, #tpu.memory_space<vmem_shared>> -> memref<40x64xf32, #tpu.memory_space<vmem_shared>>
      %dma_wait3A_555 = arith.constant 0 : i32
      %dma_wait3A_556 = arith.constant 0 : i32
      %dma_wait3A_557 = tpu.memref_slice %arg8[%dma_wait3A_555, %dma_wait3A_556] : memref<128x64xf32, #tpu.memory_space<vmem>> -> memref<40x64xf32, #tpu.memory_space<vmem>>
      tpu.wait_dma2 semaphore(%arg13 : memref<!tpu.dma_semaphore, #tpu.memory_space<semaphore_mem>>) src(%dma_wait3A_557 : memref<40x64xf32, #tpu.memory_space<vmem>>) dst(%dma_wait3A_554 : memref<40x64xf32, #tpu.memory_space<vmem_shared>>)
      %mul3A_558 = arith.constant 1000 : i32
      %mul3A_559 = arith.muli %arg1, %mul3A_558 : i32
      %add3A_560 = arith.constant 440 : i32
      %add3A_561 = arith.addi %mul3A_559, %add3A_560 : i32
      %dma_wait3A_562 = arith.constant 0 : i32
      %dma_wait3A_563 = arith.constant 0 : i32
      %dma_wait3A_564 = tpu.memref_slice %arg8[%dma_wait3A_562, %dma_wait3A_563] : memref<128x64xf32, #tpu.memory_space<vmem>> -> memref<40x64xf32, #tpu.memory_space<vmem>>
      %dma_wait3A_565 = arith.constant 0 : i32
      %dma_wait3A_566 = tpu.memref_slice %arg5[%add3A_561, %dma_wait3A_565] : memref<10000x64xf32, #tpu.memory_space<vmem_shared>> -> memref<40x64xf32, #tpu.memory_space<vmem_shared>>
      %dma_wait3A_567 = arith.constant 0 : i32
      %dma_wait3A_568 = tpu.memref_slice %arg5[%add3A_561, %dma_wait3A_567] : memref<10000x64xf32, #tpu.memory_space<vmem_shared>> -> memref<40x64xf32, #tpu.memory_space<vmem_shared>>
      %dma_wait3A_569 = arith.constant 0 : i32
      %dma_wait3A_570 = arith.constant 0 : i32
      %dma_wait3A_571 = tpu.memref_slice %arg8[%dma_wait3A_569, %dma_wait3A_570] : memref<128x64xf32, #tpu.memory_space<vmem>> -> memref<40x64xf32, #tpu.memory_space<vmem>>
      tpu.wait_dma2 semaphore(%arg13 : memref<!tpu.dma_semaphore, #tpu.memory_space<semaphore_mem>>) src(%dma_wait3A_571 : memref<40x64xf32, #tpu.memory_space<vmem>>) dst(%dma_wait3A_568 : memref<40x64xf32, #tpu.memory_space<vmem_shared>>)
      %mul3A_572 = arith.constant 1000 : i32
      %mul3A_573 = arith.muli %arg1, %mul3A_572 : i32
      %add3A_574 = arith.constant 480 : i32
      %add3A_575 = arith.addi %mul3A_573, %add3A_574 : i32
      %dma_wait3A_576 = arith.constant 0 : i32
      %dma_wait3A_577 = arith.constant 0 : i32
      %dma_wait3A_578 = tpu.memref_slice %arg8[%dma_wait3A_576, %dma_wait3A_577] : memref<128x64xf32, #tpu.memory_space<vmem>> -> memref<40x64xf32, #tpu.memory_space<vmem>>
      %dma_wait3A_579 = arith.constant 0 : i32
      %dma_wait3A_580 = tpu.memref_slice %arg5[%add3A_575, %dma_wait3A_579] : memref<10000x64xf32, #tpu.memory_space<vmem_shared>> -> memref<40x64xf32, #tpu.memory_space<vmem_shared>>
      %dma_wait3A_581 = arith.constant 0 : i32
      %dma_wait3A_582 = tpu.memref_slice %arg5[%add3A_575, %dma_wait3A_581] : memref<10000x64xf32, #tpu.memory_space<vmem_shared>> -> memref<40x64xf32, #tpu.memory_space<vmem_shared>>
      %dma_wait3A_583 = arith.constant 0 : i32
      %dma_wait3A_584 = arith.constant 0 : i32
      %dma_wait3A_585 = tpu.memref_slice %arg8[%dma_wait3A_583, %dma_wait3A_584] : memref<128x64xf32, #tpu.memory_space<vmem>> -> memref<40x64xf32, #tpu.memory_space<vmem>>
      tpu.wait_dma2 semaphore(%arg13 : memref<!tpu.dma_semaphore, #tpu.memory_space<semaphore_mem>>) src(%dma_wait3A_585 : memref<40x64xf32, #tpu.memory_space<vmem>>) dst(%dma_wait3A_582 : memref<40x64xf32, #tpu.memory_space<vmem_shared>>)
      %mul3A_586 = arith.constant 1000 : i32
      %mul3A_587 = arith.muli %arg1, %mul3A_586 : i32
      %add3A_588 = arith.constant 520 : i32
      %add3A_589 = arith.addi %mul3A_587, %add3A_588 : i32
      %dma_wait3A_590 = arith.constant 0 : i32
      %dma_wait3A_591 = arith.constant 0 : i32
      %dma_wait3A_592 = tpu.memref_slice %arg8[%dma_wait3A_590, %dma_wait3A_591] : memref<128x64xf32, #tpu.memory_space<vmem>> -> memref<40x64xf32, #tpu.memory_space<vmem>>
      %dma_wait3A_593 = arith.constant 0 : i32
      %dma_wait3A_594 = tpu.memref_slice %arg5[%add3A_589, %dma_wait3A_593] : memref<10000x64xf32, #tpu.memory_space<vmem_shared>> -> memref<40x64xf32, #tpu.memory_space<vmem_shared>>
      %dma_wait3A_595 = arith.constant 0 : i32
      %dma_wait3A_596 = tpu.memref_slice %arg5[%add3A_589, %dma_wait3A_595] : memref<10000x64xf32, #tpu.memory_space<vmem_shared>> -> memref<40x64xf32, #tpu.memory_space<vmem_shared>>
      %dma_wait3A_597 = arith.constant 0 : i32
      %dma_wait3A_598 = arith.constant 0 : i32
      %dma_wait3A_599 = tpu.memref_slice %arg8[%dma_wait3A_597, %dma_wait3A_598] : memref<128x64xf32, #tpu.memory_space<vmem>> -> memref<40x64xf32, #tpu.memory_space<vmem>>
      tpu.wait_dma2 semaphore(%arg13 : memref<!tpu.dma_semaphore, #tpu.memory_space<semaphore_mem>>) src(%dma_wait3A_599 : memref<40x64xf32, #tpu.memory_space<vmem>>) dst(%dma_wait3A_596 : memref<40x64xf32, #tpu.memory_space<vmem_shared>>)
      %mul3A_600 = arith.constant 1000 : i32
      %mul3A_601 = arith.muli %arg1, %mul3A_600 : i32
      %add3A_602 = arith.constant 560 : i32
      %add3A_603 = arith.addi %mul3A_601, %add3A_602 : i32
      %dma_wait3A_604 = arith.constant 0 : i32
      %dma_wait3A_605 = arith.constant 0 : i32
      %dma_wait3A_606 = tpu.memref_slice %arg8[%dma_wait3A_604, %dma_wait3A_605] : memref<128x64xf32, #tpu.memory_space<vmem>> -> memref<40x64xf32, #tpu.memory_space<vmem>>
      %dma_wait3A_607 = arith.constant 0 : i32
      %dma_wait3A_608 = tpu.memref_slice %arg5[%add3A_603, %dma_wait3A_607] : memref<10000x64xf32, #tpu.memory_space<vmem_shared>> -> memref<40x64xf32, #tpu.memory_space<vmem_shared>>
      %dma_wait3A_609 = arith.constant 0 : i32
      %dma_wait3A_610 = tpu.memref_slice %arg5[%add3A_603, %dma_wait3A_609] : memref<10000x64xf32, #tpu.memory_space<vmem_shared>> -> memref<40x64xf32, #tpu.memory_space<vmem_shared>>
      %dma_wait3A_611 = arith.constant 0 : i32
      %dma_wait3A_612 = arith.constant 0 : i32
      %dma_wait3A_613 = tpu.memref_slice %arg8[%dma_wait3A_611, %dma_wait3A_612] : memref<128x64xf32, #tpu.memory_space<vmem>> -> memref<40x64xf32, #tpu.memory_space<vmem>>
      tpu.wait_dma2 semaphore(%arg13 : memref<!tpu.dma_semaphore, #tpu.memory_space<semaphore_mem>>) src(%dma_wait3A_613 : memref<40x64xf32, #tpu.memory_space<vmem>>) dst(%dma_wait3A_610 : memref<40x64xf32, #tpu.memory_space<vmem_shared>>)
      %mul3A_614 = arith.constant 1000 : i32
      %mul3A_615 = arith.muli %arg1, %mul3A_614 : i32
      %add3A_616 = arith.constant 600 : i32
      %add3A_617 = arith.addi %mul3A_615, %add3A_616 : i32
      %dma_start3A_618 = arith.constant 0 : i32
      %dma_start3A_619 = arith.constant 0 : i32
      %dma_start3A_620 = tpu.memref_slice %arg8[%dma_start3A_618, %dma_start3A_619] : memref<128x64xf32, #tpu.memory_space<vmem>> -> memref<40x64xf32, #tpu.memory_space<vmem>>
      %dma_start3A_621 = arith.constant 0 : i32
      %dma_start3A_622 = tpu.memref_slice %arg5[%add3A_617, %dma_start3A_621] : memref<10000x64xf32, #tpu.memory_space<vmem_shared>> -> memref<40x64xf32, #tpu.memory_space<vmem_shared>>
      %dma_start3A_623 = arith.constant 0 : i32
      %dma_start3A_624 = tpu.memref_slice %arg5[%add3A_617, %dma_start3A_623] : memref<10000x64xf32, #tpu.memory_space<vmem_shared>> -> memref<40x64xf32, #tpu.memory_space<vmem_shared>>
      %dma_start3A_625 = arith.constant 0 : i32
      %dma_start3A_626 = arith.constant 0 : i32
      %dma_start3A_627 = tpu.memref_slice %arg8[%dma_start3A_625, %dma_start3A_626] : memref<128x64xf32, #tpu.memory_space<vmem>> -> memref<40x64xf32, #tpu.memory_space<vmem>>
      tpu.enqueue_dma source(%dma_start3A_627 : memref<40x64xf32, #tpu.memory_space<vmem>>) target(%dma_start3A_624 : memref<40x64xf32, #tpu.memory_space<vmem_shared>>) target_semaphore(%arg13 : memref<!tpu.dma_semaphore, #tpu.memory_space<semaphore_mem>>)
      %mul3A_628 = arith.constant 1000 : i32
      %mul3A_629 = arith.muli %arg1, %mul3A_628 : i32
      %add3A_630 = arith.constant 640 : i32
      %add3A_631 = arith.addi %mul3A_629, %add3A_630 : i32
      %dma_start3A_632 = arith.constant 0 : i32
      %dma_start3A_633 = arith.constant 0 : i32
      %dma_start3A_634 = tpu.memref_slice %arg8[%dma_start3A_632, %dma_start3A_633] : memref<128x64xf32, #tpu.memory_space<vmem>> -> memref<40x64xf32, #tpu.memory_space<vmem>>
      %dma_start3A_635 = arith.constant 0 : i32
      %dma_start3A_636 = tpu.memref_slice %arg5[%add3A_631, %dma_start3A_635] : memref<10000x64xf32, #tpu.memory_space<vmem_shared>> -> memref<40x64xf32, #tpu.memory_space<vmem_shared>>
      %dma_start3A_637 = arith.constant 0 : i32
      %dma_start3A_638 = tpu.memref_slice %arg5[%add3A_631, %dma_start3A_637] : memref<10000x64xf32, #tpu.memory_space<vmem_shared>> -> memref<40x64xf32, #tpu.memory_space<vmem_shared>>
      %dma_start3A_639 = arith.constant 0 : i32
      %dma_start3A_640 = arith.constant 0 : i32
      %dma_start3A_641 = tpu.memref_slice %arg8[%dma_start3A_639, %dma_start3A_640] : memref<128x64xf32, #tpu.memory_space<vmem>> -> memref<40x64xf32, #tpu.memory_space<vmem>>
      tpu.enqueue_dma source(%dma_start3A_641 : memref<40x64xf32, #tpu.memory_space<vmem>>) target(%dma_start3A_638 : memref<40x64xf32, #tpu.memory_space<vmem_shared>>) target_semaphore(%arg13 : memref<!tpu.dma_semaphore, #tpu.memory_space<semaphore_mem>>)
      %mul3A_642 = arith.constant 1000 : i32
      %mul3A_643 = arith.muli %arg1, %mul3A_642 : i32
      %add3A_644 = arith.constant 680 : i32
      %add3A_645 = arith.addi %mul3A_643, %add3A_644 : i32
      %dma_start3A_646 = arith.constant 0 : i32
      %dma_start3A_647 = arith.constant 0 : i32
      %dma_start3A_648 = tpu.memref_slice %arg8[%dma_start3A_646, %dma_start3A_647] : memref<128x64xf32, #tpu.memory_space<vmem>> -> memref<40x64xf32, #tpu.memory_space<vmem>>
      %dma_start3A_649 = arith.constant 0 : i32
      %dma_start3A_650 = tpu.memref_slice %arg5[%add3A_645, %dma_start3A_649] : memref<10000x64xf32, #tpu.memory_space<vmem_shared>> -> memref<40x64xf32, #tpu.memory_space<vmem_shared>>
      %dma_start3A_651 = arith.constant 0 : i32
      %dma_start3A_652 = tpu.memref_slice %arg5[%add3A_645, %dma_start3A_651] : memref<10000x64xf32, #tpu.memory_space<vmem_shared>> -> memref<40x64xf32, #tpu.memory_space<vmem_shared>>
      %dma_start3A_653 = arith.constant 0 : i32
      %dma_start3A_654 = arith.constant 0 : i32
      %dma_start3A_655 = tpu.memref_slice %arg8[%dma_start3A_653, %dma_start3A_654] : memref<128x64xf32, #tpu.memory_space<vmem>> -> memref<40x64xf32, #tpu.memory_space<vmem>>
      tpu.enqueue_dma source(%dma_start3A_655 : memref<40x64xf32, #tpu.memory_space<vmem>>) target(%dma_start3A_652 : memref<40x64xf32, #tpu.memory_space<vmem_shared>>) target_semaphore(%arg13 : memref<!tpu.dma_semaphore, #tpu.memory_space<semaphore_mem>>)
      %mul3A_656 = arith.constant 1000 : i32
      %mul3A_657 = arith.muli %arg1, %mul3A_656 : i32
      %add3A_658 = arith.constant 720 : i32
      %add3A_659 = arith.addi %mul3A_657, %add3A_658 : i32
      %dma_start3A_660 = arith.constant 0 : i32
      %dma_start3A_661 = arith.constant 0 : i32
      %dma_start3A_662 = tpu.memref_slice %arg8[%dma_start3A_660, %dma_start3A_661] : memref<128x64xf32, #tpu.memory_space<vmem>> -> memref<40x64xf32, #tpu.memory_space<vmem>>
      %dma_start3A_663 = arith.constant 0 : i32
      %dma_start3A_664 = tpu.memref_slice %arg5[%add3A_659, %dma_start3A_663] : memref<10000x64xf32, #tpu.memory_space<vmem_shared>> -> memref<40x64xf32, #tpu.memory_space<vmem_shared>>
      %dma_start3A_665 = arith.constant 0 : i32
      %dma_start3A_666 = tpu.memref_slice %arg5[%add3A_659, %dma_start3A_665] : memref<10000x64xf32, #tpu.memory_space<vmem_shared>> -> memref<40x64xf32, #tpu.memory_space<vmem_shared>>
      %dma_start3A_667 = arith.constant 0 : i32
      %dma_start3A_668 = arith.constant 0 : i32
      %dma_start3A_669 = tpu.memref_slice %arg8[%dma_start3A_667, %dma_start3A_668] : memref<128x64xf32, #tpu.memory_space<vmem>> -> memref<40x64xf32, #tpu.memory_space<vmem>>
      tpu.enqueue_dma source(%dma_start3A_669 : memref<40x64xf32, #tpu.memory_space<vmem>>) target(%dma_start3A_666 : memref<40x64xf32, #tpu.memory_space<vmem_shared>>) target_semaphore(%arg13 : memref<!tpu.dma_semaphore, #tpu.memory_space<semaphore_mem>>)
      %mul3A_670 = arith.constant 1000 : i32
      %mul3A_671 = arith.muli %arg1, %mul3A_670 : i32
      %add3A_672 = arith.constant 760 : i32
      %add3A_673 = arith.addi %mul3A_671, %add3A_672 : i32
      %dma_start3A_674 = arith.constant 0 : i32
      %dma_start3A_675 = arith.constant 0 : i32
      %dma_start3A_676 = tpu.memref_slice %arg8[%dma_start3A_674, %dma_start3A_675] : memref<128x64xf32, #tpu.memory_space<vmem>> -> memref<40x64xf32, #tpu.memory_space<vmem>>
      %dma_start3A_677 = arith.constant 0 : i32
      %dma_start3A_678 = tpu.memref_slice %arg5[%add3A_673, %dma_start3A_677] : memref<10000x64xf32, #tpu.memory_space<vmem_shared>> -> memref<40x64xf32, #tpu.memory_space<vmem_shared>>
      %dma_start3A_679 = arith.constant 0 : i32
      %dma_start3A_680 = tpu.memref_slice %arg5[%add3A_673, %dma_start3A_679] : memref<10000x64xf32, #tpu.memory_space<vmem_shared>> -> memref<40x64xf32, #tpu.memory_space<vmem_shared>>
      %dma_start3A_681 = arith.constant 0 : i32
      %dma_start3A_682 = arith.constant 0 : i32
      %dma_start3A_683 = tpu.memref_slice %arg8[%dma_start3A_681, %dma_start3A_682] : memref<128x64xf32, #tpu.memory_space<vmem>> -> memref<40x64xf32, #tpu.memory_space<vmem>>
      tpu.enqueue_dma source(%dma_start3A_683 : memref<40x64xf32, #tpu.memory_space<vmem>>) target(%dma_start3A_680 : memref<40x64xf32, #tpu.memory_space<vmem_shared>>) target_semaphore(%arg13 : memref<!tpu.dma_semaphore, #tpu.memory_space<semaphore_mem>>)
      %mul3A_684 = arith.constant 1000 : i32
      %mul3A_685 = arith.muli %arg1, %mul3A_684 : i32
      %add3A_686 = arith.constant 600 : i32
      %add3A_687 = arith.addi %mul3A_685, %add3A_686 : i32
      %dma_wait3A_688 = arith.constant 0 : i32
      %dma_wait3A_689 = arith.constant 0 : i32
      %dma_wait3A_690 = tpu.memref_slice %arg8[%dma_wait3A_688, %dma_wait3A_689] : memref<128x64xf32, #tpu.memory_space<vmem>> -> memref<40x64xf32, #tpu.memory_space<vmem>>
      %dma_wait3A_691 = arith.constant 0 : i32
      %dma_wait3A_692 = tpu.memref_slice %arg5[%add3A_687, %dma_wait3A_691] : memref<10000x64xf32, #tpu.memory_space<vmem_shared>> -> memref<40x64xf32, #tpu.memory_space<vmem_shared>>
      %dma_wait3A_693 = arith.constant 0 : i32
      %dma_wait3A_694 = tpu.memref_slice %arg5[%add3A_687, %dma_wait3A_693] : memref<10000x64xf32, #tpu.memory_space<vmem_shared>> -> memref<40x64xf32, #tpu.memory_space<vmem_shared>>
      %dma_wait3A_695 = arith.constant 0 : i32
      %dma_wait3A_696 = arith.constant 0 : i32
      %dma_wait3A_697 = tpu.memref_slice %arg8[%dma_wait3A_695, %dma_wait3A_696] : memref<128x64xf32, #tpu.memory_space<vmem>> -> memref<40x64xf32, #tpu.memory_space<vmem>>
      tpu.wait_dma2 semaphore(%arg13 : memref<!tpu.dma_semaphore, #tpu.memory_space<semaphore_mem>>) src(%dma_wait3A_697 : memref<40x64xf32, #tpu.memory_space<vmem>>) dst(%dma_wait3A_694 : memref<40x64xf32, #tpu.memory_space<vmem_shared>>)
      %mul3A_698 = arith.constant 1000 : i32
      %mul3A_699 = arith.muli %arg1, %mul3A_698 : i32
      %add3A_700 = arith.constant 640 : i32
      %add3A_701 = arith.addi %mul3A_699, %add3A_700 : i32
      %dma_wait3A_702 = arith.constant 0 : i32
      %dma_wait3A_703 = arith.constant 0 : i32
      %dma_wait3A_704 = tpu.memref_slice %arg8[%dma_wait3A_702, %dma_wait3A_703] : memref<128x64xf32, #tpu.memory_space<vmem>> -> memref<40x64xf32, #tpu.memory_space<vmem>>
      %dma_wait3A_705 = arith.constant 0 : i32
      %dma_wait3A_706 = tpu.memref_slice %arg5[%add3A_701, %dma_wait3A_705] : memref<10000x64xf32, #tpu.memory_space<vmem_shared>> -> memref<40x64xf32, #tpu.memory_space<vmem_shared>>
      %dma_wait3A_707 = arith.constant 0 : i32
      %dma_wait3A_708 = tpu.memref_slice %arg5[%add3A_701, %dma_wait3A_707] : memref<10000x64xf32, #tpu.memory_space<vmem_shared>> -> memref<40x64xf32, #tpu.memory_space<vmem_shared>>
      %dma_wait3A_709 = arith.constant 0 : i32
      %dma_wait3A_710 = arith.constant 0 : i32
      %dma_wait3A_711 = tpu.memref_slice %arg8[%dma_wait3A_709, %dma_wait3A_710] : memref<128x64xf32, #tpu.memory_space<vmem>> -> memref<40x64xf32, #tpu.memory_space<vmem>>
      tpu.wait_dma2 semaphore(%arg13 : memref<!tpu.dma_semaphore, #tpu.memory_space<semaphore_mem>>) src(%dma_wait3A_711 : memref<40x64xf32, #tpu.memory_space<vmem>>) dst(%dma_wait3A_708 : memref<40x64xf32, #tpu.memory_space<vmem_shared>>)
      %mul3A_712 = arith.constant 1000 : i32
      %mul3A_713 = arith.muli %arg1, %mul3A_712 : i32
      %add3A_714 = arith.constant 680 : i32
      %add3A_715 = arith.addi %mul3A_713, %add3A_714 : i32
      %dma_wait3A_716 = arith.constant 0 : i32
      %dma_wait3A_717 = arith.constant 0 : i32
      %dma_wait3A_718 = tpu.memref_slice %arg8[%dma_wait3A_716, %dma_wait3A_717] : memref<128x64xf32, #tpu.memory_space<vmem>> -> memref<40x64xf32, #tpu.memory_space<vmem>>
      %dma_wait3A_719 = arith.constant 0 : i32
      %dma_wait3A_720 = tpu.memref_slice %arg5[%add3A_715, %dma_wait3A_719] : memref<10000x64xf32, #tpu.memory_space<vmem_shared>> -> memref<40x64xf32, #tpu.memory_space<vmem_shared>>
      %dma_wait3A_721 = arith.constant 0 : i32
      %dma_wait3A_722 = tpu.memref_slice %arg5[%add3A_715, %dma_wait3A_721] : memref<10000x64xf32, #tpu.memory_space<vmem_shared>> -> memref<40x64xf32, #tpu.memory_space<vmem_shared>>
      %dma_wait3A_723 = arith.constant 0 : i32
      %dma_wait3A_724 = arith.constant 0 : i32
      %dma_wait3A_725 = tpu.memref_slice %arg8[%dma_wait3A_723, %dma_wait3A_724] : memref<128x64xf32, #tpu.memory_space<vmem>> -> memref<40x64xf32, #tpu.memory_space<vmem>>
      tpu.wait_dma2 semaphore(%arg13 : memref<!tpu.dma_semaphore, #tpu.memory_space<semaphore_mem>>) src(%dma_wait3A_725 : memref<40x64xf32, #tpu.memory_space<vmem>>) dst(%dma_wait3A_722 : memref<40x64xf32, #tpu.memory_space<vmem_shared>>)
      %mul3A_726 = arith.constant 1000 : i32
      %mul3A_727 = arith.muli %arg1, %mul3A_726 : i32
      %add3A_728 = arith.constant 720 : i32
      %add3A_729 = arith.addi %mul3A_727, %add3A_728 : i32
      %dma_wait3A_730 = arith.constant 0 : i32
      %dma_wait3A_731 = arith.constant 0 : i32
      %dma_wait3A_732 = tpu.memref_slice %arg8[%dma_wait3A_730, %dma_wait3A_731] : memref<128x64xf32, #tpu.memory_space<vmem>> -> memref<40x64xf32, #tpu.memory_space<vmem>>
      %dma_wait3A_733 = arith.constant 0 : i32
      %dma_wait3A_734 = tpu.memref_slice %arg5[%add3A_729, %dma_wait3A_733] : memref<10000x64xf32, #tpu.memory_space<vmem_shared>> -> memref<40x64xf32, #tpu.memory_space<vmem_shared>>
      %dma_wait3A_735 = arith.constant 0 : i32
      %dma_wait3A_736 = tpu.memref_slice %arg5[%add3A_729, %dma_wait3A_735] : memref<10000x64xf32, #tpu.memory_space<vmem_shared>> -> memref<40x64xf32, #tpu.memory_space<vmem_shared>>
      %dma_wait3A_737 = arith.constant 0 : i32
      %dma_wait3A_738 = arith.constant 0 : i32
      %dma_wait3A_739 = tpu.memref_slice %arg8[%dma_wait3A_737, %dma_wait3A_738] : memref<128x64xf32, #tpu.memory_space<vmem>> -> memref<40x64xf32, #tpu.memory_space<vmem>>
      tpu.wait_dma2 semaphore(%arg13 : memref<!tpu.dma_semaphore, #tpu.memory_space<semaphore_mem>>) src(%dma_wait3A_739 : memref<40x64xf32, #tpu.memory_space<vmem>>) dst(%dma_wait3A_736 : memref<40x64xf32, #tpu.memory_space<vmem_shared>>)
      %mul3A_740 = arith.constant 1000 : i32
      %mul3A_741 = arith.muli %arg1, %mul3A_740 : i32
      %add3A_742 = arith.constant 760 : i32
      %add3A_743 = arith.addi %mul3A_741, %add3A_742 : i32
      %dma_wait3A_744 = arith.constant 0 : i32
      %dma_wait3A_745 = arith.constant 0 : i32
      %dma_wait3A_746 = tpu.memref_slice %arg8[%dma_wait3A_744, %dma_wait3A_745] : memref<128x64xf32, #tpu.memory_space<vmem>> -> memref<40x64xf32, #tpu.memory_space<vmem>>
      %dma_wait3A_747 = arith.constant 0 : i32
      %dma_wait3A_748 = tpu.memref_slice %arg5[%add3A_743, %dma_wait3A_747] : memref<10000x64xf32, #tpu.memory_space<vmem_shared>> -> memref<40x64xf32, #tpu.memory_space<vmem_shared>>
      %dma_wait3A_749 = arith.constant 0 : i32
      %dma_wait3A_750 = tpu.memref_slice %arg5[%add3A_743, %dma_wait3A_749] : memref<10000x64xf32, #tpu.memory_space<vmem_shared>> -> memref<40x64xf32, #tpu.memory_space<vmem_shared>>
      %dma_wait3A_751 = arith.constant 0 : i32
      %dma_wait3A_752 = arith.constant 0 : i32
      %dma_wait3A_753 = tpu.memref_slice %arg8[%dma_wait3A_751, %dma_wait3A_752] : memref<128x64xf32, #tpu.memory_space<vmem>> -> memref<40x64xf32, #tpu.memory_space<vmem>>
      tpu.wait_dma2 semaphore(%arg13 : memref<!tpu.dma_semaphore, #tpu.memory_space<semaphore_mem>>) src(%dma_wait3A_753 : memref<40x64xf32, #tpu.memory_space<vmem>>) dst(%dma_wait3A_750 : memref<40x64xf32, #tpu.memory_space<vmem_shared>>)
      %mul3A_754 = arith.constant 1000 : i32
      %mul3A_755 = arith.muli %arg1, %mul3A_754 : i32
      %add3A_756 = arith.constant 800 : i32
      %add3A_757 = arith.addi %mul3A_755, %add3A_756 : i32
      %dma_start3A_758 = arith.constant 0 : i32
      %dma_start3A_759 = arith.constant 0 : i32
      %dma_start3A_760 = tpu.memref_slice %arg8[%dma_start3A_758, %dma_start3A_759] : memref<128x64xf32, #tpu.memory_space<vmem>> -> memref<40x64xf32, #tpu.memory_space<vmem>>
      %dma_start3A_761 = arith.constant 0 : i32
      %dma_start3A_762 = tpu.memref_slice %arg5[%add3A_757, %dma_start3A_761] : memref<10000x64xf32, #tpu.memory_space<vmem_shared>> -> memref<40x64xf32, #tpu.memory_space<vmem_shared>>
      %dma_start3A_763 = arith.constant 0 : i32
      %dma_start3A_764 = tpu.memref_slice %arg5[%add3A_757, %dma_start3A_763] : memref<10000x64xf32, #tpu.memory_space<vmem_shared>> -> memref<40x64xf32, #tpu.memory_space<vmem_shared>>
      %dma_start3A_765 = arith.constant 0 : i32
      %dma_start3A_766 = arith.constant 0 : i32
      %dma_start3A_767 = tpu.memref_slice %arg8[%dma_start3A_765, %dma_start3A_766] : memref<128x64xf32, #tpu.memory_space<vmem>> -> memref<40x64xf32, #tpu.memory_space<vmem>>
      tpu.enqueue_dma source(%dma_start3A_767 : memref<40x64xf32, #tpu.memory_space<vmem>>) target(%dma_start3A_764 : memref<40x64xf32, #tpu.memory_space<vmem_shared>>) target_semaphore(%arg13 : memref<!tpu.dma_semaphore, #tpu.memory_space<semaphore_mem>>)
      %mul3A_768 = arith.constant 1000 : i32
      %mul3A_769 = arith.muli %arg1, %mul3A_768 : i32
      %add3A_770 = arith.constant 840 : i32
      %add3A_771 = arith.addi %mul3A_769, %add3A_770 : i32
      %dma_start3A_772 = arith.constant 0 : i32
      %dma_start3A_773 = arith.constant 0 : i32
      %dma_start3A_774 = tpu.memref_slice %arg8[%dma_start3A_772, %dma_start3A_773] : memref<128x64xf32, #tpu.memory_space<vmem>> -> memref<40x64xf32, #tpu.memory_space<vmem>>
      %dma_start3A_775 = arith.constant 0 : i32
      %dma_start3A_776 = tpu.memref_slice %arg5[%add3A_771, %dma_start3A_775] : memref<10000x64xf32, #tpu.memory_space<vmem_shared>> -> memref<40x64xf32, #tpu.memory_space<vmem_shared>>
      %dma_start3A_777 = arith.constant 0 : i32
      %dma_start3A_778 = tpu.memref_slice %arg5[%add3A_771, %dma_start3A_777] : memref<10000x64xf32, #tpu.memory_space<vmem_shared>> -> memref<40x64xf32, #tpu.memory_space<vmem_shared>>
      %dma_start3A_779 = arith.constant 0 : i32
      %dma_start3A_780 = arith.constant 0 : i32
      %dma_start3A_781 = tpu.memref_slice %arg8[%dma_start3A_779, %dma_start3A_780] : memref<128x64xf32, #tpu.memory_space<vmem>> -> memref<40x64xf32, #tpu.memory_space<vmem>>
      tpu.enqueue_dma source(%dma_start3A_781 : memref<40x64xf32, #tpu.memory_space<vmem>>) target(%dma_start3A_778 : memref<40x64xf32, #tpu.memory_space<vmem_shared>>) target_semaphore(%arg13 : memref<!tpu.dma_semaphore, #tpu.memory_space<semaphore_mem>>)
      %mul3A_782 = arith.constant 1000 : i32
      %mul3A_783 = arith.muli %arg1, %mul3A_782 : i32
      %add3A_784 = arith.constant 880 : i32
      %add3A_785 = arith.addi %mul3A_783, %add3A_784 : i32
      %dma_start3A_786 = arith.constant 0 : i32
      %dma_start3A_787 = arith.constant 0 : i32
      %dma_start3A_788 = tpu.memref_slice %arg8[%dma_start3A_786, %dma_start3A_787] : memref<128x64xf32, #tpu.memory_space<vmem>> -> memref<40x64xf32, #tpu.memory_space<vmem>>
      %dma_start3A_789 = arith.constant 0 : i32
      %dma_start3A_790 = tpu.memref_slice %arg5[%add3A_785, %dma_start3A_789] : memref<10000x64xf32, #tpu.memory_space<vmem_shared>> -> memref<40x64xf32, #tpu.memory_space<vmem_shared>>
      %dma_start3A_791 = arith.constant 0 : i32
      %dma_start3A_792 = tpu.memref_slice %arg5[%add3A_785, %dma_start3A_791] : memref<10000x64xf32, #tpu.memory_space<vmem_shared>> -> memref<40x64xf32, #tpu.memory_space<vmem_shared>>
      %dma_start3A_793 = arith.constant 0 : i32
      %dma_start3A_794 = arith.constant 0 : i32
      %dma_start3A_795 = tpu.memref_slice %arg8[%dma_start3A_793, %dma_start3A_794] : memref<128x64xf32, #tpu.memory_space<vmem>> -> memref<40x64xf32, #tpu.memory_space<vmem>>
      tpu.enqueue_dma source(%dma_start3A_795 : memref<40x64xf32, #tpu.memory_space<vmem>>) target(%dma_start3A_792 : memref<40x64xf32, #tpu.memory_space<vmem_shared>>) target_semaphore(%arg13 : memref<!tpu.dma_semaphore, #tpu.memory_space<semaphore_mem>>)
      %mul3A_796 = arith.constant 1000 : i32
      %mul3A_797 = arith.muli %arg1, %mul3A_796 : i32
      %add3A_798 = arith.constant 920 : i32
      %add3A_799 = arith.addi %mul3A_797, %add3A_798 : i32
      %dma_start3A_800 = arith.constant 0 : i32
      %dma_start3A_801 = arith.constant 0 : i32
      %dma_start3A_802 = tpu.memref_slice %arg8[%dma_start3A_800, %dma_start3A_801] : memref<128x64xf32, #tpu.memory_space<vmem>> -> memref<40x64xf32, #tpu.memory_space<vmem>>
      %dma_start3A_803 = arith.constant 0 : i32
      %dma_start3A_804 = tpu.memref_slice %arg5[%add3A_799, %dma_start3A_803] : memref<10000x64xf32, #tpu.memory_space<vmem_shared>> -> memref<40x64xf32, #tpu.memory_space<vmem_shared>>
      %dma_start3A_805 = arith.constant 0 : i32
      %dma_start3A_806 = tpu.memref_slice %arg5[%add3A_799, %dma_start3A_805] : memref<10000x64xf32, #tpu.memory_space<vmem_shared>> -> memref<40x64xf32, #tpu.memory_space<vmem_shared>>
      %dma_start3A_807 = arith.constant 0 : i32
      %dma_start3A_808 = arith.constant 0 : i32
      %dma_start3A_809 = tpu.memref_slice %arg8[%dma_start3A_807, %dma_start3A_808] : memref<128x64xf32, #tpu.memory_space<vmem>> -> memref<40x64xf32, #tpu.memory_space<vmem>>
      tpu.enqueue_dma source(%dma_start3A_809 : memref<40x64xf32, #tpu.memory_space<vmem>>) target(%dma_start3A_806 : memref<40x64xf32, #tpu.memory_space<vmem_shared>>) target_semaphore(%arg13 : memref<!tpu.dma_semaphore, #tpu.memory_space<semaphore_mem>>)
      %mul3A_810 = arith.constant 1000 : i32
      %mul3A_811 = arith.muli %arg1, %mul3A_810 : i32
      %add3A_812 = arith.constant 960 : i32
      %add3A_813 = arith.addi %mul3A_811, %add3A_812 : i32
      %dma_start3A_814 = arith.constant 0 : i32
      %dma_start3A_815 = arith.constant 0 : i32
      %dma_start3A_816 = tpu.memref_slice %arg8[%dma_start3A_814, %dma_start3A_815] : memref<128x64xf32, #tpu.memory_space<vmem>> -> memref<40x64xf32, #tpu.memory_space<vmem>>
      %dma_start3A_817 = arith.constant 0 : i32
      %dma_start3A_818 = tpu.memref_slice %arg5[%add3A_813, %dma_start3A_817] : memref<10000x64xf32, #tpu.memory_space<vmem_shared>> -> memref<40x64xf32, #tpu.memory_space<vmem_shared>>
      %dma_start3A_819 = arith.constant 0 : i32
      %dma_start3A_820 = tpu.memref_slice %arg5[%add3A_813, %dma_start3A_819] : memref<10000x64xf32, #tpu.memory_space<vmem_shared>> -> memref<40x64xf32, #tpu.memory_space<vmem_shared>>
      %dma_start3A_821 = arith.constant 0 : i32
      %dma_start3A_822 = arith.constant 0 : i32
      %dma_start3A_823 = tpu.memref_slice %arg8[%dma_start3A_821, %dma_start3A_822] : memref<128x64xf32, #tpu.memory_space<vmem>> -> memref<40x64xf32, #tpu.memory_space<vmem>>
      tpu.enqueue_dma source(%dma_start3A_823 : memref<40x64xf32, #tpu.memory_space<vmem>>) target(%dma_start3A_820 : memref<40x64xf32, #tpu.memory_space<vmem_shared>>) target_semaphore(%arg13 : memref<!tpu.dma_semaphore, #tpu.memory_space<semaphore_mem>>)
      %mul3A_824 = arith.constant 1000 : i32
      %mul3A_825 = arith.muli %arg1, %mul3A_824 : i32
      %add3A_826 = arith.constant 800 : i32
      %add3A_827 = arith.addi %mul3A_825, %add3A_826 : i32
      %dma_wait3A_828 = arith.constant 0 : i32
      %dma_wait3A_829 = arith.constant 0 : i32
      %dma_wait3A_830 = tpu.memref_slice %arg8[%dma_wait3A_828, %dma_wait3A_829] : memref<128x64xf32, #tpu.memory_space<vmem>> -> memref<40x64xf32, #tpu.memory_space<vmem>>
      %dma_wait3A_831 = arith.constant 0 : i32
      %dma_wait3A_832 = tpu.memref_slice %arg5[%add3A_827, %dma_wait3A_831] : memref<10000x64xf32, #tpu.memory_space<vmem_shared>> -> memref<40x64xf32, #tpu.memory_space<vmem_shared>>
      %dma_wait3A_833 = arith.constant 0 : i32
      %dma_wait3A_834 = tpu.memref_slice %arg5[%add3A_827, %dma_wait3A_833] : memref<10000x64xf32, #tpu.memory_space<vmem_shared>> -> memref<40x64xf32, #tpu.memory_space<vmem_shared>>
      %dma_wait3A_835 = arith.constant 0 : i32
      %dma_wait3A_836 = arith.constant 0 : i32
      %dma_wait3A_837 = tpu.memref_slice %arg8[%dma_wait3A_835, %dma_wait3A_836] : memref<128x64xf32, #tpu.memory_space<vmem>> -> memref<40x64xf32, #tpu.memory_space<vmem>>
      tpu.wait_dma2 semaphore(%arg13 : memref<!tpu.dma_semaphore, #tpu.memory_space<semaphore_mem>>) src(%dma_wait3A_837 : memref<40x64xf32, #tpu.memory_space<vmem>>) dst(%dma_wait3A_834 : memref<40x64xf32, #tpu.memory_space<vmem_shared>>)
      %mul3A_838 = arith.constant 1000 : i32
      %mul3A_839 = arith.muli %arg1, %mul3A_838 : i32
      %add3A_840 = arith.constant 840 : i32
      %add3A_841 = arith.addi %mul3A_839, %add3A_840 : i32
      %dma_wait3A_842 = arith.constant 0 : i32
      %dma_wait3A_843 = arith.constant 0 : i32
      %dma_wait3A_844 = tpu.memref_slice %arg8[%dma_wait3A_842, %dma_wait3A_843] : memref<128x64xf32, #tpu.memory_space<vmem>> -> memref<40x64xf32, #tpu.memory_space<vmem>>
      %dma_wait3A_845 = arith.constant 0 : i32
      %dma_wait3A_846 = tpu.memref_slice %arg5[%add3A_841, %dma_wait3A_845] : memref<10000x64xf32, #tpu.memory_space<vmem_shared>> -> memref<40x64xf32, #tpu.memory_space<vmem_shared>>
      %dma_wait3A_847 = arith.constant 0 : i32
      %dma_wait3A_848 = tpu.memref_slice %arg5[%add3A_841, %dma_wait3A_847] : memref<10000x64xf32, #tpu.memory_space<vmem_shared>> -> memref<40x64xf32, #tpu.memory_space<vmem_shared>>
      %dma_wait3A_849 = arith.constant 0 : i32
      %dma_wait3A_850 = arith.constant 0 : i32
      %dma_wait3A_851 = tpu.memref_slice %arg8[%dma_wait3A_849, %dma_wait3A_850] : memref<128x64xf32, #tpu.memory_space<vmem>> -> memref<40x64xf32, #tpu.memory_space<vmem>>
      tpu.wait_dma2 semaphore(%arg13 : memref<!tpu.dma_semaphore, #tpu.memory_space<semaphore_mem>>) src(%dma_wait3A_851 : memref<40x64xf32, #tpu.memory_space<vmem>>) dst(%dma_wait3A_848 : memref<40x64xf32, #tpu.memory_space<vmem_shared>>)
      %mul3A_852 = arith.constant 1000 : i32
      %mul3A_853 = arith.muli %arg1, %mul3A_852 : i32
      %add3A_854 = arith.constant 880 : i32
      %add3A_855 = arith.addi %mul3A_853, %add3A_854 : i32
      %dma_wait3A_856 = arith.constant 0 : i32
      %dma_wait3A_857 = arith.constant 0 : i32
      %dma_wait3A_858 = tpu.memref_slice %arg8[%dma_wait3A_856, %dma_wait3A_857] : memref<128x64xf32, #tpu.memory_space<vmem>> -> memref<40x64xf32, #tpu.memory_space<vmem>>
      %dma_wait3A_859 = arith.constant 0 : i32
      %dma_wait3A_860 = tpu.memref_slice %arg5[%add3A_855, %dma_wait3A_859] : memref<10000x64xf32, #tpu.memory_space<vmem_shared>> -> memref<40x64xf32, #tpu.memory_space<vmem_shared>>
      %dma_wait3A_861 = arith.constant 0 : i32
      %dma_wait3A_862 = tpu.memref_slice %arg5[%add3A_855, %dma_wait3A_861] : memref<10000x64xf32, #tpu.memory_space<vmem_shared>> -> memref<40x64xf32, #tpu.memory_space<vmem_shared>>
      %dma_wait3A_863 = arith.constant 0 : i32
      %dma_wait3A_864 = arith.constant 0 : i32
      %dma_wait3A_865 = tpu.memref_slice %arg8[%dma_wait3A_863, %dma_wait3A_864] : memref<128x64xf32, #tpu.memory_space<vmem>> -> memref<40x64xf32, #tpu.memory_space<vmem>>
      tpu.wait_dma2 semaphore(%arg13 : memref<!tpu.dma_semaphore, #tpu.memory_space<semaphore_mem>>) src(%dma_wait3A_865 : memref<40x64xf32, #tpu.memory_space<vmem>>) dst(%dma_wait3A_862 : memref<40x64xf32, #tpu.memory_space<vmem_shared>>)
      %mul3A_866 = arith.constant 1000 : i32
      %mul3A_867 = arith.muli %arg1, %mul3A_866 : i32
      %add3A_868 = arith.constant 920 : i32
      %add3A_869 = arith.addi %mul3A_867, %add3A_868 : i32
      %dma_wait3A_870 = arith.constant 0 : i32
      %dma_wait3A_871 = arith.constant 0 : i32
      %dma_wait3A_872 = tpu.memref_slice %arg8[%dma_wait3A_870, %dma_wait3A_871] : memref<128x64xf32, #tpu.memory_space<vmem>> -> memref<40x64xf32, #tpu.memory_space<vmem>>
      %dma_wait3A_873 = arith.constant 0 : i32
      %dma_wait3A_874 = tpu.memref_slice %arg5[%add3A_869, %dma_wait3A_873] : memref<10000x64xf32, #tpu.memory_space<vmem_shared>> -> memref<40x64xf32, #tpu.memory_space<vmem_shared>>
      %dma_wait3A_875 = arith.constant 0 : i32
      %dma_wait3A_876 = tpu.memref_slice %arg5[%add3A_869, %dma_wait3A_875] : memref<10000x64xf32, #tpu.memory_space<vmem_shared>> -> memref<40x64xf32, #tpu.memory_space<vmem_shared>>
      %dma_wait3A_877 = arith.constant 0 : i32
      %dma_wait3A_878 = arith.constant 0 : i32
      %dma_wait3A_879 = tpu.memref_slice %arg8[%dma_wait3A_877, %dma_wait3A_878] : memref<128x64xf32, #tpu.memory_space<vmem>> -> memref<40x64xf32, #tpu.memory_space<vmem>>
      tpu.wait_dma2 semaphore(%arg13 : memref<!tpu.dma_semaphore, #tpu.memory_space<semaphore_mem>>) src(%dma_wait3A_879 : memref<40x64xf32, #tpu.memory_space<vmem>>) dst(%dma_wait3A_876 : memref<40x64xf32, #tpu.memory_space<vmem_shared>>)
      %mul3A_880 = arith.constant 1000 : i32
      %mul3A_881 = arith.muli %arg1, %mul3A_880 : i32
      %add3A_882 = arith.constant 960 : i32
      %add3A_883 = arith.addi %mul3A_881, %add3A_882 : i32
      %dma_wait3A_884 = arith.constant 0 : i32
      %dma_wait3A_885 = arith.constant 0 : i32
      %dma_wait3A_886 = tpu.memref_slice %arg8[%dma_wait3A_884, %dma_wait3A_885] : memref<128x64xf32, #tpu.memory_space<vmem>> -> memref<40x64xf32, #tpu.memory_space<vmem>>
      %dma_wait3A_887 = arith.constant 0 : i32
      %dma_wait3A_888 = tpu.memref_slice %arg5[%add3A_883, %dma_wait3A_887] : memref<10000x64xf32, #tpu.memory_space<vmem_shared>> -> memref<40x64xf32, #tpu.memory_space<vmem_shared>>
      %dma_wait3A_889 = arith.constant 0 : i32
      %dma_wait3A_890 = tpu.memref_slice %arg5[%add3A_883, %dma_wait3A_889] : memref<10000x64xf32, #tpu.memory_space<vmem_shared>> -> memref<40x64xf32, #tpu.memory_space<vmem_shared>>
      %dma_wait3A_891 = arith.constant 0 : i32
      %dma_wait3A_892 = arith.constant 0 : i32
      %dma_wait3A_893 = tpu.memref_slice %arg8[%dma_wait3A_891, %dma_wait3A_892] : memref<128x64xf32, #tpu.memory_space<vmem>> -> memref<40x64xf32, #tpu.memory_space<vmem>>
      tpu.wait_dma2 semaphore(%arg13 : memref<!tpu.dma_semaphore, #tpu.memory_space<semaphore_mem>>) src(%dma_wait3A_893 : memref<40x64xf32, #tpu.memory_space<vmem>>) dst(%dma_wait3A_890 : memref<40x64xf32, #tpu.memory_space<vmem_shared>>)
    } else {
    }
    %barrier3A = arith.constant 0 : index
    tpu.barrier barrier_id(%barrier3A)
    %dma_wait3A = arith.constant 0 : i32
    %dma_wait3A_20 = tpu.memref_slice %arg3[%dma_wait3A, %mul3A_2] : memref<2x320000xi32, #tpu.memory_space<hbm>> -> memref<1x10000xi32, #tpu.memory_space<hbm>>
    %dma_wait3A_21 = tpu.memref_squeeze %dma_wait3A_20 : memref<1x10000xi32, #tpu.memory_space<hbm>> -> memref<10000xi32, #tpu.memory_space<hbm>>
    %dma_wait3A_22 = tpu.memref_slice %arg3[%dma_wait3A, %mul3A_2] : memref<2x320000xi32, #tpu.memory_space<hbm>> -> memref<1x10000xi32, #tpu.memory_space<hbm>>
    %dma_wait3A_23 = tpu.memref_squeeze %dma_wait3A_22 : memref<1x10000xi32, #tpu.memory_space<hbm>> -> memref<10000xi32, #tpu.memory_space<hbm>>
    tpu.wait_dma2 semaphore(%arg12 : memref<!tpu.dma_semaphore, #tpu.memory_space<semaphore_mem>>) src(%dma_wait3A_23 : memref<10000xi32, #tpu.memory_space<hbm>>) dst(%arg6 : memref<10000xi32, #tpu.memory_space<vmem>>)
    %dma_wait3A_24 = arith.constant 1 : i32
    %dma_wait3A_25 = tpu.memref_slice %arg3[%dma_wait3A_24, %mul3A_2] : memref<2x320000xi32, #tpu.memory_space<hbm>> -> memref<1x10000xi32, #tpu.memory_space<hbm>>
    %dma_wait3A_26 = tpu.memref_squeeze %dma_wait3A_25 : memref<1x10000xi32, #tpu.memory_space<hbm>> -> memref<10000xi32, #tpu.memory_space<hbm>>
    %dma_wait3A_27 = tpu.memref_slice %arg3[%dma_wait3A_24, %mul3A_2] : memref<2x320000xi32, #tpu.memory_space<hbm>> -> memref<1x10000xi32, #tpu.memory_space<hbm>>
    %dma_wait3A_28 = tpu.memref_squeeze %dma_wait3A_27 : memref<1x10000xi32, #tpu.memory_space<hbm>> -> memref<10000xi32, #tpu.memory_space<hbm>>
    tpu.wait_dma2 semaphore(%arg12 : memref<!tpu.dma_semaphore, #tpu.memory_space<semaphore_mem>>) src(%dma_wait3A_28 : memref<10000xi32, #tpu.memory_space<hbm>>) dst(%arg7 : memref<10000xi32, #tpu.memory_space<vmem>>)
    %dma_start3A_29 = arith.constant 0 : i32
    %dma_start3A_30 = tpu.memref_slice %arg6[%dma_start3A_29] : memref<10000xi32, #tpu.memory_space<vmem>> -> memref<128xi32, #tpu.memory_space<vmem>>
    %dma_start3A_31 = arith.constant 0 : i32
    %dma_start3A_32 = arith.constant 0 : i32
    %dma_start3A_33 = tpu.memref_slice %arg2[%dma_start3A_31, %dma_start3A_32] : memref<10000x64xf32, #tpu.memory_space<hbm>> -> memref<10000x64xf32, #tpu.memory_space<hbm>>
    tpu.enqueue_indirect_dma source(%dma_start3A_33 : memref<10000x64xf32, #tpu.memory_space<hbm>>) target(%arg8 : memref<128x64xf32, #tpu.memory_space<vmem>>) offsets(%dma_start3A_30 : memref<128xi32, #tpu.memory_space<vmem>>) semaphore(%arg13 : memref<!tpu.dma_semaphore, #tpu.memory_space<semaphore_mem>>)
    %dma_start3A_34 = arith.constant 128 : i32
    %dma_start3A_35 = tpu.memref_slice %arg6[%dma_start3A_34] : memref<10000xi32, #tpu.memory_space<vmem>> -> memref<128xi32, #tpu.memory_space<vmem>>
    %dma_start3A_36 = arith.constant 0 : i32
    %dma_start3A_37 = arith.constant 0 : i32
    %dma_start3A_38 = tpu.memref_slice %arg2[%dma_start3A_36, %dma_start3A_37] : memref<10000x64xf32, #tpu.memory_space<hbm>> -> memref<10000x64xf32, #tpu.memory_space<hbm>>
    tpu.enqueue_indirect_dma source(%dma_start3A_38 : memref<10000x64xf32, #tpu.memory_space<hbm>>) target(%arg9 : memref<128x64xf32, #tpu.memory_space<vmem>>) offsets(%dma_start3A_35 : memref<128xi32, #tpu.memory_space<vmem>>) semaphore(%arg14 : memref<!tpu.dma_semaphore, #tpu.memory_space<semaphore_mem>>)
    %dma_start3A_39 = arith.constant 256 : i32
    %dma_start3A_40 = tpu.memref_slice %arg6[%dma_start3A_39] : memref<10000xi32, #tpu.memory_space<vmem>> -> memref<128xi32, #tpu.memory_space<vmem>>
    %dma_start3A_41 = arith.constant 0 : i32
    %dma_start3A_42 = arith.constant 0 : i32
    %dma_start3A_43 = tpu.memref_slice %arg2[%dma_start3A_41, %dma_start3A_42] : memref<10000x64xf32, #tpu.memory_space<hbm>> -> memref<10000x64xf32, #tpu.memory_space<hbm>>
    tpu.enqueue_indirect_dma source(%dma_start3A_43 : memref<10000x64xf32, #tpu.memory_space<hbm>>) target(%arg10 : memref<128x64xf32, #tpu.memory_space<vmem>>) offsets(%dma_start3A_40 : memref<128xi32, #tpu.memory_space<vmem>>) semaphore(%arg15 : memref<!tpu.dma_semaphore, #tpu.memory_space<semaphore_mem>>)
    %dma_wait3A_44 = arith.constant 0 : i32
    %dma_wait3A_45 = tpu.memref_slice %arg6[%dma_wait3A_44] : memref<10000xi32, #tpu.memory_space<vmem>> -> memref<128xi32, #tpu.memory_space<vmem>>
    %dma_wait3A_46 = arith.constant 0 : i32
    %dma_wait3A_47 = arith.constant 0 : i32
    %dma_wait3A_48 = tpu.memref_slice %arg2[%dma_wait3A_46, %dma_wait3A_47] : memref<10000x64xf32, #tpu.memory_space<hbm>> -> memref<10000x64xf32, #tpu.memory_space<hbm>>
    tpu.wait_indirect_dma semaphore(%arg13 : memref<!tpu.dma_semaphore, #tpu.memory_space<semaphore_mem>>) src(%dma_wait3A_48 : memref<10000x64xf32, #tpu.memory_space<hbm>>) dst(%arg8 : memref<128x64xf32, #tpu.memory_space<vmem>>)
    %dma_start3A_49 = arith.constant 0 : i32
    %dma_start3A_50 = tpu.memref_slice %arg7[%dma_start3A_49] : memref<10000xi32, #tpu.memory_space<vmem>> -> memref<128xi32, #tpu.memory_space<vmem>>
    %dma_start3A_51 = arith.constant 0 : i32
    %dma_start3A_52 = arith.constant 0 : i32
    %dma_start3A_53 = tpu.memref_slice %arg5[%dma_start3A_51, %dma_start3A_52] : memref<10000x64xf32, #tpu.memory_space<vmem_shared>> -> memref<10000x64xf32, #tpu.memory_space<vmem_shared>>
    tpu.enqueue_indirect_dma source(%arg8 : memref<128x64xf32, #tpu.memory_space<vmem>>) target(%dma_start3A_53 : memref<10000x64xf32, #tpu.memory_space<vmem_shared>>) offsets(%dma_start3A_50 : memref<128xi32, #tpu.memory_space<vmem>>) semaphore(%arg17 : memref<!tpu.dma_semaphore, #tpu.memory_space<semaphore_mem>>) {add = true}
    %dma_start3A_54 = arith.constant 384 : i32
    %dma_start3A_55 = tpu.memref_slice %arg6[%dma_start3A_54] : memref<10000xi32, #tpu.memory_space<vmem>> -> memref<128xi32, #tpu.memory_space<vmem>>
    %dma_start3A_56 = arith.constant 0 : i32
    %dma_start3A_57 = arith.constant 0 : i32
    %dma_start3A_58 = tpu.memref_slice %arg2[%dma_start3A_56, %dma_start3A_57] : memref<10000x64xf32, #tpu.memory_space<hbm>> -> memref<10000x64xf32, #tpu.memory_space<hbm>>
    tpu.enqueue_indirect_dma source(%dma_start3A_58 : memref<10000x64xf32, #tpu.memory_space<hbm>>) target(%arg11 : memref<128x64xf32, #tpu.memory_space<vmem>>) offsets(%dma_start3A_55 : memref<128xi32, #tpu.memory_space<vmem>>) semaphore(%arg16 : memref<!tpu.dma_semaphore, #tpu.memory_space<semaphore_mem>>)
    %dma_wait3A_59 = arith.constant 128 : i32
    %dma_wait3A_60 = tpu.memref_slice %arg6[%dma_wait3A_59] : memref<10000xi32, #tpu.memory_space<vmem>> -> memref<128xi32, #tpu.memory_space<vmem>>
    %dma_wait3A_61 = arith.constant 0 : i32
    %dma_wait3A_62 = arith.constant 0 : i32
    %dma_wait3A_63 = tpu.memref_slice %arg2[%dma_wait3A_61, %dma_wait3A_62] : memref<10000x64xf32, #tpu.memory_space<hbm>> -> memref<10000x64xf32, #tpu.memory_space<hbm>>
    tpu.wait_indirect_dma semaphore(%arg14 : memref<!tpu.dma_semaphore, #tpu.memory_space<semaphore_mem>>) src(%dma_wait3A_63 : memref<10000x64xf32, #tpu.memory_space<hbm>>) dst(%arg9 : memref<128x64xf32, #tpu.memory_space<vmem>>)
    %dma_start3A_64 = arith.constant 128 : i32
    %dma_start3A_65 = tpu.memref_slice %arg7[%dma_start3A_64] : memref<10000xi32, #tpu.memory_space<vmem>> -> memref<128xi32, #tpu.memory_space<vmem>>
    %dma_start3A_66 = arith.constant 0 : i32
    %dma_start3A_67 = arith.constant 0 : i32
    %dma_start3A_68 = tpu.memref_slice %arg5[%dma_start3A_66, %dma_start3A_67] : memref<10000x64xf32, #tpu.memory_space<vmem_shared>> -> memref<10000x64xf32, #tpu.memory_space<vmem_shared>>
    tpu.enqueue_indirect_dma source(%arg9 : memref<128x64xf32, #tpu.memory_space<vmem>>) target(%dma_start3A_68 : memref<10000x64xf32, #tpu.memory_space<vmem_shared>>) offsets(%dma_start3A_65 : memref<128xi32, #tpu.memory_space<vmem>>) semaphore(%arg18 : memref<!tpu.dma_semaphore, #tpu.memory_space<semaphore_mem>>) {add = true}
    %scan3A_69 = arith.constant 0 : i32
    %scan3A_70 = arith.constant 0 : i32
    %scan3A_71 = arith.constant 18 : i32
    %scan3A_72 = arith.addi %scan3A_70, %scan3A_71 : i32
    %scan3A_73 = arith.constant 1 : i32
    %scan3A_74 = scf.for %scan3A_194 = %scan3A_70 to %scan3A_72 step %scan3A_73 iter_args(%scan3A_195 = %scan3A_69) -> (i32)  : i32 {
      %mul3A_196 = arith.constant 4 : i32
      %mul3A_197 = arith.muli %scan3A_194, %mul3A_196 : i32
      %add3A_198 = arith.constant 2 : i32
      %add3A_199 = arith.addi %add3A_198, %mul3A_197 : i32
      %add3A_200 = arith.constant 0 : i32
      %add3A_201 = arith.addi %add3A_199, %add3A_200 : i32
      %sub3A = arith.constant 2 : i32
      %sub3A_202 = arith.subi %add3A_201, %sub3A : i32
      %mul3A_203 = arith.constant 128 : i32
      %mul3A_204 = arith.muli %sub3A_202, %mul3A_203 : i32
      %dma_wait3A_205 = tpu.memref_slice %arg7[%mul3A_204] : memref<10000xi32, #tpu.memory_space<vmem>> -> memref<128xi32, #tpu.memory_space<vmem>>
      %dma_wait3A_206 = arith.constant 0 : i32
      %dma_wait3A_207 = arith.constant 0 : i32
      %dma_wait3A_208 = tpu.memref_slice %arg5[%dma_wait3A_206, %dma_wait3A_207] : memref<10000x64xf32, #tpu.memory_space<vmem_shared>> -> memref<10000x64xf32, #tpu.memory_space<vmem_shared>>
      tpu.wait_indirect_dma semaphore(%arg17 : memref<!tpu.dma_semaphore, #tpu.memory_space<semaphore_mem>>) src(%arg8 : memref<128x64xf32, #tpu.memory_space<vmem>>) dst(%dma_wait3A_208 : memref<10000x64xf32, #tpu.memory_space<vmem_shared>>)
      %add3A_209 = arith.constant 2 : i32
      %add3A_210 = arith.addi %add3A_201, %add3A_209 : i32
      %mul3A_211 = arith.constant 128 : i32
      %mul3A_212 = arith.muli %add3A_210, %mul3A_211 : i32
      %dma_start3A_213 = tpu.memref_slice %arg6[%mul3A_212] : memref<10000xi32, #tpu.memory_space<vmem>> -> memref<128xi32, #tpu.memory_space<vmem>>
      %dma_start3A_214 = arith.constant 0 : i32
      %dma_start3A_215 = arith.constant 0 : i32
      %dma_start3A_216 = tpu.memref_slice %arg2[%dma_start3A_214, %dma_start3A_215] : memref<10000x64xf32, #tpu.memory_space<hbm>> -> memref<10000x64xf32, #tpu.memory_space<hbm>>
      tpu.enqueue_indirect_dma source(%dma_start3A_216 : memref<10000x64xf32, #tpu.memory_space<hbm>>) target(%arg8 : memref<128x64xf32, #tpu.memory_space<vmem>>) offsets(%dma_start3A_213 : memref<128xi32, #tpu.memory_space<vmem>>) semaphore(%arg13 : memref<!tpu.dma_semaphore, #tpu.memory_space<semaphore_mem>>)
      %mul3A_217 = arith.constant 128 : i32
      %mul3A_218 = arith.muli %add3A_201, %mul3A_217 : i32
      %dma_wait3A_219 = tpu.memref_slice %arg6[%mul3A_218] : memref<10000xi32, #tpu.memory_space<vmem>> -> memref<128xi32, #tpu.memory_space<vmem>>
      %dma_wait3A_220 = arith.constant 0 : i32
      %dma_wait3A_221 = arith.constant 0 : i32
      %dma_wait3A_222 = tpu.memref_slice %arg2[%dma_wait3A_220, %dma_wait3A_221] : memref<10000x64xf32, #tpu.memory_space<hbm>> -> memref<10000x64xf32, #tpu.memory_space<hbm>>
      tpu.wait_indirect_dma semaphore(%arg15 : memref<!tpu.dma_semaphore, #tpu.memory_space<semaphore_mem>>) src(%dma_wait3A_222 : memref<10000x64xf32, #tpu.memory_space<hbm>>) dst(%arg10 : memref<128x64xf32, #tpu.memory_space<vmem>>)
      %mul3A_223 = arith.constant 128 : i32
      %mul3A_224 = arith.muli %add3A_201, %mul3A_223 : i32
      %dma_start3A_225 = tpu.memref_slice %arg7[%mul3A_224] : memref<10000xi32, #tpu.memory_space<vmem>> -> memref<128xi32, #tpu.memory_space<vmem>>
      %dma_start3A_226 = arith.constant 0 : i32
      %dma_start3A_227 = arith.constant 0 : i32
      %dma_start3A_228 = tpu.memref_slice %arg5[%dma_start3A_226, %dma_start3A_227] : memref<10000x64xf32, #tpu.memory_space<vmem_shared>> -> memref<10000x64xf32, #tpu.memory_space<vmem_shared>>
      tpu.enqueue_indirect_dma source(%arg10 : memref<128x64xf32, #tpu.memory_space<vmem>>) target(%dma_start3A_228 : memref<10000x64xf32, #tpu.memory_space<vmem_shared>>) offsets(%dma_start3A_225 : memref<128xi32, #tpu.memory_space<vmem>>) semaphore(%arg19 : memref<!tpu.dma_semaphore, #tpu.memory_space<semaphore_mem>>) {add = true}
      %mul3A_229 = arith.constant 4 : i32
      %mul3A_230 = arith.muli %scan3A_194, %mul3A_229 : i32
      %add3A_231 = arith.constant 2 : i32
      %add3A_232 = arith.addi %add3A_231, %mul3A_230 : i32
      %add3A_233 = arith.constant 1 : i32
      %add3A_234 = arith.addi %add3A_232, %add3A_233 : i32
      %sub3A_235 = arith.constant 2 : i32
      %sub3A_236 = arith.subi %add3A_234, %sub3A_235 : i32
      %mul3A_237 = arith.constant 128 : i32
      %mul3A_238 = arith.muli %sub3A_236, %mul3A_237 : i32
      %dma_wait3A_239 = tpu.memref_slice %arg7[%mul3A_238] : memref<10000xi32, #tpu.memory_space<vmem>> -> memref<128xi32, #tpu.memory_space<vmem>>
      %dma_wait3A_240 = arith.constant 0 : i32
      %dma_wait3A_241 = arith.constant 0 : i32
      %dma_wait3A_242 = tpu.memref_slice %arg5[%dma_wait3A_240, %dma_wait3A_241] : memref<10000x64xf32, #tpu.memory_space<vmem_shared>> -> memref<10000x64xf32, #tpu.memory_space<vmem_shared>>
      tpu.wait_indirect_dma semaphore(%arg18 : memref<!tpu.dma_semaphore, #tpu.memory_space<semaphore_mem>>) src(%arg9 : memref<128x64xf32, #tpu.memory_space<vmem>>) dst(%dma_wait3A_242 : memref<10000x64xf32, #tpu.memory_space<vmem_shared>>)
      %add3A_243 = arith.constant 2 : i32
      %add3A_244 = arith.addi %add3A_234, %add3A_243 : i32
      %mul3A_245 = arith.constant 128 : i32
      %mul3A_246 = arith.muli %add3A_244, %mul3A_245 : i32
      %dma_start3A_247 = tpu.memref_slice %arg6[%mul3A_246] : memref<10000xi32, #tpu.memory_space<vmem>> -> memref<128xi32, #tpu.memory_space<vmem>>
      %dma_start3A_248 = arith.constant 0 : i32
      %dma_start3A_249 = arith.constant 0 : i32
      %dma_start3A_250 = tpu.memref_slice %arg2[%dma_start3A_248, %dma_start3A_249] : memref<10000x64xf32, #tpu.memory_space<hbm>> -> memref<10000x64xf32, #tpu.memory_space<hbm>>
      tpu.enqueue_indirect_dma source(%dma_start3A_250 : memref<10000x64xf32, #tpu.memory_space<hbm>>) target(%arg9 : memref<128x64xf32, #tpu.memory_space<vmem>>) offsets(%dma_start3A_247 : memref<128xi32, #tpu.memory_space<vmem>>) semaphore(%arg14 : memref<!tpu.dma_semaphore, #tpu.memory_space<semaphore_mem>>)
      %mul3A_251 = arith.constant 128 : i32
      %mul3A_252 = arith.muli %add3A_234, %mul3A_251 : i32
      %dma_wait3A_253 = tpu.memref_slice %arg6[%mul3A_252] : memref<10000xi32, #tpu.memory_space<vmem>> -> memref<128xi32, #tpu.memory_space<vmem>>
      %dma_wait3A_254 = arith.constant 0 : i32
      %dma_wait3A_255 = arith.constant 0 : i32
      %dma_wait3A_256 = tpu.memref_slice %arg2[%dma_wait3A_254, %dma_wait3A_255] : memref<10000x64xf32, #tpu.memory_space<hbm>> -> memref<10000x64xf32, #tpu.memory_space<hbm>>
      tpu.wait_indirect_dma semaphore(%arg16 : memref<!tpu.dma_semaphore, #tpu.memory_space<semaphore_mem>>) src(%dma_wait3A_256 : memref<10000x64xf32, #tpu.memory_space<hbm>>) dst(%arg11 : memref<128x64xf32, #tpu.memory_space<vmem>>)
      %mul3A_257 = arith.constant 128 : i32
      %mul3A_258 = arith.muli %add3A_234, %mul3A_257 : i32
      %dma_start3A_259 = tpu.memref_slice %arg7[%mul3A_258] : memref<10000xi32, #tpu.memory_space<vmem>> -> memref<128xi32, #tpu.memory_space<vmem>>
      %dma_start3A_260 = arith.constant 0 : i32
      %dma_start3A_261 = arith.constant 0 : i32
      %dma_start3A_262 = tpu.memref_slice %arg5[%dma_start3A_260, %dma_start3A_261] : memref<10000x64xf32, #tpu.memory_space<vmem_shared>> -> memref<10000x64xf32, #tpu.memory_space<vmem_shared>>
      tpu.enqueue_indirect_dma source(%arg11 : memref<128x64xf32, #tpu.memory_space<vmem>>) target(%dma_start3A_262 : memref<10000x64xf32, #tpu.memory_space<vmem_shared>>) offsets(%dma_start3A_259 : memref<128xi32, #tpu.memory_space<vmem>>) semaphore(%arg20 : memref<!tpu.dma_semaphore, #tpu.memory_space<semaphore_mem>>) {add = true}
      %mul3A_263 = arith.constant 4 : i32
      %mul3A_264 = arith.muli %scan3A_194, %mul3A_263 : i32
      %add3A_265 = arith.constant 2 : i32
      %add3A_266 = arith.addi %add3A_265, %mul3A_264 : i32
      %add3A_267 = arith.constant 2 : i32
      %add3A_268 = arith.addi %add3A_266, %add3A_267 : i32
      %sub3A_269 = arith.constant 2 : i32
      %sub3A_270 = arith.subi %add3A_268, %sub3A_269 : i32
      %mul3A_271 = arith.constant 128 : i32
      %mul3A_272 = arith.muli %sub3A_270, %mul3A_271 : i32
      %dma_wait3A_273 = tpu.memref_slice %arg7[%mul3A_272] : memref<10000xi32, #tpu.memory_space<vmem>> -> memref<128xi32, #tpu.memory_space<vmem>>
      %dma_wait3A_274 = arith.constant 0 : i32
      %dma_wait3A_275 = arith.constant 0 : i32
      %dma_wait3A_276 = tpu.memref_slice %arg5[%dma_wait3A_274, %dma_wait3A_275] : memref<10000x64xf32, #tpu.memory_space<vmem_shared>> -> memref<10000x64xf32, #tpu.memory_space<vmem_shared>>
      tpu.wait_indirect_dma semaphore(%arg19 : memref<!tpu.dma_semaphore, #tpu.memory_space<semaphore_mem>>) src(%arg10 : memref<128x64xf32, #tpu.memory_space<vmem>>) dst(%dma_wait3A_276 : memref<10000x64xf32, #tpu.memory_space<vmem_shared>>)
      %add3A_277 = arith.constant 2 : i32
      %add3A_278 = arith.addi %add3A_268, %add3A_277 : i32
      %mul3A_279 = arith.constant 128 : i32
      %mul3A_280 = arith.muli %add3A_278, %mul3A_279 : i32
      %dma_start3A_281 = tpu.memref_slice %arg6[%mul3A_280] : memref<10000xi32, #tpu.memory_space<vmem>> -> memref<128xi32, #tpu.memory_space<vmem>>
      %dma_start3A_282 = arith.constant 0 : i32
      %dma_start3A_283 = arith.constant 0 : i32
      %dma_start3A_284 = tpu.memref_slice %arg2[%dma_start3A_282, %dma_start3A_283] : memref<10000x64xf32, #tpu.memory_space<hbm>> -> memref<10000x64xf32, #tpu.memory_space<hbm>>
      tpu.enqueue_indirect_dma source(%dma_start3A_284 : memref<10000x64xf32, #tpu.memory_space<hbm>>) target(%arg10 : memref<128x64xf32, #tpu.memory_space<vmem>>) offsets(%dma_start3A_281 : memref<128xi32, #tpu.memory_space<vmem>>) semaphore(%arg15 : memref<!tpu.dma_semaphore, #tpu.memory_space<semaphore_mem>>)
      %mul3A_285 = arith.constant 128 : i32
      %mul3A_286 = arith.muli %add3A_268, %mul3A_285 : i32
      %dma_wait3A_287 = tpu.memref_slice %arg6[%mul3A_286] : memref<10000xi32, #tpu.memory_space<vmem>> -> memref<128xi32, #tpu.memory_space<vmem>>
      %dma_wait3A_288 = arith.constant 0 : i32
      %dma_wait3A_289 = arith.constant 0 : i32
      %dma_wait3A_290 = tpu.memref_slice %arg2[%dma_wait3A_288, %dma_wait3A_289] : memref<10000x64xf32, #tpu.memory_space<hbm>> -> memref<10000x64xf32, #tpu.memory_space<hbm>>
      tpu.wait_indirect_dma semaphore(%arg13 : memref<!tpu.dma_semaphore, #tpu.memory_space<semaphore_mem>>) src(%dma_wait3A_290 : memref<10000x64xf32, #tpu.memory_space<hbm>>) dst(%arg8 : memref<128x64xf32, #tpu.memory_space<vmem>>)
      %mul3A_291 = arith.constant 128 : i32
      %mul3A_292 = arith.muli %add3A_268, %mul3A_291 : i32
      %dma_start3A_293 = tpu.memref_slice %arg7[%mul3A_292] : memref<10000xi32, #tpu.memory_space<vmem>> -> memref<128xi32, #tpu.memory_space<vmem>>
      %dma_start3A_294 = arith.constant 0 : i32
      %dma_start3A_295 = arith.constant 0 : i32
      %dma_start3A_296 = tpu.memref_slice %arg5[%dma_start3A_294, %dma_start3A_295] : memref<10000x64xf32, #tpu.memory_space<vmem_shared>> -> memref<10000x64xf32, #tpu.memory_space<vmem_shared>>
      tpu.enqueue_indirect_dma source(%arg8 : memref<128x64xf32, #tpu.memory_space<vmem>>) target(%dma_start3A_296 : memref<10000x64xf32, #tpu.memory_space<vmem_shared>>) offsets(%dma_start3A_293 : memref<128xi32, #tpu.memory_space<vmem>>) semaphore(%arg17 : memref<!tpu.dma_semaphore, #tpu.memory_space<semaphore_mem>>) {add = true}
      %mul3A_297 = arith.constant 4 : i32
      %mul3A_298 = arith.muli %scan3A_194, %mul3A_297 : i32
      %add3A_299 = arith.constant 2 : i32
      %add3A_300 = arith.addi %add3A_299, %mul3A_298 : i32
      %add3A_301 = arith.constant 3 : i32
      %add3A_302 = arith.addi %add3A_300, %add3A_301 : i32
      %sub3A_303 = arith.constant 2 : i32
      %sub3A_304 = arith.subi %add3A_302, %sub3A_303 : i32
      %mul3A_305 = arith.constant 128 : i32
      %mul3A_306 = arith.muli %sub3A_304, %mul3A_305 : i32
      %dma_wait3A_307 = tpu.memref_slice %arg7[%mul3A_306] : memref<10000xi32, #tpu.memory_space<vmem>> -> memref<128xi32, #tpu.memory_space<vmem>>
      %dma_wait3A_308 = arith.constant 0 : i32
      %dma_wait3A_309 = arith.constant 0 : i32
      %dma_wait3A_310 = tpu.memref_slice %arg5[%dma_wait3A_308, %dma_wait3A_309] : memref<10000x64xf32, #tpu.memory_space<vmem_shared>> -> memref<10000x64xf32, #tpu.memory_space<vmem_shared>>
      tpu.wait_indirect_dma semaphore(%arg20 : memref<!tpu.dma_semaphore, #tpu.memory_space<semaphore_mem>>) src(%arg11 : memref<128x64xf32, #tpu.memory_space<vmem>>) dst(%dma_wait3A_310 : memref<10000x64xf32, #tpu.memory_space<vmem_shared>>)
      %add3A_311 = arith.constant 2 : i32
      %add3A_312 = arith.addi %add3A_302, %add3A_311 : i32
      %mul3A_313 = arith.constant 128 : i32
      %mul3A_314 = arith.muli %add3A_312, %mul3A_313 : i32
      %dma_start3A_315 = tpu.memref_slice %arg6[%mul3A_314] : memref<10000xi32, #tpu.memory_space<vmem>> -> memref<128xi32, #tpu.memory_space<vmem>>
      %dma_start3A_316 = arith.constant 0 : i32
      %dma_start3A_317 = arith.constant 0 : i32
      %dma_start3A_318 = tpu.memref_slice %arg2[%dma_start3A_316, %dma_start3A_317] : memref<10000x64xf32, #tpu.memory_space<hbm>> -> memref<10000x64xf32, #tpu.memory_space<hbm>>
      tpu.enqueue_indirect_dma source(%dma_start3A_318 : memref<10000x64xf32, #tpu.memory_space<hbm>>) target(%arg11 : memref<128x64xf32, #tpu.memory_space<vmem>>) offsets(%dma_start3A_315 : memref<128xi32, #tpu.memory_space<vmem>>) semaphore(%arg16 : memref<!tpu.dma_semaphore, #tpu.memory_space<semaphore_mem>>)
      %mul3A_319 = arith.constant 128 : i32
      %mul3A_320 = arith.muli %add3A_302, %mul3A_319 : i32
      %dma_wait3A_321 = tpu.memref_slice %arg6[%mul3A_320] : memref<10000xi32, #tpu.memory_space<vmem>> -> memref<128xi32, #tpu.memory_space<vmem>>
      %dma_wait3A_322 = arith.constant 0 : i32
      %dma_wait3A_323 = arith.constant 0 : i32
      %dma_wait3A_324 = tpu.memref_slice %arg2[%dma_wait3A_322, %dma_wait3A_323] : memref<10000x64xf32, #tpu.memory_space<hbm>> -> memref<10000x64xf32, #tpu.memory_space<hbm>>
      tpu.wait_indirect_dma semaphore(%arg14 : memref<!tpu.dma_semaphore, #tpu.memory_space<semaphore_mem>>) src(%dma_wait3A_324 : memref<10000x64xf32, #tpu.memory_space<hbm>>) dst(%arg9 : memref<128x64xf32, #tpu.memory_space<vmem>>)
      %mul3A_325 = arith.constant 128 : i32
      %mul3A_326 = arith.muli %add3A_302, %mul3A_325 : i32
      %dma_start3A_327 = tpu.memref_slice %arg7[%mul3A_326] : memref<10000xi32, #tpu.memory_space<vmem>> -> memref<128xi32, #tpu.memory_space<vmem>>
      %dma_start3A_328 = arith.constant 0 : i32
      %dma_start3A_329 = arith.constant 0 : i32
      %dma_start3A_330 = tpu.memref_slice %arg5[%dma_start3A_328, %dma_start3A_329] : memref<10000x64xf32, #tpu.memory_space<vmem_shared>> -> memref<10000x64xf32, #tpu.memory_space<vmem_shared>>
      tpu.enqueue_indirect_dma source(%arg9 : memref<128x64xf32, #tpu.memory_space<vmem>>) target(%dma_start3A_330 : memref<10000x64xf32, #tpu.memory_space<vmem_shared>>) offsets(%dma_start3A_327 : memref<128xi32, #tpu.memory_space<vmem>>) semaphore(%arg18 : memref<!tpu.dma_semaphore, #tpu.memory_space<semaphore_mem>>) {add = true}
      %scan3A_331 = arith.constant 0 : i32
      scf.yield %scan3A_331 : i32
    }
    %scan3A_75 = arith.constant 18 : i32
    %dma_wait3A_76 = arith.constant 9216 : i32
    %dma_wait3A_77 = tpu.memref_slice %arg7[%dma_wait3A_76] : memref<10000xi32, #tpu.memory_space<vmem>> -> memref<128xi32, #tpu.memory_space<vmem>>
    %dma_wait3A_78 = arith.constant 0 : i32
    %dma_wait3A_79 = arith.constant 0 : i32
    %dma_wait3A_80 = tpu.memref_slice %arg5[%dma_wait3A_78, %dma_wait3A_79] : memref<10000x64xf32, #tpu.memory_space<vmem_shared>> -> memref<10000x64xf32, #tpu.memory_space<vmem_shared>>
    tpu.wait_indirect_dma semaphore(%arg17 : memref<!tpu.dma_semaphore, #tpu.memory_space<semaphore_mem>>) src(%arg8 : memref<128x64xf32, #tpu.memory_space<vmem>>) dst(%dma_wait3A_80 : memref<10000x64xf32, #tpu.memory_space<vmem_shared>>)
    %dma_start3A_81 = arith.constant 9728 : i32
    %dma_start3A_82 = tpu.memref_slice %arg6[%dma_start3A_81] : memref<10000xi32, #tpu.memory_space<vmem>> -> memref<128xi32, #tpu.memory_space<vmem>>
    %dma_start3A_83 = arith.constant 0 : i32
    %dma_start3A_84 = arith.constant 0 : i32
    %dma_start3A_85 = tpu.memref_slice %arg2[%dma_start3A_83, %dma_start3A_84] : memref<10000x64xf32, #tpu.memory_space<hbm>> -> memref<10000x64xf32, #tpu.memory_space<hbm>>
    tpu.enqueue_indirect_dma source(%dma_start3A_85 : memref<10000x64xf32, #tpu.memory_space<hbm>>) target(%arg8 : memref<128x64xf32, #tpu.memory_space<vmem>>) offsets(%dma_start3A_82 : memref<128xi32, #tpu.memory_space<vmem>>) semaphore(%arg13 : memref<!tpu.dma_semaphore, #tpu.memory_space<semaphore_mem>>)
    %dma_wait3A_86 = arith.constant 9472 : i32
    %dma_wait3A_87 = tpu.memref_slice %arg6[%dma_wait3A_86] : memref<10000xi32, #tpu.memory_space<vmem>> -> memref<128xi32, #tpu.memory_space<vmem>>
    %dma_wait3A_88 = arith.constant 0 : i32
    %dma_wait3A_89 = arith.constant 0 : i32
    %dma_wait3A_90 = tpu.memref_slice %arg2[%dma_wait3A_88, %dma_wait3A_89] : memref<10000x64xf32, #tpu.memory_space<hbm>> -> memref<10000x64xf32, #tpu.memory_space<hbm>>
    tpu.wait_indirect_dma semaphore(%arg15 : memref<!tpu.dma_semaphore, #tpu.memory_space<semaphore_mem>>) src(%dma_wait3A_90 : memref<10000x64xf32, #tpu.memory_space<hbm>>) dst(%arg10 : memref<128x64xf32, #tpu.memory_space<vmem>>)
    %dma_start3A_91 = arith.constant 9472 : i32
    %dma_start3A_92 = tpu.memref_slice %arg7[%dma_start3A_91] : memref<10000xi32, #tpu.memory_space<vmem>> -> memref<128xi32, #tpu.memory_space<vmem>>
    %dma_start3A_93 = arith.constant 0 : i32
    %dma_start3A_94 = arith.constant 0 : i32
    %dma_start3A_95 = tpu.memref_slice %arg5[%dma_start3A_93, %dma_start3A_94] : memref<10000x64xf32, #tpu.memory_space<vmem_shared>> -> memref<10000x64xf32, #tpu.memory_space<vmem_shared>>
    tpu.enqueue_indirect_dma source(%arg10 : memref<128x64xf32, #tpu.memory_space<vmem>>) target(%dma_start3A_95 : memref<10000x64xf32, #tpu.memory_space<vmem_shared>>) offsets(%dma_start3A_92 : memref<128xi32, #tpu.memory_space<vmem>>) semaphore(%arg19 : memref<!tpu.dma_semaphore, #tpu.memory_space<semaphore_mem>>) {add = true}
    %dma_wait3A_96 = arith.constant 9344 : i32
    %dma_wait3A_97 = tpu.memref_slice %arg7[%dma_wait3A_96] : memref<10000xi32, #tpu.memory_space<vmem>> -> memref<128xi32, #tpu.memory_space<vmem>>
    %dma_wait3A_98 = arith.constant 0 : i32
    %dma_wait3A_99 = arith.constant 0 : i32
    %dma_wait3A_100 = tpu.memref_slice %arg5[%dma_wait3A_98, %dma_wait3A_99] : memref<10000x64xf32, #tpu.memory_space<vmem_shared>> -> memref<10000x64xf32, #tpu.memory_space<vmem_shared>>
    tpu.wait_indirect_dma semaphore(%arg18 : memref<!tpu.dma_semaphore, #tpu.memory_space<semaphore_mem>>) src(%arg9 : memref<128x64xf32, #tpu.memory_space<vmem>>) dst(%dma_wait3A_100 : memref<10000x64xf32, #tpu.memory_space<vmem_shared>>)
    %dma_start3A_101 = arith.constant 9856 : i32
    %dma_start3A_102 = tpu.memref_slice %arg6[%dma_start3A_101] : memref<10000xi32, #tpu.memory_space<vmem>> -> memref<128xi32, #tpu.memory_space<vmem>>
    %dma_start3A_103 = arith.constant 0 : i32
    %dma_start3A_104 = arith.constant 0 : i32
    %dma_start3A_105 = tpu.memref_slice %arg2[%dma_start3A_103, %dma_start3A_104] : memref<10000x64xf32, #tpu.memory_space<hbm>> -> memref<10000x64xf32, #tpu.memory_space<hbm>>
    tpu.enqueue_indirect_dma source(%dma_start3A_105 : memref<10000x64xf32, #tpu.memory_space<hbm>>) target(%arg9 : memref<128x64xf32, #tpu.memory_space<vmem>>) offsets(%dma_start3A_102 : memref<128xi32, #tpu.memory_space<vmem>>) semaphore(%arg14 : memref<!tpu.dma_semaphore, #tpu.memory_space<semaphore_mem>>)
    %dma_wait3A_106 = arith.constant 9600 : i32
    %dma_wait3A_107 = tpu.memref_slice %arg6[%dma_wait3A_106] : memref<10000xi32, #tpu.memory_space<vmem>> -> memref<128xi32, #tpu.memory_space<vmem>>
    %dma_wait3A_108 = arith.constant 0 : i32
    %dma_wait3A_109 = arith.constant 0 : i32
    %dma_wait3A_110 = tpu.memref_slice %arg2[%dma_wait3A_108, %dma_wait3A_109] : memref<10000x64xf32, #tpu.memory_space<hbm>> -> memref<10000x64xf32, #tpu.memory_space<hbm>>
    tpu.wait_indirect_dma semaphore(%arg16 : memref<!tpu.dma_semaphore, #tpu.memory_space<semaphore_mem>>) src(%dma_wait3A_110 : memref<10000x64xf32, #tpu.memory_space<hbm>>) dst(%arg11 : memref<128x64xf32, #tpu.memory_space<vmem>>)
    %dma_start3A_111 = arith.constant 9600 : i32
    %dma_start3A_112 = tpu.memref_slice %arg7[%dma_start3A_111] : memref<10000xi32, #tpu.memory_space<vmem>> -> memref<128xi32, #tpu.memory_space<vmem>>
    %dma_start3A_113 = arith.constant 0 : i32
    %dma_start3A_114 = arith.constant 0 : i32
    %dma_start3A_115 = tpu.memref_slice %arg5[%dma_start3A_113, %dma_start3A_114] : memref<10000x64xf32, #tpu.memory_space<vmem_shared>> -> memref<10000x64xf32, #tpu.memory_space<vmem_shared>>
    tpu.enqueue_indirect_dma source(%arg11 : memref<128x64xf32, #tpu.memory_space<vmem>>) target(%dma_start3A_115 : memref<10000x64xf32, #tpu.memory_space<vmem_shared>>) offsets(%dma_start3A_112 : memref<128xi32, #tpu.memory_space<vmem>>) semaphore(%arg20 : memref<!tpu.dma_semaphore, #tpu.memory_space<semaphore_mem>>) {add = true}
    %dma_wait3A_116 = arith.constant 9728 : i32
    %dma_wait3A_117 = tpu.memref_slice %arg6[%dma_wait3A_116] : memref<10000xi32, #tpu.memory_space<vmem>> -> memref<128xi32, #tpu.memory_space<vmem>>
    %dma_wait3A_118 = arith.constant 0 : i32
    %dma_wait3A_119 = arith.constant 0 : i32
    %dma_wait3A_120 = tpu.memref_slice %arg2[%dma_wait3A_118, %dma_wait3A_119] : memref<10000x64xf32, #tpu.memory_space<hbm>> -> memref<10000x64xf32, #tpu.memory_space<hbm>>
    tpu.wait_indirect_dma semaphore(%arg13 : memref<!tpu.dma_semaphore, #tpu.memory_space<semaphore_mem>>) src(%dma_wait3A_120 : memref<10000x64xf32, #tpu.memory_space<hbm>>) dst(%arg8 : memref<128x64xf32, #tpu.memory_space<vmem>>)
    %dma_start3A_121 = arith.constant 9728 : i32
    %dma_start3A_122 = tpu.memref_slice %arg7[%dma_start3A_121] : memref<10000xi32, #tpu.memory_space<vmem>> -> memref<128xi32, #tpu.memory_space<vmem>>
    %dma_start3A_123 = arith.constant 0 : i32
    %dma_start3A_124 = arith.constant 0 : i32
    %dma_start3A_125 = tpu.memref_slice %arg5[%dma_start3A_123, %dma_start3A_124] : memref<10000x64xf32, #tpu.memory_space<vmem_shared>> -> memref<10000x64xf32, #tpu.memory_space<vmem_shared>>
    tpu.enqueue_indirect_dma source(%arg8 : memref<128x64xf32, #tpu.memory_space<vmem>>) target(%dma_start3A_125 : memref<10000x64xf32, #tpu.memory_space<vmem_shared>>) offsets(%dma_start3A_122 : memref<128xi32, #tpu.memory_space<vmem>>) semaphore(%arg17 : memref<!tpu.dma_semaphore, #tpu.memory_space<semaphore_mem>>) {add = true}
    %dma_wait3A_126 = arith.constant 9856 : i32
    %dma_wait3A_127 = tpu.memref_slice %arg6[%dma_wait3A_126] : memref<10000xi32, #tpu.memory_space<vmem>> -> memref<128xi32, #tpu.memory_space<vmem>>
    %dma_wait3A_128 = arith.constant 0 : i32
    %dma_wait3A_129 = arith.constant 0 : i32
    %dma_wait3A_130 = tpu.memref_slice %arg2[%dma_wait3A_128, %dma_wait3A_129] : memref<10000x64xf32, #tpu.memory_space<hbm>> -> memref<10000x64xf32, #tpu.memory_space<hbm>>
    tpu.wait_indirect_dma semaphore(%arg14 : memref<!tpu.dma_semaphore, #tpu.memory_space<semaphore_mem>>) src(%dma_wait3A_130 : memref<10000x64xf32, #tpu.memory_space<hbm>>) dst(%arg9 : memref<128x64xf32, #tpu.memory_space<vmem>>)
    %dma_start3A_131 = arith.constant 9856 : i32
    %dma_start3A_132 = tpu.memref_slice %arg7[%dma_start3A_131] : memref<10000xi32, #tpu.memory_space<vmem>> -> memref<128xi32, #tpu.memory_space<vmem>>
    %dma_start3A_133 = arith.constant 0 : i32
    %dma_start3A_134 = arith.constant 0 : i32
    %dma_start3A_135 = tpu.memref_slice %arg5[%dma_start3A_133, %dma_start3A_134] : memref<10000x64xf32, #tpu.memory_space<vmem_shared>> -> memref<10000x64xf32, #tpu.memory_space<vmem_shared>>
    tpu.enqueue_indirect_dma source(%arg9 : memref<128x64xf32, #tpu.memory_space<vmem>>) target(%dma_start3A_135 : memref<10000x64xf32, #tpu.memory_space<vmem_shared>>) offsets(%dma_start3A_132 : memref<128xi32, #tpu.memory_space<vmem>>) semaphore(%arg18 : memref<!tpu.dma_semaphore, #tpu.memory_space<semaphore_mem>>) {add = true}
    %dma_wait3A_136 = arith.constant 9472 : i32
    %dma_wait3A_137 = tpu.memref_slice %arg7[%dma_wait3A_136] : memref<10000xi32, #tpu.memory_space<vmem>> -> memref<128xi32, #tpu.memory_space<vmem>>
    %dma_wait3A_138 = arith.constant 0 : i32
    %dma_wait3A_139 = arith.constant 0 : i32
    %dma_wait3A_140 = tpu.memref_slice %arg5[%dma_wait3A_138, %dma_wait3A_139] : memref<10000x64xf32, #tpu.memory_space<vmem_shared>> -> memref<10000x64xf32, #tpu.memory_space<vmem_shared>>
    tpu.wait_indirect_dma semaphore(%arg19 : memref<!tpu.dma_semaphore, #tpu.memory_space<semaphore_mem>>) src(%arg10 : memref<128x64xf32, #tpu.memory_space<vmem>>) dst(%dma_wait3A_140 : memref<10000x64xf32, #tpu.memory_space<vmem_shared>>)
    %dma_wait3A_141 = arith.constant 9600 : i32
    %dma_wait3A_142 = tpu.memref_slice %arg7[%dma_wait3A_141] : memref<10000xi32, #tpu.memory_space<vmem>> -> memref<128xi32, #tpu.memory_space<vmem>>
    %dma_wait3A_143 = arith.constant 0 : i32
    %dma_wait3A_144 = arith.constant 0 : i32
    %dma_wait3A_145 = tpu.memref_slice %arg5[%dma_wait3A_143, %dma_wait3A_144] : memref<10000x64xf32, #tpu.memory_space<vmem_shared>> -> memref<10000x64xf32, #tpu.memory_space<vmem_shared>>
    tpu.wait_indirect_dma semaphore(%arg20 : memref<!tpu.dma_semaphore, #tpu.memory_space<semaphore_mem>>) src(%arg11 : memref<128x64xf32, #tpu.memory_space<vmem>>) dst(%dma_wait3A_145 : memref<10000x64xf32, #tpu.memory_space<vmem_shared>>)
    %dma_wait3A_146 = arith.constant 9728 : i32
    %dma_wait3A_147 = tpu.memref_slice %arg7[%dma_wait3A_146] : memref<10000xi32, #tpu.memory_space<vmem>> -> memref<128xi32, #tpu.memory_space<vmem>>
    %dma_wait3A_148 = arith.constant 0 : i32
    %dma_wait3A_149 = arith.constant 0 : i32
    %dma_wait3A_150 = tpu.memref_slice %arg5[%dma_wait3A_148, %dma_wait3A_149] : memref<10000x64xf32, #tpu.memory_space<vmem_shared>> -> memref<10000x64xf32, #tpu.memory_space<vmem_shared>>
    tpu.wait_indirect_dma semaphore(%arg17 : memref<!tpu.dma_semaphore, #tpu.memory_space<semaphore_mem>>) src(%arg8 : memref<128x64xf32, #tpu.memory_space<vmem>>) dst(%dma_wait3A_150 : memref<10000x64xf32, #tpu.memory_space<vmem_shared>>)
    %dma_wait3A_151 = arith.constant 9856 : i32
    %dma_wait3A_152 = tpu.memref_slice %arg7[%dma_wait3A_151] : memref<10000xi32, #tpu.memory_space<vmem>> -> memref<128xi32, #tpu.memory_space<vmem>>
    %dma_wait3A_153 = arith.constant 0 : i32
    %dma_wait3A_154 = arith.constant 0 : i32
    %dma_wait3A_155 = tpu.memref_slice %arg5[%dma_wait3A_153, %dma_wait3A_154] : memref<10000x64xf32, #tpu.memory_space<vmem_shared>> -> memref<10000x64xf32, #tpu.memory_space<vmem_shared>>
    tpu.wait_indirect_dma semaphore(%arg18 : memref<!tpu.dma_semaphore, #tpu.memory_space<semaphore_mem>>) src(%arg9 : memref<128x64xf32, #tpu.memory_space<vmem>>) dst(%dma_wait3A_155 : memref<10000x64xf32, #tpu.memory_space<vmem_shared>>)
    %dma_start3A_156 = arith.constant 0 : i32
    %dma_start3A_157 = arith.constant 0 : i32
    %dma_start3A_158 = tpu.memref_slice %arg10[%dma_start3A_156, %dma_start3A_157] : memref<128x64xf32, #tpu.memory_space<vmem>> -> memref<16x64xf32, #tpu.memory_space<vmem>>
    %dma_start3A_159 = arith.constant 9984 : i32
    %dma_start3A_160 = tpu.memref_slice %arg6[%dma_start3A_159] : memref<10000xi32, #tpu.memory_space<vmem>> -> memref<16xi32, #tpu.memory_space<vmem>>
    %dma_start3A_161 = arith.constant 0 : i32
    %dma_start3A_162 = arith.constant 0 : i32
    %dma_start3A_163 = tpu.memref_slice %arg2[%dma_start3A_161, %dma_start3A_162] : memref<10000x64xf32, #tpu.memory_space<hbm>> -> memref<10000x64xf32, #tpu.memory_space<hbm>>
    tpu.enqueue_indirect_dma source(%dma_start3A_163 : memref<10000x64xf32, #tpu.memory_space<hbm>>) target(%dma_start3A_158 : memref<16x64xf32, #tpu.memory_space<vmem>>) offsets(%dma_start3A_160 : memref<16xi32, #tpu.memory_space<vmem>>) semaphore(%arg15 : memref<!tpu.dma_semaphore, #tpu.memory_space<semaphore_mem>>)
    %dma_wait3A_164 = arith.constant 0 : i32
    %dma_wait3A_165 = arith.constant 0 : i32
    %dma_wait3A_166 = tpu.memref_slice %arg10[%dma_wait3A_164, %dma_wait3A_165] : memref<128x64xf32, #tpu.memory_space<vmem>> -> memref<16x64xf32, #tpu.memory_space<vmem>>
    %dma_wait3A_167 = arith.constant 9984 : i32
    %dma_wait3A_168 = tpu.memref_slice %arg6[%dma_wait3A_167] : memref<10000xi32, #tpu.memory_space<vmem>> -> memref<16xi32, #tpu.memory_space<vmem>>
    %dma_wait3A_169 = arith.constant 0 : i32
    %dma_wait3A_170 = arith.constant 0 : i32
    %dma_wait3A_171 = tpu.memref_slice %arg2[%dma_wait3A_169, %dma_wait3A_170] : memref<10000x64xf32, #tpu.memory_space<hbm>> -> memref<10000x64xf32, #tpu.memory_space<hbm>>
    tpu.wait_indirect_dma semaphore(%arg15 : memref<!tpu.dma_semaphore, #tpu.memory_space<semaphore_mem>>) src(%dma_wait3A_171 : memref<10000x64xf32, #tpu.memory_space<hbm>>) dst(%dma_wait3A_166 : memref<16x64xf32, #tpu.memory_space<vmem>>)
    %dma_start3A_172 = arith.constant 0 : i32
    %dma_start3A_173 = arith.constant 0 : i32
    %dma_start3A_174 = tpu.memref_slice %arg10[%dma_start3A_172, %dma_start3A_173] : memref<128x64xf32, #tpu.memory_space<vmem>> -> memref<16x64xf32, #tpu.memory_space<vmem>>
    %dma_start3A_175 = arith.constant 9984 : i32
    %dma_start3A_176 = tpu.memref_slice %arg7[%dma_start3A_175] : memref<10000xi32, #tpu.memory_space<vmem>> -> memref<16xi32, #tpu.memory_space<vmem>>
    %dma_start3A_177 = arith.constant 0 : i32
    %dma_start3A_178 = arith.constant 0 : i32
    %dma_start3A_179 = tpu.memref_slice %arg5[%dma_start3A_177, %dma_start3A_178] : memref<10000x64xf32, #tpu.memory_space<vmem_shared>> -> memref<10000x64xf32, #tpu.memory_space<vmem_shared>>
    tpu.enqueue_indirect_dma source(%dma_start3A_174 : memref<16x64xf32, #tpu.memory_space<vmem>>) target(%dma_start3A_179 : memref<10000x64xf32, #tpu.memory_space<vmem_shared>>) offsets(%dma_start3A_176 : memref<16xi32, #tpu.memory_space<vmem>>) semaphore(%arg19 : memref<!tpu.dma_semaphore, #tpu.memory_space<semaphore_mem>>) {add = true}
    %dma_wait3A_180 = arith.constant 0 : i32
    %dma_wait3A_181 = arith.constant 0 : i32
    %dma_wait3A_182 = tpu.memref_slice %arg10[%dma_wait3A_180, %dma_wait3A_181] : memref<128x64xf32, #tpu.memory_space<vmem>> -> memref<16x64xf32, #tpu.memory_space<vmem>>
    %dma_wait3A_183 = arith.constant 9984 : i32
    %dma_wait3A_184 = tpu.memref_slice %arg7[%dma_wait3A_183] : memref<10000xi32, #tpu.memory_space<vmem>> -> memref<16xi32, #tpu.memory_space<vmem>>
    %dma_wait3A_185 = arith.constant 0 : i32
    %dma_wait3A_186 = arith.constant 0 : i32
    %dma_wait3A_187 = tpu.memref_slice %arg5[%dma_wait3A_185, %dma_wait3A_186] : memref<10000x64xf32, #tpu.memory_space<vmem_shared>> -> memref<10000x64xf32, #tpu.memory_space<vmem_shared>>
    tpu.wait_indirect_dma semaphore(%arg19 : memref<!tpu.dma_semaphore, #tpu.memory_space<semaphore_mem>>) src(%dma_wait3A_182 : memref<16x64xf32, #tpu.memory_space<vmem>>) dst(%dma_wait3A_187 : memref<10000x64xf32, #tpu.memory_space<vmem_shared>>)
    %barrier3A_188 = arith.constant 0 : index
    tpu.barrier barrier_id(%barrier3A_188)
    %lt3A_189 = arith.constant 10 : i32
    %lt3A_190 = arith.cmpi slt, %arg1, %lt3A_189 : i32
    %convert_element_type3A_191 = arith.extui %lt3A_190 : i1 to i32
    %cond3A_192 = arith.constant 0 : i32
    %cond3A_193 = arith.cmpi ne, %convert_element_type3A_191, %cond3A_192 : i32
    scf.if %cond3A_193 {
      %mul3A_194 = arith.constant 1000 : i32
      %mul3A_195 = arith.muli %arg1, %mul3A_194 : i32
      %mul3A_196 = arith.constant 1000 : i32
      %mul3A_197 = arith.muli %arg1, %mul3A_196 : i32
      "tpu.region"() ({
        %run_scoped3A = tpu.sem_alloc : memref<!tpu.dma_semaphore, #tpu.memory_space<semaphore_mem>>
        %dma_start3A_198 = arith.constant 0 : i32
        %dma_start3A_199 = tpu.memref_slice %arg4[%arg0, %mul3A_197, %dma_start3A_198] : memref<2x10000x64xf32, #tpu.memory_space<hbm>> -> memref<1x1000x64xf32, #tpu.memory_space<hbm>>
        %dma_start3A_200 = tpu.memref_squeeze %dma_start3A_199 : memref<1x1000x64xf32, #tpu.memory_space<hbm>> -> memref<1000x64xf32, #tpu.memory_space<hbm>>
        %dma_start3A_201 = arith.constant 0 : i32
        %dma_start3A_202 = tpu.memref_slice %arg5[%mul3A_195, %dma_start3A_201] : memref<10000x64xf32, #tpu.memory_space<vmem_shared>> -> memref<1000x64xf32, #tpu.memory_space<vmem_shared>>
        tpu.enqueue_dma source(%dma_start3A_202 : memref<1000x64xf32, #tpu.memory_space<vmem_shared>>) target(%dma_start3A_200 : memref<1000x64xf32, #tpu.memory_space<hbm>>) target_semaphore(%run_scoped3A : memref<!tpu.dma_semaphore, #tpu.memory_space<semaphore_mem>>)
        %dma_wait3A_203 = arith.constant 0 : i32
        %dma_wait3A_204 = tpu.memref_slice %arg4[%arg0, %mul3A_197, %dma_wait3A_203] : memref<2x10000x64xf32, #tpu.memory_space<hbm>> -> memref<1x1000x64xf32, #tpu.memory_space<hbm>>
        %dma_wait3A_205 = tpu.memref_squeeze %dma_wait3A_204 : memref<1x1000x64xf32, #tpu.memory_space<hbm>> -> memref<1000x64xf32, #tpu.memory_space<hbm>>
        %dma_wait3A_206 = arith.constant 0 : i32
        %dma_wait3A_207 = tpu.memref_slice %arg5[%mul3A_195, %dma_wait3A_206] : memref<10000x64xf32, #tpu.memory_space<vmem_shared>> -> memref<1000x64xf32, #tpu.memory_space<vmem_shared>>
        tpu.wait_dma2 semaphore(%run_scoped3A : memref<!tpu.dma_semaphore, #tpu.memory_space<semaphore_mem>>) src(%dma_wait3A_207 : memref<1000x64xf32, #tpu.memory_space<vmem_shared>>) dst(%dma_wait3A_205 : memref<1000x64xf32, #tpu.memory_space<hbm>>)
        tpu.yield
      }) : () -> ()
    } else {
    }
    return
  }
}

module attributes {stable_mosaic.version = 14 : i64} {
  func.func @_mm1_body(%arg0: i32, %arg1: memref<5000x128xf32, #tpu.memory_space<vmem>>, %arg2: memref<128x64xf32, #tpu.memory_space<vmem>>, %arg3: memref<5000x1xf32, #tpu.memory_space<vmem>>, %arg4: memref<5000x1xf32, #tpu.memory_space<vmem>>, %arg5: memref<5000x64xf32, #tpu.memory_space<vmem>>) attributes {dimension_semantics = [#tpu.dimension_semantics<arbitrary>], iteration_bounds = array<i64: 2>, scalar_prefetch = 0 : i64, scratch_operands = 0 : i64, tpu.core_type = #tpu.core_type<tc>, window_params = [{transform_indices = @transform_0, window_bounds = array<i64: 5000, 128>}, {pipeline_mode = #tpu.pipeline_mode<synchronous>, transform_indices = @transform_1, window_bounds = array<i64: 128, 64>}, {transform_indices = @transform_2, window_bounds = array<i64: 5000, 1>}, {transform_indices = @transform_3, window_bounds = array<i64: 5000, 1>}, {transform_indices = @transform_4, window_bounds = array<i64: 5000, 64>}]} {
    %get3A = arith.constant 0 : index
    %get3A_0 = arith.constant 0 : index
    %get3A_1 = vector.load %arg3[%get3A, %get3A_0] : memref<5000x1xf32, #tpu.memory_space<vmem>>, vector<5000x1xf32>
    %get3A_2 = arith.constant 0 : index
    %get3A_3 = arith.constant 0 : index
    %get3A_4 = vector.load %arg4[%get3A_2, %get3A_3] : memref<5000x1xf32, #tpu.memory_space<vmem>>, vector<5000x1xf32>
    %add3A = arith.addf %get3A_1, %get3A_4 : vector<5000x1xf32>
    %add3A_5 = arith.constant 1.000000e+00 : f32
    %add3A_6 = vector.broadcast %add3A_5 : f32 to vector<5000x1xf32>
    %add3A_7 = arith.addf %add3A, %add3A_6 : vector<5000x1xf32>
    %rsqrt3A = math.rsqrt %add3A_7 : vector<5000x1xf32>
    %get3A_8 = arith.constant 0 : index
    %get3A_9 = arith.constant 0 : index
    %get3A_10 = vector.load %arg1[%get3A_8, %get3A_9] : memref<5000x128xf32, #tpu.memory_space<vmem>>, vector<5000x128xf32>
    %get3A_11 = arith.constant 0 : index
    %get3A_12 = arith.constant 0 : index
    %get3A_13 = vector.load %arg2[%get3A_11, %get3A_12] : memref<128x64xf32, #tpu.memory_space<vmem>>, vector<128x64xf32>
    %dot_general3A = arith.constant dense<0.000000e+00> : vector<5000x64xf32>
    %dot_general3A_14 = tpu.matmul %get3A_10, %get3A_13, %dot_general3A {dimension_numbers = #tpu.dot_dimension_numbers<[1], [0], [0], [1], [0, 0, 1, 1], [], []>, transpose_lhs_hint = false} : vector<5000x128xf32>, vector<128x64xf32>, vector<5000x64xf32> -> vector<5000x64xf32>
    %mul3A = vector.broadcast %rsqrt3A : vector<5000x1xf32> to vector<5000x64xf32>
    %mul3A_15 = arith.mulf %dot_general3A_14, %mul3A : vector<5000x64xf32>
    %swap3A = arith.constant 0 : index
    %swap3A_16 = arith.constant 0 : index
    %swap3A_17 = vector.load %arg5[%swap3A, %swap3A_16] : memref<5000x64xf32, #tpu.memory_space<vmem>>, vector<5000x64xf32>
    tpu.vector_store %arg5[%swap3A, %swap3A_16], %mul3A_15 {strides = array<i32>} : memref<5000x64xf32, #tpu.memory_space<vmem>>, vector<5000x64xf32>,
    return
  }
  func.func @transform_0(%arg0: i32) -> (i32, i32) {
    %c0_i32 = arith.constant 0 : i32
    %c0_i32_0 = arith.constant 0 : i32
    return %arg0, %c0_i32 : i32, i32
  }
  func.func @transform_1(%arg0: i32) -> (i32, i32) {
    %c0_i32 = arith.constant 0 : i32
    %c0_i32_0 = arith.constant 0 : i32
    %c0_i32_1 = arith.constant 0 : i32
    return %c0_i32, %c0_i32_0 : i32, i32
  }
  func.func @transform_2(%arg0: i32) -> (i32, i32) {
    %c0_i32 = arith.constant 0 : i32
    %c0_i32_0 = arith.constant 0 : i32
    return %arg0, %c0_i32 : i32, i32
  }
  func.func @transform_3(%arg0: i32) -> (i32, i32) {
    %c0_i32 = arith.constant 0 : i32
    %c0_i32_0 = arith.constant 0 : i32
    return %arg0, %c0_i32 : i32, i32
  }
  func.func @transform_4(%arg0: i32) -> (i32, i32) {
    %c0_i32 = arith.constant 0 : i32
    %c0_i32_0 = arith.constant 0 : i32
    return %arg0, %c0_i32 : i32, i32
  }
}

module attributes {stable_mosaic.version = 14 : i64} {
  func.func @_mid_body(%arg0: i32, %arg1: memref<2x5000x64xf32, #tpu.memory_space<vmem>>, %arg2: memref<5000x64xf32, #tpu.memory_space<vmem>>, %arg3: memref<5000x1xf32, #tpu.memory_space<vmem>>, %arg4: memref<5000x1xf32, #tpu.memory_space<vmem>>, %arg5: memref<1x64xf32, #tpu.memory_space<vmem>>, %arg6: memref<5000x64xf32, #tpu.memory_space<vmem>>) attributes {dimension_semantics = [#tpu.dimension_semantics<arbitrary>], iteration_bounds = array<i64: 2>, scalar_prefetch = 0 : i64, scratch_operands = 0 : i64, tpu.core_type = #tpu.core_type<tc>, window_params = [{transform_indices = @transform_0, window_bounds = array<i64: 2, 5000, 64>}, {transform_indices = @transform_1, window_bounds = array<i64: 5000, 64>}, {transform_indices = @transform_2, window_bounds = array<i64: 5000, 1>}, {transform_indices = @transform_3, window_bounds = array<i64: 5000, 1>}, {pipeline_mode = #tpu.pipeline_mode<synchronous>, transform_indices = @transform_4, window_bounds = array<i64: 1, 64>}, {transform_indices = @transform_5, window_bounds = array<i64: 5000, 64>}]} {
    %get3A = arith.constant 0 : index
    %get3A_0 = arith.constant 0 : index
    %get3A_1 = vector.load %arg3[%get3A, %get3A_0] : memref<5000x1xf32, #tpu.memory_space<vmem>>, vector<5000x1xf32>
    %get3A_2 = arith.constant 0 : index
    %get3A_3 = arith.constant 0 : index
    %get3A_4 = vector.load %arg4[%get3A_2, %get3A_3] : memref<5000x1xf32, #tpu.memory_space<vmem>>, vector<5000x1xf32>
    %add3A = arith.addf %get3A_1, %get3A_4 : vector<5000x1xf32>
    %add3A_5 = arith.constant 1.000000e+00 : f32
    %add3A_6 = vector.broadcast %add3A_5 : f32 to vector<5000x1xf32>
    %add3A_7 = arith.addf %add3A, %add3A_6 : vector<5000x1xf32>
    %rsqrt3A = math.rsqrt %add3A_7 : vector<5000x1xf32>
    %get3A_8 = arith.constant 0 : index
    %get3A_9 = arith.constant 0 : index
    %get3A_10 = arith.constant 0 : index
    %get3A_11 = vector.load %arg1[%get3A_8, %get3A_9, %get3A_10] : memref<2x5000x64xf32, #tpu.memory_space<vmem>>, vector<1x5000x64xf32>
    %get3A_12 = vector.shape_cast %get3A_11 : vector<1x5000x64xf32> to vector<5000x64xf32>
    %get3A_13 = arith.constant 1 : index
    %get3A_14 = arith.constant 0 : index
    %get3A_15 = arith.constant 0 : index
    %get3A_16 = vector.load %arg1[%get3A_13, %get3A_14, %get3A_15] : memref<2x5000x64xf32, #tpu.memory_space<vmem>>, vector<1x5000x64xf32>
    %get3A_17 = vector.shape_cast %get3A_16 : vector<1x5000x64xf32> to vector<5000x64xf32>
    %add3A_18 = arith.addf %get3A_12, %get3A_17 : vector<5000x64xf32>
    %get3A_19 = arith.constant 0 : index
    %get3A_20 = arith.constant 0 : index
    %get3A_21 = vector.load %arg2[%get3A_19, %get3A_20] : memref<5000x64xf32, #tpu.memory_space<vmem>>, vector<5000x64xf32>
    %add3A_22 = arith.addf %add3A_18, %get3A_21 : vector<5000x64xf32>
    %mul3A = vector.broadcast %rsqrt3A : vector<5000x1xf32> to vector<5000x64xf32>
    %mul3A_23 = arith.mulf %add3A_22, %mul3A : vector<5000x64xf32>
    %get3A_24 = arith.constant 0 : index
    %get3A_25 = arith.constant 0 : index
    %get3A_26 = vector.load %arg5[%get3A_24, %get3A_25] : memref<1x64xf32, #tpu.memory_space<vmem>>, vector<1x64xf32>
    %add3A_27 = vector.broadcast %get3A_26 : vector<1x64xf32> to vector<5000x64xf32>
    %add3A_28 = arith.addf %mul3A_23, %add3A_27 : vector<5000x64xf32>
    %max3A = arith.constant 0.000000e+00 : f32
    %max3A_29 = vector.broadcast %max3A : f32 to vector<5000x64xf32>
    %max3A_30 = arith.maximumf %add3A_28, %max3A_29 : vector<5000x64xf32>
    %mul3A_31 = vector.broadcast %rsqrt3A : vector<5000x1xf32> to vector<5000x64xf32>
    %mul3A_32 = arith.mulf %max3A_30, %mul3A_31 : vector<5000x64xf32>
    %swap3A = arith.constant 0 : index
    %swap3A_33 = arith.constant 0 : index
    %swap3A_34 = vector.load %arg6[%swap3A, %swap3A_33] : memref<5000x64xf32, #tpu.memory_space<vmem>>, vector<5000x64xf32>
    tpu.vector_store %arg6[%swap3A, %swap3A_33], %mul3A_32 {strides = array<i32>} : memref<5000x64xf32, #tpu.memory_space<vmem>>, vector<5000x64xf32>,
    return
  }
  func.func @transform_0(%arg0: i32) -> (i32, i32, i32) {
    %c0_i32 = arith.constant 0 : i32
    %c0_i32_0 = arith.constant 0 : i32
    %c0_i32_1 = arith.constant 0 : i32
    return %c0_i32, %arg0, %c0_i32_0 : i32, i32, i32
  }
  func.func @transform_1(%arg0: i32) -> (i32, i32) {
    %c0_i32 = arith.constant 0 : i32
    %c0_i32_0 = arith.constant 0 : i32
    return %arg0, %c0_i32 : i32, i32
  }
  func.func @transform_2(%arg0: i32) -> (i32, i32) {
    %c0_i32 = arith.constant 0 : i32
    %c0_i32_0 = arith.constant 0 : i32
    return %arg0, %c0_i32 : i32, i32
  }
  func.func @transform_3(%arg0: i32) -> (i32, i32) {
    %c0_i32 = arith.constant 0 : i32
    %c0_i32_0 = arith.constant 0 : i32
    return %arg0, %c0_i32 : i32, i32
  }
  func.func @transform_4(%arg0: i32) -> (i32, i32) {
    %c0_i32 = arith.constant 0 : i32
    %c0_i32_0 = arith.constant 0 : i32
    %c0_i32_1 = arith.constant 0 : i32
    return %c0_i32, %c0_i32_0 : i32, i32
  }
  func.func @transform_5(%arg0: i32) -> (i32, i32) {
    %c0_i32 = arith.constant 0 : i32
    %c0_i32_0 = arith.constant 0 : i32
    return %arg0, %c0_i32 : i32, i32
  }
}

module attributes {stable_mosaic.version = 14 : i64} {
  func.func @_fin_body(%arg0: i32, %arg1: memref<2x5000x64xf32, #tpu.memory_space<vmem>>, %arg2: memref<5000x64xf32, #tpu.memory_space<vmem>>, %arg3: memref<5000x1xf32, #tpu.memory_space<vmem>>, %arg4: memref<5000x1xf32, #tpu.memory_space<vmem>>, %arg5: memref<1x128xf32, #tpu.memory_space<vmem>>, %arg6: memref<64x128xf32, #tpu.memory_space<vmem>>, %arg7: memref<5000x128xf32, #tpu.memory_space<vmem>>) attributes {dimension_semantics = [#tpu.dimension_semantics<arbitrary>], iteration_bounds = array<i64: 2>, scalar_prefetch = 0 : i64, scratch_operands = 0 : i64, tpu.core_type = #tpu.core_type<tc>, window_params = [{transform_indices = @transform_0, window_bounds = array<i64: 2, 5000, 64>}, {transform_indices = @transform_1, window_bounds = array<i64: 5000, 64>}, {transform_indices = @transform_2, window_bounds = array<i64: 5000, 1>}, {transform_indices = @transform_3, window_bounds = array<i64: 5000, 1>}, {pipeline_mode = #tpu.pipeline_mode<synchronous>, transform_indices = @transform_4, window_bounds = array<i64: 1, 128>}, {pipeline_mode = #tpu.pipeline_mode<synchronous>, transform_indices = @transform_5, window_bounds = array<i64: 64, 128>}, {transform_indices = @transform_6, window_bounds = array<i64: 5000, 128>}]} {
    %get3A = arith.constant 0 : index
    %get3A_0 = arith.constant 0 : index
    %get3A_1 = vector.load %arg3[%get3A, %get3A_0] : memref<5000x1xf32, #tpu.memory_space<vmem>>, vector<5000x1xf32>
    %get3A_2 = arith.constant 0 : index
    %get3A_3 = arith.constant 0 : index
    %get3A_4 = vector.load %arg4[%get3A_2, %get3A_3] : memref<5000x1xf32, #tpu.memory_space<vmem>>, vector<5000x1xf32>
    %add3A = arith.addf %get3A_1, %get3A_4 : vector<5000x1xf32>
    %add3A_5 = arith.constant 1.000000e+00 : f32
    %add3A_6 = vector.broadcast %add3A_5 : f32 to vector<5000x1xf32>
    %add3A_7 = arith.addf %add3A, %add3A_6 : vector<5000x1xf32>
    %rsqrt3A = math.rsqrt %add3A_7 : vector<5000x1xf32>
    %get3A_8 = arith.constant 0 : index
    %get3A_9 = arith.constant 0 : index
    %get3A_10 = arith.constant 0 : index
    %get3A_11 = vector.load %arg1[%get3A_8, %get3A_9, %get3A_10] : memref<2x5000x64xf32, #tpu.memory_space<vmem>>, vector<1x5000x64xf32>
    %get3A_12 = vector.shape_cast %get3A_11 : vector<1x5000x64xf32> to vector<5000x64xf32>
    %get3A_13 = arith.constant 1 : index
    %get3A_14 = arith.constant 0 : index
    %get3A_15 = arith.constant 0 : index
    %get3A_16 = vector.load %arg1[%get3A_13, %get3A_14, %get3A_15] : memref<2x5000x64xf32, #tpu.memory_space<vmem>>, vector<1x5000x64xf32>
    %get3A_17 = vector.shape_cast %get3A_16 : vector<1x5000x64xf32> to vector<5000x64xf32>
    %add3A_18 = arith.addf %get3A_12, %get3A_17 : vector<5000x64xf32>
    %get3A_19 = arith.constant 0 : index
    %get3A_20 = arith.constant 0 : index
    %get3A_21 = vector.load %arg2[%get3A_19, %get3A_20] : memref<5000x64xf32, #tpu.memory_space<vmem>>, vector<5000x64xf32>
    %add3A_22 = arith.addf %add3A_18, %get3A_21 : vector<5000x64xf32>
    %mul3A = vector.broadcast %rsqrt3A : vector<5000x1xf32> to vector<5000x64xf32>
    %mul3A_23 = arith.mulf %add3A_22, %mul3A : vector<5000x64xf32>
    %get3A_24 = arith.constant 0 : index
    %get3A_25 = arith.constant 0 : index
    %get3A_26 = vector.load %arg6[%get3A_24, %get3A_25] : memref<64x128xf32, #tpu.memory_space<vmem>>, vector<64x128xf32>
    %dot_general3A = arith.constant dense<0.000000e+00> : vector<5000x128xf32>
    %dot_general3A_27 = tpu.matmul %mul3A_23, %get3A_26, %dot_general3A {dimension_numbers = #tpu.dot_dimension_numbers<[1], [0], [0], [1], [0, 0, 1, 1], [], []>, transpose_lhs_hint = false} : vector<5000x64xf32>, vector<64x128xf32>, vector<5000x128xf32> -> vector<5000x128xf32>
    %get3A_28 = arith.constant 0 : index
    %get3A_29 = arith.constant 0 : index
    %get3A_30 = vector.load %arg5[%get3A_28, %get3A_29] : memref<1x128xf32, #tpu.memory_space<vmem>>, vector<1x128xf32>
    %add3A_31 = vector.broadcast %get3A_30 : vector<1x128xf32> to vector<5000x128xf32>
    %add3A_32 = arith.addf %dot_general3A_27, %add3A_31 : vector<5000x128xf32>
    %swap3A = arith.constant 0 : index
    %swap3A_33 = arith.constant 0 : index
    %swap3A_34 = vector.load %arg7[%swap3A, %swap3A_33] : memref<5000x128xf32, #tpu.memory_space<vmem>>, vector<5000x128xf32>
    tpu.vector_store %arg7[%swap3A, %swap3A_33], %add3A_32 {strides = array<i32>} : memref<5000x128xf32, #tpu.memory_space<vmem>>, vector<5000x128xf32>,
    return
  }
  func.func @transform_0(%arg0: i32) -> (i32, i32, i32) {
    %c0_i32 = arith.constant 0 : i32
    %c0_i32_0 = arith.constant 0 : i32
    %c0_i32_1 = arith.constant 0 : i32
    return %c0_i32, %arg0, %c0_i32_0 : i32, i32, i32
  }
  func.func @transform_1(%arg0: i32) -> (i32, i32) {
    %c0_i32 = arith.constant 0 : i32
    %c0_i32_0 = arith.constant 0 : i32
    return %arg0, %c0_i32 : i32, i32
  }
  func.func @transform_2(%arg0: i32) -> (i32, i32) {
    %c0_i32 = arith.constant 0 : i32
    %c0_i32_0 = arith.constant 0 : i32
    return %arg0, %c0_i32 : i32, i32
  }
  func.func @transform_3(%arg0: i32) -> (i32, i32) {
    %c0_i32 = arith.constant 0 : i32
    %c0_i32_0 = arith.constant 0 : i32
    return %arg0, %c0_i32 : i32, i32
  }
  func.func @transform_4(%arg0: i32) -> (i32, i32) {
    %c0_i32 = arith.constant 0 : i32
    %c0_i32_0 = arith.constant 0 : i32
    %c0_i32_1 = arith.constant 0 : i32
    return %c0_i32, %c0_i32_0 : i32, i32
  }
  func.func @transform_5(%arg0: i32) -> (i32, i32) {
    %c0_i32 = arith.constant 0 : i32
    %c0_i32_0 = arith.constant 0 : i32
    %c0_i32_1 = arith.constant 0 : i32
    return %c0_i32, %c0_i32_0 : i32, i32
  }
  func.func @transform_6(%arg0: i32) -> (i32, i32) {
    %c0_i32 = arith.constant 0 : i32
    %c0_i32_0 = arith.constant 0 : i32
    return %arg0, %c0_i32 : i32, i32
  }
}

</mosaic_0001>

<sc_bundles>
// kernel: kernel.11.cloned.1.call-start
scs
__scs_entry_jumppad:
0x0: {  	(pc) =	sbr.rel $0x88, $3  }
0x1: {  	(tag) =	ssettag $0x0;
	lr =	simm.s32 $0x1  }
0x2: {  	[smem:$0x3F9B] =	sst lr;
	_ =	strace $0xD0000000  }
0x3: {  	_ = 	snop  }
0x4: {  	_ = 	snop  }
0x5: {  	_ = 	snop  }
0x6: {  	_ = 	snop  }
0x7: {  	_ = 	snop  }
__scs_overlays_trampoline_lowered:
0x8: {  	[smem:$0x3FAA] =	sst s0  }
0x9: {  	[smem:$0x3FAB] =	sst s1  }
0xa: {  	[smem:$0x3FAC] =	sst s2  }
0xb: {  	[smem:$0x3FAD] =	sst s3  }
0xc: {  	[smem:$0x3FAE] =	sst s4  }
0xd: {  	[smem:$0x3FAF] =	sst s5  }
0xe: {  	[smem:$0x3FB0] =	sst s6  }
0xf: {  	[smem:$0x3FB1] =	sst s7  }
0x10: {  	[smem:$0x3FB2] =	sst s8  }
0x11: {  	[smem:$0x3FB3] =	sst s9;
	s0 =	simm.s32 @!p0 $0x0  }
0x12: {  	s1 =	sld [smem:$0x3F99];
	s0 =	simm.s32 @p0 $0x1  }
0x13: {  	[smem:$0x3FB4] =	sst s0;
	s0 =	simm.s32 @!p1 $0x0  }
0x14: {  	s2 =	sld [smem:$0x3F98];
	s0 =	simm.s32 @p1 $0x1  }
0x15: {  	[smem:$0x3FB5] =	sst s0;
	s0 =	simm.s32 @!p2 $0x0  }
0x16: {  	s3 =	sld [smem:$0x3FDB];
	s0 =	simm.s32 @p2 $0x1  }
0x17: {  	s4 =	simm.s32 $0x1BF5;
	[smem:$0x3FB7] =	sst s0  }
0x18: {  	s0 =	sld [smem:$0x3F9A];
	_ =	swait.ge [sflag:s4], $0x0  }
0x19: {  	s7 =	sld [smem:$0x3F9B]  }
0x1a: {  	s8 =	sadd.s32 $0xFFFFE003, lr  }
0x1b: {  	s9 =	sadd.s32 $0xFFFFFEF7, lr;
	s5 =	simm.s32 $0xFFFFFFFF;
	p2 =	slt.u32 s8, $0xFFFFF086  }
0x1c: {  	p1 =	slt.u32 s9, $0xF7A;
	s5 =	simm.s32 @!p2 $0x0  }
0x1d: {  	s5 =	simm.s32 @p1 $0x1;
	p0 =	seq.s32 s7, s2  }
0x1e: {  	s7 =	smul.u32 @!p0 $0xF7A, s2;
	p2 =	seq.s32 @!p0 s5, $0x0  }
0x1f: {  	s9 =	smul.u32 $0xF7A, s1;
	s8 =	simm.s32 @!p0 $0x1BF5;
	p2 =	por !p2, p0  }
0x20: {  	[sflag:s8] =	ssyncset.s32 @!p0 $0xFFFFF086;
	s6 =	sadd.s32 @!p0 s3, s7;
	s7 =	simm.s32 @!p0 $0x108  }
0x21: {  	s3 =	sadd.s32 s3, s9;
	s6 =	sadd.s32 @!p0 $0x88, s6;
	s7 =	simm.s32 @p2 $0x1082  }
0x22: {  	[simem:s7], [sflag:s8] =	dma.local @!p0 [hbm:s6], $0xF7A  }
0x23: {  	s9 =	sor.u32 $0xD0000000, s2;
	s6 =	simm.s32 $0x108;
	_ =	swait.ge @!p0 [sflag:s8], $0x0  }
0x24: {  	s3 =	sadd.s32 $0x88, s3;
	s6 =	simm.s32 @!p1 $0x1082;
	[sflag:s4] =	ssyncset.s32 $0xFFFFF086  }
0x25: {  	[simem:s6], [sflag:s4] =	dma.local [hbm:s3], $0xF7A  }
0x26: {  	[smem:$0x3F9B] =	sst s1;
	(tag) =	ssettag s2;
	_ =	strace s9  }
0x27: {  	s1 =	sld [smem:$0x3FAB]  }
0x28: {  	s2 =	sld [smem:$0x3FAC]  }
0x29: {  	s4 =	sld [smem:$0x3FAE]  }
0x2a: {  	p0 =	seq.s32 s5, $0x0;
	s5 =	sld [smem:$0x3FAF]  }
0x2b: {  	s6 =	sld [smem:$0x3FB0]  }
0x2c: {  	s7 =	sld [smem:$0x3FB1]  }
0x2d: {  	s3 =	simm.s32 $0x108;
	s8 =	sld [smem:$0x3FB2]  }
0x2e: {  	s3 =	simm.s32 @!p0 $0x1082;
	s9 =	sld [smem:$0x3FB3]  }
0x2f: {  	lr =	sadd.s32 s0, s3;
	s0 =	sld [smem:$0x3FAA]  }
0x30: {  	s3 =	sld [smem:$0x3FAD]  }
0x31: {  	[smem:$0x3FB6] =	sst s10  }
0x32: {  	s10 =	sld [smem:$0x3FB4];
	_ =	sdelay $0x3  }
0x33: {  	p0 =	seq.s32 s10, $0x1;
	s10 =	sld [smem:$0x3FB6];
	_ =	sdelay $0x3  }
0x34: {  	[smem:$0x3FB6] =	sst s10  }
0x35: {  	s10 =	sld [smem:$0x3FB5];
	_ =	sdelay $0x3  }
0x36: {  	p1 =	seq.s32 s10, $0x1;
	s10 =	sld [smem:$0x3FB6];
	_ =	sdelay $0x3  }
0x37: {  	[smem:$0x3FB6] =	sst s10  }
0x38: {  	s10 =	sld [smem:$0x3FB7]  }
0x39: {  	_ = 	snop;
	(pc) =	sbr.ind lr, $3  }
0x3a: {  	_ = 	snop  }
0x3b: {  	_ = 	snop  }
0x3c: {  	p2 =	seq.s32 s10, $0x1;
	s10 =	sld [smem:$0x3FB6]  }
0x3d: {  	_ =	shalt  }
0x3e: {  	_ =	shalt  }
0x3f: {  	_ =	shalt  }
0x40: {  	_ =	shalt  }
0x41: {  	_ =	shalt  }
0x42: {  	_ =	shalt  }
0x43: {  	_ =	shalt  }
0x44: {  	_ =	shalt  }
0x45: {  	_ =	shalt  }
0x46: {  	_ =	shalt  }
0x47: {  	_ =	shalt  }
0x48: {  	_ =	shalt  }
0x49: {  	_ =	shalt  }
0x4a: {  	_ =	shalt  }
0x4b: {  	_ =	shalt  }
0x4c: {  	_ =	shalt  }
0x4d: {  	_ =	shalt  }
0x4e: {  	_ =	shalt  }
0x4f: {  	_ =	shalt  }
0x50: {  	_ =	shalt  }
0x51: {  	_ =	shalt  }
0x52: {  	_ =	shalt  }
0x53: {  	_ =	shalt  }
0x54: {  	_ =	shalt  }
0x55: {  	_ =	shalt  }
0x56: {  	_ =	shalt  }
0x57: {  	_ =	shalt  }
0x58: {  	_ =	shalt  }
0x59: {  	_ =	shalt  }
0x5a: {  	_ =	shalt  }
0x5b: {  	_ =	shalt  }
0x5c: {  	_ =	shalt  }
0x5d: {  	_ =	shalt  }
0x5e: {  	_ =	shalt  }
0x5f: {  	_ =	shalt  }
0x60: {  	_ =	shalt  }
0x61: {  	_ =	shalt  }
0x62: {  	_ =	shalt  }
0x63: {  	_ =	shalt  }
0x64: {  	_ =	shalt  }
0x65: {  	_ =	shalt  }
0x66: {  	_ =	shalt  }
0x67: {  	_ =	shalt  }
0x68: {  	_ =	shalt  }
0x69: {  	_ =	shalt  }
0x6a: {  	_ =	shalt  }
0x6b: {  	_ =	shalt  }
0x6c: {  	_ =	shalt  }
0x6d: {  	_ =	shalt  }
0x6e: {  	_ =	shalt  }
0x6f: {  	_ =	shalt  }
0x70: {  	_ =	shalt  }
0x71: {  	_ =	shalt  }
0x72: {  	_ =	shalt  }
0x73: {  	_ =	shalt  }
0x74: {  	_ =	shalt  }
0x75: {  	_ =	shalt  }
0x76: {  	_ =	shalt  }
0x77: {  	_ =	shalt  }
0x78: {  	_ =	shalt  }
0x79: {  	_ =	shalt  }
0x7a: {  	_ =	shalt  }
0x7b: {  	_ =	shalt  }
0x7c: {  	_ =	shalt  }
0x7d: {  	_ =	shalt  }
0x7e: {  	_ =	shalt  }
0x7f: {  	_ =	shalt  }
0x80: {  	_ =	shalt  }
0x81: {  	_ =	shalt  }
0x82: {  	_ =	shalt  }
0x83: {  	_ =	shalt  }
0x84: {  	_ =	shalt  }
0x85: {  	_ =	shalt  }
0x86: {  	_ =	shalt  }
0x87: {  	_ =	shalt  }
.Lfunc_end0:
.L_simem_size_0:
called_computation.1_lowered:
.L_overlay_start_0:
0x88: {  	s2 =	sld [smem:$0x3FD9]  }
0x89: {  	s3 =	sld [smem:$0x3FFE];
	_ =	sdelay $0x1  }
0x8a: {  	s1 =	srdreg.scid  }
0x8b: {  	s0 =	sand.u32 $0x1, s1  }
0x8c: {  	s17 =	sshll.u32 s0, $0xA;
	s2 =	sadd.s32 s3, s2  }
0x8d: {  	s2 =	sadd.s32 s2, s17  }
0x8e: {  	[smem:$0x3FC2] =	sst s2  }
0x8f: {  	_ = 	snop  }
0x90: {  	s2 =	sld [smem:$0x3FD0];
	(tm) =	ssettm $0x1  }
0x91: {  	s18 =	sld [smem:$0x3FFB];
	_ =	sdelay $0x3  }
0x92: {  	_ =	strace s18  }
0x93: {  	s3 =	sld [smem:$0x3FFC];
	_ =	sdelay $0x3  }
0x94: {  	_ =	strace s3  }
0x95: {  	s3 =	sld [smem:$0x3FFD];
	_ =	sdelay $0x3  }
0x96: {  	_ =	strace s3  }
0x97: {  	_ =	strace $0x8FFFFFFF  }
0x98: {  	s19 =	sld [smem:$0x3FDB];
	_ =	sdelay $0x1  }
0x99: {  	s4 =	simm.s32 $_scs_section_size  }
0x9a: {  	s5 =	simm.s32 $_size__tile_overlayer_lowered;
	s6 =	simm.s32 $_tile_overlayer_lowered  }
0x9b: {  	s22 =	simm.s32 $0x1BFF;
	s21 =	sshll.u32 s6, $0x1;
	s3 =	sadd.s32 s4, s19  }
0x9c: {  	s7 =	simm.s32 $0x0;
	s20 =	sshll.u32 s5, $0x1;
	s5 =	sadd.s32 s21, s3  }
0x9d: {  	[timem:s7], [sflag:s22] =	dma.local [hbm:s5], s20  }
0x9e: {  	_ =	swait.ge [sflag:s22], s20  }
0x9f: {  	s4 =	ssub.s32 $0x0, s20;
	[sflag:s22] =	ssyncset.done $0x0  }
0xa0: {  	[sflag:s22] =	ssyncadd.s32 s4;
	_ =	sdelay $0x1  }
0xa1: {  	s23 =	simm.s32 $0x1B8B  }
0xa2: {  	_ =	swait.ge [sflag:s23], $0x1  }
0xa3: {  	[sflag:s23] =	ssyncset.done $0x0  }
0xa4: {  	s25 =	simm.s32 $0x1B8E;
	s24 =	sld [smem:$0x3FFE];
	[sflag:s23] =	ssyncadd.s32 $0xFFFFFFFF  }
0xa5: {  	s26 =	simm.s32 $execute0_lowered;
	[smem:$0x3FD2] =	sst s25  }
0xa6: {  	s5 =	sshll.u32 s26, $0x1;
	_ =	strace $0x80000049;
	[dreg:$0x1] =	wrdreg $0xFFFFFFFF  }
0xa7: {  	s28 =	simm.s32 $_size_execute0_lowered;
	s3 =	sadd.s32 s3, s5;
	[dreg:$0x0] =	wrdreg $0x0  }
0xa8: {  	s5 =	sshll.u32 s28, $0x1;
	[dreg:$0x2] =	wrdreg s3  }
0xa9: {  	[dreg:$0x3] =	wrdreg s5  }
0xaa: {  	[dreg:$0x4] =	wrdreg $0xC0  }
0xab: {  	_ =	task [dreg:s7], $0x5FFFF  }
0xac: {  	[dreg:$0x1] =	wrdreg $0xFFFFFFFF  }
0xad: {  	[dreg:$0x0] =	wrdreg $0x60  }
0xae: {  	[dreg:$0x2] =	wrdreg s24  }
0xaf: {  	[dreg:$0x3] =	wrdreg s2  }
0xb0: {  	[dreg:$0x4] =	wrdreg $0x0  }
0xb1: {  	[dreg:$0x5] =	wrdreg $0x9  }
0xb2: {  	_ =	task.clear_ibuf [dreg:s7], $0x6FFFF;
	_ =	strace $0x90000049  }
0xb3: {  	s29 =	simm.s32 $0x9;
	_ =	strace $0x8000004B  }
0xb4: {  	_ =	swait.ge [sflag:s29], $0x1  }
0xb5: {  	[sflag:s29] =	ssyncadd.s32 $0xFFFFFFFF  }
0xb6: {  	_ =	strace $0x9000004B  }
0xb7: {  	_ =	sfence  }
0xb8: {  	s30 =	sld [smem:$0x0];
	_ =	sdelay $0x2  }
0xb9: {  	s31 =	sshll.u32 s1, $0xD;
	s1 =	sshrl.u32 s1, $0x2  }
0xba: {  	s3 =	sand.u32 $0x4000, s31;
	s1 =	sadd.s32 s1, s30  }
0xbb: {  	s0 =	sor.u32 s3, s0;
	s1 =	sshll.u32 s1, $0x11  }
0xbc: {  	s0 =	sor.u32 s1, s0  }
0xbd: {  	s0 =	sadd.s32 $0x8F2B, s0  }
0xbe: {  	[sflag:s0] =	ssyncadd.remote.s32 $0x1  }
0xbf: {  	_ =	sfence.sel $0xFFFF  }
0xc0: {  	[dreg:$0x0] =	wrdreg $0xFFFFFFFF;
	(pc) =	sbr.abs _section_cstart, $3  }
0xc1: {  	[dreg:$0x1] =	wrdreg $0xFFFFFFFF  }
0xc2: {  	_ =	task.clear_ibuf [dreg:s7], $0x2FFFF;
	_ =	strace $0x9FFFFFFF  }
0xc3: {  	(tm) =	ssettm $0x7FFFFFFF  }
tec
execute0_lowered:
.L_overlay_start_1:
0x0: {  	(tag) =	ssettag $0x1  }
0x1: {  	s10 =	stileid.u32  }
0x2: {  	s7 =	smul.u32 $0x3E800, s10  }
0x3: {  	s0 =	rddreg [dreg:$0x0]  }
0x4: {  	s1 =	srdreg.scid;
	s2 =	rddreg [dreg:$0x2];
	s7 =	sshrl.u32 s7, $0x2  }
0x5: {  	s8 =	rddreg [dreg:$0x1];
	s3 =	simm.s32 $0x0;
	s7 =	sadd.s32 s7, s2  }
0x6: {  	s28 =	simm.s32 $0x6;
	[smem:$0x7FF] =	sst s3;
	s13 =	sadd.s32 $0xA00, s7  }
0x7: {  	_ =	strace $0x8000004A;
	s14 =	sadd.s32 $0x1400, s7;
	[dreg:$0x4] =	wrdreg s13  }
0x8: {  	s29 =	simm.s32 $0x4;
	s15 =	sadd.s32 $0x1E00, s7;
	[dreg:$0x5] =	wrdreg s14  }
0x9: {  	s30 =	simm.s32 $0x7;
	s16 =	sadd.s32 $0x2800, s7;
	[dreg:$0x6] =	wrdreg s15  }
0xa: {  	s31 =	simm.s32 $0x8;
	s17 =	sadd.s32 $0x3200, s7;
	[dreg:$0x7] =	wrdreg s16  }
0xb: {  	s1 =	sand.u32 $0x1, s1;
	s19 =	sadd.s32 $0x3C00, s7;
	[dreg:$0x8] =	wrdreg s17  }
0xc: {  	s21 =	smul.u32 $0xFA00, s10;
	s20 =	sadd.s32 $0x4600, s7;
	[dreg:$0x9] =	wrdreg s19  }
0xd: {  	p0 =	sgt.u32 s10, $0x9;
	s11 =	sadd.s32 $0x5000, s7;
	[dreg:$0xa] =	wrdreg s20  }
0xe: {  	s4 =	sshll.u32 s1, $0x4;
	s23 =	sadd.s32 $0x5A00, s7;
	[dreg:$0xb] =	wrdreg s11  }
0xf: {  	s6 =	ssub.s32 $0x2, s1;
	s24 =	sadd.s32 $0x6400, s7;
	[dreg:$0xc] =	wrdreg s23  }
0x10: {  	s18 =	smul.u32 $0x9C400, s1;
	s25 =	sadd.s32 $0x6E00, s7;
	[dreg:$0xd] =	wrdreg s24  }
0x11: {  	s1 =	simm.s32 $0x3;
	s26 =	sadd.s32 $0x7800, s7;
	[dreg:$0xe] =	wrdreg s25  }
0x12: {  	s4 =	sor.u32 s10, s4;
	s12 =	sadd.s32 $0x8200, s7;
	[dreg:$0xf] =	wrdreg s26  }
0x13: {  	s9 =	sshrl.u32 s6, $0x1;
	[dreg:$0x10] =	wrdreg s12;
	s13 =	sadd.s32 $0x8C00, s7  }
0x14: {  	s5 =	smul.u32 $0x2710, s4;
	s14 =	sadd.s32 $0x9600, s7;
	[dreg:$0x11] =	wrdreg s13  }
0x15: {  	s4 =	sadd.s32 $0x15800, s0;
	s15 =	sadd.s32 $0xA000, s7;
	[dreg:$0x12] =	wrdreg s14  }
0x16: {  	s9 =	ssub.s32 s6, s9;
	s16 =	sadd.s32 $0xAA00, s7;
	[dreg:$0x13] =	wrdreg s15  }
0x17: {  	s5 =	sshrl.u32 s5, $0x3;
	s17 =	sadd.s32 $0xB400, s7;
	[dreg:$0x14] =	wrdreg s16  }
0x18: {  	s24 =	smax.u32 s9, $0x1;
	s19 =	sadd.s32 $0xC800, s7;
	[dreg:$0x15] =	wrdreg s17  }
0x19: {  	s20 =	sadd.s32 $0xD200, s7;
	s23 =	sadd.s32 $0xE600, s7;
	[dreg:$0x17] =	wrdreg s19  }
0x1a: {  	s26 =	sadd.s32 $0xF000, s7;
	s11 =	simm.s32 $0x9C40;
	[dreg:$0x18] =	wrdreg s20  }
0x1b: {  	s12 =	simm.s32 $0xC350;
	s9 =	simm.s32 $0xEA50;
	[dreg:$0x1a] =	wrdreg s23  }
0x1c: {  	s0 =	sadd.s32 s5, s0;
	[dreg:$0x1b] =	wrdreg s26;
	s13 =	simm.s32 $0xEA60  }
0x1d: {  	s14 =	simm.s32 $0x2;
	s15 =	simm.s32 $0x1;
	s16 =	simm.s32 $0x80  }
0x1e: {  	s20 =	simm.s32 $0x12A60;
	s23 =	simm.s32 $0x14A60;
	s17 =	simm.s32 $0x5  }
0x1f: {  	s5 =	sadd.s32 $0x1E00, s0;
	s6 =	sadd.s32 $0xBA40, s0;
	s0 =	sadd.s32 s21, s18  }
0x20: {  	s19 =	simm.s32 $0x10;
	s18 =	sadd.s32 $0xBE00, s7;
	s0 =	sshrl.u32 s0, $0x3  }
0x21: {  	[dreg:$0x16] =	wrdreg s18;
	s22 =	sadd.s32 s8, s0;
	s0 =	sadd.s32 s21, s2  }
0x22: {  	s18 =	simm.s32 $0x10A60;
	s21 =	sadd.s32 $0xDC00, s7;
	s25 =	sshrl.u32 @!p0 s0, $0x3  }
0x23: {  	v0 =	vimm.f32 $0.0e+00;
	[dreg:$0x19] =	wrdreg s21;
	s0 =	simm.s32 $0x9;
	s21 =	simm.s32 $0x0  }
.LBB2_1:
0x24: {  	[tilespmem:s11], [sflag:$0x1] =	stream.linear.gather [hbm4b:s5+s3], $0x2710, $0x38;
	[tilespmem:$0x16A60] =	vst v63  }
0x25: {  	s26 =	simm.s32 $0x100;
	s10 =	simm.s32 $0x0  }
0x26: {  	[tilespmem:s12], [sflag:$0x1] =	stream.linear.gather [hbm4b:s6+s3], $0x2710, $0x38;
	[tilespmem:$0x16A60] =	vst v63  }
.LBB2_2:
0x27: {  	p1 =	sne.s32 s26, $0x2700;
	[tilespmem:s10+$0xEA90] =	vst v0;
	s8 =	smov.u32 s26;
	s26 =	sadd.s32 $0x100, s26  }
.Ltmp0:
0x28: {  	[tilespmem:s10+$0xEA80] =	vst v0;
	(pc) =	sbr.rel @p1 .LBB2_2-.Ltmp0, $3  }
0x29: {  	[tilespmem:s10+$0xEA60] =	vst v0  }
0x2a: {  	[tilespmem:s10+$0xEA70] =	vst v0;
	_ =	sdelay $0x1  }
0x2b: {  	s10 =	sshra.s32 s8, $0x2  }
.Ltmp1:
0x2c: {  	(pc) =	sbr.rel @p0 .LBB2_5-.Ltmp1, $4  }
0x2d: {  	[tilespmem:s10+$0xEA90] =	vst v0  }
0x2e: {  	[tilespmem:s10+$0xEA80] =	vst v0  }
0x2f: {  	[tilespmem:s10+$0xEA60] =	vst v0  }
0x30: {  	[tilespmem:s10+$0xEA70] =	vst v0  }
0x31: {  	[spmem:s7] =	stream.linear.scatter [tilespmem:s13], [sflag:$0x2], $0xA00, $0x38;
	[tilespmem:$0x16A60] =	vst v63  }
0x32: {  	s8 =	rddreg [dreg:$0x4]  }
0x33: {  	[spmem:s8] =	stream.linear.scatter [tilespmem:s13], [sflag:$0x2], $0xA00, $0x38;
	[tilespmem:$0x16A60] =	vst v63  }
0x34: {  	s26 =	rddreg [dreg:$0x5]  }
0x35: {  	[spmem:s26] =	stream.linear.scatter [tilespmem:s13], [sflag:$0x2], $0xA00, $0x38;
	[tilespmem:$0x16A60] =	vst v63  }
0x36: {  	s10 =	rddreg [dreg:$0x6]  }
0x37: {  	[spmem:s10] =	stream.linear.scatter [tilespmem:s13], [sflag:$0x2], $0xA00, $0x38;
	[tilespmem:$0x16A60] =	vst v63  }
0x38: {  	s26 =	rddreg [dreg:$0x7]  }
0x39: {  	[spmem:s26] =	stream.linear.scatter [tilespmem:s13], [sflag:$0x2], $0xA00, $0x38;
	[tilespmem:$0x16A60] =	vst v63  }
0x3a: {  	_ =	swait.ge [sflag:s14], $0xA00  }
0x3b: {  	[sflag:s14] =	ssyncset.done $0x0  }
0x3c: {  	[sflag:s14] =	ssyncadd.s32 $0xFFFFF600  }
0x3d: {  	_ =	swait.ge [sflag:s14], $0xA00  }
0x3e: {  	[sflag:s14] =	ssyncset.done $0x0  }
0x3f: {  	[sflag:s14] =	ssyncadd.s32 $0xFFFFF600  }
0x40: {  	_ =	swait.ge [sflag:s14], $0xA00  }
0x41: {  	[sflag:s14] =	ssyncset.done $0x0  }
0x42: {  	[sflag:s14] =	ssyncadd.s32 $0xFFFFF600  }
0x43: {  	_ =	swait.ge [sflag:s14], $0xA00  }
0x44: {  	[sflag:s14] =	ssyncset.done $0x0  }
0x45: {  	[sflag:s14] =	ssyncadd.s32 $0xFFFFF600  }
0x46: {  	_ =	swait.ge [sflag:s14], $0xA00  }
0x47: {  	[sflag:s14] =	ssyncset.done $0x0  }
0x48: {  	s10 =	rddreg [dreg:$0x8];
	[sflag:s14] =	ssyncadd.s32 $0xFFFFF600  }
0x49: {  	[spmem:s10] =	stream.linear.scatter [tilespmem:s13], [sflag:$0x2], $0xA00, $0x38;
	[tilespmem:$0x16A60] =	vst v63  }
0x4a: {  	s26 =	rddreg [dreg:$0x9]  }
0x4b: {  	[spmem:s26] =	stream.linear.scatter [tilespmem:s13], [sflag:$0x2], $0xA00, $0x38;
	[tilespmem:$0x16A60] =	vst v63  }
0x4c: {  	s10 =	rddreg [dreg:$0xa]  }
0x4d: {  	[spmem:s10] =	stream.linear.scatter [tilespmem:s13], [sflag:$0x2], $0xA00, $0x38;
	[tilespmem:$0x16A60] =	vst v63  }
0x4e: {  	s26 =	rddreg [dreg:$0xb]  }
0x4f: {  	[spmem:s26] =	stream.linear.scatter [tilespmem:s13], [sflag:$0x2], $0xA00, $0x38;
	[tilespmem:$0x16A60] =	vst v63  }
0x50: {  	s10 =	rddreg [dreg:$0xc]  }
0x51: {  	[spmem:s10] =	stream.linear.scatter [tilespmem:s13], [sflag:$0x2], $0xA00, $0x38;
	[tilespmem:$0x16A60] =	vst v63  }
0x52: {  	_ =	swait.ge [sflag:s14], $0xA00  }
0x53: {  	[sflag:s14] =	ssyncset.done $0x0  }
0x54: {  	[sflag:s14] =	ssyncadd.s32 $0xFFFFF600  }
0x55: {  	_ =	swait.ge [sflag:s14], $0xA00  }
0x56: {  	[sflag:s14] =	ssyncset.done $0x0  }
0x57: {  	[sflag:s14] =	ssyncadd.s32 $0xFFFFF600  }
0x58: {  	_ =	swait.ge [sflag:s14], $0xA00  }
0x59: {  	[sflag:s14] =	ssyncset.done $0x0  }
0x5a: {  	[sflag:s14] =	ssyncadd.s32 $0xFFFFF600  }
0x5b: {  	_ =	swait.ge [sflag:s14], $0xA00  }
0x5c: {  	[sflag:s14] =	ssyncset.done $0x0  }
0x5d: {  	[sflag:s14] =	ssyncadd.s32 $0xFFFFF600  }
0x5e: {  	_ =	swait.ge [sflag:s14], $0xA00  }
0x5f: {  	[sflag:s14] =	ssyncset.done $0x0  }
0x60: {  	s26 =	rddreg [dreg:$0xd];
	[sflag:s14] =	ssyncadd.s32 $0xFFFFF600  }
0x61: {  	[spmem:s26] =	stream.linear.scatter [tilespmem:s13], [sflag:$0x2], $0xA00, $0x38;
	[tilespmem:$0x16A60] =	vst v63  }
0x62: {  	s10 =	rddreg [dreg:$0xe]  }
0x63: {  	[spmem:s10] =	stream.linear.scatter [tilespmem:s13], [sflag:$0x2], $0xA00, $0x38;
	[tilespmem:$0x16A60] =	vst v63  }
0x64: {  	s26 =	rddreg [dreg:$0xf]  }
0x65: {  	[spmem:s26] =	stream.linear.scatter [tilespmem:s13], [sflag:$0x2], $0xA00, $0x38;
	[tilespmem:$0x16A60] =	vst v63  }
0x66: {  	s10 =	rddreg [dreg:$0x10]  }
0x67: {  	[spmem:s10] =	stream.linear.scatter [tilespmem:s13], [sflag:$0x2], $0xA00, $0x38;
	[tilespmem:$0x16A60] =	vst v63  }
0x68: {  	s26 =	rddreg [dreg:$0x11]  }
0x69: {  	[spmem:s26] =	stream.linear.scatter [tilespmem:s13], [sflag:$0x2], $0xA00, $0x38;
	[tilespmem:$0x16A60] =	vst v63  }
0x6a: {  	_ =	swait.ge [sflag:s14], $0xA00  }
0x6b: {  	[sflag:s14] =	ssyncset.done $0x0  }
0x6c: {  	[sflag:s14] =	ssyncadd.s32 $0xFFFFF600  }
0x6d: {  	_ =	swait.ge [sflag:s14], $0xA00  }
0x6e: {  	[sflag:s14] =	ssyncset.done $0x0  }
0x6f: {  	[sflag:s14] =	ssyncadd.s32 $0xFFFFF600  }
0x70: {  	_ =	swait.ge [sflag:s14], $0xA00  }
0x71: {  	[sflag:s14] =	ssyncset.done $0x0  }
0x72: {  	[sflag:s14] =	ssyncadd.s32 $0xFFFFF600  }
0x73: {  	_ =	swait.ge [sflag:s14], $0xA00  }
0x74: {  	[sflag:s14] =	ssyncset.done $0x0  }
0x75: {  	[sflag:s14] =	ssyncadd.s32 $0xFFFFF600  }
0x76: {  	_ =	swait.ge [sflag:s14], $0xA00  }
0x77: {  	[sflag:s14] =	ssyncset.done $0x0  }
0x78: {  	s10 =	rddreg [dreg:$0x12];
	[sflag:s14] =	ssyncadd.s32 $0xFFFFF600  }
0x79: {  	[spmem:s10] =	stream.linear.scatter [tilespmem:s13], [sflag:$0x2], $0xA00, $0x38;
	[tilespmem:$0x16A60] =	vst v63  }
0x7a: {  	s26 =	rddreg [dreg:$0x13]  }
0x7b: {  	[spmem:s26] =	stream.linear.scatter [tilespmem:s13], [sflag:$0x2], $0xA00, $0x38;
	[tilespmem:$0x16A60] =	vst v63  }
0x7c: {  	s10 =	rddreg [dreg:$0x14]  }
0x7d: {  	[spmem:s10] =	stream.linear.scatter [tilespmem:s13], [sflag:$0x2], $0xA00, $0x38;
	[tilespmem:$0x16A60] =	vst v63  }
0x7e: {  	s26 =	rddreg [dreg:$0x15]  }
0x7f: {  	[spmem:s26] =	stream.linear.scatter [tilespmem:s13], [sflag:$0x2], $0xA00, $0x38;
	[tilespmem:$0x16A60] =	vst v63  }
0x80: {  	s10 =	rddreg [dreg:$0x16]  }
0x81: {  	[spmem:s10] =	stream.linear.scatter [tilespmem:s13], [sflag:$0x2], $0xA00, $0x38;
	[tilespmem:$0x16A60] =	vst v63  }
0x82: {  	_ =	swait.ge [sflag:s14], $0xA00  }
0x83: {  	[sflag:s14] =	ssyncset.done $0x0  }
0x84: {  	[sflag:s14] =	ssyncadd.s32 $0xFFFFF600  }
0x85: {  	_ =	swait.ge [sflag:s14], $0xA00  }
0x86: {  	[sflag:s14] =	ssyncset.done $0x0  }
0x87: {  	[sflag:s14] =	ssyncadd.s32 $0xFFFFF600  }
0x88: {  	_ =	swait.ge [sflag:s14], $0xA00  }
0x89: {  	[sflag:s14] =	ssyncset.done $0x0  }
0x8a: {  	[sflag:s14] =	ssyncadd.s32 $0xFFFFF600  }
0x8b: {  	_ =	swait.ge [sflag:s14], $0xA00  }
0x8c: {  	[sflag:s14] =	ssyncset.done $0x0  }
0x8d: {  	[sflag:s14] =	ssyncadd.s32 $0xFFFFF600  }
0x8e: {  	_ =	swait.ge [sflag:s14], $0xA00  }
0x8f: {  	[sflag:s14] =	ssyncset.done $0x0  }
0x90: {  	s26 =	rddreg [dreg:$0x17];
	[sflag:s14] =	ssyncadd.s32 $0xFFFFF600  }
0x91: {  	[spmem:s26] =	stream.linear.scatter [tilespmem:s13], [sflag:$0x2], $0xA00, $0x38;
	[tilespmem:$0x16A60] =	vst v63  }
0x92: {  	s10 =	rddreg [dreg:$0x18]  }
0x93: {  	[spmem:s10] =	stream.linear.scatter [tilespmem:s13], [sflag:$0x2], $0xA00, $0x38;
	[tilespmem:$0x16A60] =	vst v63  }
0x94: {  	s26 =	rddreg [dreg:$0x19]  }
0x95: {  	[spmem:s26] =	stream.linear.scatter [tilespmem:s13], [sflag:$0x2], $0xA00, $0x38;
	[tilespmem:$0x16A60] =	vst v63  }
0x96: {  	s10 =	rddreg [dreg:$0x1a]  }
0x97: {  	[spmem:s10] =	stream.linear.scatter [tilespmem:s13], [sflag:$0x2], $0xA00, $0x38;
	[tilespmem:$0x16A60] =	vst v63  }
0x98: {  	s26 =	rddreg [dreg:$0x1b]  }
0x99: {  	[spmem:s26] =	stream.linear.scatter [tilespmem:s13], [sflag:$0x2], $0xA00, $0x38;
	[tilespmem:$0x16A60] =	vst v63  }
0x9a: {  	_ =	swait.ge [sflag:s14], $0xA00  }
0x9b: {  	[sflag:s14] =	ssyncset.done $0x0  }
0x9c: {  	[sflag:s14] =	ssyncadd.s32 $0xFFFFF600  }
0x9d: {  	_ =	swait.ge [sflag:s14], $0xA00  }
0x9e: {  	[sflag:s14] =	ssyncset.done $0x0  }
0x9f: {  	[sflag:s14] =	ssyncadd.s32 $0xFFFFF600  }
0xa0: {  	_ =	swait.ge [sflag:s14], $0xA00  }
0xa1: {  	[sflag:s14] =	ssyncset.done $0x0  }
0xa2: {  	[sflag:s14] =	ssyncadd.s32 $0xFFFFF600  }
0xa3: {  	_ =	swait.ge [sflag:s14], $0xA00  }
0xa4: {  	[sflag:s14] =	ssyncset.done $0x0  }
0xa5: {  	[sflag:s14] =	ssyncadd.s32 $0xFFFFF600  }
0xa6: {  	_ =	swait.ge [sflag:s14], $0xA00  }
0xa7: {  	[sflag:s14] =	ssyncset.done $0x0  }
0xa8: {  	[sflag:s14] =	ssyncadd.s32 $0xFFFFF600  }
.LBB2_5:
0xa9: {  	[bflag:$0x0] =	sbarrier.arrive $0xFFFF  }
0xaa: {  	_ =	swait.ge [sflag:s15], $0x2710  }
0xab: {  	[sflag:s15] =	ssyncset.done $0x0  }
0xac: {  	[sflag:s15] =	ssyncadd.s32 $0xFFFFD8F0  }
0xad: {  	_ =	swait.ge [sflag:s15], $0x2710  }
0xae: {  	[sflag:s15] =	ssyncset.done $0x0  }
0xaf: {  	[sflag:s15] =	ssyncadd.s32 $0xFFFFD8F0  }
0xb0: {  	[tilespmem:s13], [sflag:$0x2] =	stream.indirect.gather [hbm4b:s4+s16], $0x40, s11, s16, $0xb8;
	[tilespmem:$0x16A60] =	vst v63  }
0xb1: {  	s8 =	simm.s32 $0x9CC0  }
0xb2: {  	[tilespmem:s18], [sflag:$0x3] =	stream.indirect.gather [hbm4b:s4+s16], $0x40, s8, s16, $0xb8;
	[tilespmem:$0x16A60] =	vst v63  }
0xb3: {  	s10 =	simm.s32 $0x9D40  }
0xb4: {  	[tilespmem:s20], [sflag:$0x4] =	stream.indirect.gather [hbm4b:s4+s16], $0x40, s10, s16, $0xb8;
	[tilespmem:$0x16A60] =	vst v63  }
0xb5: {  	_ =	swait.ge [sflag:s14], $0x2000  }
0xb6: {  	[sflag:s14] =	ssyncset.done $0x0  }
0xb7: {  	[sflag:s14] =	ssyncadd.s32 $0xFFFFE000  }
0xb8: {  	[spmem:s2] =	stream.indirect.scatter.add.f32 [tilespmem:s13], [sflag:$0x6], $0x40, s12, s16, $0xb8;
	[tilespmem:$0x16A60] =	vst v63  }
0xb9: {  	s26 =	simm.s32 $0x9DC0  }
0xba: {  	[tilespmem:s23], [sflag:$0x5] =	stream.indirect.gather [hbm4b:s4+s16], $0x40, s26, s16, $0xb8;
	[tilespmem:$0x16A60] =	vst v63  }
0xbb: {  	_ =	swait.ge [sflag:s1], $0x2000  }
0xbc: {  	[sflag:s1] =	ssyncset.done $0x0  }
0xbd: {  	s10 =	simm.s32 $0xC3D0;
	[sflag:s1] =	ssyncadd.s32 $0xFFFFE000  }
0xbe: {  	[spmem:s2] =	stream.indirect.scatter.add.f32 [tilespmem:s18], [sflag:$0x7], $0x40, s10, s16, $0xb8;
	[tilespmem:$0x16A60] =	vst v63  }
0xbf: {  	_ =	swait.ge [sflag:s28], $0x2000  }
0xc0: {  	[sflag:s28] =	ssyncset.done $0x0  }
0xc1: {  	s26 =	simm.s32 $0x9E40;
	[sflag:s28] =	ssyncadd.s32 $0xFFFFE000  }
0xc2: {  	[tilespmem:s13], [sflag:$0x2] =	stream.indirect.gather [hbm4b:s4+s16], $0x40, s26, s16, $0xb8;
	[tilespmem:$0x16A60] =	vst v63  }
0xc3: {  	_ =	swait.ge [sflag:s29], $0x2000  }
0xc4: {  	[sflag:s29] =	ssyncset.done $0x0  }
0xc5: {  	s10 =	simm.s32 $0xC450;
	[sflag:s29] =	ssyncadd.s32 $0xFFFFE000  }
0xc6: {  	[spmem:s2] =	stream.indirect.scatter.add.f32 [tilespmem:s20], [sflag:$0x8], $0x40, s10, s16, $0xb8;
	[tilespmem:$0x16A60] =	vst v63  }
0xc7: {  	_ =	swait.ge [sflag:s30], $0x2000  }
0xc8: {  	[sflag:s30] =	ssyncset.done $0x0  }
0xc9: {  	s26 =	simm.s32 $0x9EC0;
	[sflag:s30] =	ssyncadd.s32 $0xFFFFE000  }
0xca: {  	[tilespmem:s18], [sflag:$0x3] =	stream.indirect.gather [hbm4b:s4+s16], $0x40, s26, s16, $0xb8;
	[tilespmem:$0x16A60] =	vst v63  }
0xcb: {  	_ =	swait.ge [sflag:s17], $0x2000  }
0xcc: {  	[sflag:s17] =	ssyncset.done $0x0  }
0xcd: {  	s10 =	simm.s32 $0xC4D0;
	[sflag:s17] =	ssyncadd.s32 $0xFFFFE000  }
0xce: {  	[spmem:s2] =	stream.indirect.scatter.add.f32 [tilespmem:s23], [sflag:$0x9], $0x40, s10, s16, $0xb8;
	[tilespmem:$0x16A60] =	vst v63  }
0xcf: {  	_ =	swait.ge [sflag:s31], $0x2000  }
0xd0: {  	[sflag:s31] =	ssyncset.done $0x0  }
0xd1: {  	s26 =	simm.s32 $0x9F40;
	[sflag:s31] =	ssyncadd.s32 $0xFFFFE000  }
0xd2: {  	[tilespmem:s20], [sflag:$0x4] =	stream.indirect.gather [hbm4b:s4+s16], $0x40, s26, s16, $0xb8;
	[tilespmem:$0x16A60] =	vst v63  }
0xd3: {  	_ =	swait.ge [sflag:s14], $0x2000  }
0xd4: {  	[sflag:s14] =	ssyncset.done $0x0  }
0xd5: {  	s10 =	simm.s32 $0xC550;
	[sflag:s14] =	ssyncadd.s32 $0xFFFFE000  }
0xd6: {  	[spmem:s2] =	stream.indirect.scatter.add.f32 [tilespmem:s13], [sflag:$0x6], $0x40, s10, s16, $0xb8;
	[tilespmem:$0x16A60] =	vst v63  }
0xd7: {  	_ =	swait.ge [sflag:s0], $0x2000  }
0xd8: {  	[sflag:s0] =	ssyncset.done $0x0  }
0xd9: {  	s26 =	simm.s32 $0x9FC0;
	[sflag:s0] =	ssyncadd.s32 $0xFFFFE000  }
0xda: {  	[tilespmem:s23], [sflag:$0x5] =	stream.indirect.gather [hbm4b:s4+s16], $0x40, s26, s16, $0xb8;
	[tilespmem:$0x16A60] =	vst v63  }
0xdb: {  	_ =	swait.ge [sflag:s1], $0x2000  }
0xdc: {  	[sflag:s1] =	ssyncset.done $0x0  }
0xdd: {  	s10 =	simm.s32 $0x800;
	s26 =	simm.s32 $0xC5D0;
	[sflag:s1] =	ssyncadd.s32 $0xFFFFE000  }
.LBB2_6:
0xde: {  	[spmem:s2] =	stream.indirect.scatter.add.f32 [tilespmem:s18], [sflag:$0x7], $0x40, s26, s16, $0xb8;
	[tilespmem:$0x16A60] =	vst v63  }
0xdf: {  	s8 =	smov.u32 s10  }
0xe0: {  	p1 =	sne.s32 s10, $0x8800;
	s10 =	sadd.s32 $0x800, s10;
	_ =	swait.ge [sflag:s28], $0x2000  }
0xe1: {  	s26 =	sshra.s32 s8, $0x2;
	[sflag:s28] =	ssyncset.done $0x0  }
0xe2: {  	s8 =	sadd.s32 $0x9E40, s26;
	[sflag:s28] =	ssyncadd.s32 $0xFFFFE000  }
0xe3: {  	[tilespmem:s13], [sflag:$0x2] =	stream.indirect.gather [hbm4b:s4+s16], $0x40, s8, s16, $0xb8;
	[tilespmem:$0x16A60] =	vst v63  }
0xe4: {  	_ =	swait.ge [sflag:s29], $0x2000  }
0xe5: {  	[sflag:s29] =	ssyncset.done $0x0  }
0xe6: {  	s8 =	sadd.s32 $0xC450, s26;
	[sflag:s29] =	ssyncadd.s32 $0xFFFFE000  }
0xe7: {  	[spmem:s2] =	stream.indirect.scatter.add.f32 [tilespmem:s20], [sflag:$0x8], $0x40, s8, s16, $0xb8;
	[tilespmem:$0x16A60] =	vst v63  }
0xe8: {  	_ =	swait.ge [sflag:s30], $0x2000  }
0xe9: {  	[sflag:s30] =	ssyncset.done $0x0  }
0xea: {  	s8 =	sadd.s32 $0x9EC0, s26;
	[sflag:s30] =	ssyncadd.s32 $0xFFFFE000  }
0xeb: {  	[tilespmem:s18], [sflag:$0x3] =	stream.indirect.gather [hbm4b:s4+s16], $0x40, s8, s16, $0xb8;
	[tilespmem:$0x16A60] =	vst v63  }
0xec: {  	_ =	swait.ge [sflag:s17], $0x2000  }
0xed: {  	[sflag:s17] =	ssyncset.done $0x0  }
0xee: {  	s8 =	sadd.s32 $0xC4D0, s26;
	[sflag:s17] =	ssyncadd.s32 $0xFFFFE000  }
0xef: {  	[spmem:s2] =	stream.indirect.scatter.add.f32 [tilespmem:s23], [sflag:$0x9], $0x40, s8, s16, $0xb8;
	[tilespmem:$0x16A60] =	vst v63  }
0xf0: {  	_ =	swait.ge [sflag:s31], $0x2000  }
0xf1: {  	[sflag:s31] =	ssyncset.done $0x0  }
0xf2: {  	s8 =	sadd.s32 $0x9F40, s26;
	[sflag:s31] =	ssyncadd.s32 $0xFFFFE000  }
0xf3: {  	[tilespmem:s20], [sflag:$0x4] =	stream.indirect.gather [hbm4b:s4+s16], $0x40, s8, s16, $0xb8;
	[tilespmem:$0x16A60] =	vst v63  }
0xf4: {  	_ =	swait.ge [sflag:s14], $0x2000  }
0xf5: {  	[sflag:s14] =	ssyncset.done $0x0  }
0xf6: {  	s8 =	sadd.s32 $0xC550, s26;
	[sflag:s14] =	ssyncadd.s32 $0xFFFFE000  }
0xf7: {  	[spmem:s2] =	stream.indirect.scatter.add.f32 [tilespmem:s13], [sflag:$0x6], $0x40, s8, s16, $0xb8;
	[tilespmem:$0x16A60] =	vst v63  }
0xf8: {  	_ =	swait.ge [sflag:s0], $0x2000  }
0xf9: {  	[sflag:s0] =	ssyncset.done $0x0  }
.Ltmp2:
0xfa: {  	s8 =	sadd.s32 $0x9FC0, s26;
	[sflag:s0] =	ssyncadd.s32 $0xFFFFE000;
	(pc) =	sbr.rel @p1 .LBB2_6-.Ltmp2, $4  }
0xfb: {  	[tilespmem:s23], [sflag:$0x5] =	stream.indirect.gather [hbm4b:s4+s16], $0x40, s8, s16, $0xb8;
	[tilespmem:$0x16A60] =	vst v63  }
0xfc: {  	_ =	swait.ge [sflag:s1], $0x2000  }
0xfd: {  	[sflag:s1] =	ssyncset.done $0x0  }
0xfe: {  	s26 =	sadd.s32 $0xC5D0, s26;
	[sflag:s1] =	ssyncadd.s32 $0xFFFFE000  }
0xff: {  	[spmem:s2] =	stream.indirect.scatter.add.f32 [tilespmem:s18], [sflag:$0x7], $0x40, s26, s16, $0xb8;
	[tilespmem:$0x16A60] =	vst v63  }
0x100: {  	_ =	swait.ge [sflag:s28], $0x2000  }
0x101: {  	[sflag:s28] =	ssyncset.done $0x0  }
0x102: {  	s8 =	simm.s32 $0xC240;
	[sflag:s28] =	ssyncadd.s32 $0xFFFFE000  }
0x103: {  	[tilespmem:s13], [sflag:$0x2] =	stream.indirect.gather [hbm4b:s4+s16], $0x40, s8, s16, $0xb8;
	[tilespmem:$0x16A60] =	vst v63  }
0x104: {  	_ =	swait.ge [sflag:s29], $0x2000  }
0x105: {  	[sflag:s29] =	ssyncset.done $0x0  }
0x106: {  	s10 =	simm.s32 $0xE850;
	[sflag:s29] =	ssyncadd.s32 $0xFFFFE000  }
0x107: {  	[spmem:s2] =	stream.indirect.scatter.add.f32 [tilespmem:s20], [sflag:$0x8], $0x40, s10, s16, $0xb8;
	[tilespmem:$0x16A60] =	vst v63  }
0x108: {  	_ =	swait.ge [sflag:s30], $0x2000  }
0x109: {  	[sflag:s30] =	ssyncset.done $0x0  }
0x10a: {  	s26 =	simm.s32 $0xC2C0;
	[sflag:s30] =	ssyncadd.s32 $0xFFFFE000  }
0x10b: {  	[tilespmem:s18], [sflag:$0x3] =	stream.indirect.gather [hbm4b:s4+s16], $0x40, s26, s16, $0xb8;
	[tilespmem:$0x16A60] =	vst v63  }
0x10c: {  	_ =	swait.ge [sflag:s17], $0x2000  }
0x10d: {  	[sflag:s17] =	ssyncset.done $0x0  }
0x10e: {  	s10 =	simm.s32 $0xE8D0;
	[sflag:s17] =	ssyncadd.s32 $0xFFFFE000  }
0x10f: {  	[spmem:s2] =	stream.indirect.scatter.add.f32 [tilespmem:s23], [sflag:$0x9], $0x40, s10, s16, $0xb8;
	[tilespmem:$0x16A60] =	vst v63  }
0x110: {  	_ =	swait.ge [sflag:s14], $0x2000  }
0x111: {  	[sflag:s14] =	ssyncset.done $0x0  }
0x112: {  	s26 =	simm.s32 $0xE950;
	[sflag:s14] =	ssyncadd.s32 $0xFFFFE000  }
0x113: {  	[spmem:s2] =	stream.indirect.scatter.add.f32 [tilespmem:s13], [sflag:$0x6], $0x40, s26, s16, $0xb8;
	[tilespmem:$0x16A60] =	vst v63  }
0x114: {  	_ =	swait.ge [sflag:s1], $0x2000  }
0x115: {  	[sflag:s1] =	ssyncset.done $0x0  }
0x116: {  	s10 =	simm.s32 $0xE9D0;
	[sflag:s1] =	ssyncadd.s32 $0xFFFFE000  }
0x117: {  	[spmem:s2] =	stream.indirect.scatter.add.f32 [tilespmem:s18], [sflag:$0x7], $0x40, s10, s16, $0xb8;
	[tilespmem:$0x16A60] =	vst v63  }
0x118: {  	_ =	swait.ge [sflag:s31], $0x2000  }
0x119: {  	[sflag:s31] =	ssyncset.done $0x0  }
0x11a: {  	[sflag:s31] =	ssyncadd.s32 $0xFFFFE000  }
0x11b: {  	_ =	swait.ge [sflag:s0], $0x2000  }
0x11c: {  	[sflag:s0] =	ssyncset.done $0x0  }
0x11d: {  	[sflag:s0] =	ssyncadd.s32 $0xFFFFE000  }
0x11e: {  	_ =	swait.ge [sflag:s28], $0x2000  }
0x11f: {  	[sflag:s28] =	ssyncset.done $0x0  }
0x120: {  	[sflag:s28] =	ssyncadd.s32 $0xFFFFE000  }
0x121: {  	_ =	swait.ge [sflag:s30], $0x2000  }
0x122: {  	[sflag:s30] =	ssyncset.done $0x0  }
0x123: {  	s26 =	simm.s32 $0xC340;
	[sflag:s30] =	ssyncadd.s32 $0xFFFFE000  }
0x124: {  	[tilespmem:s20], [sflag:$0x4] =	stream.indirect.gather [hbm4b:s4+s19], $0x40, s26, s19, $0xb8;
	[tilespmem:$0x16A60] =	vst v63  }
0x125: {  	_ =	swait.ge [sflag:s29], $0x400  }
0x126: {  	[sflag:s29] =	ssyncset.done $0x0  }
0x127: {  	[sflag:s29] =	ssyncadd.s32 $0xFFFFFC00  }
0x128: {  	[spmem:s2] =	stream.indirect.scatter.add.f32 [tilespmem:s20], [sflag:$0x8], $0x40, s9, s19, $0xb8;
	[tilespmem:$0x16A60] =	vst v63  }
0x129: {  	_ =	swait.ge [sflag:s31], $0x400  }
0x12a: {  	s8 =	stileid.u32;
	[sflag:s31] =	ssyncset.done $0x0  }
0x12b: {  	s21 =	sadd.s32 $0x1, s21;
	s8 =	sshll.u32 @!p0 s8, $0x6;
	[sflag:s31] =	ssyncadd.s32 $0xFFFFFC00  }
0x12c: {  	p1 =	sne.s32 s21, s24;
	s8 =	sor.u32 @!p0 $0x1C0A, s8;
	[bflag:$0x0] =	sbarrier.arrive $0xFFFF  }
0x12d: {  	[hbm:s22], [sflag:s8] =	dma.local @!p0 [spmem:s25], $0x1F40  }
.Ltmp3:
0x12e: {  	_ = 	snop;
	(pc) =	sbr.rel @p1 .LBB2_1-.Ltmp3, $4  }
0x12f: {  	s8 =	simm.s32 @!p0 $0xA  }
0x130: {  	_ =	swait.ge @!p0 [sflag:s8], $0x1F40  }
0x131: {  	[sflag:s8] =	ssyncset.done @!p0 $0x0  }
0x132: {  	[sflag:s8] =	ssyncadd.s32 @!p0 $0xFFFFE0C0  }
0x133: {  	_ =	sfence.sel $0x180000  }
0x134: {  	[bflag:$0x0] =	sbarrier.arrive $0xFFFF  }
0x135: {  	_ =	strace $0x9000004A  }
0x136: {  	s0 =	stileid.u32;
	[bflag:$0x2] =	sbarrier.arrive $0xFFFF  }
0x137: {  	p0 =	sne.s32 s0, $0x0;
	s0 =	rddreg [dreg:$0x3]  }
0x138: {  	s0 =	sadd.s32 @!p0 $0x100000, s0  }
0x139: {  	[sflag:s0] =	ssyncadd.tile.s32 @!p0 $0x1;
	_ =	shalt  }
.Lfunc_end2:
_tile_overlayer_lowered:
.L_overlay_start_2:
0x13a: {  	(tag) =	ssettag $0x2  }
0x13b: {  	s0 =	rddreg [dreg:$0x0];
	s2 =	stileid.u32  }
0x13c: {  	s1 =	rddreg [dreg:$0x1];
	p0 =	sne.s32 s2, $0x0  }
0x13d: {  	s3 =	rddreg [dreg:$0x2];
	[bflag:$0x3] =	sbarrier.arrive $0xFFFF;
	s2 =	simm.s32 @!p0 $0x1C0A  }
0x13e: {  	[timem:s3], [sflag:s2] =	dma.local @!p0 [hbm:s0], s1  }
0x13f: {  	s0 =	simm.s32 @!p0 $0xA  }
0x140: {  	_ =	swait.ge @!p0 [sflag:s0], s1  }
0x141: {  	s1 =	ssub.s32 @!p0 $0x0, s1;
	[sflag:s0] =	ssyncset.done @!p0 $0x0  }
0x142: {  	[sflag:s0] =	ssyncadd.s32 @!p0 s1  }
0x143: {  	[bflag:$0x3] =	sbarrier.arrive $0xFFFF  }
0x144: {  	_ =	shalt  }

// kernel: kernel.14.cloned.1.call-start
scs
__scs_entry_jumppad:
0x0: {  	(pc) =	sbr.rel $0x88, $3  }
0x1: {  	(tag) =	ssettag $0x0;
	lr =	simm.s32 $0x1  }
0x2: {  	[smem:$0x3F9B] =	sst lr;
	_ =	strace $0xD0000000  }
0x3: {  	_ = 	snop  }
0x4: {  	_ = 	snop  }
0x5: {  	_ = 	snop  }
0x6: {  	_ = 	snop  }
0x7: {  	_ = 	snop  }
__scs_overlays_trampoline_lowered:
0x8: {  	[smem:$0x3FAA] =	sst s0  }
0x9: {  	[smem:$0x3FAB] =	sst s1  }
0xa: {  	[smem:$0x3FAC] =	sst s2  }
0xb: {  	[smem:$0x3FAD] =	sst s3  }
0xc: {  	[smem:$0x3FAE] =	sst s4  }
0xd: {  	[smem:$0x3FAF] =	sst s5  }
0xe: {  	[smem:$0x3FB0] =	sst s6  }
0xf: {  	[smem:$0x3FB1] =	sst s7  }
0x10: {  	[smem:$0x3FB2] =	sst s8  }
0x11: {  	[smem:$0x3FB3] =	sst s9;
	s0 =	simm.s32 @!p0 $0x0  }
0x12: {  	s1 =	sld [smem:$0x3F99];
	s0 =	simm.s32 @p0 $0x1  }
0x13: {  	[smem:$0x3FB4] =	sst s0;
	s0 =	simm.s32 @!p1 $0x0  }
0x14: {  	s2 =	sld [smem:$0x3F98];
	s0 =	simm.s32 @p1 $0x1  }
0x15: {  	[smem:$0x3FB5] =	sst s0;
	s0 =	simm.s32 @!p2 $0x0  }
0x16: {  	s3 =	sld [smem:$0x3FDB];
	s0 =	simm.s32 @p2 $0x1  }
0x17: {  	s4 =	simm.s32 $0x1BF5;
	[smem:$0x3FB7] =	sst s0  }
0x18: {  	s0 =	sld [smem:$0x3F9A];
	_ =	swait.ge [sflag:s4], $0x0  }
0x19: {  	s7 =	sld [smem:$0x3F9B]  }
0x1a: {  	s8 =	sadd.s32 $0xFFFFE003, lr  }
0x1b: {  	s9 =	sadd.s32 $0xFFFFFEF7, lr;
	s5 =	simm.s32 $0xFFFFFFFF;
	p2 =	slt.u32 s8, $0xFFFFF086  }
0x1c: {  	p1 =	slt.u32 s9, $0xF7A;
	s5 =	simm.s32 @!p2 $0x0  }
0x1d: {  	s5 =	simm.s32 @p1 $0x1;
	p0 =	seq.s32 s7, s2  }
0x1e: {  	s7 =	smul.u32 @!p0 $0xF7A, s2;
	p2 =	seq.s32 @!p0 s5, $0x0  }
0x1f: {  	s9 =	smul.u32 $0xF7A, s1;
	s8 =	simm.s32 @!p0 $0x1BF5;
	p2 =	por !p2, p0  }
0x20: {  	[sflag:s8] =	ssyncset.s32 @!p0 $0xFFFFF086;
	s6 =	sadd.s32 @!p0 s3, s7;
	s7 =	simm.s32 @!p0 $0x108  }
0x21: {  	s3 =	sadd.s32 s3, s9;
	s6 =	sadd.s32 @!p0 $0x88, s6;
	s7 =	simm.s32 @p2 $0x1082  }
0x22: {  	[simem:s7], [sflag:s8] =	dma.local @!p0 [hbm:s6], $0xF7A  }
0x23: {  	s9 =	sor.u32 $0xD0000000, s2;
	s6 =	simm.s32 $0x108;
	_ =	swait.ge @!p0 [sflag:s8], $0x0  }
0x24: {  	s3 =	sadd.s32 $0x88, s3;
	s6 =	simm.s32 @!p1 $0x1082;
	[sflag:s4] =	ssyncset.s32 $0xFFFFF086  }
0x25: {  	[simem:s6], [sflag:s4] =	dma.local [hbm:s3], $0xF7A  }
0x26: {  	[smem:$0x3F9B] =	sst s1;
	(tag) =	ssettag s2;
	_ =	strace s9  }
0x27: {  	s1 =	sld [smem:$0x3FAB]  }
0x28: {  	s2 =	sld [smem:$0x3FAC]  }
0x29: {  	s4 =	sld [smem:$0x3FAE]  }
0x2a: {  	p0 =	seq.s32 s5, $0x0;
	s5 =	sld [smem:$0x3FAF]  }
0x2b: {  	s6 =	sld [smem:$0x3FB0]  }
0x2c: {  	s7 =	sld [smem:$0x3FB1]  }
0x2d: {  	s3 =	simm.s32 $0x108;
	s8 =	sld [smem:$0x3FB2]  }
0x2e: {  	s3 =	simm.s32 @!p0 $0x1082;
	s9 =	sld [smem:$0x3FB3]  }
0x2f: {  	lr =	sadd.s32 s0, s3;
	s0 =	sld [smem:$0x3FAA]  }
0x30: {  	s3 =	sld [smem:$0x3FAD]  }
0x31: {  	[smem:$0x3FB6] =	sst s10  }
0x32: {  	s10 =	sld [smem:$0x3FB4];
	_ =	sdelay $0x3  }
0x33: {  	p0 =	seq.s32 s10, $0x1;
	s10 =	sld [smem:$0x3FB6];
	_ =	sdelay $0x3  }
0x34: {  	[smem:$0x3FB6] =	sst s10  }
0x35: {  	s10 =	sld [smem:$0x3FB5];
	_ =	sdelay $0x3  }
0x36: {  	p1 =	seq.s32 s10, $0x1;
	s10 =	sld [smem:$0x3FB6];
	_ =	sdelay $0x3  }
0x37: {  	[smem:$0x3FB6] =	sst s10  }
0x38: {  	s10 =	sld [smem:$0x3FB7]  }
0x39: {  	_ = 	snop;
	(pc) =	sbr.ind lr, $3  }
0x3a: {  	_ = 	snop  }
0x3b: {  	_ = 	snop  }
0x3c: {  	p2 =	seq.s32 s10, $0x1;
	s10 =	sld [smem:$0x3FB6]  }
0x3d: {  	_ =	shalt  }
0x3e: {  	_ =	shalt  }
0x3f: {  	_ =	shalt  }
0x40: {  	_ =	shalt  }
0x41: {  	_ =	shalt  }
0x42: {  	_ =	shalt  }
0x43: {  	_ =	shalt  }
0x44: {  	_ =	shalt  }
0x45: {  	_ =	shalt  }
0x46: {  	_ =	shalt  }
0x47: {  	_ =	shalt  }
0x48: {  	_ =	shalt  }
0x49: {  	_ =	shalt  }
0x4a: {  	_ =	shalt  }
0x4b: {  	_ =	shalt  }
0x4c: {  	_ =	shalt  }
0x4d: {  	_ =	shalt  }
0x4e: {  	_ =	shalt  }
0x4f: {  	_ =	shalt  }
0x50: {  	_ =	shalt  }
0x51: {  	_ =	shalt  }
0x52: {  	_ =	shalt  }
0x53: {  	_ =	shalt  }
0x54: {  	_ =	shalt  }
0x55: {  	_ =	shalt  }
0x56: {  	_ =	shalt  }
0x57: {  	_ =	shalt  }
0x58: {  	_ =	shalt  }
0x59: {  	_ =	shalt  }
0x5a: {  	_ =	shalt  }
0x5b: {  	_ =	shalt  }
0x5c: {  	_ =	shalt  }
0x5d: {  	_ =	shalt  }
0x5e: {  	_ =	shalt  }
0x5f: {  	_ =	shalt  }
0x60: {  	_ =	shalt  }
0x61: {  	_ =	shalt  }
0x62: {  	_ =	shalt  }
0x63: {  	_ =	shalt  }
0x64: {  	_ =	shalt  }
0x65: {  	_ =	shalt  }
0x66: {  	_ =	shalt  }
0x67: {  	_ =	shalt  }
0x68: {  	_ =	shalt  }
0x69: {  	_ =	shalt  }
0x6a: {  	_ =	shalt  }
0x6b: {  	_ =	shalt  }
0x6c: {  	_ =	shalt  }
0x6d: {  	_ =	shalt  }
0x6e: {  	_ =	shalt  }
0x6f: {  	_ =	shalt  }
0x70: {  	_ =	shalt  }
0x71: {  	_ =	shalt  }
0x72: {  	_ =	shalt  }
0x73: {  	_ =	shalt  }
0x74: {  	_ =	shalt  }
0x75: {  	_ =	shalt  }
0x76: {  	_ =	shalt  }
0x77: {  	_ =	shalt  }
0x78: {  	_ =	shalt  }
0x79: {  	_ =	shalt  }
0x7a: {  	_ =	shalt  }
0x7b: {  	_ =	shalt  }
0x7c: {  	_ =	shalt  }
0x7d: {  	_ =	shalt  }
0x7e: {  	_ =	shalt  }
0x7f: {  	_ =	shalt  }
0x80: {  	_ =	shalt  }
0x81: {  	_ =	shalt  }
0x82: {  	_ =	shalt  }
0x83: {  	_ =	shalt  }
0x84: {  	_ =	shalt  }
0x85: {  	_ =	shalt  }
0x86: {  	_ =	shalt  }
0x87: {  	_ =	shalt  }
.Lfunc_end0:
.L_simem_size_0:
called_computation.2_lowered:
.L_overlay_start_0:
0x88: {  	s2 =	sld [smem:$0x3FD9]  }
0x89: {  	s3 =	sld [smem:$0x3FFE];
	_ =	sdelay $0x1  }
0x8a: {  	s1 =	srdreg.scid  }
0x8b: {  	s0 =	sand.u32 $0x1, s1  }
0x8c: {  	s17 =	sshll.u32 s0, $0xA;
	s2 =	sadd.s32 s3, s2  }
0x8d: {  	s2 =	sadd.s32 s2, s17  }
0x8e: {  	[smem:$0x3FC2] =	sst s2  }
0x8f: {  	_ = 	snop  }
0x90: {  	s2 =	sld [smem:$0x3FD0];
	(tm) =	ssettm $0x1  }
0x91: {  	s18 =	sld [smem:$0x3FFB];
	_ =	sdelay $0x3  }
0x92: {  	_ =	strace s18  }
0x93: {  	s3 =	sld [smem:$0x3FFC];
	_ =	sdelay $0x3  }
0x94: {  	_ =	strace s3  }
0x95: {  	s3 =	sld [smem:$0x3FFD];
	_ =	sdelay $0x3  }
0x96: {  	_ =	strace s3  }
0x97: {  	_ =	strace $0x8FFFFFFF  }
0x98: {  	s19 =	sld [smem:$0x3FDB];
	_ =	sdelay $0x1  }
0x99: {  	s4 =	simm.s32 $_scs_section_size  }
0x9a: {  	s5 =	simm.s32 $_size__tile_overlayer_lowered;
	s6 =	simm.s32 $_tile_overlayer_lowered  }
0x9b: {  	s22 =	simm.s32 $0x1BFF;
	s21 =	sshll.u32 s6, $0x1;
	s3 =	sadd.s32 s4, s19  }
0x9c: {  	s7 =	simm.s32 $0x0;
	s20 =	sshll.u32 s5, $0x1;
	s5 =	sadd.s32 s21, s3  }
0x9d: {  	[timem:s7], [sflag:s22] =	dma.local [hbm:s5], s20  }
0x9e: {  	_ =	swait.ge [sflag:s22], s20  }
0x9f: {  	s4 =	ssub.s32 $0x0, s20;
	[sflag:s22] =	ssyncset.done $0x0  }
0xa0: {  	[sflag:s22] =	ssyncadd.s32 s4;
	_ =	sdelay $0x1  }
0xa1: {  	s23 =	simm.s32 $0x1B8B  }
0xa2: {  	_ =	swait.ge [sflag:s23], $0x1  }
0xa3: {  	[sflag:s23] =	ssyncset.done $0x0  }
0xa4: {  	s25 =	simm.s32 $0x1B8E;
	s24 =	sld [smem:$0x3FFE];
	[sflag:s23] =	ssyncadd.s32 $0xFFFFFFFF  }
0xa5: {  	s26 =	simm.s32 $execute0_lowered;
	[smem:$0x3FD2] =	sst s25  }
0xa6: {  	s5 =	sshll.u32 s26, $0x1;
	_ =	strace $0x8000004C;
	[dreg:$0x1] =	wrdreg $0xFFFFFFFF  }
0xa7: {  	s28 =	simm.s32 $_size_execute0_lowered;
	s3 =	sadd.s32 s3, s5;
	[dreg:$0x0] =	wrdreg $0x0  }
0xa8: {  	s5 =	sshll.u32 s28, $0x1;
	[dreg:$0x2] =	wrdreg s3  }
0xa9: {  	[dreg:$0x3] =	wrdreg s5  }
0xaa: {  	[dreg:$0x4] =	wrdreg $0xC0  }
0xab: {  	_ =	task [dreg:s7], $0x5FFFF  }
0xac: {  	[dreg:$0x1] =	wrdreg $0xFFFFFFFF  }
0xad: {  	[dreg:$0x0] =	wrdreg $0x60  }
0xae: {  	[dreg:$0x2] =	wrdreg s24  }
0xaf: {  	[dreg:$0x3] =	wrdreg s2  }
0xb0: {  	[dreg:$0x4] =	wrdreg $0x0  }
0xb1: {  	[dreg:$0x5] =	wrdreg $0x9  }
0xb2: {  	_ =	task.clear_ibuf [dreg:s7], $0x6FFFF;
	_ =	strace $0x9000004C  }
0xb3: {  	s29 =	simm.s32 $0x9;
	_ =	strace $0x8000004E  }
0xb4: {  	_ =	swait.ge [sflag:s29], $0x1  }
0xb5: {  	[sflag:s29] =	ssyncadd.s32 $0xFFFFFFFF  }
0xb6: {  	_ =	strace $0x9000004E  }
0xb7: {  	_ =	sfence  }
0xb8: {  	s30 =	sld [smem:$0x0];
	_ =	sdelay $0x2  }
0xb9: {  	s31 =	sshll.u32 s1, $0xD;
	s1 =	sshrl.u32 s1, $0x2  }
0xba: {  	s3 =	sand.u32 $0x4000, s31;
	s1 =	sadd.s32 s1, s30  }
0xbb: {  	s0 =	sor.u32 s3, s0;
	s1 =	sshll.u32 s1, $0x11  }
0xbc: {  	s0 =	sor.u32 s1, s0  }
0xbd: {  	s0 =	sadd.s32 $0x8F2B, s0  }
0xbe: {  	[sflag:s0] =	ssyncadd.remote.s32 $0x1  }
0xbf: {  	_ =	sfence.sel $0xFFFF  }
0xc0: {  	[dreg:$0x0] =	wrdreg $0xFFFFFFFF;
	(pc) =	sbr.abs _section_cstart, $3  }
0xc1: {  	[dreg:$0x1] =	wrdreg $0xFFFFFFFF  }
0xc2: {  	_ =	task.clear_ibuf [dreg:s7], $0x2FFFF;
	_ =	strace $0x9FFFFFFF  }
0xc3: {  	(tm) =	ssettm $0x7FFFFFFF  }
tec
execute0_lowered:
.L_overlay_start_1:
0x0: {  	(tag) =	ssettag $0x1  }
0x1: {  	s10 =	stileid.u32  }
0x2: {  	s7 =	smul.u32 $0x3E800, s10  }
0x3: {  	s0 =	rddreg [dreg:$0x0]  }
0x4: {  	s1 =	srdreg.scid;
	s2 =	rddreg [dreg:$0x2];
	s7 =	sshrl.u32 s7, $0x2  }
0x5: {  	s8 =	rddreg [dreg:$0x1];
	s3 =	simm.s32 $0x0;
	s7 =	sadd.s32 s7, s2  }
0x6: {  	s28 =	simm.s32 $0x6;
	[smem:$0x7FF] =	sst s3;
	s13 =	sadd.s32 $0xA00, s7  }
0x7: {  	_ =	strace $0x8000004D;
	s14 =	sadd.s32 $0x1400, s7;
	[dreg:$0x4] =	wrdreg s13  }
0x8: {  	s29 =	simm.s32 $0x4;
	s15 =	sadd.s32 $0x1E00, s7;
	[dreg:$0x5] =	wrdreg s14  }
0x9: {  	s30 =	simm.s32 $0x7;
	s16 =	sadd.s32 $0x2800, s7;
	[dreg:$0x6] =	wrdreg s15  }
0xa: {  	s31 =	simm.s32 $0x8;
	s17 =	sadd.s32 $0x3200, s7;
	[dreg:$0x7] =	wrdreg s16  }
0xb: {  	s1 =	sand.u32 $0x1, s1;
	s19 =	sadd.s32 $0x3C00, s7;
	[dreg:$0x8] =	wrdreg s17  }
0xc: {  	s21 =	smul.u32 $0xFA00, s10;
	s20 =	sadd.s32 $0x4600, s7;
	[dreg:$0x9] =	wrdreg s19  }
0xd: {  	p0 =	sgt.u32 s10, $0x9;
	s11 =	sadd.s32 $0x5000, s7;
	[dreg:$0xa] =	wrdreg s20  }
0xe: {  	s4 =	sshll.u32 s1, $0x4;
	s23 =	sadd.s32 $0x5A00, s7;
	[dreg:$0xb] =	wrdreg s11  }
0xf: {  	s6 =	ssub.s32 $0x2, s1;
	s24 =	sadd.s32 $0x6400, s7;
	[dreg:$0xc] =	wrdreg s23  }
0x10: {  	s18 =	smul.u32 $0x9C400, s1;
	s25 =	sadd.s32 $0x6E00, s7;
	[dreg:$0xd] =	wrdreg s24  }
0x11: {  	s1 =	simm.s32 $0x3;
	s26 =	sadd.s32 $0x7800, s7;
	[dreg:$0xe] =	wrdreg s25  }
0x12: {  	s4 =	sor.u32 s10, s4;
	s12 =	sadd.s32 $0x8200, s7;
	[dreg:$0xf] =	wrdreg s26  }
0x13: {  	s9 =	sshrl.u32 s6, $0x1;
	[dreg:$0x10] =	wrdreg s12;
	s13 =	sadd.s32 $0x8C00, s7  }
0x14: {  	s5 =	smul.u32 $0x2710, s4;
	s14 =	sadd.s32 $0x9600, s7;
	[dreg:$0x11] =	wrdreg s13  }
0x15: {  	s4 =	sadd.s32 $0x15800, s0;
	s15 =	sadd.s32 $0xA000, s7;
	[dreg:$0x12] =	wrdreg s14  }
0x16: {  	s9 =	ssub.s32 s6, s9;
	s16 =	sadd.s32 $0xAA00, s7;
	[dreg:$0x13] =	wrdreg s15  }
0x17: {  	s5 =	sshrl.u32 s5, $0x3;
	s17 =	sadd.s32 $0xB400, s7;
	[dreg:$0x14] =	wrdreg s16  }
0x18: {  	s24 =	smax.u32 s9, $0x1;
	s19 =	sadd.s32 $0xC800, s7;
	[dreg:$0x15] =	wrdreg s17  }
0x19: {  	s20 =	sadd.s32 $0xD200, s7;
	s23 =	sadd.s32 $0xE600, s7;
	[dreg:$0x17] =	wrdreg s19  }
0x1a: {  	s26 =	sadd.s32 $0xF000, s7;
	s11 =	simm.s32 $0x9C40;
	[dreg:$0x18] =	wrdreg s20  }
0x1b: {  	s12 =	simm.s32 $0xC350;
	s9 =	simm.s32 $0xEA50;
	[dreg:$0x1a] =	wrdreg s23  }
0x1c: {  	s0 =	sadd.s32 s5, s0;
	[dreg:$0x1b] =	wrdreg s26;
	s13 =	simm.s32 $0xEA60  }
0x1d: {  	s14 =	simm.s32 $0x2;
	s15 =	simm.s32 $0x1;
	s16 =	simm.s32 $0x80  }
0x1e: {  	s20 =	simm.s32 $0x12A60;
	s23 =	simm.s32 $0x14A60;
	s17 =	simm.s32 $0x5  }
0x1f: {  	s5 =	sadd.s32 $0x1E00, s0;
	s6 =	sadd.s32 $0xBA40, s0;
	s0 =	sadd.s32 s21, s18  }
0x20: {  	s19 =	simm.s32 $0x10;
	s18 =	sadd.s32 $0xBE00, s7;
	s0 =	sshrl.u32 s0, $0x3  }
0x21: {  	[dreg:$0x16] =	wrdreg s18;
	s22 =	sadd.s32 s8, s0;
	s0 =	sadd.s32 s21, s2  }
0x22: {  	s18 =	simm.s32 $0x10A60;
	s21 =	sadd.s32 $0xDC00, s7;
	s25 =	sshrl.u32 @!p0 s0, $0x3  }
0x23: {  	v0 =	vimm.f32 $0.0e+00;
	[dreg:$0x19] =	wrdreg s21;
	s0 =	simm.s32 $0x9;
	s21 =	simm.s32 $0x0  }
.LBB2_1:
0x24: {  	[tilespmem:s11], [sflag:$0x1] =	stream.linear.gather [hbm4b:s5+s3], $0x2710, $0x38;
	[tilespmem:$0x16A60] =	vst v63  }
0x25: {  	s26 =	simm.s32 $0x100;
	s10 =	simm.s32 $0x0  }
0x26: {  	[tilespmem:s12], [sflag:$0x1] =	stream.linear.gather [hbm4b:s6+s3], $0x2710, $0x38;
	[tilespmem:$0x16A60] =	vst v63  }
.LBB2_2:
0x27: {  	p1 =	sne.s32 s26, $0x2700;
	[tilespmem:s10+$0xEA90] =	vst v0;
	s8 =	smov.u32 s26;
	s26 =	sadd.s32 $0x100, s26  }
.Ltmp0:
0x28: {  	[tilespmem:s10+$0xEA80] =	vst v0;
	(pc) =	sbr.rel @p1 .LBB2_2-.Ltmp0, $3  }
0x29: {  	[tilespmem:s10+$0xEA60] =	vst v0  }
0x2a: {  	[tilespmem:s10+$0xEA70] =	vst v0;
	_ =	sdelay $0x1  }
0x2b: {  	s10 =	sshra.s32 s8, $0x2  }
.Ltmp1:
0x2c: {  	(pc) =	sbr.rel @p0 .LBB2_5-.Ltmp1, $4  }
0x2d: {  	[tilespmem:s10+$0xEA90] =	vst v0  }
0x2e: {  	[tilespmem:s10+$0xEA80] =	vst v0  }
0x2f: {  	[tilespmem:s10+$0xEA60] =	vst v0  }
0x30: {  	[tilespmem:s10+$0xEA70] =	vst v0  }
0x31: {  	[spmem:s7] =	stream.linear.scatter [tilespmem:s13], [sflag:$0x2], $0xA00, $0x38;
	[tilespmem:$0x16A60] =	vst v63  }
0x32: {  	s8 =	rddreg [dreg:$0x4]  }
0x33: {  	[spmem:s8] =	stream.linear.scatter [tilespmem:s13], [sflag:$0x2], $0xA00, $0x38;
	[tilespmem:$0x16A60] =	vst v63  }
0x34: {  	s26 =	rddreg [dreg:$0x5]  }
0x35: {  	[spmem:s26] =	stream.linear.scatter [tilespmem:s13], [sflag:$0x2], $0xA00, $0x38;
	[tilespmem:$0x16A60] =	vst v63  }
0x36: {  	s10 =	rddreg [dreg:$0x6]  }
0x37: {  	[spmem:s10] =	stream.linear.scatter [tilespmem:s13], [sflag:$0x2], $0xA00, $0x38;
	[tilespmem:$0x16A60] =	vst v63  }
0x38: {  	s26 =	rddreg [dreg:$0x7]  }
0x39: {  	[spmem:s26] =	stream.linear.scatter [tilespmem:s13], [sflag:$0x2], $0xA00, $0x38;
	[tilespmem:$0x16A60] =	vst v63  }
0x3a: {  	_ =	swait.ge [sflag:s14], $0xA00  }
0x3b: {  	[sflag:s14] =	ssyncset.done $0x0  }
0x3c: {  	[sflag:s14] =	ssyncadd.s32 $0xFFFFF600  }
0x3d: {  	_ =	swait.ge [sflag:s14], $0xA00  }
0x3e: {  	[sflag:s14] =	ssyncset.done $0x0  }
0x3f: {  	[sflag:s14] =	ssyncadd.s32 $0xFFFFF600  }
0x40: {  	_ =	swait.ge [sflag:s14], $0xA00  }
0x41: {  	[sflag:s14] =	ssyncset.done $0x0  }
0x42: {  	[sflag:s14] =	ssyncadd.s32 $0xFFFFF600  }
0x43: {  	_ =	swait.ge [sflag:s14], $0xA00  }
0x44: {  	[sflag:s14] =	ssyncset.done $0x0  }
0x45: {  	[sflag:s14] =	ssyncadd.s32 $0xFFFFF600  }
0x46: {  	_ =	swait.ge [sflag:s14], $0xA00  }
0x47: {  	[sflag:s14] =	ssyncset.done $0x0  }
0x48: {  	s10 =	rddreg [dreg:$0x8];
	[sflag:s14] =	ssyncadd.s32 $0xFFFFF600  }
0x49: {  	[spmem:s10] =	stream.linear.scatter [tilespmem:s13], [sflag:$0x2], $0xA00, $0x38;
	[tilespmem:$0x16A60] =	vst v63  }
0x4a: {  	s26 =	rddreg [dreg:$0x9]  }
0x4b: {  	[spmem:s26] =	stream.linear.scatter [tilespmem:s13], [sflag:$0x2], $0xA00, $0x38;
	[tilespmem:$0x16A60] =	vst v63  }
0x4c: {  	s10 =	rddreg [dreg:$0xa]  }
0x4d: {  	[spmem:s10] =	stream.linear.scatter [tilespmem:s13], [sflag:$0x2], $0xA00, $0x38;
	[tilespmem:$0x16A60] =	vst v63  }
0x4e: {  	s26 =	rddreg [dreg:$0xb]  }
0x4f: {  	[spmem:s26] =	stream.linear.scatter [tilespmem:s13], [sflag:$0x2], $0xA00, $0x38;
	[tilespmem:$0x16A60] =	vst v63  }
0x50: {  	s10 =	rddreg [dreg:$0xc]  }
0x51: {  	[spmem:s10] =	stream.linear.scatter [tilespmem:s13], [sflag:$0x2], $0xA00, $0x38;
	[tilespmem:$0x16A60] =	vst v63  }
0x52: {  	_ =	swait.ge [sflag:s14], $0xA00  }
0x53: {  	[sflag:s14] =	ssyncset.done $0x0  }
0x54: {  	[sflag:s14] =	ssyncadd.s32 $0xFFFFF600  }
0x55: {  	_ =	swait.ge [sflag:s14], $0xA00  }
0x56: {  	[sflag:s14] =	ssyncset.done $0x0  }
0x57: {  	[sflag:s14] =	ssyncadd.s32 $0xFFFFF600  }
0x58: {  	_ =	swait.ge [sflag:s14], $0xA00  }
0x59: {  	[sflag:s14] =	ssyncset.done $0x0  }
0x5a: {  	[sflag:s14] =	ssyncadd.s32 $0xFFFFF600  }
0x5b: {  	_ =	swait.ge [sflag:s14], $0xA00  }
0x5c: {  	[sflag:s14] =	ssyncset.done $0x0  }
0x5d: {  	[sflag:s14] =	ssyncadd.s32 $0xFFFFF600  }
0x5e: {  	_ =	swait.ge [sflag:s14], $0xA00  }
0x5f: {  	[sflag:s14] =	ssyncset.done $0x0  }
0x60: {  	s26 =	rddreg [dreg:$0xd];
	[sflag:s14] =	ssyncadd.s32 $0xFFFFF600  }
0x61: {  	[spmem:s26] =	stream.linear.scatter [tilespmem:s13], [sflag:$0x2], $0xA00, $0x38;
	[tilespmem:$0x16A60] =	vst v63  }
0x62: {  	s10 =	rddreg [dreg:$0xe]  }
0x63: {  	[spmem:s10] =	stream.linear.scatter [tilespmem:s13], [sflag:$0x2], $0xA00, $0x38;
	[tilespmem:$0x16A60] =	vst v63  }
0x64: {  	s26 =	rddreg [dreg:$0xf]  }
0x65: {  	[spmem:s26] =	stream.linear.scatter [tilespmem:s13], [sflag:$0x2], $0xA00, $0x38;
	[tilespmem:$0x16A60] =	vst v63  }
0x66: {  	s10 =	rddreg [dreg:$0x10]  }
0x67: {  	[spmem:s10] =	stream.linear.scatter [tilespmem:s13], [sflag:$0x2], $0xA00, $0x38;
	[tilespmem:$0x16A60] =	vst v63  }
0x68: {  	s26 =	rddreg [dreg:$0x11]  }
0x69: {  	[spmem:s26] =	stream.linear.scatter [tilespmem:s13], [sflag:$0x2], $0xA00, $0x38;
	[tilespmem:$0x16A60] =	vst v63  }
0x6a: {  	_ =	swait.ge [sflag:s14], $0xA00  }
0x6b: {  	[sflag:s14] =	ssyncset.done $0x0  }
0x6c: {  	[sflag:s14] =	ssyncadd.s32 $0xFFFFF600  }
0x6d: {  	_ =	swait.ge [sflag:s14], $0xA00  }
0x6e: {  	[sflag:s14] =	ssyncset.done $0x0  }
0x6f: {  	[sflag:s14] =	ssyncadd.s32 $0xFFFFF600  }
0x70: {  	_ =	swait.ge [sflag:s14], $0xA00  }
0x71: {  	[sflag:s14] =	ssyncset.done $0x0  }
0x72: {  	[sflag:s14] =	ssyncadd.s32 $0xFFFFF600  }
0x73: {  	_ =	swait.ge [sflag:s14], $0xA00  }
0x74: {  	[sflag:s14] =	ssyncset.done $0x0  }
0x75: {  	[sflag:s14] =	ssyncadd.s32 $0xFFFFF600  }
0x76: {  	_ =	swait.ge [sflag:s14], $0xA00  }
0x77: {  	[sflag:s14] =	ssyncset.done $0x0  }
0x78: {  	s10 =	rddreg [dreg:$0x12];
	[sflag:s14] =	ssyncadd.s32 $0xFFFFF600  }
0x79: {  	[spmem:s10] =	stream.linear.scatter [tilespmem:s13], [sflag:$0x2], $0xA00, $0x38;
	[tilespmem:$0x16A60] =	vst v63  }
0x7a: {  	s26 =	rddreg [dreg:$0x13]  }
0x7b: {  	[spmem:s26] =	stream.linear.scatter [tilespmem:s13], [sflag:$0x2], $0xA00, $0x38;
	[tilespmem:$0x16A60] =	vst v63  }
0x7c: {  	s10 =	rddreg [dreg:$0x14]  }
0x7d: {  	[spmem:s10] =	stream.linear.scatter [tilespmem:s13], [sflag:$0x2], $0xA00, $0x38;
	[tilespmem:$0x16A60] =	vst v63  }
0x7e: {  	s26 =	rddreg [dreg:$0x15]  }
0x7f: {  	[spmem:s26] =	stream.linear.scatter [tilespmem:s13], [sflag:$0x2], $0xA00, $0x38;
	[tilespmem:$0x16A60] =	vst v63  }
0x80: {  	s10 =	rddreg [dreg:$0x16]  }
0x81: {  	[spmem:s10] =	stream.linear.scatter [tilespmem:s13], [sflag:$0x2], $0xA00, $0x38;
	[tilespmem:$0x16A60] =	vst v63  }
0x82: {  	_ =	swait.ge [sflag:s14], $0xA00  }
0x83: {  	[sflag:s14] =	ssyncset.done $0x0  }
0x84: {  	[sflag:s14] =	ssyncadd.s32 $0xFFFFF600  }
0x85: {  	_ =	swait.ge [sflag:s14], $0xA00  }
0x86: {  	[sflag:s14] =	ssyncset.done $0x0  }
0x87: {  	[sflag:s14] =	ssyncadd.s32 $0xFFFFF600  }
0x88: {  	_ =	swait.ge [sflag:s14], $0xA00  }
0x89: {  	[sflag:s14] =	ssyncset.done $0x0  }
0x8a: {  	[sflag:s14] =	ssyncadd.s32 $0xFFFFF600  }
0x8b: {  	_ =	swait.ge [sflag:s14], $0xA00  }
0x8c: {  	[sflag:s14] =	ssyncset.done $0x0  }
0x8d: {  	[sflag:s14] =	ssyncadd.s32 $0xFFFFF600  }
0x8e: {  	_ =	swait.ge [sflag:s14], $0xA00  }
0x8f: {  	[sflag:s14] =	ssyncset.done $0x0  }
0x90: {  	s26 =	rddreg [dreg:$0x17];
	[sflag:s14] =	ssyncadd.s32 $0xFFFFF600  }
0x91: {  	[spmem:s26] =	stream.linear.scatter [tilespmem:s13], [sflag:$0x2], $0xA00, $0x38;
	[tilespmem:$0x16A60] =	vst v63  }
0x92: {  	s10 =	rddreg [dreg:$0x18]  }
0x93: {  	[spmem:s10] =	stream.linear.scatter [tilespmem:s13], [sflag:$0x2], $0xA00, $0x38;
	[tilespmem:$0x16A60] =	vst v63  }
0x94: {  	s26 =	rddreg [dreg:$0x19]  }
0x95: {  	[spmem:s26] =	stream.linear.scatter [tilespmem:s13], [sflag:$0x2], $0xA00, $0x38;
	[tilespmem:$0x16A60] =	vst v63  }
0x96: {  	s10 =	rddreg [dreg:$0x1a]  }
0x97: {  	[spmem:s10] =	stream.linear.scatter [tilespmem:s13], [sflag:$0x2], $0xA00, $0x38;
	[tilespmem:$0x16A60] =	vst v63  }
0x98: {  	s26 =	rddreg [dreg:$0x1b]  }
0x99: {  	[spmem:s26] =	stream.linear.scatter [tilespmem:s13], [sflag:$0x2], $0xA00, $0x38;
	[tilespmem:$0x16A60] =	vst v63  }
0x9a: {  	_ =	swait.ge [sflag:s14], $0xA00  }
0x9b: {  	[sflag:s14] =	ssyncset.done $0x0  }
0x9c: {  	[sflag:s14] =	ssyncadd.s32 $0xFFFFF600  }
0x9d: {  	_ =	swait.ge [sflag:s14], $0xA00  }
0x9e: {  	[sflag:s14] =	ssyncset.done $0x0  }
0x9f: {  	[sflag:s14] =	ssyncadd.s32 $0xFFFFF600  }
0xa0: {  	_ =	swait.ge [sflag:s14], $0xA00  }
0xa1: {  	[sflag:s14] =	ssyncset.done $0x0  }
0xa2: {  	[sflag:s14] =	ssyncadd.s32 $0xFFFFF600  }
0xa3: {  	_ =	swait.ge [sflag:s14], $0xA00  }
0xa4: {  	[sflag:s14] =	ssyncset.done $0x0  }
0xa5: {  	[sflag:s14] =	ssyncadd.s32 $0xFFFFF600  }
0xa6: {  	_ =	swait.ge [sflag:s14], $0xA00  }
0xa7: {  	[sflag:s14] =	ssyncset.done $0x0  }
0xa8: {  	[sflag:s14] =	ssyncadd.s32 $0xFFFFF600  }
.LBB2_5:
0xa9: {  	[bflag:$0x0] =	sbarrier.arrive $0xFFFF  }
0xaa: {  	_ =	swait.ge [sflag:s15], $0x2710  }
0xab: {  	[sflag:s15] =	ssyncset.done $0x0  }
0xac: {  	[sflag:s15] =	ssyncadd.s32 $0xFFFFD8F0  }
0xad: {  	_ =	swait.ge [sflag:s15], $0x2710  }
0xae: {  	[sflag:s15] =	ssyncset.done $0x0  }
0xaf: {  	[sflag:s15] =	ssyncadd.s32 $0xFFFFD8F0  }
0xb0: {  	[tilespmem:s13], [sflag:$0x2] =	stream.indirect.gather [hbm4b:s4+s16], $0x40, s11, s16, $0xb8;
	[tilespmem:$0x16A60] =	vst v63  }
0xb1: {  	s8 =	simm.s32 $0x9CC0  }
0xb2: {  	[tilespmem:s18], [sflag:$0x3] =	stream.indirect.gather [hbm4b:s4+s16], $0x40, s8, s16, $0xb8;
	[tilespmem:$0x16A60] =	vst v63  }
0xb3: {  	s10 =	simm.s32 $0x9D40  }
0xb4: {  	[tilespmem:s20], [sflag:$0x4] =	stream.indirect.gather [hbm4b:s4+s16], $0x40, s10, s16, $0xb8;
	[tilespmem:$0x16A60] =	vst v63  }
0xb5: {  	_ =	swait.ge [sflag:s14], $0x2000  }
0xb6: {  	[sflag:s14] =	ssyncset.done $0x0  }
0xb7: {  	[sflag:s14] =	ssyncadd.s32 $0xFFFFE000  }
0xb8: {  	[spmem:s2] =	stream.indirect.scatter.add.f32 [tilespmem:s13], [sflag:$0x6], $0x40, s12, s16, $0xb8;
	[tilespmem:$0x16A60] =	vst v63  }
0xb9: {  	s26 =	simm.s32 $0x9DC0  }
0xba: {  	[tilespmem:s23], [sflag:$0x5] =	stream.indirect.gather [hbm4b:s4+s16], $0x40, s26, s16, $0xb8;
	[tilespmem:$0x16A60] =	vst v63  }
0xbb: {  	_ =	swait.ge [sflag:s1], $0x2000  }
0xbc: {  	[sflag:s1] =	ssyncset.done $0x0  }
0xbd: {  	s10 =	simm.s32 $0xC3D0;
	[sflag:s1] =	ssyncadd.s32 $0xFFFFE000  }
0xbe: {  	[spmem:s2] =	stream.indirect.scatter.add.f32 [tilespmem:s18], [sflag:$0x7], $0x40, s10, s16, $0xb8;
	[tilespmem:$0x16A60] =	vst v63  }
0xbf: {  	_ =	swait.ge [sflag:s28], $0x2000  }
0xc0: {  	[sflag:s28] =	ssyncset.done $0x0  }
0xc1: {  	s26 =	simm.s32 $0x9E40;
	[sflag:s28] =	ssyncadd.s32 $0xFFFFE000  }
0xc2: {  	[tilespmem:s13], [sflag:$0x2] =	stream.indirect.gather [hbm4b:s4+s16], $0x40, s26, s16, $0xb8;
	[tilespmem:$0x16A60] =	vst v63  }
0xc3: {  	_ =	swait.ge [sflag:s29], $0x2000  }
0xc4: {  	[sflag:s29] =	ssyncset.done $0x0  }
0xc5: {  	s10 =	simm.s32 $0xC450;
	[sflag:s29] =	ssyncadd.s32 $0xFFFFE000  }
0xc6: {  	[spmem:s2] =	stream.indirect.scatter.add.f32 [tilespmem:s20], [sflag:$0x8], $0x40, s10, s16, $0xb8;
	[tilespmem:$0x16A60] =	vst v63  }
0xc7: {  	_ =	swait.ge [sflag:s30], $0x2000  }
0xc8: {  	[sflag:s30] =	ssyncset.done $0x0  }
0xc9: {  	s26 =	simm.s32 $0x9EC0;
	[sflag:s30] =	ssyncadd.s32 $0xFFFFE000  }
0xca: {  	[tilespmem:s18], [sflag:$0x3] =	stream.indirect.gather [hbm4b:s4+s16], $0x40, s26, s16, $0xb8;
	[tilespmem:$0x16A60] =	vst v63  }
0xcb: {  	_ =	swait.ge [sflag:s17], $0x2000  }
0xcc: {  	[sflag:s17] =	ssyncset.done $0x0  }
0xcd: {  	s10 =	simm.s32 $0xC4D0;
	[sflag:s17] =	ssyncadd.s32 $0xFFFFE000  }
0xce: {  	[spmem:s2] =	stream.indirect.scatter.add.f32 [tilespmem:s23], [sflag:$0x9], $0x40, s10, s16, $0xb8;
	[tilespmem:$0x16A60] =	vst v63  }
0xcf: {  	_ =	swait.ge [sflag:s31], $0x2000  }
0xd0: {  	[sflag:s31] =	ssyncset.done $0x0  }
0xd1: {  	s26 =	simm.s32 $0x9F40;
	[sflag:s31] =	ssyncadd.s32 $0xFFFFE000  }
0xd2: {  	[tilespmem:s20], [sflag:$0x4] =	stream.indirect.gather [hbm4b:s4+s16], $0x40, s26, s16, $0xb8;
	[tilespmem:$0x16A60] =	vst v63  }
0xd3: {  	_ =	swait.ge [sflag:s14], $0x2000  }
0xd4: {  	[sflag:s14] =	ssyncset.done $0x0  }
0xd5: {  	s10 =	simm.s32 $0xC550;
	[sflag:s14] =	ssyncadd.s32 $0xFFFFE000  }
0xd6: {  	[spmem:s2] =	stream.indirect.scatter.add.f32 [tilespmem:s13], [sflag:$0x6], $0x40, s10, s16, $0xb8;
	[tilespmem:$0x16A60] =	vst v63  }
0xd7: {  	_ =	swait.ge [sflag:s0], $0x2000  }
0xd8: {  	[sflag:s0] =	ssyncset.done $0x0  }
0xd9: {  	s26 =	simm.s32 $0x9FC0;
	[sflag:s0] =	ssyncadd.s32 $0xFFFFE000  }
0xda: {  	[tilespmem:s23], [sflag:$0x5] =	stream.indirect.gather [hbm4b:s4+s16], $0x40, s26, s16, $0xb8;
	[tilespmem:$0x16A60] =	vst v63  }
0xdb: {  	_ =	swait.ge [sflag:s1], $0x2000  }
0xdc: {  	[sflag:s1] =	ssyncset.done $0x0  }
0xdd: {  	s10 =	simm.s32 $0x800;
	s26 =	simm.s32 $0xC5D0;
	[sflag:s1] =	ssyncadd.s32 $0xFFFFE000  }
.LBB2_6:
0xde: {  	[spmem:s2] =	stream.indirect.scatter.add.f32 [tilespmem:s18], [sflag:$0x7], $0x40, s26, s16, $0xb8;
	[tilespmem:$0x16A60] =	vst v63  }
0xdf: {  	s8 =	smov.u32 s10  }
0xe0: {  	p1 =	sne.s32 s10, $0x8800;
	s10 =	sadd.s32 $0x800, s10;
	_ =	swait.ge [sflag:s28], $0x2000  }
0xe1: {  	s26 =	sshra.s32 s8, $0x2;
	[sflag:s28] =	ssyncset.done $0x0  }
0xe2: {  	s8 =	sadd.s32 $0x9E40, s26;
	[sflag:s28] =	ssyncadd.s32 $0xFFFFE000  }
0xe3: {  	[tilespmem:s13], [sflag:$0x2] =	stream.indirect.gather [hbm4b:s4+s16], $0x40, s8, s16, $0xb8;
	[tilespmem:$0x16A60] =	vst v63  }
0xe4: {  	_ =	swait.ge [sflag:s29], $0x2000  }
0xe5: {  	[sflag:s29] =	ssyncset.done $0x0  }
0xe6: {  	s8 =	sadd.s32 $0xC450, s26;
	[sflag:s29] =	ssyncadd.s32 $0xFFFFE000  }
0xe7: {  	[spmem:s2] =	stream.indirect.scatter.add.f32 [tilespmem:s20], [sflag:$0x8], $0x40, s8, s16, $0xb8;
	[tilespmem:$0x16A60] =	vst v63  }
0xe8: {  	_ =	swait.ge [sflag:s30], $0x2000  }
0xe9: {  	[sflag:s30] =	ssyncset.done $0x0  }
0xea: {  	s8 =	sadd.s32 $0x9EC0, s26;
	[sflag:s30] =	ssyncadd.s32 $0xFFFFE000  }
0xeb: {  	[tilespmem:s18], [sflag:$0x3] =	stream.indirect.gather [hbm4b:s4+s16], $0x40, s8, s16, $0xb8;
	[tilespmem:$0x16A60] =	vst v63  }
0xec: {  	_ =	swait.ge [sflag:s17], $0x2000  }
0xed: {  	[sflag:s17] =	ssyncset.done $0x0  }
0xee: {  	s8 =	sadd.s32 $0xC4D0, s26;
	[sflag:s17] =	ssyncadd.s32 $0xFFFFE000  }
0xef: {  	[spmem:s2] =	stream.indirect.scatter.add.f32 [tilespmem:s23], [sflag:$0x9], $0x40, s8, s16, $0xb8;
	[tilespmem:$0x16A60] =	vst v63  }
0xf0: {  	_ =	swait.ge [sflag:s31], $0x2000  }
0xf1: {  	[sflag:s31] =	ssyncset.done $0x0  }
0xf2: {  	s8 =	sadd.s32 $0x9F40, s26;
	[sflag:s31] =	ssyncadd.s32 $0xFFFFE000  }
0xf3: {  	[tilespmem:s20], [sflag:$0x4] =	stream.indirect.gather [hbm4b:s4+s16], $0x40, s8, s16, $0xb8;
	[tilespmem:$0x16A60] =	vst v63  }
0xf4: {  	_ =	swait.ge [sflag:s14], $0x2000  }
0xf5: {  	[sflag:s14] =	ssyncset.done $0x0  }
0xf6: {  	s8 =	sadd.s32 $0xC550, s26;
	[sflag:s14] =	ssyncadd.s32 $0xFFFFE000  }
0xf7: {  	[spmem:s2] =	stream.indirect.scatter.add.f32 [tilespmem:s13], [sflag:$0x6], $0x40, s8, s16, $0xb8;
	[tilespmem:$0x16A60] =	vst v63  }
0xf8: {  	_ =	swait.ge [sflag:s0], $0x2000  }
0xf9: {  	[sflag:s0] =	ssyncset.done $0x0  }
.Ltmp2:
0xfa: {  	s8 =	sadd.s32 $0x9FC0, s26;
	[sflag:s0] =	ssyncadd.s32 $0xFFFFE000;
	(pc) =	sbr.rel @p1 .LBB2_6-.Ltmp2, $4  }
0xfb: {  	[tilespmem:s23], [sflag:$0x5] =	stream.indirect.gather [hbm4b:s4+s16], $0x40, s8, s16, $0xb8;
	[tilespmem:$0x16A60] =	vst v63  }
0xfc: {  	_ =	swait.ge [sflag:s1], $0x2000  }
0xfd: {  	[sflag:s1] =	ssyncset.done $0x0  }
0xfe: {  	s26 =	sadd.s32 $0xC5D0, s26;
	[sflag:s1] =	ssyncadd.s32 $0xFFFFE000  }
0xff: {  	[spmem:s2] =	stream.indirect.scatter.add.f32 [tilespmem:s18], [sflag:$0x7], $0x40, s26, s16, $0xb8;
	[tilespmem:$0x16A60] =	vst v63  }
0x100: {  	_ =	swait.ge [sflag:s28], $0x2000  }
0x101: {  	[sflag:s28] =	ssyncset.done $0x0  }
0x102: {  	s8 =	simm.s32 $0xC240;
	[sflag:s28] =	ssyncadd.s32 $0xFFFFE000  }
0x103: {  	[tilespmem:s13], [sflag:$0x2] =	stream.indirect.gather [hbm4b:s4+s16], $0x40, s8, s16, $0xb8;
	[tilespmem:$0x16A60] =	vst v63  }
0x104: {  	_ =	swait.ge [sflag:s29], $0x2000  }
0x105: {  	[sflag:s29] =	ssyncset.done $0x0  }
0x106: {  	s10 =	simm.s32 $0xE850;
	[sflag:s29] =	ssyncadd.s32 $0xFFFFE000  }
0x107: {  	[spmem:s2] =	stream.indirect.scatter.add.f32 [tilespmem:s20], [sflag:$0x8], $0x40, s10, s16, $0xb8;
	[tilespmem:$0x16A60] =	vst v63  }
0x108: {  	_ =	swait.ge [sflag:s30], $0x2000  }
0x109: {  	[sflag:s30] =	ssyncset.done $0x0  }
0x10a: {  	s26 =	simm.s32 $0xC2C0;
	[sflag:s30] =	ssyncadd.s32 $0xFFFFE000  }
0x10b: {  	[tilespmem:s18], [sflag:$0x3] =	stream.indirect.gather [hbm4b:s4+s16], $0x40, s26, s16, $0xb8;
	[tilespmem:$0x16A60] =	vst v63  }
0x10c: {  	_ =	swait.ge [sflag:s17], $0x2000  }
0x10d: {  	[sflag:s17] =	ssyncset.done $0x0  }
0x10e: {  	s10 =	simm.s32 $0xE8D0;
	[sflag:s17] =	ssyncadd.s32 $0xFFFFE000  }
0x10f: {  	[spmem:s2] =	stream.indirect.scatter.add.f32 [tilespmem:s23], [sflag:$0x9], $0x40, s10, s16, $0xb8;
	[tilespmem:$0x16A60] =	vst v63  }
0x110: {  	_ =	swait.ge [sflag:s14], $0x2000  }
0x111: {  	[sflag:s14] =	ssyncset.done $0x0  }
0x112: {  	s26 =	simm.s32 $0xE950;
	[sflag:s14] =	ssyncadd.s32 $0xFFFFE000  }
0x113: {  	[spmem:s2] =	stream.indirect.scatter.add.f32 [tilespmem:s13], [sflag:$0x6], $0x40, s26, s16, $0xb8;
	[tilespmem:$0x16A60] =	vst v63  }
0x114: {  	_ =	swait.ge [sflag:s1], $0x2000  }
0x115: {  	[sflag:s1] =	ssyncset.done $0x0  }
0x116: {  	s10 =	simm.s32 $0xE9D0;
	[sflag:s1] =	ssyncadd.s32 $0xFFFFE000  }
0x117: {  	[spmem:s2] =	stream.indirect.scatter.add.f32 [tilespmem:s18], [sflag:$0x7], $0x40, s10, s16, $0xb8;
	[tilespmem:$0x16A60] =	vst v63  }
0x118: {  	_ =	swait.ge [sflag:s31], $0x2000  }
0x119: {  	[sflag:s31] =	ssyncset.done $0x0  }
0x11a: {  	[sflag:s31] =	ssyncadd.s32 $0xFFFFE000  }
0x11b: {  	_ =	swait.ge [sflag:s0], $0x2000  }
0x11c: {  	[sflag:s0] =	ssyncset.done $0x0  }
0x11d: {  	[sflag:s0] =	ssyncadd.s32 $0xFFFFE000  }
0x11e: {  	_ =	swait.ge [sflag:s28], $0x2000  }
0x11f: {  	[sflag:s28] =	ssyncset.done $0x0  }
0x120: {  	[sflag:s28] =	ssyncadd.s32 $0xFFFFE000  }
0x121: {  	_ =	swait.ge [sflag:s30], $0x2000  }
0x122: {  	[sflag:s30] =	ssyncset.done $0x0  }
0x123: {  	s26 =	simm.s32 $0xC340;
	[sflag:s30] =	ssyncadd.s32 $0xFFFFE000  }
0x124: {  	[tilespmem:s20], [sflag:$0x4] =	stream.indirect.gather [hbm4b:s4+s19], $0x40, s26, s19, $0xb8;
	[tilespmem:$0x16A60] =	vst v63  }
0x125: {  	_ =	swait.ge [sflag:s29], $0x400  }
0x126: {  	[sflag:s29] =	ssyncset.done $0x0  }
0x127: {  	[sflag:s29] =	ssyncadd.s32 $0xFFFFFC00  }
0x128: {  	[spmem:s2] =	stream.indirect.scatter.add.f32 [tilespmem:s20], [sflag:$0x8], $0x40, s9, s19, $0xb8;
	[tilespmem:$0x16A60] =	vst v63  }
0x129: {  	_ =	swait.ge [sflag:s31], $0x400  }
0x12a: {  	s8 =	stileid.u32;
	[sflag:s31] =	ssyncset.done $0x0  }
0x12b: {  	s21 =	sadd.s32 $0x1, s21;
	s8 =	sshll.u32 @!p0 s8, $0x6;
	[sflag:s31] =	ssyncadd.s32 $0xFFFFFC00  }
0x12c: {  	p1 =	sne.s32 s21, s24;
	s8 =	sor.u32 @!p0 $0x1C0A, s8;
	[bflag:$0x0] =	sbarrier.arrive $0xFFFF  }
0x12d: {  	[hbm:s22], [sflag:s8] =	dma.local @!p0 [spmem:s25], $0x1F40  }
.Ltmp3:
0x12e: {  	_ = 	snop;
	(pc) =	sbr.rel @p1 .LBB2_1-.Ltmp3, $4  }
0x12f: {  	s8 =	simm.s32 @!p0 $0xA  }
0x130: {  	_ =	swait.ge @!p0 [sflag:s8], $0x1F40  }
0x131: {  	[sflag:s8] =	ssyncset.done @!p0 $0x0  }
0x132: {  	[sflag:s8] =	ssyncadd.s32 @!p0 $0xFFFFE0C0  }
0x133: {  	_ =	sfence.sel $0x180000  }
0x134: {  	[bflag:$0x0] =	sbarrier.arrive $0xFFFF  }
0x135: {  	_ =	strace $0x9000004D  }
0x136: {  	s0 =	stileid.u32;
	[bflag:$0x2] =	sbarrier.arrive $0xFFFF  }
0x137: {  	p0 =	sne.s32 s0, $0x0;
	s0 =	rddreg [dreg:$0x3]  }
0x138: {  	s0 =	sadd.s32 @!p0 $0x100000, s0  }
0x139: {  	[sflag:s0] =	ssyncadd.tile.s32 @!p0 $0x1;
	_ =	shalt  }
.Lfunc_end2:
_tile_overlayer_lowered:
.L_overlay_start_2:
0x13a: {  	(tag) =	ssettag $0x2  }
0x13b: {  	s0 =	rddreg [dreg:$0x0];
	s2 =	stileid.u32  }
0x13c: {  	s1 =	rddreg [dreg:$0x1];
	p0 =	sne.s32 s2, $0x0  }
0x13d: {  	s3 =	rddreg [dreg:$0x2];
	[bflag:$0x3] =	sbarrier.arrive $0xFFFF;
	s2 =	simm.s32 @!p0 $0x1C0A  }
0x13e: {  	[timem:s3], [sflag:s2] =	dma.local @!p0 [hbm:s0], s1  }
0x13f: {  	s0 =	simm.s32 @!p0 $0xA  }
0x140: {  	_ =	swait.ge @!p0 [sflag:s0], s1  }
0x141: {  	s1 =	ssub.s32 @!p0 $0x0, s1;
	[sflag:s0] =	ssyncset.done @!p0 $0x0  }
0x142: {  	[sflag:s0] =	ssyncadd.s32 @!p0 s1  }
0x143: {  	[bflag:$0x3] =	sbarrier.arrive $0xFFFF  }
0x144: {  	_ =	shalt  }

// kernel: kernel.8.cloned.1.call-start
scs
__scs_entry_jumppad:
0x0: {  	(pc) =	sbr.rel $0x88, $3  }
0x1: {  	(tag) =	ssettag $0x0;
	lr =	simm.s32 $0x1  }
0x2: {  	[smem:$0x3F9B] =	sst lr;
	_ =	strace $0xD0000000  }
0x3: {  	_ = 	snop  }
0x4: {  	_ = 	snop  }
0x5: {  	_ = 	snop  }
0x6: {  	_ = 	snop  }
0x7: {  	_ = 	snop  }
__scs_overlays_trampoline_lowered:
0x8: {  	[smem:$0x3FAA] =	sst s0  }
0x9: {  	[smem:$0x3FAB] =	sst s1  }
0xa: {  	[smem:$0x3FAC] =	sst s2  }
0xb: {  	[smem:$0x3FAD] =	sst s3  }
0xc: {  	[smem:$0x3FAE] =	sst s4  }
0xd: {  	[smem:$0x3FAF] =	sst s5  }
0xe: {  	[smem:$0x3FB0] =	sst s6  }
0xf: {  	[smem:$0x3FB1] =	sst s7  }
0x10: {  	[smem:$0x3FB2] =	sst s8  }
0x11: {  	[smem:$0x3FB3] =	sst s9;
	s0 =	simm.s32 @!p0 $0x0  }
0x12: {  	s1 =	sld [smem:$0x3F99];
	s0 =	simm.s32 @p0 $0x1  }
0x13: {  	[smem:$0x3FB4] =	sst s0;
	s0 =	simm.s32 @!p1 $0x0  }
0x14: {  	s2 =	sld [smem:$0x3F98];
	s0 =	simm.s32 @p1 $0x1  }
0x15: {  	[smem:$0x3FB5] =	sst s0;
	s0 =	simm.s32 @!p2 $0x0  }
0x16: {  	s3 =	sld [smem:$0x3FDB];
	s0 =	simm.s32 @p2 $0x1  }
0x17: {  	s4 =	simm.s32 $0x1BF5;
	[smem:$0x3FB7] =	sst s0  }
0x18: {  	s0 =	sld [smem:$0x3F9A];
	_ =	swait.ge [sflag:s4], $0x0  }
0x19: {  	s7 =	sld [smem:$0x3F9B]  }
0x1a: {  	s8 =	sadd.s32 $0xFFFFE003, lr  }
0x1b: {  	s9 =	sadd.s32 $0xFFFFFEF7, lr;
	s5 =	simm.s32 $0xFFFFFFFF;
	p2 =	slt.u32 s8, $0xFFFFF086  }
0x1c: {  	p1 =	slt.u32 s9, $0xF7A;
	s5 =	simm.s32 @!p2 $0x0  }
0x1d: {  	s5 =	simm.s32 @p1 $0x1;
	p0 =	seq.s32 s7, s2  }
0x1e: {  	s7 =	smul.u32 @!p0 $0xF7A, s2;
	p2 =	seq.s32 @!p0 s5, $0x0  }
0x1f: {  	s9 =	smul.u32 $0xF7A, s1;
	s8 =	simm.s32 @!p0 $0x1BF5;
	p2 =	por !p2, p0  }
0x20: {  	[sflag:s8] =	ssyncset.s32 @!p0 $0xFFFFF086;
	s6 =	sadd.s32 @!p0 s3, s7;
	s7 =	simm.s32 @!p0 $0x108  }
0x21: {  	s3 =	sadd.s32 s3, s9;
	s6 =	sadd.s32 @!p0 $0x88, s6;
	s7 =	simm.s32 @p2 $0x1082  }
0x22: {  	[simem:s7], [sflag:s8] =	dma.local @!p0 [hbm:s6], $0xF7A  }
0x23: {  	s9 =	sor.u32 $0xD0000000, s2;
	s6 =	simm.s32 $0x108;
	_ =	swait.ge @!p0 [sflag:s8], $0x0  }
0x24: {  	s3 =	sadd.s32 $0x88, s3;
	s6 =	simm.s32 @!p1 $0x1082;
	[sflag:s4] =	ssyncset.s32 $0xFFFFF086  }
0x25: {  	[simem:s6], [sflag:s4] =	dma.local [hbm:s3], $0xF7A  }
0x26: {  	[smem:$0x3F9B] =	sst s1;
	(tag) =	ssettag s2;
	_ =	strace s9  }
0x27: {  	s1 =	sld [smem:$0x3FAB]  }
0x28: {  	s2 =	sld [smem:$0x3FAC]  }
0x29: {  	s4 =	sld [smem:$0x3FAE]  }
0x2a: {  	p0 =	seq.s32 s5, $0x0;
	s5 =	sld [smem:$0x3FAF]  }
0x2b: {  	s6 =	sld [smem:$0x3FB0]  }
0x2c: {  	s7 =	sld [smem:$0x3FB1]  }
0x2d: {  	s3 =	simm.s32 $0x108;
	s8 =	sld [smem:$0x3FB2]  }
0x2e: {  	s3 =	simm.s32 @!p0 $0x1082;
	s9 =	sld [smem:$0x3FB3]  }
0x2f: {  	lr =	sadd.s32 s0, s3;
	s0 =	sld [smem:$0x3FAA]  }
0x30: {  	s3 =	sld [smem:$0x3FAD]  }
0x31: {  	[smem:$0x3FB6] =	sst s10  }
0x32: {  	s10 =	sld [smem:$0x3FB4];
	_ =	sdelay $0x3  }
0x33: {  	p0 =	seq.s32 s10, $0x1;
	s10 =	sld [smem:$0x3FB6];
	_ =	sdelay $0x3  }
0x34: {  	[smem:$0x3FB6] =	sst s10  }
0x35: {  	s10 =	sld [smem:$0x3FB5];
	_ =	sdelay $0x3  }
0x36: {  	p1 =	seq.s32 s10, $0x1;
	s10 =	sld [smem:$0x3FB6];
	_ =	sdelay $0x3  }
0x37: {  	[smem:$0x3FB6] =	sst s10  }
0x38: {  	s10 =	sld [smem:$0x3FB7]  }
0x39: {  	_ = 	snop;
	(pc) =	sbr.ind lr, $3  }
0x3a: {  	_ = 	snop  }
0x3b: {  	_ = 	snop  }
0x3c: {  	p2 =	seq.s32 s10, $0x1;
	s10 =	sld [smem:$0x3FB6]  }
0x3d: {  	_ =	shalt  }
0x3e: {  	_ =	shalt  }
0x3f: {  	_ =	shalt  }
0x40: {  	_ =	shalt  }
0x41: {  	_ =	shalt  }
0x42: {  	_ =	shalt  }
0x43: {  	_ =	shalt  }
0x44: {  	_ =	shalt  }
0x45: {  	_ =	shalt  }
0x46: {  	_ =	shalt  }
0x47: {  	_ =	shalt  }
0x48: {  	_ =	shalt  }
0x49: {  	_ =	shalt  }
0x4a: {  	_ =	shalt  }
0x4b: {  	_ =	shalt  }
0x4c: {  	_ =	shalt  }
0x4d: {  	_ =	shalt  }
0x4e: {  	_ =	shalt  }
0x4f: {  	_ =	shalt  }
0x50: {  	_ =	shalt  }
0x51: {  	_ =	shalt  }
0x52: {  	_ =	shalt  }
0x53: {  	_ =	shalt  }
0x54: {  	_ =	shalt  }
0x55: {  	_ =	shalt  }
0x56: {  	_ =	shalt  }
0x57: {  	_ =	shalt  }
0x58: {  	_ =	shalt  }
0x59: {  	_ =	shalt  }
0x5a: {  	_ =	shalt  }
0x5b: {  	_ =	shalt  }
0x5c: {  	_ =	shalt  }
0x5d: {  	_ =	shalt  }
0x5e: {  	_ =	shalt  }
0x5f: {  	_ =	shalt  }
0x60: {  	_ =	shalt  }
0x61: {  	_ =	shalt  }
0x62: {  	_ =	shalt  }
0x63: {  	_ =	shalt  }
0x64: {  	_ =	shalt  }
0x65: {  	_ =	shalt  }
0x66: {  	_ =	shalt  }
0x67: {  	_ =	shalt  }
0x68: {  	_ =	shalt  }
0x69: {  	_ =	shalt  }
0x6a: {  	_ =	shalt  }
0x6b: {  	_ =	shalt  }
0x6c: {  	_ =	shalt  }
0x6d: {  	_ =	shalt  }
0x6e: {  	_ =	shalt  }
0x6f: {  	_ =	shalt  }
0x70: {  	_ =	shalt  }
0x71: {  	_ =	shalt  }
0x72: {  	_ =	shalt  }
0x73: {  	_ =	shalt  }
0x74: {  	_ =	shalt  }
0x75: {  	_ =	shalt  }
0x76: {  	_ =	shalt  }
0x77: {  	_ =	shalt  }
0x78: {  	_ =	shalt  }
0x79: {  	_ =	shalt  }
0x7a: {  	_ =	shalt  }
0x7b: {  	_ =	shalt  }
0x7c: {  	_ =	shalt  }
0x7d: {  	_ =	shalt  }
0x7e: {  	_ =	shalt  }
0x7f: {  	_ =	shalt  }
0x80: {  	_ =	shalt  }
0x81: {  	_ =	shalt  }
0x82: {  	_ =	shalt  }
0x83: {  	_ =	shalt  }
0x84: {  	_ =	shalt  }
0x85: {  	_ =	shalt  }
0x86: {  	_ =	shalt  }
0x87: {  	_ =	shalt  }
.Lfunc_end0:
.L_simem_size_0:
called_computation_lowered:
.L_overlay_start_0:
0x88: {  	s2 =	sld [smem:$0x3FD9]  }
0x89: {  	s3 =	sld [smem:$0x3FFE];
	_ =	sdelay $0x1  }
0x8a: {  	s1 =	srdreg.scid  }
0x8b: {  	s0 =	sand.u32 $0x1, s1  }
0x8c: {  	s17 =	sshll.u32 s0, $0xA;
	s2 =	sadd.s32 s3, s2  }
0x8d: {  	s2 =	sadd.s32 s2, s17  }
0x8e: {  	[smem:$0x3FC2] =	sst s2  }
0x8f: {  	_ = 	snop  }
0x90: {  	s2 =	sld [smem:$0x3FD0];
	(tm) =	ssettm $0x1  }
0x91: {  	s18 =	sld [smem:$0x3FFB];
	_ =	sdelay $0x3  }
0x92: {  	_ =	strace s18  }
0x93: {  	s3 =	sld [smem:$0x3FFC];
	_ =	sdelay $0x3  }
0x94: {  	_ =	strace s3  }
0x95: {  	s3 =	sld [smem:$0x3FFD];
	_ =	sdelay $0x3  }
0x96: {  	_ =	strace s3  }
0x97: {  	_ =	strace $0x8FFFFFFF  }
0x98: {  	s19 =	sld [smem:$0x3FDB];
	_ =	sdelay $0x1  }
0x99: {  	s4 =	simm.s32 $_scs_section_size  }
0x9a: {  	s5 =	simm.s32 $_size__tile_overlayer_lowered;
	s6 =	simm.s32 $_tile_overlayer_lowered  }
0x9b: {  	s22 =	simm.s32 $0x1BFF;
	s21 =	sshll.u32 s6, $0x1;
	s3 =	sadd.s32 s4, s19  }
0x9c: {  	s7 =	simm.s32 $0x0;
	s20 =	sshll.u32 s5, $0x1;
	s5 =	sadd.s32 s21, s3  }
0x9d: {  	[timem:s7], [sflag:s22] =	dma.local [hbm:s5], s20  }
0x9e: {  	_ =	swait.ge [sflag:s22], s20  }
0x9f: {  	s4 =	ssub.s32 $0x0, s20;
	[sflag:s22] =	ssyncset.done $0x0  }
0xa0: {  	[sflag:s22] =	ssyncadd.s32 s4;
	_ =	sdelay $0x1  }
0xa1: {  	s23 =	simm.s32 $0x1B8B  }
0xa2: {  	_ =	swait.ge [sflag:s23], $0x1  }
0xa3: {  	[sflag:s23] =	ssyncset.done $0x0  }
0xa4: {  	s25 =	simm.s32 $0x1B8E;
	s24 =	sld [smem:$0x3FFE];
	[sflag:s23] =	ssyncadd.s32 $0xFFFFFFFF  }
0xa5: {  	s26 =	simm.s32 $execute0_lowered;
	[smem:$0x3FD2] =	sst s25  }
0xa6: {  	s5 =	sshll.u32 s26, $0x1;
	_ =	strace $0x80000046;
	[dreg:$0x1] =	wrdreg $0xFFFFFFFF  }
0xa7: {  	s28 =	simm.s32 $_size_execute0_lowered;
	s3 =	sadd.s32 s3, s5;
	[dreg:$0x0] =	wrdreg $0x0  }
0xa8: {  	s5 =	sshll.u32 s28, $0x1;
	[dreg:$0x2] =	wrdreg s3  }
0xa9: {  	[dreg:$0x3] =	wrdreg s5  }
0xaa: {  	[dreg:$0x4] =	wrdreg $0xC0  }
0xab: {  	_ =	task [dreg:s7], $0x5FFFF  }
0xac: {  	[dreg:$0x1] =	wrdreg $0xFFFFFFFF  }
0xad: {  	[dreg:$0x0] =	wrdreg $0x60  }
0xae: {  	[dreg:$0x2] =	wrdreg s24  }
0xaf: {  	[dreg:$0x3] =	wrdreg s2  }
0xb0: {  	[dreg:$0x4] =	wrdreg $0x0  }
0xb1: {  	[dreg:$0x5] =	wrdreg $0x9  }
0xb2: {  	_ =	task.clear_ibuf [dreg:s7], $0x6FFFF;
	_ =	strace $0x90000046  }
0xb3: {  	s29 =	simm.s32 $0x9;
	_ =	strace $0x80000048  }
0xb4: {  	_ =	swait.ge [sflag:s29], $0x1  }
0xb5: {  	[sflag:s29] =	ssyncadd.s32 $0xFFFFFFFF  }
0xb6: {  	_ =	strace $0x90000048  }
0xb7: {  	_ =	sfence  }
0xb8: {  	s30 =	sld [smem:$0x0];
	_ =	sdelay $0x2  }
0xb9: {  	s31 =	sshll.u32 s1, $0xD;
	s1 =	sshrl.u32 s1, $0x2  }
0xba: {  	s3 =	sand.u32 $0x4000, s31;
	s1 =	sadd.s32 s1, s30  }
0xbb: {  	s0 =	sor.u32 s3, s0;
	s1 =	sshll.u32 s1, $0x11  }
0xbc: {  	s0 =	sor.u32 s1, s0  }
0xbd: {  	s0 =	sadd.s32 $0x8F2B, s0  }
0xbe: {  	[sflag:s0] =	ssyncadd.remote.s32 $0x1  }
0xbf: {  	_ =	sfence.sel $0xFFFF  }
0xc0: {  	[dreg:$0x0] =	wrdreg $0xFFFFFFFF;
	(pc) =	sbr.abs _section_cstart, $3  }
0xc1: {  	[dreg:$0x1] =	wrdreg $0xFFFFFFFF  }
0xc2: {  	_ =	task.clear_ibuf [dreg:s7], $0x2FFFF;
	_ =	strace $0x9FFFFFFF  }
0xc3: {  	(tm) =	ssettm $0x7FFFFFFF  }
tec
execute0_lowered:
.L_overlay_start_1:
0x0: {  	(tag) =	ssettag $0x1  }
0x1: {  	s5 =	rddreg [dreg:$0x0]  }
0x2: {  	s6 =	rddreg [dreg:$0x1]  }
0x3: {  	s0 =	srdreg.scid;
	s2 =	rddreg [dreg:$0x2];
	s3 =	simm.s32 $0x0  }
0x4: {  	s11 =	simm.s32 $0x1;
	s12 =	simm.s32 $0x50;
	s13 =	simm.s32 $0x2990  }
0x5: {  	s14 =	simm.s32 $0x2D0;
	s15 =	simm.s32 $0x320;
	s16 =	simm.s32 $0x370  }
0x6: {  	s17 =	simm.s32 $0x3C0;
	s4 =	sand.u32 $0x1, s0;
	s0 =	stileid.u32  }
0x7: {  	s18 =	simm.s32 $0x2;
	s21 =	simm.s32 $0x0;
	s8 =	smul.u32 $0x280, s0  }
0x8: {  	[smem:$0x7FF] =	sst s3;
	s1 =	sshll.u32 s4, $0x4;
	s9 =	smul.u32 $0x2800, s4  }
0x9: {  	s4 =	ssub.s32 $0x2, s4;
	s19 =	sshll.u32 s0, $0x6;
	s1 =	sor.u32 s0, s1  }
0xa: {  	s10 =	sshrl.u32 s4, $0x1;
	s19 =	sor.u32 $0x1C03, s19;
	s7 =	smul.u32 $0x2710, s1  }
0xb: {  	s1 =	rddreg [dreg:$0x3];
	_ =	strace $0x80000047;
	s30 =	sadd.s32 s8, s9  }
0xc: {  	s31 =	ssub.s32 s4, s10;
	s9 =	simm.s32 $0x29E0;
	s7 =	sshrl.u32 s7, $0x3  }
0xd: {  	s10 =	simm.s32 $0x3;
	s5 =	sadd.s32 s5, s7;
	s7 =	sshrl.u32 s30, $0x3  }
0xe: {  	s4 =	sadd.s32 $0xBA40, s5;
	s5 =	sadd.s32 s8, s2;
	s6 =	sadd.s32 s6, s7  }
0xf: {  	v0 =	vimm.f32 $0.0e+00;
	v1 =	vimm.f32 $1.000000000e+00;
	s7 =	smax.u32 s31, $0x1;
	s8 =	simm.s32 $0x280;
	s20 =	sshrl.u32 s5, $0x3  }
.LBB2_1:
0x10: {  	[tilespmem:s8], [sflag:$0x1] =	stream.linear.gather [hbm4b:s4+s3], $0x2710, $0x38;
	[tilespmem:$0x2C60] =	vst v63  }
0x11: {  	[tilespmem:$0x29E0] =	vst v0  }
0x12: {  	[tilespmem:$0x29F0] =	vst v0  }
0x13: {  	[tilespmem:$0x2A00] =	vst v0  }
0x14: {  	[tilespmem:$0x2A10] =	vst v0  }
0x15: {  	[tilespmem:$0x2A20] =	vst v0  }
0x16: {  	[tilespmem:$0x2A30] =	vst v0  }
0x17: {  	[tilespmem:$0x2A40] =	vst v0  }
0x18: {  	[tilespmem:$0x2A50] =	vst v0  }
0x19: {  	[tilespmem:$0x2A60] =	vst v0  }
0x1a: {  	[tilespmem:$0x2A70] =	vst v0  }
0x1b: {  	[tilespmem:$0x2A80] =	vst v0  }
0x1c: {  	[tilespmem:$0x2A90] =	vst v0  }
0x1d: {  	[tilespmem:$0x2AA0] =	vst v0  }
0x1e: {  	[tilespmem:$0x2AB0] =	vst v0  }
0x1f: {  	[tilespmem:$0x2AC0] =	vst v0  }
0x20: {  	[tilespmem:$0x2AD0] =	vst v0  }
0x21: {  	[tilespmem:$0x2AE0] =	vst v0  }
0x22: {  	[tilespmem:$0x2AF0] =	vst v0  }
0x23: {  	[tilespmem:$0x2B00] =	vst v0  }
0x24: {  	[tilespmem:$0x2B10] =	vst v0  }
0x25: {  	[tilespmem:$0x2B20] =	vst v0  }
0x26: {  	[tilespmem:$0x2B30] =	vst v0  }
0x27: {  	[tilespmem:$0x2B40] =	vst v0  }
0x28: {  	[tilespmem:$0x2B50] =	vst v0  }
0x29: {  	[tilespmem:$0x2B60] =	vst v0  }
0x2a: {  	[tilespmem:$0x2B70] =	vst v0  }
0x2b: {  	[tilespmem:$0x2B80] =	vst v0  }
0x2c: {  	[tilespmem:$0x2B90] =	vst v0  }
0x2d: {  	[tilespmem:$0x2BA0] =	vst v0  }
0x2e: {  	[tilespmem:$0x2BB0] =	vst v0  }
0x2f: {  	[tilespmem:$0x2BC0] =	vst v0  }
0x30: {  	[tilespmem:$0x2BD0] =	vst v0  }
0x31: {  	[tilespmem:$0x2BE0] =	vst v0  }
0x32: {  	[tilespmem:$0x2BF0] =	vst v0  }
0x33: {  	[tilespmem:$0x2C00] =	vst v0  }
0x34: {  	[tilespmem:$0x2C10] =	vst v0  }
0x35: {  	[tilespmem:$0x2C20] =	vst v0  }
0x36: {  	[tilespmem:$0x2C30] =	vst v0  }
0x37: {  	[tilespmem:$0x2C40] =	vst v0  }
0x38: {  	[tilespmem:$0x2C50] =	vst v0  }
0x39: {  	[tilespmem:$0x2990] =	vst v1  }
0x3a: {  	[tilespmem:$0x29A0] =	vst v1  }
0x3b: {  	[tilespmem:$0x29B0] =	vst v1  }
0x3c: {  	[tilespmem:$0x29C0] =	vst v1  }
0x3d: {  	[tilespmem:$0x29D0] =	vst v1  }
0x3e: {  	[spmem:s5] =	stream.linear.scatter [tilespmem:s9], [sflag:$0x3], $0x280, $0x38;
	[tilespmem:$0x2C60] =	vst v63  }
0x3f: {  	_ =	swait.ge [sflag:s10], $0x280  }
0x40: {  	[sflag:s10] =	ssyncset.done $0x0  }
0x41: {  	[sflag:s10] =	ssyncadd.s32 $0xFFFFFD80  }
0x42: {  	[bflag:$0x0] =	sbarrier.arrive $0xFFFF  }
0x43: {  	_ =	swait.ge [sflag:s11], $0x2710  }
0x44: {  	[sflag:s11] =	ssyncset.done $0x0  }
0x45: {  	[sflag:s11] =	ssyncadd.s32 $0xFFFFD8F0  }
0x46: {  	[spmem:s2] =	stream.indirect.scatter.add.f32 [tilespmem:s13], [sflag:$0x2], $0x1, s8, s12, $0xb8;
	[tilespmem:$0x2C60] =	vst v63  }
0x47: {  	_ = 	snop  }
0x48: {  	[spmem:s2] =	stream.indirect.scatter.add.f32 [tilespmem:s13], [sflag:$0x2], $0x1, s14, s12, $0xb8;
	[tilespmem:$0x2C60] =	vst v63  }
0x49: {  	_ = 	snop  }
0x4a: {  	[spmem:s2] =	stream.indirect.scatter.add.f32 [tilespmem:s13], [sflag:$0x2], $0x1, s15, s12, $0xb8;
	[tilespmem:$0x2C60] =	vst v63  }
0x4b: {  	_ = 	snop  }
0x4c: {  	[spmem:s2] =	stream.indirect.scatter.add.f32 [tilespmem:s13], [sflag:$0x2], $0x1, s16, s12, $0xb8;
	[tilespmem:$0x2C60] =	vst v63  }
0x4d: {  	_ = 	snop  }
0x4e: {  	[spmem:s2] =	stream.indirect.scatter.add.f32 [tilespmem:s13], [sflag:$0x2], $0x1, s17, s12, $0xb8;
	[tilespmem:$0x2C60] =	vst v63  }
0x4f: {  	s22 =	simm.s32 $0x410  }
0x50: {  	[spmem:s2] =	stream.indirect.scatter.add.f32 [tilespmem:s13], [sflag:$0x2], $0x1, s22, s12, $0xb8;
	[tilespmem:$0x2C60] =	vst v63  }
0x51: {  	s28 =	simm.s32 $0x460  }
0x52: {  	[spmem:s2] =	stream.indirect.scatter.add.f32 [tilespmem:s13], [sflag:$0x2], $0x1, s28, s12, $0xb8;
	[tilespmem:$0x2C60] =	vst v63  }
0x53: {  	s29 =	simm.s32 $0x4B0  }
0x54: {  	[spmem:s2] =	stream.indirect.scatter.add.f32 [tilespmem:s13], [sflag:$0x2], $0x1, s29, s12, $0xb8;
	[tilespmem:$0x2C60] =	vst v63  }
0x55: {  	s30 =	simm.s32 $0x500  }
0x56: {  	[spmem:s2] =	stream.indirect.scatter.add.f32 [tilespmem:s13], [sflag:$0x2], $0x1, s30, s12, $0xb8;
	[tilespmem:$0x2C60] =	vst v63  }
0x57: {  	s31 =	simm.s32 $0x550  }
0x58: {  	[spmem:s2] =	stream.indirect.scatter.add.f32 [tilespmem:s13], [sflag:$0x2], $0x1, s31, s12, $0xb8;
	[tilespmem:$0x2C60] =	vst v63  }
0x59: {  	_ =	swait.ge [sflag:s18], $0x50  }
0x5a: {  	[sflag:s18] =	ssyncset.done $0x0  }
0x5b: {  	[sflag:s18] =	ssyncadd.s32 $0xFFFFFFB0  }
0x5c: {  	_ =	swait.ge [sflag:s18], $0x50  }
0x5d: {  	[sflag:s18] =	ssyncset.done $0x0  }
0x5e: {  	[sflag:s18] =	ssyncadd.s32 $0xFFFFFFB0  }
0x5f: {  	_ =	swait.ge [sflag:s18], $0x50  }
0x60: {  	[sflag:s18] =	ssyncset.done $0x0  }
0x61: {  	[sflag:s18] =	ssyncadd.s32 $0xFFFFFFB0  }
0x62: {  	_ =	swait.ge [sflag:s18], $0x50  }
0x63: {  	[sflag:s18] =	ssyncset.done $0x0  }
0x64: {  	[sflag:s18] =	ssyncadd.s32 $0xFFFFFFB0  }
0x65: {  	_ =	swait.ge [sflag:s18], $0x50  }
0x66: {  	s23 =	simm.s32 $0xFFFF7680;
	s22 =	simm.s32 $0xFFFFDC10;
	[sflag:s18] =	ssyncset.done $0x0  }
.LBB2_2:
0x67: {  	s24 =	sadd.s32 $0x2990, s22  }
0x68: {  	[sflag:s18] =	ssyncadd.s32 $0xFFFFFFB0;
	s25 =	smov.u32 s23;
	s26 =	sadd.s32 $0x640, s23  }
0x69: {  	[spmem:s2] =	stream.indirect.scatter.add.f32 [tilespmem:s13], [sflag:$0x2], $0x1, s24, s12, $0xb8;
	[tilespmem:$0x2C60] =	vst v63  }
0x6a: {  	p0 =	sne.s32 s23, $0xFFFFF9C0;
	s23 =	sadd.s32 $0x29E0, s22  }
0x6b: {  	[spmem:s2] =	stream.indirect.scatter.add.f32 [tilespmem:s13], [sflag:$0x2], $0x1, s23, s12, $0xb8;
	[tilespmem:$0x2C60] =	vst v63  }
0x6c: {  	s23 =	sadd.s32 $0x2A30, s22  }
0x6d: {  	[spmem:s2] =	stream.indirect.scatter.add.f32 [tilespmem:s13], [sflag:$0x2], $0x1, s23, s12, $0xb8;
	[tilespmem:$0x2C60] =	vst v63  }
0x6e: {  	s23 =	sadd.s32 $0x2A80, s22  }
0x6f: {  	[spmem:s2] =	stream.indirect.scatter.add.f32 [tilespmem:s13], [sflag:$0x2], $0x1, s23, s12, $0xb8;
	[tilespmem:$0x2C60] =	vst v63  }
0x70: {  	s22 =	sadd.s32 $0x2AD0, s22  }
0x71: {  	[spmem:s2] =	stream.indirect.scatter.add.f32 [tilespmem:s13], [sflag:$0x2], $0x1, s22, s12, $0xb8;
	[tilespmem:$0x2C60] =	vst v63  }
0x72: {  	_ =	swait.ge [sflag:s18], $0x50  }
0x73: {  	[sflag:s18] =	ssyncset.done $0x0  }
0x74: {  	[sflag:s18] =	ssyncadd.s32 $0xFFFFFFB0  }
0x75: {  	_ =	swait.ge [sflag:s18], $0x50  }
0x76: {  	[sflag:s18] =	ssyncset.done $0x0  }
0x77: {  	[sflag:s18] =	ssyncadd.s32 $0xFFFFFFB0  }
0x78: {  	_ =	swait.ge [sflag:s18], $0x50  }
0x79: {  	[sflag:s18] =	ssyncset.done $0x0  }
0x7a: {  	[sflag:s18] =	ssyncadd.s32 $0xFFFFFFB0  }
.Ltmp0:
0x7b: {  	_ =	swait.ge [sflag:s18], $0x50;
	(pc) =	sbr.rel @p0 .LBB2_2-.Ltmp0, $4  }
0x7c: {  	[sflag:s18] =	ssyncset.done $0x0  }
0x7d: {  	[sflag:s18] =	ssyncadd.s32 $0xFFFFFFB0  }
0x7e: {  	_ =	swait.ge [sflag:s18], $0x50  }
0x7f: {  	s23 =	smov.u32 s26;
	s22 =	sshra.s32 s25, $0x2;
	[sflag:s18] =	ssyncset.done $0x0  }
0x80: {  	s23 =	sadd.s32 $0x2990, s22;
	[sflag:s18] =	ssyncadd.s32 $0xFFFFFFB0  }
0x81: {  	[spmem:s2] =	stream.indirect.scatter.add.f32 [tilespmem:s13], [sflag:$0x2], $0x1, s23, s12, $0xb8;
	[tilespmem:$0x2C60] =	vst v63  }
0x82: {  	s28 =	sadd.s32 $0x29E0, s22  }
0x83: {  	[spmem:s2] =	stream.indirect.scatter.add.f32 [tilespmem:s13], [sflag:$0x2], $0x1, s28, s12, $0xb8;
	[tilespmem:$0x2C60] =	vst v63  }
0x84: {  	s29 =	sadd.s32 $0x2A30, s22  }
0x85: {  	[spmem:s2] =	stream.indirect.scatter.add.f32 [tilespmem:s13], [sflag:$0x2], $0x1, s29, s12, $0xb8;
	[tilespmem:$0x2C60] =	vst v63  }
0x86: {  	s30 =	sadd.s32 $0x2A80, s22  }
0x87: {  	[spmem:s2] =	stream.indirect.scatter.add.f32 [tilespmem:s13], [sflag:$0x2], $0x1, s30, s12, $0xb8;
	[tilespmem:$0x2C60] =	vst v63  }
0x88: {  	s31 =	sadd.s32 $0x2AD0, s22  }
0x89: {  	[spmem:s2] =	stream.indirect.scatter.add.f32 [tilespmem:s13], [sflag:$0x2], $0x1, s31, s12, $0xb8;
	[tilespmem:$0x2C60] =	vst v63  }
0x8a: {  	_ =	swait.ge [sflag:s18], $0x50  }
0x8b: {  	[sflag:s18] =	ssyncset.done $0x0  }
0x8c: {  	[sflag:s18] =	ssyncadd.s32 $0xFFFFFFB0  }
0x8d: {  	_ =	swait.ge [sflag:s18], $0x50  }
0x8e: {  	[sflag:s18] =	ssyncset.done $0x0  }
0x8f: {  	[sflag:s18] =	ssyncadd.s32 $0xFFFFFFB0  }
0x90: {  	_ =	swait.ge [sflag:s18], $0x50  }
0x91: {  	[sflag:s18] =	ssyncset.done $0x0  }
0x92: {  	[sflag:s18] =	ssyncadd.s32 $0xFFFFFFB0  }
0x93: {  	_ =	swait.ge [sflag:s18], $0x50  }
0x94: {  	[sflag:s18] =	ssyncset.done $0x0  }
0x95: {  	[sflag:s18] =	ssyncadd.s32 $0xFFFFFFB0  }
0x96: {  	_ =	swait.ge [sflag:s18], $0x50  }
0x97: {  	[sflag:s18] =	ssyncset.done $0x0  }
0x98: {  	[sflag:s18] =	ssyncadd.s32 $0xFFFFFFB0  }
0x99: {  	_ =	swait.ge [sflag:s18], $0x50  }
0x9a: {  	[sflag:s18] =	ssyncset.done $0x0  }
0x9b: {  	[sflag:s18] =	ssyncadd.s32 $0xFFFFFFB0  }
0x9c: {  	_ =	swait.ge [sflag:s18], $0x50  }
0x9d: {  	[sflag:s18] =	ssyncset.done $0x0  }
0x9e: {  	[sflag:s18] =	ssyncadd.s32 $0xFFFFFFB0  }
0x9f: {  	_ =	swait.ge [sflag:s18], $0x50  }
0xa0: {  	[sflag:s18] =	ssyncset.done $0x0  }
0xa1: {  	[sflag:s18] =	ssyncadd.s32 $0xFFFFFFB0  }
0xa2: {  	_ =	swait.ge [sflag:s18], $0x50  }
0xa3: {  	[sflag:s18] =	ssyncset.done $0x0  }
0xa4: {  	[sflag:s18] =	ssyncadd.s32 $0xFFFFFFB0  }
0xa5: {  	_ =	swait.ge [sflag:s18], $0x50  }
0xa6: {  	s21 =	sadd.s32 $0x1, s21;
	[sflag:s18] =	ssyncset.done $0x0  }
0xa7: {  	p0 =	sne.s32 s21, s7;
	[sflag:s18] =	ssyncadd.s32 $0xFFFFFFB0  }
.Ltmp1:
0xa8: {  	[bflag:$0x0] =	sbarrier.arrive $0xFFFF;
	(pc) =	sbr.rel @p0 .LBB2_1-.Ltmp1, $4  }
0xa9: {  	[hbm:s6], [sflag:s19] =	dma.local [spmem:s20], $0x50  }
0xaa: {  	_ =	swait.ge [sflag:s10], $0x50  }
0xab: {  	[sflag:s10] =	ssyncset.done $0x0  }
0xac: {  	[sflag:s10] =	ssyncadd.s32 $0xFFFFFFB0  }
0xad: {  	_ =	sfence.sel $0x180000  }
0xae: {  	[bflag:$0x0] =	sbarrier.arrive $0xFFFF  }
0xaf: {  	p0 =	sne.s32 s0, $0x0;
	_ =	strace $0x90000047  }
0xb0: {  	s0 =	sadd.s32 @!p0 $0x100000, s1;
	[bflag:$0x2] =	sbarrier.arrive $0xFFFF  }
0xb1: {  	[sflag:s0] =	ssyncadd.tile.s32 @!p0 $0x1;
	_ =	shalt  }
.Lfunc_end2:
_tile_overlayer_lowered:
.L_overlay_start_2:
0xb2: {  	(tag) =	ssettag $0x2  }
0xb3: {  	s0 =	rddreg [dreg:$0x0];
	s2 =	stileid.u32  }
0xb4: {  	s1 =	rddreg [dreg:$0x1];
	p0 =	sne.s32 s2, $0x0  }
0xb5: {  	s3 =	rddreg [dreg:$0x2];
	[bflag:$0x3] =	sbarrier.arrive $0xFFFF;
	s2 =	simm.s32 @!p0 $0x1C03  }
0xb6: {  	[timem:s3], [sflag:s2] =	dma.local @!p0 [hbm:s0], s1  }
0xb7: {  	s0 =	simm.s32 @!p0 $0x3  }
0xb8: {  	_ =	swait.ge @!p0 [sflag:s0], s1  }
0xb9: {  	s1 =	ssub.s32 @!p0 $0x0, s1;
	[sflag:s0] =	ssyncset.done @!p0 $0x0  }
0xba: {  	[sflag:s0] =	ssyncadd.s32 @!p0 s1  }
0xbb: {  	[bflag:$0x3] =	sbarrier.arrive $0xFFFF  }
0xbc: {  	_ =	shalt  }

</sc_bundles>
